<compile_context>
chip_gen: v7x
topology: tpu7x:2x2x1
jax: 0.10.2.dev20260603
libtpu: 0.0.44.dev20260713+nightly
codegen_flags: <defaults>
</compile_context>

<pallas_src>
import functools

import jax
import jax.numpy as jnp
from jax import lax
from jax.experimental import pallas as pl
from jax.experimental.pallas import tpu as pltpu
from jax.experimental.pallas import tpu_sc as plsc

N = 10000
E = 320000
IN_DIM = 128
H = 32
G = 256
DEC = 16

NW = 32
RPS = 632
AGN = 16 * RPS
NPAD = AGN
BLK = RPS
NB = 16
EPT = 10240
EPAD = NW * EPT

CH = 128
K = 8

NCH32 = EPT // CH
NG32 = NCH32 // K

EPT1 = EPAD // 16
NCH1 = EPT1 // CH
NG1 = NCH1 // K



def _pipelined_scatter(y_hbm, src_v, dst_v, rows_v, agg_sh, sem_g, sem_s, ng):
    for j in range(K):
        pltpu.async_copy(y_hbm.at[src_v.at[j]], rows_v.at[0, j], sem_g)

    def _drain(sem, half, j):
        pltpu.make_async_copy(y_hbm.at[pl.ds(0, CH)],
                              rows_v.at[half, j], sem).wait()

    def _group(g, carry):
        half = lax.rem(g, 2)
        other = 1 - half
        for j in range(K):
            _drain(sem_g, half, j)

        @pl.when(g >= 1)
        def _():
            for j in range(K):
                _drain(sem_s, other, j)

        @pl.when(g + 1 < ng)
        def _():
            for j in range(K):
                pltpu.async_copy(y_hbm.at[src_v.at[(g + 1) * K + j]],
                                 rows_v.at[other, j], sem_g)

        for j in range(K):
            pltpu.async_copy(rows_v.at[half, j],
                             agg_sh.at[dst_v.at[g * K + j]], sem_s, add=True)
        return carry

    lax.fori_loop(0, ng, _group, 0)
    for j in range(K):
        _drain(sem_s, (ng - 1) % 2, j)


@functools.partial(
    pl.kernel,
    out_type=jax.ShapeDtypeStruct((2 * AGN, H), jnp.float32),
    mesh=plsc.VectorSubcoreMesh(core_axis_name="c", subcore_axis_name="s"),
    compiler_params=pltpu.CompilerParams(use_tc_tiling_on_sc=False),
    scratch_types=[
        pltpu.VMEM((NCH32, CH), jnp.int32),
        pltpu.VMEM((NCH32, CH), jnp.int32),
        pltpu.VMEM((2, K, CH, H), jnp.float32),
        pltpu.VMEM_SHARED((AGN, H), jnp.float32),
        pltpu.SemaphoreType.DMA,
        pltpu.SemaphoreType.DMA,
    ],
)
def _sc_agg32(y_hbm, srcp_hbm, dstp_hbm, z_hbm, out_hbm,
              src_v, dst_v, rows_v, agg_sh, sem_g, sem_s):
    c = lax.axis_index("c")
    s = lax.axis_index("s")
    tid = c * 16 + s
    pltpu.sync_copy(z_hbm, agg_sh.at[pl.ds(s * RPS, RPS)])
    pltpu.sync_copy(srcp_hbm.at[pl.ds(tid * NCH32, NCH32)], src_v)
    pltpu.sync_copy(dstp_hbm.at[pl.ds(tid * NCH32, NCH32)], dst_v)
    plsc.subcore_barrier()
    _pipelined_scatter(y_hbm, src_v, dst_v, rows_v, agg_sh,
                       sem_g, sem_s, NG32)
    plsc.subcore_barrier()
    pltpu.sync_copy(agg_sh.at[pl.ds(s * RPS, RPS)],
                    out_hbm.at[pl.ds(c * AGN + s * RPS, RPS)])


@functools.partial(
    pl.kernel,
    out_type=jax.ShapeDtypeStruct((4 * AGN, H), jnp.float32),
    mesh=plsc.VectorSubcoreMesh(core_axis_name="c", subcore_axis_name="s"),
    compiler_params=pltpu.CompilerParams(use_tc_tiling_on_sc=False),
    scratch_types=[
        pltpu.VMEM((NCH1, CH), jnp.int32),
        pltpu.VMEM((NCH1, CH), jnp.int32),
        pltpu.VMEM((2, K, CH, H), jnp.float32),
        pltpu.VMEM_SHARED((AGN, H), jnp.float32),
        pltpu.SemaphoreType.DMA,
        pltpu.SemaphoreType.DMA,
    ],
)
def _sc_agg128(x4_hbm, srcp4_hbm, dstp1_hbm, z_hbm, out_hbm,
               src_v, dst_v, rows_v, agg_sh, sem_g, sem_s):
    c = lax.axis_index("c")
    s = lax.axis_index("s")
    pltpu.sync_copy(dstp1_hbm.at[pl.ds(s * NCH1, NCH1)], dst_v)
    for qq in range(2):
        q = c * 2 + qq
        pltpu.sync_copy(z_hbm, agg_sh.at[pl.ds(s * RPS, RPS)])
        pltpu.sync_copy(srcp4_hbm.at[pl.ds((q * 16 + s) * NCH1, NCH1)], src_v)
        plsc.subcore_barrier()
        _pipelined_scatter(x4_hbm, src_v, dst_v, rows_v, agg_sh,
                           sem_g, sem_s, NG1)
        plsc.subcore_barrier()
        pltpu.sync_copy(agg_sh.at[pl.ds(s * RPS, RPS)],
                        out_hbm.at[pl.ds(q * AGN + s * RPS, RPS)])



def _gin_mlp(hin, w1_ref, b1_ref, w2_ref, b2_ref, s_ref, sb_ref, o_ref):
    t = jnp.maximum(jnp.dot(hin, w1_ref[...],
                            preferred_element_type=jnp.float32)
                    + b1_ref[...], 0.0)
    u = jnp.dot(t, w2_ref[...], preferred_element_type=jnp.float32) \
        + b2_ref[...]
    o_ref[0:N, :] = u * s_ref[...] + sb_ref[...]
    o_ref[N:NPAD, :] = jnp.zeros((NPAD - N, H), jnp.float32)


def _layer_body(h_ref, a_ref, w1_ref, b1_ref, w2_ref, b2_ref,
                s_ref, sb_ref, o_ref):
    hin = h_ref[0:N, :] + (a_ref[0:N, :] + a_ref[AGN:AGN + N, :])
    _gin_mlp(hin, w1_ref, b1_ref, w2_ref, b2_ref, s_ref, sb_ref, o_ref)


def _layer(h, a, w1, b1, w2, b2, s, sb):
    return pl.pallas_call(
        _layer_body,
        out_shape=jax.ShapeDtypeStruct((NPAD, H), jnp.float32),
    )(h, a, w1, b1, w2, b2, s, sb)


def _layer1_body(x_ref, a_ref, w1_ref, b1_ref, w2_ref, b2_ref,
                 s_ref, sb_ref, o_ref):
    agg = jnp.concatenate(
        [a_ref[q * AGN:q * AGN + N, :] for q in range(4)], axis=1)
    hin = x_ref[...] + agg
    _gin_mlp(hin, w1_ref, b1_ref, w2_ref, b2_ref, s_ref, sb_ref, o_ref)


def _layer1(x, a, w1, b1, w2, b2, s, sb):
    return pl.pallas_call(
        _layer1_body,
        out_shape=jax.ShapeDtypeStruct((NPAD, H), jnp.float32),
    )(x, a, w1, b1, w2, b2, s, sb)


def _tail_body(h_ref, bat_ref, wb_ref, bb_ref, wm_ref, bm_ref,
               o_ref, sums_s, cnt_s):
    j = pl.program_id(0)

    @pl.when(j == 0)
    def _():
        sums_s[...] = jnp.zeros_like(sums_s)
        cnt_s[...] = jnp.zeros_like(cnt_s)

    @pl.when(j < NB)
    def _():
        bat = bat_ref[...].reshape(1, BLK)
        oh = (lax.broadcasted_iota(jnp.int32, (G, BLK), 0) == bat
              ).astype(jnp.float32)
        sums_s[...] = sums_s[...] + jnp.dot(
            oh, h_ref[...], preferred_element_type=jnp.float32,
            precision=jax.lax.Precision.HIGHEST)
        cnt_s[...] = cnt_s[...] + jnp.sum(oh, axis=1, keepdims=True)

    @pl.when(j == NB)
    def _():
        cnt = cnt_s[...]
        emb = jnp.where(cnt > 0.0, sums_s[...] / jnp.maximum(cnt, 1.0), 0.0)
        z = jnp.maximum(
            jnp.dot(emb, wb_ref[...],
                    preferred_element_type=jnp.float32) + bb_ref[...], 0.0)
        logit = jnp.dot(z, wm_ref[...],
                        preferred_element_type=jnp.float32) + bm_ref[...]
        o_ref[...] = 1.0 / (1.0 + jnp.exp(-logit))


def _tail(h, bat3, wb, bb, wm, bm):
    idx = lambda j: (jnp.minimum(j, NB - 1), 0)
    return pl.pallas_call(
        _tail_body,
        grid=(NB + 1,),
        in_specs=[
            pl.BlockSpec((BLK, H), idx),
            pl.BlockSpec((1, 1, BLK), lambda j: (jnp.minimum(j, NB - 1), 0, 0)),
            pl.BlockSpec((H, DEC), lambda j: (0, 0)),
            pl.BlockSpec((1, DEC), lambda j: (0, 0)),
            pl.BlockSpec((DEC, 1), lambda j: (0, 0)),
            pl.BlockSpec((1, 1), lambda j: (0, 0)),
        ],
        out_specs=pl.BlockSpec((G, 1), lambda j: (0, 0)),
        scratch_shapes=[
            pltpu.VMEM((G, H), jnp.float32),
            pltpu.VMEM((G, 1), jnp.float32),
        ],
        out_shape=jax.ShapeDtypeStruct((G, 1), jnp.float32),
    )(h, bat3, wb, bb, wm, bm)



def kernel(x, edge_index, batch,
           w1_1, b1_1, w1_2, b1_2, bn1_g, bn1_b, bn1_m, bn1_v,
           w2_1, b2_1, w2_2, b2_2, bn2_g, bn2_b, bn2_m, bn2_v,
           w3_1, b3_1, w3_2, b3_2, bn3_g, bn3_b, bn3_m, bn3_v,
           wb, bb, wm, bm):
    s1 = bn1_g * lax.rsqrt(bn1_v + 1e-5)
    s2 = bn2_g * lax.rsqrt(bn2_v + 1e-5)
    s3 = bn3_g * lax.rsqrt(bn3_v + 1e-5)
    sb1 = (bn1_b - bn1_m * s1).reshape(1, H)
    sb2 = (bn2_b - bn2_m * s2).reshape(1, H)
    sb3 = (bn3_b - bn3_m * s3).reshape(1, H)

    pad = EPAD - E
    src = jnp.concatenate([edge_index[0], jnp.zeros((pad,), jnp.int32)])
    dst = jnp.concatenate([edge_index[1], jnp.full((pad,), N, jnp.int32)])
    srcp32 = src.reshape(NW * NCH32, CH)
    dstp32 = dst.reshape(NW * NCH32, CH)
    x4 = x.reshape(N, 4, H).transpose(1, 0, 2).reshape(4 * N, H)
    srct = src.reshape(16, NCH1, CH)
    srcp4 = jnp.concatenate([srct + q * N for q in range(4)],
                            axis=0).reshape(4 * 16 * NCH1, CH)
    dstp1 = dst.reshape(16 * NCH1, CH)
    z32 = jnp.zeros((RPS, H), jnp.float32)
    bat3 = jnp.concatenate(
        [batch, jnp.full((NPAD - N,), G, jnp.int32)]).reshape(NB, 1, BLK)

    a1 = _sc_agg128(x4, srcp4, dstp1, z32)
    h1 = _layer1(x, a1, w1_1, b1_1.reshape(1, H), w1_2, b1_2.reshape(1, H),
                 s1.reshape(1, H), sb1)
    a2 = _sc_agg32(h1, srcp32, dstp32, z32)
    h2 = _layer(h1, a2, w2_1, b2_1.reshape(1, H), w2_2, b2_2.reshape(1, H),
                s2.reshape(1, H), sb2)
    a3 = _sc_agg32(h2, srcp32, dstp32, z32)
    h3 = _layer(h2, a3, w3_1, b3_1.reshape(1, H), w3_2, b3_2.reshape(1, H),
                s3.reshape(1, H), sb3)
    return _tail(h3, bat3, wb, bb.reshape(1, DEC), wm, bm.reshape(1, 1))

# --- scband reference (transcript-rebuilt; emitter-appended) ---
"""Pipeline reference for scband-frgin-predictor-agent-34256659153346 (READ-ONLY COPY).

The authoritative reference and input builder live on the scoring server;
editing this copy changes nothing except your own understanding.
"""

import jax, jax.numpy as jnp
import numpy as np

N = 10000
E = 320000
IN_DIM = 128
H = 32
DEC = 16
G = 256


def setup_inputs(seed: int = 0):
    key = jax.random.key(seed)
    ks = jax.random.split(key, 24)
    inp = {}
    inp['x'] = jax.random.normal(ks[0], (N, IN_DIM), dtype=jnp.float32)
    inp['edge_index'] = jax.random.randint(ks[1], (2, E), 0, N, dtype=jnp.int32)
    inp['batch'] = jnp.sort(jax.random.randint(ks[2], (N,), 0, G, dtype=jnp.int32))
    dims = [(IN_DIM, H), (H, H), (H, H)]
    for i, (din, dout) in enumerate(dims, start=1):
        s1 = 1.0 / np.sqrt(din)
        s2 = 1.0 / np.sqrt(dout)
        inp['w%d_1' % i] = jax.random.uniform(ks[3 * i], (din, dout), minval=-s1, maxval=s1, dtype=jnp.float32)
        inp['b%d_1' % i] = jnp.zeros((dout,), jnp.float32)
        inp['w%d_2' % i] = jax.random.uniform(ks[3 * i + 1], (dout, dout), minval=-s2, maxval=s2, dtype=jnp.float32)
        inp['b%d_2' % i] = jnp.zeros((dout,), jnp.float32)
        inp['bn%d_g' % i] = jnp.ones((dout,), jnp.float32)
        inp['bn%d_b' % i] = jnp.zeros((dout,), jnp.float32)
        inp['bn%d_m' % i] = jnp.zeros((dout,), jnp.float32)
        inp['bn%d_v' % i] = jnp.ones((dout,), jnp.float32)
    sb = 1.0 / np.sqrt(H)
    sm = 1.0 / np.sqrt(DEC)
    inp['wb'] = jax.random.uniform(ks[20], (H, DEC), minval=-sb, maxval=sb, dtype=jnp.float32)
    inp['bb'] = jnp.zeros((DEC,), jnp.float32)
    inp['wm'] = jax.random.uniform(ks[21], (DEC, 1), minval=-sm, maxval=sm, dtype=jnp.float32)
    inp['bm'] = jnp.zeros((1,), jnp.float32)
    return inp


def _gin(x, src, dst, w1, b1, w2, b2):
    # GINConv with eps=0: nn(x + sum_{j in N(i)} x_j); messages flow src -> dst
    agg = jnp.zeros_like(x).at[dst].add(x[src])
    h = x + agg
    h = jax.nn.relu(h @ w1 + b1)
    return h @ w2 + b2


def _bn(x, g, b, m, v):
    # BatchNorm1d in eval mode with running stats
    return g * (x - m) / jnp.sqrt(v + 1e-5) + b


def reference(x, edge_index, batch,
              w1_1, b1_1, w1_2, b1_2, bn1_g, bn1_b, bn1_m, bn1_v,
              w2_1, b2_1, w2_2, b2_2, bn2_g, bn2_b, bn2_m, bn2_v,
              w3_1, b3_1, w3_2, b3_2, bn3_g, bn3_b, bn3_m, bn3_v,
              wb, bb, wm, bm):
    src = edge_index[0]
    dst = edge_index[1]
    h = _gin(x, src, dst, w1_1, b1_1, w1_2, b1_2)
    h = _bn(h, bn1_g, bn1_b, bn1_m, bn1_v)
    h = _gin(h, src, dst, w2_1, b2_1, w2_2, b2_2)
    h = _bn(h, bn2_g, bn2_b, bn2_m, bn2_v)
    h = _gin(h, src, dst, w3_1, b3_1, w3_2, b3_2)
    h = _bn(h, bn3_g, bn3_b, bn3_m, bn3_v)
    # global_mean_pool
    sums = jax.ops.segment_sum(h, batch, num_segments=G)
    cnt = jax.ops.segment_sum(jnp.ones((h.shape[0], 1), jnp.float32), batch, num_segments=G)
    emb = jnp.where(cnt > 0, sums / jnp.maximum(cnt, 1.0), 0.0)
    z = jax.nn.relu(emb @ wb + bb)
    # dropout(p=0.1) is identity in eval mode
    out = jax.nn.sigmoid(z @ wm + bm)
    return out

if __name__ == "__main__":
    import jax
    _d = setup_inputs()
    print(jax.jit(kernel)(*tuple(_d.values())))

</pallas_src>

<mosaic_0001>
#map = affine_map<(d0, d1) -> (0, 0)>
module attributes {stable_mosaic.version = 14 : i64} {
  func.func @_sc_agg128(%arg0: i32, %arg1: i32, %arg2: memref<40000x32xf32, #tpu.memory_space<hbm>>, %arg3: memref<10240x128xi32, #tpu.memory_space<hbm>>, %arg4: memref<2560x128xi32, #tpu.memory_space<hbm>>, %arg5: memref<632x32xf32, #tpu.memory_space<hbm>>, %arg6: memref<40448x32xf32, #tpu.memory_space<hbm>>, %arg7: memref<160x128xi32, #tpu.memory_space<vmem>>, %arg8: memref<160x128xi32, #tpu.memory_space<vmem>>, %arg9: memref<2x8x128x32xf32, #tpu.memory_space<vmem>>, %arg10: memref<10112x32xf32, #tpu.memory_space<vmem_shared>>, %arg11: memref<!tpu.dma_semaphore, #tpu.memory_space<semaphore_mem>>, %arg12: memref<!tpu.dma_semaphore, #tpu.memory_space<semaphore_mem>>) attributes {dimension_semantics = [#tpu.dimension_semantics<core_parallel>, #tpu.dimension_semantics<subcore_parallel>], iteration_bounds = array<i64: 2, 16>, scalar_prefetch = 0 : i64, scratch_operands = 6 : i64, tpu.core_type = #tpu.core_type<sc_vector_subcore>, window_params = [{transform_indices = #map}, {transform_indices = #map}, {transform_indices = #map}, {transform_indices = #map}, {transform_indices = #map}]} {
    %mul3A = arith.constant 160 : i32
    %mul3A_0 = arith.muli %arg1, %mul3A : i32
    "tpu.region"() ({
      %run_scoped3A = tpu.sem_alloc : memref<!tpu.dma_semaphore, #tpu.memory_space<semaphore_mem>>
      %dma_start3A_512 = arith.constant 0 : i32
      %dma_start3A_513 = tpu.memref_slice %arg4[%mul3A_0, %dma_start3A_512] : memref<2560x128xi32, #tpu.memory_space<hbm>> -> memref<160x128xi32, #tpu.memory_space<hbm>>
      %dma_start3A_514 = arith.constant 0 : i32
      %dma_start3A_515 = tpu.memref_slice %arg4[%mul3A_0, %dma_start3A_514] : memref<2560x128xi32, #tpu.memory_space<hbm>> -> memref<160x128xi32, #tpu.memory_space<hbm>>
      tpu.enqueue_dma source(%dma_start3A_515 : memref<160x128xi32, #tpu.memory_space<hbm>>) target(%arg8 : memref<160x128xi32, #tpu.memory_space<vmem>>) target_semaphore(%run_scoped3A : memref<!tpu.dma_semaphore, #tpu.memory_space<semaphore_mem>>)
      %dma_wait3A_516 = arith.constant 0 : i32
      %dma_wait3A_517 = tpu.memref_slice %arg4[%mul3A_0, %dma_wait3A_516] : memref<2560x128xi32, #tpu.memory_space<hbm>> -> memref<160x128xi32, #tpu.memory_space<hbm>>
      %dma_wait3A_518 = arith.constant 0 : i32
      %dma_wait3A_519 = tpu.memref_slice %arg4[%mul3A_0, %dma_wait3A_518] : memref<2560x128xi32, #tpu.memory_space<hbm>> -> memref<160x128xi32, #tpu.memory_space<hbm>>
      tpu.wait_dma2 semaphore(%run_scoped3A : memref<!tpu.dma_semaphore, #tpu.memory_space<semaphore_mem>>) src(%dma_wait3A_519 : memref<160x128xi32, #tpu.memory_space<hbm>>) dst(%arg8 : memref<160x128xi32, #tpu.memory_space<vmem>>)
      tpu.yield
    }) : () -> ()
    %mul3A_1 = arith.constant 2 : i32
    %mul3A_2 = arith.muli %arg0, %mul3A_1 : i32
    %add3A = arith.constant 0 : i32
    %add3A_3 = arith.addi %mul3A_2, %add3A : i32
    %mul3A_4 = arith.constant 632 : i32
    %mul3A_5 = arith.muli %arg1, %mul3A_4 : i32
    "tpu.region"() ({
      %run_scoped3A = tpu.sem_alloc : memref<!tpu.dma_semaphore, #tpu.memory_space<semaphore_mem>>
      %dma_start3A_512 = arith.constant 0 : i32
      %dma_start3A_513 = tpu.memref_slice %arg10[%mul3A_5, %dma_start3A_512] : memref<10112x32xf32, #tpu.memory_space<vmem_shared>> -> memref<632x32xf32, #tpu.memory_space<vmem_shared>>
      tpu.enqueue_dma source(%arg5 : memref<632x32xf32, #tpu.memory_space<hbm>>) target(%dma_start3A_513 : memref<632x32xf32, #tpu.memory_space<vmem_shared>>) target_semaphore(%run_scoped3A : memref<!tpu.dma_semaphore, #tpu.memory_space<semaphore_mem>>)
      %dma_wait3A_514 = arith.constant 0 : i32
      %dma_wait3A_515 = tpu.memref_slice %arg10[%mul3A_5, %dma_wait3A_514] : memref<10112x32xf32, #tpu.memory_space<vmem_shared>> -> memref<632x32xf32, #tpu.memory_space<vmem_shared>>
      tpu.wait_dma2 semaphore(%run_scoped3A : memref<!tpu.dma_semaphore, #tpu.memory_space<semaphore_mem>>) src(%arg5 : memref<632x32xf32, #tpu.memory_space<hbm>>) dst(%dma_wait3A_515 : memref<632x32xf32, #tpu.memory_space<vmem_shared>>)
      tpu.yield
    }) : () -> ()
    %mul3A_6 = arith.constant 16 : i32
    %mul3A_7 = arith.muli %add3A_3, %mul3A_6 : i32
    %add3A_8 = arith.addi %mul3A_7, %arg1 : i32
    %mul3A_9 = arith.constant 160 : i32
    %mul3A_10 = arith.muli %add3A_8, %mul3A_9 : i32
    "tpu.region"() ({
      %run_scoped3A = tpu.sem_alloc : memref<!tpu.dma_semaphore, #tpu.memory_space<semaphore_mem>>
      %dma_start3A_512 = arith.constant 0 : i32
      %dma_start3A_513 = tpu.memref_slice %arg3[%mul3A_10, %dma_start3A_512] : memref<10240x128xi32, #tpu.memory_space<hbm>> -> memref<160x128xi32, #tpu.memory_space<hbm>>
      %dma_start3A_514 = arith.constant 0 : i32
      %dma_start3A_515 = tpu.memref_slice %arg3[%mul3A_10, %dma_start3A_514] : memref<10240x128xi32, #tpu.memory_space<hbm>> -> memref<160x128xi32, #tpu.memory_space<hbm>>
      tpu.enqueue_dma source(%dma_start3A_515 : memref<160x128xi32, #tpu.memory_space<hbm>>) target(%arg7 : memref<160x128xi32, #tpu.memory_space<vmem>>) target_semaphore(%run_scoped3A : memref<!tpu.dma_semaphore, #tpu.memory_space<semaphore_mem>>)
      %dma_wait3A_516 = arith.constant 0 : i32
      %dma_wait3A_517 = tpu.memref_slice %arg3[%mul3A_10, %dma_wait3A_516] : memref<10240x128xi32, #tpu.memory_space<hbm>> -> memref<160x128xi32, #tpu.memory_space<hbm>>
      %dma_wait3A_518 = arith.constant 0 : i32
      %dma_wait3A_519 = tpu.memref_slice %arg3[%mul3A_10, %dma_wait3A_518] : memref<10240x128xi32, #tpu.memory_space<hbm>> -> memref<160x128xi32, #tpu.memory_space<hbm>>
      tpu.wait_dma2 semaphore(%run_scoped3A : memref<!tpu.dma_semaphore, #tpu.memory_space<semaphore_mem>>) src(%dma_wait3A_519 : memref<160x128xi32, #tpu.memory_space<hbm>>) dst(%arg7 : memref<160x128xi32, #tpu.memory_space<vmem>>)
      tpu.yield
    }) : () -> ()
    %barrier3A = arith.constant 0 : index
    tpu.barrier barrier_id(%barrier3A)
    %dma_start3A = arith.constant 0 : i32
    %dma_start3A_11 = arith.constant 0 : i32
    %dma_start3A_12 = arith.constant 0 : i32
    %dma_start3A_13 = arith.constant 0 : i32
    %dma_start3A_14 = arith.constant 0 : i32
    %dma_start3A_15 = tpu.memref_slice %arg9[%dma_start3A_11, %dma_start3A_12, %dma_start3A_13, %dma_start3A_14] : memref<2x8x128x32xf32, #tpu.memory_space<vmem>> -> memref<1x1x128x32xf32, #tpu.memory_space<vmem>>
    %dma_start3A_16 = tpu.memref_squeeze %dma_start3A_15 : memref<1x1x128x32xf32, #tpu.memory_space<vmem>> -> memref<128x32xf32, #tpu.memory_space<vmem>>
    %dma_start3A_17 = arith.constant 0 : i32
    %dma_start3A_18 = tpu.memref_slice %arg7[%dma_start3A, %dma_start3A_17] : memref<160x128xi32, #tpu.memory_space<vmem>> -> memref<1x128xi32, #tpu.memory_space<vmem>>
    %dma_start3A_19 = tpu.memref_squeeze %dma_start3A_18 : memref<1x128xi32, #tpu.memory_space<vmem>> -> memref<128xi32, #tpu.memory_space<vmem>>
    %dma_start3A_20 = arith.constant 0 : i32
    %dma_start3A_21 = arith.constant 0 : i32
    %dma_start3A_22 = tpu.memref_slice %arg2[%dma_start3A_20, %dma_start3A_21] : memref<40000x32xf32, #tpu.memory_space<hbm>> -> memref<40000x32xf32, #tpu.memory_space<hbm>>
    tpu.enqueue_indirect_dma source(%dma_start3A_22 : memref<40000x32xf32, #tpu.memory_space<hbm>>) target(%dma_start3A_16 : memref<128x32xf32, #tpu.memory_space<vmem>>) offsets(%dma_start3A_19 : memref<128xi32, #tpu.memory_space<vmem>>) semaphore(%arg11 : memref<!tpu.dma_semaphore, #tpu.memory_space<semaphore_mem>>)
    %dma_start3A_23 = arith.constant 1 : i32
    %dma_start3A_24 = arith.constant 0 : i32
    %dma_start3A_25 = arith.constant 1 : i32
    %dma_start3A_26 = arith.constant 0 : i32
    %dma_start3A_27 = arith.constant 0 : i32
    %dma_start3A_28 = tpu.memref_slice %arg9[%dma_start3A_24, %dma_start3A_25, %dma_start3A_26, %dma_start3A_27] : memref<2x8x128x32xf32, #tpu.memory_space<vmem>> -> memref<1x1x128x32xf32, #tpu.memory_space<vmem>>
    %dma_start3A_29 = tpu.memref_squeeze %dma_start3A_28 : memref<1x1x128x32xf32, #tpu.memory_space<vmem>> -> memref<128x32xf32, #tpu.memory_space<vmem>>
    %dma_start3A_30 = arith.constant 0 : i32
    %dma_start3A_31 = tpu.memref_slice %arg7[%dma_start3A_23, %dma_start3A_30] : memref<160x128xi32, #tpu.memory_space<vmem>> -> memref<1x128xi32, #tpu.memory_space<vmem>>
    %dma_start3A_32 = tpu.memref_squeeze %dma_start3A_31 : memref<1x128xi32, #tpu.memory_space<vmem>> -> memref<128xi32, #tpu.memory_space<vmem>>
    %dma_start3A_33 = arith.constant 0 : i32
    %dma_start3A_34 = arith.constant 0 : i32
    %dma_start3A_35 = tpu.memref_slice %arg2[%dma_start3A_33, %dma_start3A_34] : memref<40000x32xf32, #tpu.memory_space<hbm>> -> memref<40000x32xf32, #tpu.memory_space<hbm>>
    tpu.enqueue_indirect_dma source(%dma_start3A_35 : memref<40000x32xf32, #tpu.memory_space<hbm>>) target(%dma_start3A_29 : memref<128x32xf32, #tpu.memory_space<vmem>>) offsets(%dma_start3A_32 : memref<128xi32, #tpu.memory_space<vmem>>) semaphore(%arg11 : memref<!tpu.dma_semaphore, #tpu.memory_space<semaphore_mem>>)
    %dma_start3A_36 = arith.constant 2 : i32
    %dma_start3A_37 = arith.constant 0 : i32
    %dma_start3A_38 = arith.constant 2 : i32
    %dma_start3A_39 = arith.constant 0 : i32
    %dma_start3A_40 = arith.constant 0 : i32
    %dma_start3A_41 = tpu.memref_slice %arg9[%dma_start3A_37, %dma_start3A_38, %dma_start3A_39, %dma_start3A_40] : memref<2x8x128x32xf32, #tpu.memory_space<vmem>> -> memref<1x1x128x32xf32, #tpu.memory_space<vmem>>
    %dma_start3A_42 = tpu.memref_squeeze %dma_start3A_41 : memref<1x1x128x32xf32, #tpu.memory_space<vmem>> -> memref<128x32xf32, #tpu.memory_space<vmem>>
    %dma_start3A_43 = arith.constant 0 : i32
    %dma_start3A_44 = tpu.memref_slice %arg7[%dma_start3A_36, %dma_start3A_43] : memref<160x128xi32, #tpu.memory_space<vmem>> -> memref<1x128xi32, #tpu.memory_space<vmem>>
    %dma_start3A_45 = tpu.memref_squeeze %dma_start3A_44 : memref<1x128xi32, #tpu.memory_space<vmem>> -> memref<128xi32, #tpu.memory_space<vmem>>
    %dma_start3A_46 = arith.constant 0 : i32
    %dma_start3A_47 = arith.constant 0 : i32
    %dma_start3A_48 = tpu.memref_slice %arg2[%dma_start3A_46, %dma_start3A_47] : memref<40000x32xf32, #tpu.memory_space<hbm>> -> memref<40000x32xf32, #tpu.memory_space<hbm>>
    tpu.enqueue_indirect_dma source(%dma_start3A_48 : memref<40000x32xf32, #tpu.memory_space<hbm>>) target(%dma_start3A_42 : memref<128x32xf32, #tpu.memory_space<vmem>>) offsets(%dma_start3A_45 : memref<128xi32, #tpu.memory_space<vmem>>) semaphore(%arg11 : memref<!tpu.dma_semaphore, #tpu.memory_space<semaphore_mem>>)
    %dma_start3A_49 = arith.constant 3 : i32
    %dma_start3A_50 = arith.constant 0 : i32
    %dma_start3A_51 = arith.constant 3 : i32
    %dma_start3A_52 = arith.constant 0 : i32
    %dma_start3A_53 = arith.constant 0 : i32
    %dma_start3A_54 = tpu.memref_slice %arg9[%dma_start3A_50, %dma_start3A_51, %dma_start3A_52, %dma_start3A_53] : memref<2x8x128x32xf32, #tpu.memory_space<vmem>> -> memref<1x1x128x32xf32, #tpu.memory_space<vmem>>
    %dma_start3A_55 = tpu.memref_squeeze %dma_start3A_54 : memref<1x1x128x32xf32, #tpu.memory_space<vmem>> -> memref<128x32xf32, #tpu.memory_space<vmem>>
    %dma_start3A_56 = arith.constant 0 : i32
    %dma_start3A_57 = tpu.memref_slice %arg7[%dma_start3A_49, %dma_start3A_56] : memref<160x128xi32, #tpu.memory_space<vmem>> -> memref<1x128xi32, #tpu.memory_space<vmem>>
    %dma_start3A_58 = tpu.memref_squeeze %dma_start3A_57 : memref<1x128xi32, #tpu.memory_space<vmem>> -> memref<128xi32, #tpu.memory_space<vmem>>
    %dma_start3A_59 = arith.constant 0 : i32
    %dma_start3A_60 = arith.constant 0 : i32
    %dma_start3A_61 = tpu.memref_slice %arg2[%dma_start3A_59, %dma_start3A_60] : memref<40000x32xf32, #tpu.memory_space<hbm>> -> memref<40000x32xf32, #tpu.memory_space<hbm>>
    tpu.enqueue_indirect_dma source(%dma_start3A_61 : memref<40000x32xf32, #tpu.memory_space<hbm>>) target(%dma_start3A_55 : memref<128x32xf32, #tpu.memory_space<vmem>>) offsets(%dma_start3A_58 : memref<128xi32, #tpu.memory_space<vmem>>) semaphore(%arg11 : memref<!tpu.dma_semaphore, #tpu.memory_space<semaphore_mem>>)
    %dma_start3A_62 = arith.constant 4 : i32
    %dma_start3A_63 = arith.constant 0 : i32
    %dma_start3A_64 = arith.constant 4 : i32
    %dma_start3A_65 = arith.constant 0 : i32
    %dma_start3A_66 = arith.constant 0 : i32
    %dma_start3A_67 = tpu.memref_slice %arg9[%dma_start3A_63, %dma_start3A_64, %dma_start3A_65, %dma_start3A_66] : memref<2x8x128x32xf32, #tpu.memory_space<vmem>> -> memref<1x1x128x32xf32, #tpu.memory_space<vmem>>
    %dma_start3A_68 = tpu.memref_squeeze %dma_start3A_67 : memref<1x1x128x32xf32, #tpu.memory_space<vmem>> -> memref<128x32xf32, #tpu.memory_space<vmem>>
    %dma_start3A_69 = arith.constant 0 : i32
    %dma_start3A_70 = tpu.memref_slice %arg7[%dma_start3A_62, %dma_start3A_69] : memref<160x128xi32, #tpu.memory_space<vmem>> -> memref<1x128xi32, #tpu.memory_space<vmem>>
    %dma_start3A_71 = tpu.memref_squeeze %dma_start3A_70 : memref<1x128xi32, #tpu.memory_space<vmem>> -> memref<128xi32, #tpu.memory_space<vmem>>
    %dma_start3A_72 = arith.constant 0 : i32
    %dma_start3A_73 = arith.constant 0 : i32
    %dma_start3A_74 = tpu.memref_slice %arg2[%dma_start3A_72, %dma_start3A_73] : memref<40000x32xf32, #tpu.memory_space<hbm>> -> memref<40000x32xf32, #tpu.memory_space<hbm>>
    tpu.enqueue_indirect_dma source(%dma_start3A_74 : memref<40000x32xf32, #tpu.memory_space<hbm>>) target(%dma_start3A_68 : memref<128x32xf32, #tpu.memory_space<vmem>>) offsets(%dma_start3A_71 : memref<128xi32, #tpu.memory_space<vmem>>) semaphore(%arg11 : memref<!tpu.dma_semaphore, #tpu.memory_space<semaphore_mem>>)
    %dma_start3A_75 = arith.constant 5 : i32
    %dma_start3A_76 = arith.constant 0 : i32
    %dma_start3A_77 = arith.constant 5 : i32
    %dma_start3A_78 = arith.constant 0 : i32
    %dma_start3A_79 = arith.constant 0 : i32
    %dma_start3A_80 = tpu.memref_slice %arg9[%dma_start3A_76, %dma_start3A_77, %dma_start3A_78, %dma_start3A_79] : memref<2x8x128x32xf32, #tpu.memory_space<vmem>> -> memref<1x1x128x32xf32, #tpu.memory_space<vmem>>
    %dma_start3A_81 = tpu.memref_squeeze %dma_start3A_80 : memref<1x1x128x32xf32, #tpu.memory_space<vmem>> -> memref<128x32xf32, #tpu.memory_space<vmem>>
    %dma_start3A_82 = arith.constant 0 : i32
    %dma_start3A_83 = tpu.memref_slice %arg7[%dma_start3A_75, %dma_start3A_82] : memref<160x128xi32, #tpu.memory_space<vmem>> -> memref<1x128xi32, #tpu.memory_space<vmem>>
    %dma_start3A_84 = tpu.memref_squeeze %dma_start3A_83 : memref<1x128xi32, #tpu.memory_space<vmem>> -> memref<128xi32, #tpu.memory_space<vmem>>
    %dma_start3A_85 = arith.constant 0 : i32
    %dma_start3A_86 = arith.constant 0 : i32
    %dma_start3A_87 = tpu.memref_slice %arg2[%dma_start3A_85, %dma_start3A_86] : memref<40000x32xf32, #tpu.memory_space<hbm>> -> memref<40000x32xf32, #tpu.memory_space<hbm>>
    tpu.enqueue_indirect_dma source(%dma_start3A_87 : memref<40000x32xf32, #tpu.memory_space<hbm>>) target(%dma_start3A_81 : memref<128x32xf32, #tpu.memory_space<vmem>>) offsets(%dma_start3A_84 : memref<128xi32, #tpu.memory_space<vmem>>) semaphore(%arg11 : memref<!tpu.dma_semaphore, #tpu.memory_space<semaphore_mem>>)
    %dma_start3A_88 = arith.constant 6 : i32
    %dma_start3A_89 = arith.constant 0 : i32
    %dma_start3A_90 = arith.constant 6 : i32
    %dma_start3A_91 = arith.constant 0 : i32
    %dma_start3A_92 = arith.constant 0 : i32
    %dma_start3A_93 = tpu.memref_slice %arg9[%dma_start3A_89, %dma_start3A_90, %dma_start3A_91, %dma_start3A_92] : memref<2x8x128x32xf32, #tpu.memory_space<vmem>> -> memref<1x1x128x32xf32, #tpu.memory_space<vmem>>
    %dma_start3A_94 = tpu.memref_squeeze %dma_start3A_93 : memref<1x1x128x32xf32, #tpu.memory_space<vmem>> -> memref<128x32xf32, #tpu.memory_space<vmem>>
    %dma_start3A_95 = arith.constant 0 : i32
    %dma_start3A_96 = tpu.memref_slice %arg7[%dma_start3A_88, %dma_start3A_95] : memref<160x128xi32, #tpu.memory_space<vmem>> -> memref<1x128xi32, #tpu.memory_space<vmem>>
    %dma_start3A_97 = tpu.memref_squeeze %dma_start3A_96 : memref<1x128xi32, #tpu.memory_space<vmem>> -> memref<128xi32, #tpu.memory_space<vmem>>
    %dma_start3A_98 = arith.constant 0 : i32
    %dma_start3A_99 = arith.constant 0 : i32
    %dma_start3A_100 = tpu.memref_slice %arg2[%dma_start3A_98, %dma_start3A_99] : memref<40000x32xf32, #tpu.memory_space<hbm>> -> memref<40000x32xf32, #tpu.memory_space<hbm>>
    tpu.enqueue_indirect_dma source(%dma_start3A_100 : memref<40000x32xf32, #tpu.memory_space<hbm>>) target(%dma_start3A_94 : memref<128x32xf32, #tpu.memory_space<vmem>>) offsets(%dma_start3A_97 : memref<128xi32, #tpu.memory_space<vmem>>) semaphore(%arg11 : memref<!tpu.dma_semaphore, #tpu.memory_space<semaphore_mem>>)
    %dma_start3A_101 = arith.constant 7 : i32
    %dma_start3A_102 = arith.constant 0 : i32
    %dma_start3A_103 = arith.constant 7 : i32
    %dma_start3A_104 = arith.constant 0 : i32
    %dma_start3A_105 = arith.constant 0 : i32
    %dma_start3A_106 = tpu.memref_slice %arg9[%dma_start3A_102, %dma_start3A_103, %dma_start3A_104, %dma_start3A_105] : memref<2x8x128x32xf32, #tpu.memory_space<vmem>> -> memref<1x1x128x32xf32, #tpu.memory_space<vmem>>
    %dma_start3A_107 = tpu.memref_squeeze %dma_start3A_106 : memref<1x1x128x32xf32, #tpu.memory_space<vmem>> -> memref<128x32xf32, #tpu.memory_space<vmem>>
    %dma_start3A_108 = arith.constant 0 : i32
    %dma_start3A_109 = tpu.memref_slice %arg7[%dma_start3A_101, %dma_start3A_108] : memref<160x128xi32, #tpu.memory_space<vmem>> -> memref<1x128xi32, #tpu.memory_space<vmem>>
    %dma_start3A_110 = tpu.memref_squeeze %dma_start3A_109 : memref<1x128xi32, #tpu.memory_space<vmem>> -> memref<128xi32, #tpu.memory_space<vmem>>
    %dma_start3A_111 = arith.constant 0 : i32
    %dma_start3A_112 = arith.constant 0 : i32
    %dma_start3A_113 = tpu.memref_slice %arg2[%dma_start3A_111, %dma_start3A_112] : memref<40000x32xf32, #tpu.memory_space<hbm>> -> memref<40000x32xf32, #tpu.memory_space<hbm>>
    tpu.enqueue_indirect_dma source(%dma_start3A_113 : memref<40000x32xf32, #tpu.memory_space<hbm>>) target(%dma_start3A_107 : memref<128x32xf32, #tpu.memory_space<vmem>>) offsets(%dma_start3A_110 : memref<128xi32, #tpu.memory_space<vmem>>) semaphore(%arg11 : memref<!tpu.dma_semaphore, #tpu.memory_space<semaphore_mem>>)
    %scan3A = arith.constant 0 : i32
    %scan3A_114 = arith.constant 0 : i32
    %scan3A_115 = arith.constant 20 : i32
    %scan3A_116 = arith.addi %scan3A_114, %scan3A_115 : i32
    %scan3A_117 = arith.constant 1 : i32
    scf.for %scan3A_512 = %scan3A_114 to %scan3A_116 step %scan3A_117  : i32 {
      %rem3A = arith.constant 2 : i32
      %rem3A_513 = arith.remsi %scan3A_512, %rem3A : i32
      %sub3A = arith.constant 1 : i32
      %sub3A_514 = arith.subi %sub3A, %rem3A_513 : i32
      %dma_wait3A_515 = arith.constant 0 : i32
      %dma_wait3A_516 = arith.constant 0 : i32
      %dma_wait3A_517 = arith.constant 0 : i32
      %dma_wait3A_518 = tpu.memref_slice %arg9[%rem3A_513, %dma_wait3A_515, %dma_wait3A_516, %dma_wait3A_517] : memref<2x8x128x32xf32, #tpu.memory_space<vmem>> -> memref<1x1x128x32xf32, #tpu.memory_space<vmem>>
      %dma_wait3A_519 = tpu.memref_squeeze %dma_wait3A_518 : memref<1x1x128x32xf32, #tpu.memory_space<vmem>> -> memref<128x32xf32, #tpu.memory_space<vmem>>
      %dma_wait3A_520 = arith.constant 0 : i32
      %dma_wait3A_521 = arith.constant 0 : i32
      %dma_wait3A_522 = tpu.memref_slice %arg2[%dma_wait3A_520, %dma_wait3A_521] : memref<40000x32xf32, #tpu.memory_space<hbm>> -> memref<128x32xf32, #tpu.memory_space<hbm>>
      %dma_wait3A_523 = arith.constant 0 : i32
      %dma_wait3A_524 = arith.constant 0 : i32
      %dma_wait3A_525 = tpu.memref_slice %arg9[%rem3A_513, %dma_wait3A_515, %dma_wait3A_523, %dma_wait3A_524] : memref<2x8x128x32xf32, #tpu.memory_space<vmem>> -> memref<1x1x128x32xf32, #tpu.memory_space<vmem>>
      %dma_wait3A_526 = tpu.memref_squeeze %dma_wait3A_525 : memref<1x1x128x32xf32, #tpu.memory_space<vmem>> -> memref<128x32xf32, #tpu.memory_space<vmem>>
      %dma_wait3A_527 = arith.constant 0 : i32
      %dma_wait3A_528 = arith.constant 0 : i32
      %dma_wait3A_529 = tpu.memref_slice %arg2[%dma_wait3A_527, %dma_wait3A_528] : memref<40000x32xf32, #tpu.memory_space<hbm>> -> memref<128x32xf32, #tpu.memory_space<hbm>>
      tpu.wait_dma2 semaphore(%arg11 : memref<!tpu.dma_semaphore, #tpu.memory_space<semaphore_mem>>) src(%dma_wait3A_529 : memref<128x32xf32, #tpu.memory_space<hbm>>) dst(%dma_wait3A_526 : memref<128x32xf32, #tpu.memory_space<vmem>>)
      %dma_wait3A_530 = arith.constant 1 : i32
      %dma_wait3A_531 = arith.constant 0 : i32
      %dma_wait3A_532 = arith.constant 0 : i32
      %dma_wait3A_533 = tpu.memref_slice %arg9[%rem3A_513, %dma_wait3A_530, %dma_wait3A_531, %dma_wait3A_532] : memref<2x8x128x32xf32, #tpu.memory_space<vmem>> -> memref<1x1x128x32xf32, #tpu.memory_space<vmem>>
      %dma_wait3A_534 = tpu.memref_squeeze %dma_wait3A_533 : memref<1x1x128x32xf32, #tpu.memory_space<vmem>> -> memref<128x32xf32, #tpu.memory_space<vmem>>
      %dma_wait3A_535 = arith.constant 0 : i32
      %dma_wait3A_536 = arith.constant 0 : i32
      %dma_wait3A_537 = tpu.memref_slice %arg2[%dma_wait3A_535, %dma_wait3A_536] : memref<40000x32xf32, #tpu.memory_space<hbm>> -> memref<128x32xf32, #tpu.memory_space<hbm>>
      %dma_wait3A_538 = arith.constant 0 : i32
      %dma_wait3A_539 = arith.constant 0 : i32
      %dma_wait3A_540 = tpu.memref_slice %arg9[%rem3A_513, %dma_wait3A_530, %dma_wait3A_538, %dma_wait3A_539] : memref<2x8x128x32xf32, #tpu.memory_space<vmem>> -> memref<1x1x128x32xf32, #tpu.memory_space<vmem>>
      %dma_wait3A_541 = tpu.memref_squeeze %dma_wait3A_540 : memref<1x1x128x32xf32, #tpu.memory_space<vmem>> -> memref<128x32xf32, #tpu.memory_space<vmem>>
      %dma_wait3A_542 = arith.constant 0 : i32
      %dma_wait3A_543 = arith.constant 0 : i32
      %dma_wait3A_544 = tpu.memref_slice %arg2[%dma_wait3A_542, %dma_wait3A_543] : memref<40000x32xf32, #tpu.memory_space<hbm>> -> memref<128x32xf32, #tpu.memory_space<hbm>>
      tpu.wait_dma2 semaphore(%arg11 : memref<!tpu.dma_semaphore, #tpu.memory_space<semaphore_mem>>) src(%dma_wait3A_544 : memref<128x32xf32, #tpu.memory_space<hbm>>) dst(%dma_wait3A_541 : memref<128x32xf32, #tpu.memory_space<vmem>>)
      %dma_wait3A_545 = arith.constant 2 : i32
      %dma_wait3A_546 = arith.constant 0 : i32
      %dma_wait3A_547 = arith.constant 0 : i32
      %dma_wait3A_548 = tpu.memref_slice %arg9[%rem3A_513, %dma_wait3A_545, %dma_wait3A_546, %dma_wait3A_547] : memref<2x8x128x32xf32, #tpu.memory_space<vmem>> -> memref<1x1x128x32xf32, #tpu.memory_space<vmem>>
      %dma_wait3A_549 = tpu.memref_squeeze %dma_wait3A_548 : memref<1x1x128x32xf32, #tpu.memory_space<vmem>> -> memref<128x32xf32, #tpu.memory_space<vmem>>
      %dma_wait3A_550 = arith.constant 0 : i32
      %dma_wait3A_551 = arith.constant 0 : i32
      %dma_wait3A_552 = tpu.memref_slice %arg2[%dma_wait3A_550, %dma_wait3A_551] : memref<40000x32xf32, #tpu.memory_space<hbm>> -> memref<128x32xf32, #tpu.memory_space<hbm>>
      %dma_wait3A_553 = arith.constant 0 : i32
      %dma_wait3A_554 = arith.constant 0 : i32
      %dma_wait3A_555 = tpu.memref_slice %arg9[%rem3A_513, %dma_wait3A_545, %dma_wait3A_553, %dma_wait3A_554] : memref<2x8x128x32xf32, #tpu.memory_space<vmem>> -> memref<1x1x128x32xf32, #tpu.memory_space<vmem>>
      %dma_wait3A_556 = tpu.memref_squeeze %dma_wait3A_555 : memref<1x1x128x32xf32, #tpu.memory_space<vmem>> -> memref<128x32xf32, #tpu.memory_space<vmem>>
      %dma_wait3A_557 = arith.constant 0 : i32
      %dma_wait3A_558 = arith.constant 0 : i32
      %dma_wait3A_559 = tpu.memref_slice %arg2[%dma_wait3A_557, %dma_wait3A_558] : memref<40000x32xf32, #tpu.memory_space<hbm>> -> memref<128x32xf32, #tpu.memory_space<hbm>>
      tpu.wait_dma2 semaphore(%arg11 : memref<!tpu.dma_semaphore, #tpu.memory_space<semaphore_mem>>) src(%dma_wait3A_559 : memref<128x32xf32, #tpu.memory_space<hbm>>) dst(%dma_wait3A_556 : memref<128x32xf32, #tpu.memory_space<vmem>>)
      %dma_wait3A_560 = arith.constant 3 : i32
      %dma_wait3A_561 = arith.constant 0 : i32
      %dma_wait3A_562 = arith.constant 0 : i32
      %dma_wait3A_563 = tpu.memref_slice %arg9[%rem3A_513, %dma_wait3A_560, %dma_wait3A_561, %dma_wait3A_562] : memref<2x8x128x32xf32, #tpu.memory_space<vmem>> -> memref<1x1x128x32xf32, #tpu.memory_space<vmem>>
      %dma_wait3A_564 = tpu.memref_squeeze %dma_wait3A_563 : memref<1x1x128x32xf32, #tpu.memory_space<vmem>> -> memref<128x32xf32, #tpu.memory_space<vmem>>
      %dma_wait3A_565 = arith.constant 0 : i32
      %dma_wait3A_566 = arith.constant 0 : i32
      %dma_wait3A_567 = tpu.memref_slice %arg2[%dma_wait3A_565, %dma_wait3A_566] : memref<40000x32xf32, #tpu.memory_space<hbm>> -> memref<128x32xf32, #tpu.memory_space<hbm>>
      %dma_wait3A_568 = arith.constant 0 : i32
      %dma_wait3A_569 = arith.constant 0 : i32
      %dma_wait3A_570 = tpu.memref_slice %arg9[%rem3A_513, %dma_wait3A_560, %dma_wait3A_568, %dma_wait3A_569] : memref<2x8x128x32xf32, #tpu.memory_space<vmem>> -> memref<1x1x128x32xf32, #tpu.memory_space<vmem>>
      %dma_wait3A_571 = tpu.memref_squeeze %dma_wait3A_570 : memref<1x1x128x32xf32, #tpu.memory_space<vmem>> -> memref<128x32xf32, #tpu.memory_space<vmem>>
      %dma_wait3A_572 = arith.constant 0 : i32
      %dma_wait3A_573 = arith.constant 0 : i32
      %dma_wait3A_574 = tpu.memref_slice %arg2[%dma_wait3A_572, %dma_wait3A_573] : memref<40000x32xf32, #tpu.memory_space<hbm>> -> memref<128x32xf32, #tpu.memory_space<hbm>>
      tpu.wait_dma2 semaphore(%arg11 : memref<!tpu.dma_semaphore, #tpu.memory_space<semaphore_mem>>) src(%dma_wait3A_574 : memref<128x32xf32, #tpu.memory_space<hbm>>) dst(%dma_wait3A_571 : memref<128x32xf32, #tpu.memory_space<vmem>>)
      %dma_wait3A_575 = arith.constant 4 : i32
      %dma_wait3A_576 = arith.constant 0 : i32
      %dma_wait3A_577 = arith.constant 0 : i32
      %dma_wait3A_578 = tpu.memref_slice %arg9[%rem3A_513, %dma_wait3A_575, %dma_wait3A_576, %dma_wait3A_577] : memref<2x8x128x32xf32, #tpu.memory_space<vmem>> -> memref<1x1x128x32xf32, #tpu.memory_space<vmem>>
      %dma_wait3A_579 = tpu.memref_squeeze %dma_wait3A_578 : memref<1x1x128x32xf32, #tpu.memory_space<vmem>> -> memref<128x32xf32, #tpu.memory_space<vmem>>
      %dma_wait3A_580 = arith.constant 0 : i32
      %dma_wait3A_581 = arith.constant 0 : i32
      %dma_wait3A_582 = tpu.memref_slice %arg2[%dma_wait3A_580, %dma_wait3A_581] : memref<40000x32xf32, #tpu.memory_space<hbm>> -> memref<128x32xf32, #tpu.memory_space<hbm>>
      %dma_wait3A_583 = arith.constant 0 : i32
      %dma_wait3A_584 = arith.constant 0 : i32
      %dma_wait3A_585 = tpu.memref_slice %arg9[%rem3A_513, %dma_wait3A_575, %dma_wait3A_583, %dma_wait3A_584] : memref<2x8x128x32xf32, #tpu.memory_space<vmem>> -> memref<1x1x128x32xf32, #tpu.memory_space<vmem>>
      %dma_wait3A_586 = tpu.memref_squeeze %dma_wait3A_585 : memref<1x1x128x32xf32, #tpu.memory_space<vmem>> -> memref<128x32xf32, #tpu.memory_space<vmem>>
      %dma_wait3A_587 = arith.constant 0 : i32
      %dma_wait3A_588 = arith.constant 0 : i32
      %dma_wait3A_589 = tpu.memref_slice %arg2[%dma_wait3A_587, %dma_wait3A_588] : memref<40000x32xf32, #tpu.memory_space<hbm>> -> memref<128x32xf32, #tpu.memory_space<hbm>>
      tpu.wait_dma2 semaphore(%arg11 : memref<!tpu.dma_semaphore, #tpu.memory_space<semaphore_mem>>) src(%dma_wait3A_589 : memref<128x32xf32, #tpu.memory_space<hbm>>) dst(%dma_wait3A_586 : memref<128x32xf32, #tpu.memory_space<vmem>>)
      %dma_wait3A_590 = arith.constant 5 : i32
      %dma_wait3A_591 = arith.constant 0 : i32
      %dma_wait3A_592 = arith.constant 0 : i32
      %dma_wait3A_593 = tpu.memref_slice %arg9[%rem3A_513, %dma_wait3A_590, %dma_wait3A_591, %dma_wait3A_592] : memref<2x8x128x32xf32, #tpu.memory_space<vmem>> -> memref<1x1x128x32xf32, #tpu.memory_space<vmem>>
      %dma_wait3A_594 = tpu.memref_squeeze %dma_wait3A_593 : memref<1x1x128x32xf32, #tpu.memory_space<vmem>> -> memref<128x32xf32, #tpu.memory_space<vmem>>
      %dma_wait3A_595 = arith.constant 0 : i32
      %dma_wait3A_596 = arith.constant 0 : i32
      %dma_wait3A_597 = tpu.memref_slice %arg2[%dma_wait3A_595, %dma_wait3A_596] : memref<40000x32xf32, #tpu.memory_space<hbm>> -> memref<128x32xf32, #tpu.memory_space<hbm>>
      %dma_wait3A_598 = arith.constant 0 : i32
      %dma_wait3A_599 = arith.constant 0 : i32
      %dma_wait3A_600 = tpu.memref_slice %arg9[%rem3A_513, %dma_wait3A_590, %dma_wait3A_598, %dma_wait3A_599] : memref<2x8x128x32xf32, #tpu.memory_space<vmem>> -> memref<1x1x128x32xf32, #tpu.memory_space<vmem>>
      %dma_wait3A_601 = tpu.memref_squeeze %dma_wait3A_600 : memref<1x1x128x32xf32, #tpu.memory_space<vmem>> -> memref<128x32xf32, #tpu.memory_space<vmem>>
      %dma_wait3A_602 = arith.constant 0 : i32
      %dma_wait3A_603 = arith.constant 0 : i32
      %dma_wait3A_604 = tpu.memref_slice %arg2[%dma_wait3A_602, %dma_wait3A_603] : memref<40000x32xf32, #tpu.memory_space<hbm>> -> memref<128x32xf32, #tpu.memory_space<hbm>>
      tpu.wait_dma2 semaphore(%arg11 : memref<!tpu.dma_semaphore, #tpu.memory_space<semaphore_mem>>) src(%dma_wait3A_604 : memref<128x32xf32, #tpu.memory_space<hbm>>) dst(%dma_wait3A_601 : memref<128x32xf32, #tpu.memory_space<vmem>>)
      %dma_wait3A_605 = arith.constant 6 : i32
      %dma_wait3A_606 = arith.constant 0 : i32
      %dma_wait3A_607 = arith.constant 0 : i32
      %dma_wait3A_608 = tpu.memref_slice %arg9[%rem3A_513, %dma_wait3A_605, %dma_wait3A_606, %dma_wait3A_607] : memref<2x8x128x32xf32, #tpu.memory_space<vmem>> -> memref<1x1x128x32xf32, #tpu.memory_space<vmem>>
      %dma_wait3A_609 = tpu.memref_squeeze %dma_wait3A_608 : memref<1x1x128x32xf32, #tpu.memory_space<vmem>> -> memref<128x32xf32, #tpu.memory_space<vmem>>
      %dma_wait3A_610 = arith.constant 0 : i32
      %dma_wait3A_611 = arith.constant 0 : i32
      %dma_wait3A_612 = tpu.memref_slice %arg2[%dma_wait3A_610, %dma_wait3A_611] : memref<40000x32xf32, #tpu.memory_space<hbm>> -> memref<128x32xf32, #tpu.memory_space<hbm>>
      %dma_wait3A_613 = arith.constant 0 : i32
      %dma_wait3A_614 = arith.constant 0 : i32
      %dma_wait3A_615 = tpu.memref_slice %arg9[%rem3A_513, %dma_wait3A_605, %dma_wait3A_613, %dma_wait3A_614] : memref<2x8x128x32xf32, #tpu.memory_space<vmem>> -> memref<1x1x128x32xf32, #tpu.memory_space<vmem>>
      %dma_wait3A_616 = tpu.memref_squeeze %dma_wait3A_615 : memref<1x1x128x32xf32, #tpu.memory_space<vmem>> -> memref<128x32xf32, #tpu.memory_space<vmem>>
      %dma_wait3A_617 = arith.constant 0 : i32
      %dma_wait3A_618 = arith.constant 0 : i32
      %dma_wait3A_619 = tpu.memref_slice %arg2[%dma_wait3A_617, %dma_wait3A_618] : memref<40000x32xf32, #tpu.memory_space<hbm>> -> memref<128x32xf32, #tpu.memory_space<hbm>>
      tpu.wait_dma2 semaphore(%arg11 : memref<!tpu.dma_semaphore, #tpu.memory_space<semaphore_mem>>) src(%dma_wait3A_619 : memref<128x32xf32, #tpu.memory_space<hbm>>) dst(%dma_wait3A_616 : memref<128x32xf32, #tpu.memory_space<vmem>>)
      %dma_wait3A_620 = arith.constant 7 : i32
      %dma_wait3A_621 = arith.constant 0 : i32
      %dma_wait3A_622 = arith.constant 0 : i32
      %dma_wait3A_623 = tpu.memref_slice %arg9[%rem3A_513, %dma_wait3A_620, %dma_wait3A_621, %dma_wait3A_622] : memref<2x8x128x32xf32, #tpu.memory_space<vmem>> -> memref<1x1x128x32xf32, #tpu.memory_space<vmem>>
      %dma_wait3A_624 = tpu.memref_squeeze %dma_wait3A_623 : memref<1x1x128x32xf32, #tpu.memory_space<vmem>> -> memref<128x32xf32, #tpu.memory_space<vmem>>
      %dma_wait3A_625 = arith.constant 0 : i32
      %dma_wait3A_626 = arith.constant 0 : i32
      %dma_wait3A_627 = tpu.memref_slice %arg2[%dma_wait3A_625, %dma_wait3A_626] : memref<40000x32xf32, #tpu.memory_space<hbm>> -> memref<128x32xf32, #tpu.memory_space<hbm>>
      %dma_wait3A_628 = arith.constant 0 : i32
      %dma_wait3A_629 = arith.constant 0 : i32
      %dma_wait3A_630 = tpu.memref_slice %arg9[%rem3A_513, %dma_wait3A_620, %dma_wait3A_628, %dma_wait3A_629] : memref<2x8x128x32xf32, #tpu.memory_space<vmem>> -> memref<1x1x128x32xf32, #tpu.memory_space<vmem>>
      %dma_wait3A_631 = tpu.memref_squeeze %dma_wait3A_630 : memref<1x1x128x32xf32, #tpu.memory_space<vmem>> -> memref<128x32xf32, #tpu.memory_space<vmem>>
      %dma_wait3A_632 = arith.constant 0 : i32
      %dma_wait3A_633 = arith.constant 0 : i32
      %dma_wait3A_634 = tpu.memref_slice %arg2[%dma_wait3A_632, %dma_wait3A_633] : memref<40000x32xf32, #tpu.memory_space<hbm>> -> memref<128x32xf32, #tpu.memory_space<hbm>>
      tpu.wait_dma2 semaphore(%arg11 : memref<!tpu.dma_semaphore, #tpu.memory_space<semaphore_mem>>) src(%dma_wait3A_634 : memref<128x32xf32, #tpu.memory_space<hbm>>) dst(%dma_wait3A_631 : memref<128x32xf32, #tpu.memory_space<vmem>>)
      %ge3A = arith.constant 1 : i32
      %ge3A_635 = arith.cmpi sge, %scan3A_512, %ge3A : i32
      %convert_element_type3A = arith.extui %ge3A_635 : i1 to i32
      %cond3A = arith.constant 0 : i32
      %cond3A_636 = arith.cmpi ne, %convert_element_type3A, %cond3A : i32
      scf.if %cond3A_636 {
        %dma_wait3A_763 = arith.constant 0 : i32
        %dma_wait3A_764 = arith.constant 0 : i32
        %dma_wait3A_765 = arith.constant 0 : i32
        %dma_wait3A_766 = tpu.memref_slice %arg9[%sub3A_514, %dma_wait3A_763, %dma_wait3A_764, %dma_wait3A_765] : memref<2x8x128x32xf32, #tpu.memory_space<vmem>> -> memref<1x1x128x32xf32, #tpu.memory_space<vmem>>
        %dma_wait3A_767 = tpu.memref_squeeze %dma_wait3A_766 : memref<1x1x128x32xf32, #tpu.memory_space<vmem>> -> memref<128x32xf32, #tpu.memory_space<vmem>>
        %dma_wait3A_768 = arith.constant 0 : i32
        %dma_wait3A_769 = arith.constant 0 : i32
        %dma_wait3A_770 = tpu.memref_slice %arg2[%dma_wait3A_768, %dma_wait3A_769] : memref<40000x32xf32, #tpu.memory_space<hbm>> -> memref<128x32xf32, #tpu.memory_space<hbm>>
        %dma_wait3A_771 = arith.constant 0 : i32
        %dma_wait3A_772 = arith.constant 0 : i32
        %dma_wait3A_773 = tpu.memref_slice %arg9[%sub3A_514, %dma_wait3A_763, %dma_wait3A_771, %dma_wait3A_772] : memref<2x8x128x32xf32, #tpu.memory_space<vmem>> -> memref<1x1x128x32xf32, #tpu.memory_space<vmem>>
        %dma_wait3A_774 = tpu.memref_squeeze %dma_wait3A_773 : memref<1x1x128x32xf32, #tpu.memory_space<vmem>> -> memref<128x32xf32, #tpu.memory_space<vmem>>
        %dma_wait3A_775 = arith.constant 0 : i32
        %dma_wait3A_776 = arith.constant 0 : i32
        %dma_wait3A_777 = tpu.memref_slice %arg2[%dma_wait3A_775, %dma_wait3A_776] : memref<40000x32xf32, #tpu.memory_space<hbm>> -> memref<128x32xf32, #tpu.memory_space<hbm>>
        tpu.wait_dma2 semaphore(%arg12 : memref<!tpu.dma_semaphore, #tpu.memory_space<semaphore_mem>>) src(%dma_wait3A_777 : memref<128x32xf32, #tpu.memory_space<hbm>>) dst(%dma_wait3A_774 : memref<128x32xf32, #tpu.memory_space<vmem>>)
        %dma_wait3A_778 = arith.constant 1 : i32
        %dma_wait3A_779 = arith.constant 0 : i32
        %dma_wait3A_780 = arith.constant 0 : i32
        %dma_wait3A_781 = tpu.memref_slice %arg9[%sub3A_514, %dma_wait3A_778, %dma_wait3A_779, %dma_wait3A_780] : memref<2x8x128x32xf32, #tpu.memory_space<vmem>> -> memref<1x1x128x32xf32, #tpu.memory_space<vmem>>
        %dma_wait3A_782 = tpu.memref_squeeze %dma_wait3A_781 : memref<1x1x128x32xf32, #tpu.memory_space<vmem>> -> memref<128x32xf32, #tpu.memory_space<vmem>>
        %dma_wait3A_783 = arith.constant 0 : i32
        %dma_wait3A_784 = arith.constant 0 : i32
        %dma_wait3A_785 = tpu.memref_slice %arg2[%dma_wait3A_783, %dma_wait3A_784] : memref<40000x32xf32, #tpu.memory_space<hbm>> -> memref<128x32xf32, #tpu.memory_space<hbm>>
        %dma_wait3A_786 = arith.constant 0 : i32
        %dma_wait3A_787 = arith.constant 0 : i32
        %dma_wait3A_788 = tpu.memref_slice %arg9[%sub3A_514, %dma_wait3A_778, %dma_wait3A_786, %dma_wait3A_787] : memref<2x8x128x32xf32, #tpu.memory_space<vmem>> -> memref<1x1x128x32xf32, #tpu.memory_space<vmem>>
        %dma_wait3A_789 = tpu.memref_squeeze %dma_wait3A_788 : memref<1x1x128x32xf32, #tpu.memory_space<vmem>> -> memref<128x32xf32, #tpu.memory_space<vmem>>
        %dma_wait3A_790 = arith.constant 0 : i32
        %dma_wait3A_791 = arith.constant 0 : i32
        %dma_wait3A_792 = tpu.memref_slice %arg2[%dma_wait3A_790, %dma_wait3A_791] : memref<40000x32xf32, #tpu.memory_space<hbm>> -> memref<128x32xf32, #tpu.memory_space<hbm>>
        tpu.wait_dma2 semaphore(%arg12 : memref<!tpu.dma_semaphore, #tpu.memory_space<semaphore_mem>>) src(%dma_wait3A_792 : memref<128x32xf32, #tpu.memory_space<hbm>>) dst(%dma_wait3A_789 : memref<128x32xf32, #tpu.memory_space<vmem>>)
        %dma_wait3A_793 = arith.constant 2 : i32
        %dma_wait3A_794 = arith.constant 0 : i32
        %dma_wait3A_795 = arith.constant 0 : i32
        %dma_wait3A_796 = tpu.memref_slice %arg9[%sub3A_514, %dma_wait3A_793, %dma_wait3A_794, %dma_wait3A_795] : memref<2x8x128x32xf32, #tpu.memory_space<vmem>> -> memref<1x1x128x32xf32, #tpu.memory_space<vmem>>
        %dma_wait3A_797 = tpu.memref_squeeze %dma_wait3A_796 : memref<1x1x128x32xf32, #tpu.memory_space<vmem>> -> memref<128x32xf32, #tpu.memory_space<vmem>>
        %dma_wait3A_798 = arith.constant 0 : i32
        %dma_wait3A_799 = arith.constant 0 : i32
        %dma_wait3A_800 = tpu.memref_slice %arg2[%dma_wait3A_798, %dma_wait3A_799] : memref<40000x32xf32, #tpu.memory_space<hbm>> -> memref<128x32xf32, #tpu.memory_space<hbm>>
        %dma_wait3A_801 = arith.constant 0 : i32
        %dma_wait3A_802 = arith.constant 0 : i32
        %dma_wait3A_803 = tpu.memref_slice %arg9[%sub3A_514, %dma_wait3A_793, %dma_wait3A_801, %dma_wait3A_802] : memref<2x8x128x32xf32, #tpu.memory_space<vmem>> -> memref<1x1x128x32xf32, #tpu.memory_space<vmem>>
        %dma_wait3A_804 = tpu.memref_squeeze %dma_wait3A_803 : memref<1x1x128x32xf32, #tpu.memory_space<vmem>> -> memref<128x32xf32, #tpu.memory_space<vmem>>
        %dma_wait3A_805 = arith.constant 0 : i32
        %dma_wait3A_806 = arith.constant 0 : i32
        %dma_wait3A_807 = tpu.memref_slice %arg2[%dma_wait3A_805, %dma_wait3A_806] : memref<40000x32xf32, #tpu.memory_space<hbm>> -> memref<128x32xf32, #tpu.memory_space<hbm>>
        tpu.wait_dma2 semaphore(%arg12 : memref<!tpu.dma_semaphore, #tpu.memory_space<semaphore_mem>>) src(%dma_wait3A_807 : memref<128x32xf32, #tpu.memory_space<hbm>>) dst(%dma_wait3A_804 : memref<128x32xf32, #tpu.memory_space<vmem>>)
        %dma_wait3A_808 = arith.constant 3 : i32
        %dma_wait3A_809 = arith.constant 0 : i32
        %dma_wait3A_810 = arith.constant 0 : i32
        %dma_wait3A_811 = tpu.memref_slice %arg9[%sub3A_514, %dma_wait3A_808, %dma_wait3A_809, %dma_wait3A_810] : memref<2x8x128x32xf32, #tpu.memory_space<vmem>> -> memref<1x1x128x32xf32, #tpu.memory_space<vmem>>
        %dma_wait3A_812 = tpu.memref_squeeze %dma_wait3A_811 : memref<1x1x128x32xf32, #tpu.memory_space<vmem>> -> memref<128x32xf32, #tpu.memory_space<vmem>>
        %dma_wait3A_813 = arith.constant 0 : i32
        %dma_wait3A_814 = arith.constant 0 : i32
        %dma_wait3A_815 = tpu.memref_slice %arg2[%dma_wait3A_813, %dma_wait3A_814] : memref<40000x32xf32, #tpu.memory_space<hbm>> -> memref<128x32xf32, #tpu.memory_space<hbm>>
        %dma_wait3A_816 = arith.constant 0 : i32
        %dma_wait3A_817 = arith.constant 0 : i32
        %dma_wait3A_818 = tpu.memref_slice %arg9[%sub3A_514, %dma_wait3A_808, %dma_wait3A_816, %dma_wait3A_817] : memref<2x8x128x32xf32, #tpu.memory_space<vmem>> -> memref<1x1x128x32xf32, #tpu.memory_space<vmem>>
        %dma_wait3A_819 = tpu.memref_squeeze %dma_wait3A_818 : memref<1x1x128x32xf32, #tpu.memory_space<vmem>> -> memref<128x32xf32, #tpu.memory_space<vmem>>
        %dma_wait3A_820 = arith.constant 0 : i32
        %dma_wait3A_821 = arith.constant 0 : i32
        %dma_wait3A_822 = tpu.memref_slice %arg2[%dma_wait3A_820, %dma_wait3A_821] : memref<40000x32xf32, #tpu.memory_space<hbm>> -> memref<128x32xf32, #tpu.memory_space<hbm>>
        tpu.wait_dma2 semaphore(%arg12 : memref<!tpu.dma_semaphore, #tpu.memory_space<semaphore_mem>>) src(%dma_wait3A_822 : memref<128x32xf32, #tpu.memory_space<hbm>>) dst(%dma_wait3A_819 : memref<128x32xf32, #tpu.memory_space<vmem>>)
        %dma_wait3A_823 = arith.constant 4 : i32
        %dma_wait3A_824 = arith.constant 0 : i32
        %dma_wait3A_825 = arith.constant 0 : i32
        %dma_wait3A_826 = tpu.memref_slice %arg9[%sub3A_514, %dma_wait3A_823, %dma_wait3A_824, %dma_wait3A_825] : memref<2x8x128x32xf32, #tpu.memory_space<vmem>> -> memref<1x1x128x32xf32, #tpu.memory_space<vmem>>
        %dma_wait3A_827 = tpu.memref_squeeze %dma_wait3A_826 : memref<1x1x128x32xf32, #tpu.memory_space<vmem>> -> memref<128x32xf32, #tpu.memory_space<vmem>>
        %dma_wait3A_828 = arith.constant 0 : i32
        %dma_wait3A_829 = arith.constant 0 : i32
        %dma_wait3A_830 = tpu.memref_slice %arg2[%dma_wait3A_828, %dma_wait3A_829] : memref<40000x32xf32, #tpu.memory_space<hbm>> -> memref<128x32xf32, #tpu.memory_space<hbm>>
        %dma_wait3A_831 = arith.constant 0 : i32
        %dma_wait3A_832 = arith.constant 0 : i32
        %dma_wait3A_833 = tpu.memref_slice %arg9[%sub3A_514, %dma_wait3A_823, %dma_wait3A_831, %dma_wait3A_832] : memref<2x8x128x32xf32, #tpu.memory_space<vmem>> -> memref<1x1x128x32xf32, #tpu.memory_space<vmem>>
        %dma_wait3A_834 = tpu.memref_squeeze %dma_wait3A_833 : memref<1x1x128x32xf32, #tpu.memory_space<vmem>> -> memref<128x32xf32, #tpu.memory_space<vmem>>
        %dma_wait3A_835 = arith.constant 0 : i32
        %dma_wait3A_836 = arith.constant 0 : i32
        %dma_wait3A_837 = tpu.memref_slice %arg2[%dma_wait3A_835, %dma_wait3A_836] : memref<40000x32xf32, #tpu.memory_space<hbm>> -> memref<128x32xf32, #tpu.memory_space<hbm>>
        tpu.wait_dma2 semaphore(%arg12 : memref<!tpu.dma_semaphore, #tpu.memory_space<semaphore_mem>>) src(%dma_wait3A_837 : memref<128x32xf32, #tpu.memory_space<hbm>>) dst(%dma_wait3A_834 : memref<128x32xf32, #tpu.memory_space<vmem>>)
        %dma_wait3A_838 = arith.constant 5 : i32
        %dma_wait3A_839 = arith.constant 0 : i32
        %dma_wait3A_840 = arith.constant 0 : i32
        %dma_wait3A_841 = tpu.memref_slice %arg9[%sub3A_514, %dma_wait3A_838, %dma_wait3A_839, %dma_wait3A_840] : memref<2x8x128x32xf32, #tpu.memory_space<vmem>> -> memref<1x1x128x32xf32, #tpu.memory_space<vmem>>
        %dma_wait3A_842 = tpu.memref_squeeze %dma_wait3A_841 : memref<1x1x128x32xf32, #tpu.memory_space<vmem>> -> memref<128x32xf32, #tpu.memory_space<vmem>>
        %dma_wait3A_843 = arith.constant 0 : i32
        %dma_wait3A_844 = arith.constant 0 : i32
        %dma_wait3A_845 = tpu.memref_slice %arg2[%dma_wait3A_843, %dma_wait3A_844] : memref<40000x32xf32, #tpu.memory_space<hbm>> -> memref<128x32xf32, #tpu.memory_space<hbm>>
        %dma_wait3A_846 = arith.constant 0 : i32
        %dma_wait3A_847 = arith.constant 0 : i32
        %dma_wait3A_848 = tpu.memref_slice %arg9[%sub3A_514, %dma_wait3A_838, %dma_wait3A_846, %dma_wait3A_847] : memref<2x8x128x32xf32, #tpu.memory_space<vmem>> -> memref<1x1x128x32xf32, #tpu.memory_space<vmem>>
        %dma_wait3A_849 = tpu.memref_squeeze %dma_wait3A_848 : memref<1x1x128x32xf32, #tpu.memory_space<vmem>> -> memref<128x32xf32, #tpu.memory_space<vmem>>
        %dma_wait3A_850 = arith.constant 0 : i32
        %dma_wait3A_851 = arith.constant 0 : i32
        %dma_wait3A_852 = tpu.memref_slice %arg2[%dma_wait3A_850, %dma_wait3A_851] : memref<40000x32xf32, #tpu.memory_space<hbm>> -> memref<128x32xf32, #tpu.memory_space<hbm>>
        tpu.wait_dma2 semaphore(%arg12 : memref<!tpu.dma_semaphore, #tpu.memory_space<semaphore_mem>>) src(%dma_wait3A_852 : memref<128x32xf32, #tpu.memory_space<hbm>>) dst(%dma_wait3A_849 : memref<128x32xf32, #tpu.memory_space<vmem>>)
        %dma_wait3A_853 = arith.constant 6 : i32
        %dma_wait3A_854 = arith.constant 0 : i32
        %dma_wait3A_855 = arith.constant 0 : i32
        %dma_wait3A_856 = tpu.memref_slice %arg9[%sub3A_514, %dma_wait3A_853, %dma_wait3A_854, %dma_wait3A_855] : memref<2x8x128x32xf32, #tpu.memory_space<vmem>> -> memref<1x1x128x32xf32, #tpu.memory_space<vmem>>
        %dma_wait3A_857 = tpu.memref_squeeze %dma_wait3A_856 : memref<1x1x128x32xf32, #tpu.memory_space<vmem>> -> memref<128x32xf32, #tpu.memory_space<vmem>>
        %dma_wait3A_858 = arith.constant 0 : i32
        %dma_wait3A_859 = arith.constant 0 : i32
        %dma_wait3A_860 = tpu.memref_slice %arg2[%dma_wait3A_858, %dma_wait3A_859] : memref<40000x32xf32, #tpu.memory_space<hbm>> -> memref<128x32xf32, #tpu.memory_space<hbm>>
        %dma_wait3A_861 = arith.constant 0 : i32
        %dma_wait3A_862 = arith.constant 0 : i32
        %dma_wait3A_863 = tpu.memref_slice %arg9[%sub3A_514, %dma_wait3A_853, %dma_wait3A_861, %dma_wait3A_862] : memref<2x8x128x32xf32, #tpu.memory_space<vmem>> -> memref<1x1x128x32xf32, #tpu.memory_space<vmem>>
        %dma_wait3A_864 = tpu.memref_squeeze %dma_wait3A_863 : memref<1x1x128x32xf32, #tpu.memory_space<vmem>> -> memref<128x32xf32, #tpu.memory_space<vmem>>
        %dma_wait3A_865 = arith.constant 0 : i32
        %dma_wait3A_866 = arith.constant 0 : i32
        %dma_wait3A_867 = tpu.memref_slice %arg2[%dma_wait3A_865, %dma_wait3A_866] : memref<40000x32xf32, #tpu.memory_space<hbm>> -> memref<128x32xf32, #tpu.memory_space<hbm>>
        tpu.wait_dma2 semaphore(%arg12 : memref<!tpu.dma_semaphore, #tpu.memory_space<semaphore_mem>>) src(%dma_wait3A_867 : memref<128x32xf32, #tpu.memory_space<hbm>>) dst(%dma_wait3A_864 : memref<128x32xf32, #tpu.memory_space<vmem>>)
        %dma_wait3A_868 = arith.constant 7 : i32
        %dma_wait3A_869 = arith.constant 0 : i32
        %dma_wait3A_870 = arith.constant 0 : i32
        %dma_wait3A_871 = tpu.memref_slice %arg9[%sub3A_514, %dma_wait3A_868, %dma_wait3A_869, %dma_wait3A_870] : memref<2x8x128x32xf32, #tpu.memory_space<vmem>> -> memref<1x1x128x32xf32, #tpu.memory_space<vmem>>
        %dma_wait3A_872 = tpu.memref_squeeze %dma_wait3A_871 : memref<1x1x128x32xf32, #tpu.memory_space<vmem>> -> memref<128x32xf32, #tpu.memory_space<vmem>>
        %dma_wait3A_873 = arith.constant 0 : i32
        %dma_wait3A_874 = arith.constant 0 : i32
        %dma_wait3A_875 = tpu.memref_slice %arg2[%dma_wait3A_873, %dma_wait3A_874] : memref<40000x32xf32, #tpu.memory_space<hbm>> -> memref<128x32xf32, #tpu.memory_space<hbm>>
        %dma_wait3A_876 = arith.constant 0 : i32
        %dma_wait3A_877 = arith.constant 0 : i32
        %dma_wait3A_878 = tpu.memref_slice %arg9[%sub3A_514, %dma_wait3A_868, %dma_wait3A_876, %dma_wait3A_877] : memref<2x8x128x32xf32, #tpu.memory_space<vmem>> -> memref<1x1x128x32xf32, #tpu.memory_space<vmem>>
        %dma_wait3A_879 = tpu.memref_squeeze %dma_wait3A_878 : memref<1x1x128x32xf32, #tpu.memory_space<vmem>> -> memref<128x32xf32, #tpu.memory_space<vmem>>
        %dma_wait3A_880 = arith.constant 0 : i32
        %dma_wait3A_881 = arith.constant 0 : i32
        %dma_wait3A_882 = tpu.memref_slice %arg2[%dma_wait3A_880, %dma_wait3A_881] : memref<40000x32xf32, #tpu.memory_space<hbm>> -> memref<128x32xf32, #tpu.memory_space<hbm>>
        tpu.wait_dma2 semaphore(%arg12 : memref<!tpu.dma_semaphore, #tpu.memory_space<semaphore_mem>>) src(%dma_wait3A_882 : memref<128x32xf32, #tpu.memory_space<hbm>>) dst(%dma_wait3A_879 : memref<128x32xf32, #tpu.memory_space<vmem>>)
      } else {
      }
      %add3A_637 = arith.constant 1 : i32
      %add3A_638 = arith.addi %scan3A_512, %add3A_637 : i32
      %lt3A = arith.constant 20 : i32
      %lt3A_639 = arith.cmpi slt, %add3A_638, %lt3A : i32
      %convert_element_type3A_640 = arith.extui %lt3A_639 : i1 to i32
      %cond3A_641 = arith.constant 0 : i32
      %cond3A_642 = arith.cmpi ne, %convert_element_type3A_640, %cond3A_641 : i32
      scf.if %cond3A_642 {
        %add3A_763 = arith.constant 1 : i32
        %add3A_764 = arith.addi %scan3A_512, %add3A_763 : i32
        %mul3A_765 = arith.constant 8 : i32
        %mul3A_766 = arith.muli %add3A_764, %mul3A_765 : i32
        %add3A_767 = arith.constant 0 : i32
        %add3A_768 = arith.addi %mul3A_766, %add3A_767 : i32
        %dma_start3A_769 = arith.constant 0 : i32
        %dma_start3A_770 = arith.constant 0 : i32
        %dma_start3A_771 = arith.constant 0 : i32
        %dma_start3A_772 = tpu.memref_slice %arg9[%sub3A_514, %dma_start3A_769, %dma_start3A_770, %dma_start3A_771] : memref<2x8x128x32xf32, #tpu.memory_space<vmem>> -> memref<1x1x128x32xf32, #tpu.memory_space<vmem>>
        %dma_start3A_773 = tpu.memref_squeeze %dma_start3A_772 : memref<1x1x128x32xf32, #tpu.memory_space<vmem>> -> memref<128x32xf32, #tpu.memory_space<vmem>>
        %dma_start3A_774 = arith.constant 0 : i32
        %dma_start3A_775 = tpu.memref_slice %arg7[%add3A_768, %dma_start3A_774] : memref<160x128xi32, #tpu.memory_space<vmem>> -> memref<1x128xi32, #tpu.memory_space<vmem>>
        %dma_start3A_776 = tpu.memref_squeeze %dma_start3A_775 : memref<1x128xi32, #tpu.memory_space<vmem>> -> memref<128xi32, #tpu.memory_space<vmem>>
        %dma_start3A_777 = arith.constant 0 : i32
        %dma_start3A_778 = arith.constant 0 : i32
        %dma_start3A_779 = tpu.memref_slice %arg2[%dma_start3A_777, %dma_start3A_778] : memref<40000x32xf32, #tpu.memory_space<hbm>> -> memref<40000x32xf32, #tpu.memory_space<hbm>>
        tpu.enqueue_indirect_dma source(%dma_start3A_779 : memref<40000x32xf32, #tpu.memory_space<hbm>>) target(%dma_start3A_773 : memref<128x32xf32, #tpu.memory_space<vmem>>) offsets(%dma_start3A_776 : memref<128xi32, #tpu.memory_space<vmem>>) semaphore(%arg11 : memref<!tpu.dma_semaphore, #tpu.memory_space<semaphore_mem>>)
        %add3A_780 = arith.constant 1 : i32
        %add3A_781 = arith.addi %scan3A_512, %add3A_780 : i32
        %mul3A_782 = arith.constant 8 : i32
        %mul3A_783 = arith.muli %add3A_781, %mul3A_782 : i32
        %add3A_784 = arith.constant 1 : i32
        %add3A_785 = arith.addi %mul3A_783, %add3A_784 : i32
        %dma_start3A_786 = arith.constant 1 : i32
        %dma_start3A_787 = arith.constant 0 : i32
        %dma_start3A_788 = arith.constant 0 : i32
        %dma_start3A_789 = tpu.memref_slice %arg9[%sub3A_514, %dma_start3A_786, %dma_start3A_787, %dma_start3A_788] : memref<2x8x128x32xf32, #tpu.memory_space<vmem>> -> memref<1x1x128x32xf32, #tpu.memory_space<vmem>>
        %dma_start3A_790 = tpu.memref_squeeze %dma_start3A_789 : memref<1x1x128x32xf32, #tpu.memory_space<vmem>> -> memref<128x32xf32, #tpu.memory_space<vmem>>
        %dma_start3A_791 = arith.constant 0 : i32
        %dma_start3A_792 = tpu.memref_slice %arg7[%add3A_785, %dma_start3A_791] : memref<160x128xi32, #tpu.memory_space<vmem>> -> memref<1x128xi32, #tpu.memory_space<vmem>>
        %dma_start3A_793 = tpu.memref_squeeze %dma_start3A_792 : memref<1x128xi32, #tpu.memory_space<vmem>> -> memref<128xi32, #tpu.memory_space<vmem>>
        %dma_start3A_794 = arith.constant 0 : i32
        %dma_start3A_795 = arith.constant 0 : i32
        %dma_start3A_796 = tpu.memref_slice %arg2[%dma_start3A_794, %dma_start3A_795] : memref<40000x32xf32, #tpu.memory_space<hbm>> -> memref<40000x32xf32, #tpu.memory_space<hbm>>
        tpu.enqueue_indirect_dma source(%dma_start3A_796 : memref<40000x32xf32, #tpu.memory_space<hbm>>) target(%dma_start3A_790 : memref<128x32xf32, #tpu.memory_space<vmem>>) offsets(%dma_start3A_793 : memref<128xi32, #tpu.memory_space<vmem>>) semaphore(%arg11 : memref<!tpu.dma_semaphore, #tpu.memory_space<semaphore_mem>>)
        %add3A_797 = arith.constant 1 : i32
        %add3A_798 = arith.addi %scan3A_512, %add3A_797 : i32
        %mul3A_799 = arith.constant 8 : i32
        %mul3A_800 = arith.muli %add3A_798, %mul3A_799 : i32
        %add3A_801 = arith.constant 2 : i32
        %add3A_802 = arith.addi %mul3A_800, %add3A_801 : i32
        %dma_start3A_803 = arith.constant 2 : i32
        %dma_start3A_804 = arith.constant 0 : i32
        %dma_start3A_805 = arith.constant 0 : i32
        %dma_start3A_806 = tpu.memref_slice %arg9[%sub3A_514, %dma_start3A_803, %dma_start3A_804, %dma_start3A_805] : memref<2x8x128x32xf32, #tpu.memory_space<vmem>> -> memref<1x1x128x32xf32, #tpu.memory_space<vmem>>
        %dma_start3A_807 = tpu.memref_squeeze %dma_start3A_806 : memref<1x1x128x32xf32, #tpu.memory_space<vmem>> -> memref<128x32xf32, #tpu.memory_space<vmem>>
        %dma_start3A_808 = arith.constant 0 : i32
        %dma_start3A_809 = tpu.memref_slice %arg7[%add3A_802, %dma_start3A_808] : memref<160x128xi32, #tpu.memory_space<vmem>> -> memref<1x128xi32, #tpu.memory_space<vmem>>
        %dma_start3A_810 = tpu.memref_squeeze %dma_start3A_809 : memref<1x128xi32, #tpu.memory_space<vmem>> -> memref<128xi32, #tpu.memory_space<vmem>>
        %dma_start3A_811 = arith.constant 0 : i32
        %dma_start3A_812 = arith.constant 0 : i32
        %dma_start3A_813 = tpu.memref_slice %arg2[%dma_start3A_811, %dma_start3A_812] : memref<40000x32xf32, #tpu.memory_space<hbm>> -> memref<40000x32xf32, #tpu.memory_space<hbm>>
        tpu.enqueue_indirect_dma source(%dma_start3A_813 : memref<40000x32xf32, #tpu.memory_space<hbm>>) target(%dma_start3A_807 : memref<128x32xf32, #tpu.memory_space<vmem>>) offsets(%dma_start3A_810 : memref<128xi32, #tpu.memory_space<vmem>>) semaphore(%arg11 : memref<!tpu.dma_semaphore, #tpu.memory_space<semaphore_mem>>)
        %add3A_814 = arith.constant 1 : i32
        %add3A_815 = arith.addi %scan3A_512, %add3A_814 : i32
        %mul3A_816 = arith.constant 8 : i32
        %mul3A_817 = arith.muli %add3A_815, %mul3A_816 : i32
        %add3A_818 = arith.constant 3 : i32
        %add3A_819 = arith.addi %mul3A_817, %add3A_818 : i32
        %dma_start3A_820 = arith.constant 3 : i32
        %dma_start3A_821 = arith.constant 0 : i32
        %dma_start3A_822 = arith.constant 0 : i32
        %dma_start3A_823 = tpu.memref_slice %arg9[%sub3A_514, %dma_start3A_820, %dma_start3A_821, %dma_start3A_822] : memref<2x8x128x32xf32, #tpu.memory_space<vmem>> -> memref<1x1x128x32xf32, #tpu.memory_space<vmem>>
        %dma_start3A_824 = tpu.memref_squeeze %dma_start3A_823 : memref<1x1x128x32xf32, #tpu.memory_space<vmem>> -> memref<128x32xf32, #tpu.memory_space<vmem>>
        %dma_start3A_825 = arith.constant 0 : i32
        %dma_start3A_826 = tpu.memref_slice %arg7[%add3A_819, %dma_start3A_825] : memref<160x128xi32, #tpu.memory_space<vmem>> -> memref<1x128xi32, #tpu.memory_space<vmem>>
        %dma_start3A_827 = tpu.memref_squeeze %dma_start3A_826 : memref<1x128xi32, #tpu.memory_space<vmem>> -> memref<128xi32, #tpu.memory_space<vmem>>
        %dma_start3A_828 = arith.constant 0 : i32
        %dma_start3A_829 = arith.constant 0 : i32
        %dma_start3A_830 = tpu.memref_slice %arg2[%dma_start3A_828, %dma_start3A_829] : memref<40000x32xf32, #tpu.memory_space<hbm>> -> memref<40000x32xf32, #tpu.memory_space<hbm>>
        tpu.enqueue_indirect_dma source(%dma_start3A_830 : memref<40000x32xf32, #tpu.memory_space<hbm>>) target(%dma_start3A_824 : memref<128x32xf32, #tpu.memory_space<vmem>>) offsets(%dma_start3A_827 : memref<128xi32, #tpu.memory_space<vmem>>) semaphore(%arg11 : memref<!tpu.dma_semaphore, #tpu.memory_space<semaphore_mem>>)
        %add3A_831 = arith.constant 1 : i32
        %add3A_832 = arith.addi %scan3A_512, %add3A_831 : i32
        %mul3A_833 = arith.constant 8 : i32
        %mul3A_834 = arith.muli %add3A_832, %mul3A_833 : i32
        %add3A_835 = arith.constant 4 : i32
        %add3A_836 = arith.addi %mul3A_834, %add3A_835 : i32
        %dma_start3A_837 = arith.constant 4 : i32
        %dma_start3A_838 = arith.constant 0 : i32
        %dma_start3A_839 = arith.constant 0 : i32
        %dma_start3A_840 = tpu.memref_slice %arg9[%sub3A_514, %dma_start3A_837, %dma_start3A_838, %dma_start3A_839] : memref<2x8x128x32xf32, #tpu.memory_space<vmem>> -> memref<1x1x128x32xf32, #tpu.memory_space<vmem>>
        %dma_start3A_841 = tpu.memref_squeeze %dma_start3A_840 : memref<1x1x128x32xf32, #tpu.memory_space<vmem>> -> memref<128x32xf32, #tpu.memory_space<vmem>>
        %dma_start3A_842 = arith.constant 0 : i32
        %dma_start3A_843 = tpu.memref_slice %arg7[%add3A_836, %dma_start3A_842] : memref<160x128xi32, #tpu.memory_space<vmem>> -> memref<1x128xi32, #tpu.memory_space<vmem>>
        %dma_start3A_844 = tpu.memref_squeeze %dma_start3A_843 : memref<1x128xi32, #tpu.memory_space<vmem>> -> memref<128xi32, #tpu.memory_space<vmem>>
        %dma_start3A_845 = arith.constant 0 : i32
        %dma_start3A_846 = arith.constant 0 : i32
        %dma_start3A_847 = tpu.memref_slice %arg2[%dma_start3A_845, %dma_start3A_846] : memref<40000x32xf32, #tpu.memory_space<hbm>> -> memref<40000x32xf32, #tpu.memory_space<hbm>>
        tpu.enqueue_indirect_dma source(%dma_start3A_847 : memref<40000x32xf32, #tpu.memory_space<hbm>>) target(%dma_start3A_841 : memref<128x32xf32, #tpu.memory_space<vmem>>) offsets(%dma_start3A_844 : memref<128xi32, #tpu.memory_space<vmem>>) semaphore(%arg11 : memref<!tpu.dma_semaphore, #tpu.memory_space<semaphore_mem>>)
        %add3A_848 = arith.constant 1 : i32
        %add3A_849 = arith.addi %scan3A_512, %add3A_848 : i32
        %mul3A_850 = arith.constant 8 : i32
        %mul3A_851 = arith.muli %add3A_849, %mul3A_850 : i32
        %add3A_852 = arith.constant 5 : i32
        %add3A_853 = arith.addi %mul3A_851, %add3A_852 : i32
        %dma_start3A_854 = arith.constant 5 : i32
        %dma_start3A_855 = arith.constant 0 : i32
        %dma_start3A_856 = arith.constant 0 : i32
        %dma_start3A_857 = tpu.memref_slice %arg9[%sub3A_514, %dma_start3A_854, %dma_start3A_855, %dma_start3A_856] : memref<2x8x128x32xf32, #tpu.memory_space<vmem>> -> memref<1x1x128x32xf32, #tpu.memory_space<vmem>>
        %dma_start3A_858 = tpu.memref_squeeze %dma_start3A_857 : memref<1x1x128x32xf32, #tpu.memory_space<vmem>> -> memref<128x32xf32, #tpu.memory_space<vmem>>
        %dma_start3A_859 = arith.constant 0 : i32
        %dma_start3A_860 = tpu.memref_slice %arg7[%add3A_853, %dma_start3A_859] : memref<160x128xi32, #tpu.memory_space<vmem>> -> memref<1x128xi32, #tpu.memory_space<vmem>>
        %dma_start3A_861 = tpu.memref_squeeze %dma_start3A_860 : memref<1x128xi32, #tpu.memory_space<vmem>> -> memref<128xi32, #tpu.memory_space<vmem>>
        %dma_start3A_862 = arith.constant 0 : i32
        %dma_start3A_863 = arith.constant 0 : i32
        %dma_start3A_864 = tpu.memref_slice %arg2[%dma_start3A_862, %dma_start3A_863] : memref<40000x32xf32, #tpu.memory_space<hbm>> -> memref<40000x32xf32, #tpu.memory_space<hbm>>
        tpu.enqueue_indirect_dma source(%dma_start3A_864 : memref<40000x32xf32, #tpu.memory_space<hbm>>) target(%dma_start3A_858 : memref<128x32xf32, #tpu.memory_space<vmem>>) offsets(%dma_start3A_861 : memref<128xi32, #tpu.memory_space<vmem>>) semaphore(%arg11 : memref<!tpu.dma_semaphore, #tpu.memory_space<semaphore_mem>>)
        %add3A_865 = arith.constant 1 : i32
        %add3A_866 = arith.addi %scan3A_512, %add3A_865 : i32
        %mul3A_867 = arith.constant 8 : i32
        %mul3A_868 = arith.muli %add3A_866, %mul3A_867 : i32
        %add3A_869 = arith.constant 6 : i32
        %add3A_870 = arith.addi %mul3A_868, %add3A_869 : i32
        %dma_start3A_871 = arith.constant 6 : i32
        %dma_start3A_872 = arith.constant 0 : i32
        %dma_start3A_873 = arith.constant 0 : i32
        %dma_start3A_874 = tpu.memref_slice %arg9[%sub3A_514, %dma_start3A_871, %dma_start3A_872, %dma_start3A_873] : memref<2x8x128x32xf32, #tpu.memory_space<vmem>> -> memref<1x1x128x32xf32, #tpu.memory_space<vmem>>
        %dma_start3A_875 = tpu.memref_squeeze %dma_start3A_874 : memref<1x1x128x32xf32, #tpu.memory_space<vmem>> -> memref<128x32xf32, #tpu.memory_space<vmem>>
        %dma_start3A_876 = arith.constant 0 : i32
        %dma_start3A_877 = tpu.memref_slice %arg7[%add3A_870, %dma_start3A_876] : memref<160x128xi32, #tpu.memory_space<vmem>> -> memref<1x128xi32, #tpu.memory_space<vmem>>
        %dma_start3A_878 = tpu.memref_squeeze %dma_start3A_877 : memref<1x128xi32, #tpu.memory_space<vmem>> -> memref<128xi32, #tpu.memory_space<vmem>>
        %dma_start3A_879 = arith.constant 0 : i32
        %dma_start3A_880 = arith.constant 0 : i32
        %dma_start3A_881 = tpu.memref_slice %arg2[%dma_start3A_879, %dma_start3A_880] : memref<40000x32xf32, #tpu.memory_space<hbm>> -> memref<40000x32xf32, #tpu.memory_space<hbm>>
        tpu.enqueue_indirect_dma source(%dma_start3A_881 : memref<40000x32xf32, #tpu.memory_space<hbm>>) target(%dma_start3A_875 : memref<128x32xf32, #tpu.memory_space<vmem>>) offsets(%dma_start3A_878 : memref<128xi32, #tpu.memory_space<vmem>>) semaphore(%arg11 : memref<!tpu.dma_semaphore, #tpu.memory_space<semaphore_mem>>)
        %add3A_882 = arith.constant 1 : i32
        %add3A_883 = arith.addi %scan3A_512, %add3A_882 : i32
        %mul3A_884 = arith.constant 8 : i32
        %mul3A_885 = arith.muli %add3A_883, %mul3A_884 : i32
        %add3A_886 = arith.constant 7 : i32
        %add3A_887 = arith.addi %mul3A_885, %add3A_886 : i32
        %dma_start3A_888 = arith.constant 7 : i32
        %dma_start3A_889 = arith.constant 0 : i32
        %dma_start3A_890 = arith.constant 0 : i32
        %dma_start3A_891 = tpu.memref_slice %arg9[%sub3A_514, %dma_start3A_888, %dma_start3A_889, %dma_start3A_890] : memref<2x8x128x32xf32, #tpu.memory_space<vmem>> -> memref<1x1x128x32xf32, #tpu.memory_space<vmem>>
        %dma_start3A_892 = tpu.memref_squeeze %dma_start3A_891 : memref<1x1x128x32xf32, #tpu.memory_space<vmem>> -> memref<128x32xf32, #tpu.memory_space<vmem>>
        %dma_start3A_893 = arith.constant 0 : i32
        %dma_start3A_894 = tpu.memref_slice %arg7[%add3A_887, %dma_start3A_893] : memref<160x128xi32, #tpu.memory_space<vmem>> -> memref<1x128xi32, #tpu.memory_space<vmem>>
        %dma_start3A_895 = tpu.memref_squeeze %dma_start3A_894 : memref<1x128xi32, #tpu.memory_space<vmem>> -> memref<128xi32, #tpu.memory_space<vmem>>
        %dma_start3A_896 = arith.constant 0 : i32
        %dma_start3A_897 = arith.constant 0 : i32
        %dma_start3A_898 = tpu.memref_slice %arg2[%dma_start3A_896, %dma_start3A_897] : memref<40000x32xf32, #tpu.memory_space<hbm>> -> memref<40000x32xf32, #tpu.memory_space<hbm>>
        tpu.enqueue_indirect_dma source(%dma_start3A_898 : memref<40000x32xf32, #tpu.memory_space<hbm>>) target(%dma_start3A_892 : memref<128x32xf32, #tpu.memory_space<vmem>>) offsets(%dma_start3A_895 : memref<128xi32, #tpu.memory_space<vmem>>) semaphore(%arg11 : memref<!tpu.dma_semaphore, #tpu.memory_space<semaphore_mem>>)
      } else {
      }
      %mul3A_643 = arith.constant 8 : i32
      %mul3A_644 = arith.muli %scan3A_512, %mul3A_643 : i32
      %add3A_645 = arith.constant 0 : i32
      %add3A_646 = arith.addi %mul3A_644, %add3A_645 : i32
      %dma_start3A_647 = arith.constant 0 : i32
      %dma_start3A_648 = arith.constant 0 : i32
      %dma_start3A_649 = arith.constant 0 : i32
      %dma_start3A_650 = tpu.memref_slice %arg9[%rem3A_513, %dma_start3A_647, %dma_start3A_648, %dma_start3A_649] : memref<2x8x128x32xf32, #tpu.memory_space<vmem>> -> memref<1x1x128x32xf32, #tpu.memory_space<vmem>>
      %dma_start3A_651 = tpu.memref_squeeze %dma_start3A_650 : memref<1x1x128x32xf32, #tpu.memory_space<vmem>> -> memref<128x32xf32, #tpu.memory_space<vmem>>
      %dma_start3A_652 = arith.constant 0 : i32
      %dma_start3A_653 = tpu.memref_slice %arg8[%add3A_646, %dma_start3A_652] : memref<160x128xi32, #tpu.memory_space<vmem>> -> memref<1x128xi32, #tpu.memory_space<vmem>>
      %dma_start3A_654 = tpu.memref_squeeze %dma_start3A_653 : memref<1x128xi32, #tpu.memory_space<vmem>> -> memref<128xi32, #tpu.memory_space<vmem>>
      %dma_start3A_655 = arith.constant 0 : i32
      %dma_start3A_656 = arith.constant 0 : i32
      %dma_start3A_657 = tpu.memref_slice %arg10[%dma_start3A_655, %dma_start3A_656] : memref<10112x32xf32, #tpu.memory_space<vmem_shared>> -> memref<10112x32xf32, #tpu.memory_space<vmem_shared>>
      tpu.enqueue_indirect_dma source(%dma_start3A_651 : memref<128x32xf32, #tpu.memory_space<vmem>>) target(%dma_start3A_657 : memref<10112x32xf32, #tpu.memory_space<vmem_shared>>) offsets(%dma_start3A_654 : memref<128xi32, #tpu.memory_space<vmem>>) semaphore(%arg12 : memref<!tpu.dma_semaphore, #tpu.memory_space<semaphore_mem>>) {add = true}
      %mul3A_658 = arith.constant 8 : i32
      %mul3A_659 = arith.muli %scan3A_512, %mul3A_658 : i32
      %add3A_660 = arith.constant 1 : i32
      %add3A_661 = arith.addi %mul3A_659, %add3A_660 : i32
      %dma_start3A_662 = arith.constant 1 : i32
      %dma_start3A_663 = arith.constant 0 : i32
      %dma_start3A_664 = arith.constant 0 : i32
      %dma_start3A_665 = tpu.memref_slice %arg9[%rem3A_513, %dma_start3A_662, %dma_start3A_663, %dma_start3A_664] : memref<2x8x128x32xf32, #tpu.memory_space<vmem>> -> memref<1x1x128x32xf32, #tpu.memory_space<vmem>>
      %dma_start3A_666 = tpu.memref_squeeze %dma_start3A_665 : memref<1x1x128x32xf32, #tpu.memory_space<vmem>> -> memref<128x32xf32, #tpu.memory_space<vmem>>
      %dma_start3A_667 = arith.constant 0 : i32
      %dma_start3A_668 = tpu.memref_slice %arg8[%add3A_661, %dma_start3A_667] : memref<160x128xi32, #tpu.memory_space<vmem>> -> memref<1x128xi32, #tpu.memory_space<vmem>>
      %dma_start3A_669 = tpu.memref_squeeze %dma_start3A_668 : memref<1x128xi32, #tpu.memory_space<vmem>> -> memref<128xi32, #tpu.memory_space<vmem>>
      %dma_start3A_670 = arith.constant 0 : i32
      %dma_start3A_671 = arith.constant 0 : i32
      %dma_start3A_672 = tpu.memref_slice %arg10[%dma_start3A_670, %dma_start3A_671] : memref<10112x32xf32, #tpu.memory_space<vmem_shared>> -> memref<10112x32xf32, #tpu.memory_space<vmem_shared>>
      tpu.enqueue_indirect_dma source(%dma_start3A_666 : memref<128x32xf32, #tpu.memory_space<vmem>>) target(%dma_start3A_672 : memref<10112x32xf32, #tpu.memory_space<vmem_shared>>) offsets(%dma_start3A_669 : memref<128xi32, #tpu.memory_space<vmem>>) semaphore(%arg12 : memref<!tpu.dma_semaphore, #tpu.memory_space<semaphore_mem>>) {add = true}
      %mul3A_673 = arith.constant 8 : i32
      %mul3A_674 = arith.muli %scan3A_512, %mul3A_673 : i32
      %add3A_675 = arith.constant 2 : i32
      %add3A_676 = arith.addi %mul3A_674, %add3A_675 : i32
      %dma_start3A_677 = arith.constant 2 : i32
      %dma_start3A_678 = arith.constant 0 : i32
      %dma_start3A_679 = arith.constant 0 : i32
      %dma_start3A_680 = tpu.memref_slice %arg9[%rem3A_513, %dma_start3A_677, %dma_start3A_678, %dma_start3A_679] : memref<2x8x128x32xf32, #tpu.memory_space<vmem>> -> memref<1x1x128x32xf32, #tpu.memory_space<vmem>>
      %dma_start3A_681 = tpu.memref_squeeze %dma_start3A_680 : memref<1x1x128x32xf32, #tpu.memory_space<vmem>> -> memref<128x32xf32, #tpu.memory_space<vmem>>
      %dma_start3A_682 = arith.constant 0 : i32
      %dma_start3A_683 = tpu.memref_slice %arg8[%add3A_676, %dma_start3A_682] : memref<160x128xi32, #tpu.memory_space<vmem>> -> memref<1x128xi32, #tpu.memory_space<vmem>>
      %dma_start3A_684 = tpu.memref_squeeze %dma_start3A_683 : memref<1x128xi32, #tpu.memory_space<vmem>> -> memref<128xi32, #tpu.memory_space<vmem>>
      %dma_start3A_685 = arith.constant 0 : i32
      %dma_start3A_686 = arith.constant 0 : i32
      %dma_start3A_687 = tpu.memref_slice %arg10[%dma_start3A_685, %dma_start3A_686] : memref<10112x32xf32, #tpu.memory_space<vmem_shared>> -> memref<10112x32xf32, #tpu.memory_space<vmem_shared>>
      tpu.enqueue_indirect_dma source(%dma_start3A_681 : memref<128x32xf32, #tpu.memory_space<vmem>>) target(%dma_start3A_687 : memref<10112x32xf32, #tpu.memory_space<vmem_shared>>) offsets(%dma_start3A_684 : memref<128xi32, #tpu.memory_space<vmem>>) semaphore(%arg12 : memref<!tpu.dma_semaphore, #tpu.memory_space<semaphore_mem>>) {add = true}
      %mul3A_688 = arith.constant 8 : i32
      %mul3A_689 = arith.muli %scan3A_512, %mul3A_688 : i32
      %add3A_690 = arith.constant 3 : i32
      %add3A_691 = arith.addi %mul3A_689, %add3A_690 : i32
      %dma_start3A_692 = arith.constant 3 : i32
      %dma_start3A_693 = arith.constant 0 : i32
      %dma_start3A_694 = arith.constant 0 : i32
      %dma_start3A_695 = tpu.memref_slice %arg9[%rem3A_513, %dma_start3A_692, %dma_start3A_693, %dma_start3A_694] : memref<2x8x128x32xf32, #tpu.memory_space<vmem>> -> memref<1x1x128x32xf32, #tpu.memory_space<vmem>>
      %dma_start3A_696 = tpu.memref_squeeze %dma_start3A_695 : memref<1x1x128x32xf32, #tpu.memory_space<vmem>> -> memref<128x32xf32, #tpu.memory_space<vmem>>
      %dma_start3A_697 = arith.constant 0 : i32
      %dma_start3A_698 = tpu.memref_slice %arg8[%add3A_691, %dma_start3A_697] : memref<160x128xi32, #tpu.memory_space<vmem>> -> memref<1x128xi32, #tpu.memory_space<vmem>>
      %dma_start3A_699 = tpu.memref_squeeze %dma_start3A_698 : memref<1x128xi32, #tpu.memory_space<vmem>> -> memref<128xi32, #tpu.memory_space<vmem>>
      %dma_start3A_700 = arith.constant 0 : i32
      %dma_start3A_701 = arith.constant 0 : i32
      %dma_start3A_702 = tpu.memref_slice %arg10[%dma_start3A_700, %dma_start3A_701] : memref<10112x32xf32, #tpu.memory_space<vmem_shared>> -> memref<10112x32xf32, #tpu.memory_space<vmem_shared>>
      tpu.enqueue_indirect_dma source(%dma_start3A_696 : memref<128x32xf32, #tpu.memory_space<vmem>>) target(%dma_start3A_702 : memref<10112x32xf32, #tpu.memory_space<vmem_shared>>) offsets(%dma_start3A_699 : memref<128xi32, #tpu.memory_space<vmem>>) semaphore(%arg12 : memref<!tpu.dma_semaphore, #tpu.memory_space<semaphore_mem>>) {add = true}
      %mul3A_703 = arith.constant 8 : i32
      %mul3A_704 = arith.muli %scan3A_512, %mul3A_703 : i32
      %add3A_705 = arith.constant 4 : i32
      %add3A_706 = arith.addi %mul3A_704, %add3A_705 : i32
      %dma_start3A_707 = arith.constant 4 : i32
      %dma_start3A_708 = arith.constant 0 : i32
      %dma_start3A_709 = arith.constant 0 : i32
      %dma_start3A_710 = tpu.memref_slice %arg9[%rem3A_513, %dma_start3A_707, %dma_start3A_708, %dma_start3A_709] : memref<2x8x128x32xf32, #tpu.memory_space<vmem>> -> memref<1x1x128x32xf32, #tpu.memory_space<vmem>>
      %dma_start3A_711 = tpu.memref_squeeze %dma_start3A_710 : memref<1x1x128x32xf32, #tpu.memory_space<vmem>> -> memref<128x32xf32, #tpu.memory_space<vmem>>
      %dma_start3A_712 = arith.constant 0 : i32
      %dma_start3A_713 = tpu.memref_slice %arg8[%add3A_706, %dma_start3A_712] : memref<160x128xi32, #tpu.memory_space<vmem>> -> memref<1x128xi32, #tpu.memory_space<vmem>>
      %dma_start3A_714 = tpu.memref_squeeze %dma_start3A_713 : memref<1x128xi32, #tpu.memory_space<vmem>> -> memref<128xi32, #tpu.memory_space<vmem>>
      %dma_start3A_715 = arith.constant 0 : i32
      %dma_start3A_716 = arith.constant 0 : i32
      %dma_start3A_717 = tpu.memref_slice %arg10[%dma_start3A_715, %dma_start3A_716] : memref<10112x32xf32, #tpu.memory_space<vmem_shared>> -> memref<10112x32xf32, #tpu.memory_space<vmem_shared>>
      tpu.enqueue_indirect_dma source(%dma_start3A_711 : memref<128x32xf32, #tpu.memory_space<vmem>>) target(%dma_start3A_717 : memref<10112x32xf32, #tpu.memory_space<vmem_shared>>) offsets(%dma_start3A_714 : memref<128xi32, #tpu.memory_space<vmem>>) semaphore(%arg12 : memref<!tpu.dma_semaphore, #tpu.memory_space<semaphore_mem>>) {add = true}
      %mul3A_718 = arith.constant 8 : i32
      %mul3A_719 = arith.muli %scan3A_512, %mul3A_718 : i32
      %add3A_720 = arith.constant 5 : i32
      %add3A_721 = arith.addi %mul3A_719, %add3A_720 : i32
      %dma_start3A_722 = arith.constant 5 : i32
      %dma_start3A_723 = arith.constant 0 : i32
      %dma_start3A_724 = arith.constant 0 : i32
      %dma_start3A_725 = tpu.memref_slice %arg9[%rem3A_513, %dma_start3A_722, %dma_start3A_723, %dma_start3A_724] : memref<2x8x128x32xf32, #tpu.memory_space<vmem>> -> memref<1x1x128x32xf32, #tpu.memory_space<vmem>>
      %dma_start3A_726 = tpu.memref_squeeze %dma_start3A_725 : memref<1x1x128x32xf32, #tpu.memory_space<vmem>> -> memref<128x32xf32, #tpu.memory_space<vmem>>
      %dma_start3A_727 = arith.constant 0 : i32
      %dma_start3A_728 = tpu.memref_slice %arg8[%add3A_721, %dma_start3A_727] : memref<160x128xi32, #tpu.memory_space<vmem>> -> memref<1x128xi32, #tpu.memory_space<vmem>>
      %dma_start3A_729 = tpu.memref_squeeze %dma_start3A_728 : memref<1x128xi32, #tpu.memory_space<vmem>> -> memref<128xi32, #tpu.memory_space<vmem>>
      %dma_start3A_730 = arith.constant 0 : i32
      %dma_start3A_731 = arith.constant 0 : i32
      %dma_start3A_732 = tpu.memref_slice %arg10[%dma_start3A_730, %dma_start3A_731] : memref<10112x32xf32, #tpu.memory_space<vmem_shared>> -> memref<10112x32xf32, #tpu.memory_space<vmem_shared>>
      tpu.enqueue_indirect_dma source(%dma_start3A_726 : memref<128x32xf32, #tpu.memory_space<vmem>>) target(%dma_start3A_732 : memref<10112x32xf32, #tpu.memory_space<vmem_shared>>) offsets(%dma_start3A_729 : memref<128xi32, #tpu.memory_space<vmem>>) semaphore(%arg12 : memref<!tpu.dma_semaphore, #tpu.memory_space<semaphore_mem>>) {add = true}
      %mul3A_733 = arith.constant 8 : i32
      %mul3A_734 = arith.muli %scan3A_512, %mul3A_733 : i32
      %add3A_735 = arith.constant 6 : i32
      %add3A_736 = arith.addi %mul3A_734, %add3A_735 : i32
      %dma_start3A_737 = arith.constant 6 : i32
      %dma_start3A_738 = arith.constant 0 : i32
      %dma_start3A_739 = arith.constant 0 : i32
      %dma_start3A_740 = tpu.memref_slice %arg9[%rem3A_513, %dma_start3A_737, %dma_start3A_738, %dma_start3A_739] : memref<2x8x128x32xf32, #tpu.memory_space<vmem>> -> memref<1x1x128x32xf32, #tpu.memory_space<vmem>>
      %dma_start3A_741 = tpu.memref_squeeze %dma_start3A_740 : memref<1x1x128x32xf32, #tpu.memory_space<vmem>> -> memref<128x32xf32, #tpu.memory_space<vmem>>
      %dma_start3A_742 = arith.constant 0 : i32
      %dma_start3A_743 = tpu.memref_slice %arg8[%add3A_736, %dma_start3A_742] : memref<160x128xi32, #tpu.memory_space<vmem>> -> memref<1x128xi32, #tpu.memory_space<vmem>>
      %dma_start3A_744 = tpu.memref_squeeze %dma_start3A_743 : memref<1x128xi32, #tpu.memory_space<vmem>> -> memref<128xi32, #tpu.memory_space<vmem>>
      %dma_start3A_745 = arith.constant 0 : i32
      %dma_start3A_746 = arith.constant 0 : i32
      %dma_start3A_747 = tpu.memref_slice %arg10[%dma_start3A_745, %dma_start3A_746] : memref<10112x32xf32, #tpu.memory_space<vmem_shared>> -> memref<10112x32xf32, #tpu.memory_space<vmem_shared>>
      tpu.enqueue_indirect_dma source(%dma_start3A_741 : memref<128x32xf32, #tpu.memory_space<vmem>>) target(%dma_start3A_747 : memref<10112x32xf32, #tpu.memory_space<vmem_shared>>) offsets(%dma_start3A_744 : memref<128xi32, #tpu.memory_space<vmem>>) semaphore(%arg12 : memref<!tpu.dma_semaphore, #tpu.memory_space<semaphore_mem>>) {add = true}
      %mul3A_748 = arith.constant 8 : i32
      %mul3A_749 = arith.muli %scan3A_512, %mul3A_748 : i32
      %add3A_750 = arith.constant 7 : i32
      %add3A_751 = arith.addi %mul3A_749, %add3A_750 : i32
      %dma_start3A_752 = arith.constant 7 : i32
      %dma_start3A_753 = arith.constant 0 : i32
      %dma_start3A_754 = arith.constant 0 : i32
      %dma_start3A_755 = tpu.memref_slice %arg9[%rem3A_513, %dma_start3A_752, %dma_start3A_753, %dma_start3A_754] : memref<2x8x128x32xf32, #tpu.memory_space<vmem>> -> memref<1x1x128x32xf32, #tpu.memory_space<vmem>>
      %dma_start3A_756 = tpu.memref_squeeze %dma_start3A_755 : memref<1x1x128x32xf32, #tpu.memory_space<vmem>> -> memref<128x32xf32, #tpu.memory_space<vmem>>
      %dma_start3A_757 = arith.constant 0 : i32
      %dma_start3A_758 = tpu.memref_slice %arg8[%add3A_751, %dma_start3A_757] : memref<160x128xi32, #tpu.memory_space<vmem>> -> memref<1x128xi32, #tpu.memory_space<vmem>>
      %dma_start3A_759 = tpu.memref_squeeze %dma_start3A_758 : memref<1x128xi32, #tpu.memory_space<vmem>> -> memref<128xi32, #tpu.memory_space<vmem>>
      %dma_start3A_760 = arith.constant 0 : i32
      %dma_start3A_761 = arith.constant 0 : i32
      %dma_start3A_762 = tpu.memref_slice %arg10[%dma_start3A_760, %dma_start3A_761] : memref<10112x32xf32, #tpu.memory_space<vmem_shared>> -> memref<10112x32xf32, #tpu.memory_space<vmem_shared>>
      tpu.enqueue_indirect_dma source(%dma_start3A_756 : memref<128x32xf32, #tpu.memory_space<vmem>>) target(%dma_start3A_762 : memref<10112x32xf32, #tpu.memory_space<vmem_shared>>) offsets(%dma_start3A_759 : memref<128xi32, #tpu.memory_space<vmem>>) semaphore(%arg12 : memref<!tpu.dma_semaphore, #tpu.memory_space<semaphore_mem>>) {add = true}
    }
    %scan3A_118 = arith.constant 20 : i32
    %dma_wait3A = arith.constant 1 : i32
    %dma_wait3A_119 = arith.constant 0 : i32
    %dma_wait3A_120 = arith.constant 0 : i32
    %dma_wait3A_121 = arith.constant 0 : i32
    %dma_wait3A_122 = tpu.memref_slice %arg9[%dma_wait3A, %dma_wait3A_119, %dma_wait3A_120, %dma_wait3A_121] : memref<2x8x128x32xf32, #tpu.memory_space<vmem>> -> memref<1x1x128x32xf32, #tpu.memory_space<vmem>>
    %dma_wait3A_123 = tpu.memref_squeeze %dma_wait3A_122 : memref<1x1x128x32xf32, #tpu.memory_space<vmem>> -> memref<128x32xf32, #tpu.memory_space<vmem>>
    %dma_wait3A_124 = arith.constant 0 : i32
    %dma_wait3A_125 = arith.constant 0 : i32
    %dma_wait3A_126 = tpu.memref_slice %arg2[%dma_wait3A_124, %dma_wait3A_125] : memref<40000x32xf32, #tpu.memory_space<hbm>> -> memref<128x32xf32, #tpu.memory_space<hbm>>
    %dma_wait3A_127 = arith.constant 0 : i32
    %dma_wait3A_128 = arith.constant 0 : i32
    %dma_wait3A_129 = tpu.memref_slice %arg9[%dma_wait3A, %dma_wait3A_119, %dma_wait3A_127, %dma_wait3A_128] : memref<2x8x128x32xf32, #tpu.memory_space<vmem>> -> memref<1x1x128x32xf32, #tpu.memory_space<vmem>>
    %dma_wait3A_130 = tpu.memref_squeeze %dma_wait3A_129 : memref<1x1x128x32xf32, #tpu.memory_space<vmem>> -> memref<128x32xf32, #tpu.memory_space<vmem>>
    %dma_wait3A_131 = arith.constant 0 : i32
    %dma_wait3A_132 = arith.constant 0 : i32
    %dma_wait3A_133 = tpu.memref_slice %arg2[%dma_wait3A_131, %dma_wait3A_132] : memref<40000x32xf32, #tpu.memory_space<hbm>> -> memref<128x32xf32, #tpu.memory_space<hbm>>
    tpu.wait_dma2 semaphore(%arg12 : memref<!tpu.dma_semaphore, #tpu.memory_space<semaphore_mem>>) src(%dma_wait3A_133 : memref<128x32xf32, #tpu.memory_space<hbm>>) dst(%dma_wait3A_130 : memref<128x32xf32, #tpu.memory_space<vmem>>)
    %dma_wait3A_134 = arith.constant 1 : i32
    %dma_wait3A_135 = arith.constant 1 : i32
    %dma_wait3A_136 = arith.constant 0 : i32
    %dma_wait3A_137 = arith.constant 0 : i32
    %dma_wait3A_138 = tpu.memref_slice %arg9[%dma_wait3A_134, %dma_wait3A_135, %dma_wait3A_136, %dma_wait3A_137] : memref<2x8x128x32xf32, #tpu.memory_space<vmem>> -> memref<1x1x128x32xf32, #tpu.memory_space<vmem>>
    %dma_wait3A_139 = tpu.memref_squeeze %dma_wait3A_138 : memref<1x1x128x32xf32, #tpu.memory_space<vmem>> -> memref<128x32xf32, #tpu.memory_space<vmem>>
    %dma_wait3A_140 = arith.constant 0 : i32
    %dma_wait3A_141 = arith.constant 0 : i32
    %dma_wait3A_142 = tpu.memref_slice %arg2[%dma_wait3A_140, %dma_wait3A_141] : memref<40000x32xf32, #tpu.memory_space<hbm>> -> memref<128x32xf32, #tpu.memory_space<hbm>>
    %dma_wait3A_143 = arith.constant 0 : i32
    %dma_wait3A_144 = arith.constant 0 : i32
    %dma_wait3A_145 = tpu.memref_slice %arg9[%dma_wait3A_134, %dma_wait3A_135, %dma_wait3A_143, %dma_wait3A_144] : memref<2x8x128x32xf32, #tpu.memory_space<vmem>> -> memref<1x1x128x32xf32, #tpu.memory_space<vmem>>
    %dma_wait3A_146 = tpu.memref_squeeze %dma_wait3A_145 : memref<1x1x128x32xf32, #tpu.memory_space<vmem>> -> memref<128x32xf32, #tpu.memory_space<vmem>>
    %dma_wait3A_147 = arith.constant 0 : i32
    %dma_wait3A_148 = arith.constant 0 : i32
    %dma_wait3A_149 = tpu.memref_slice %arg2[%dma_wait3A_147, %dma_wait3A_148] : memref<40000x32xf32, #tpu.memory_space<hbm>> -> memref<128x32xf32, #tpu.memory_space<hbm>>
    tpu.wait_dma2 semaphore(%arg12 : memref<!tpu.dma_semaphore, #tpu.memory_space<semaphore_mem>>) src(%dma_wait3A_149 : memref<128x32xf32, #tpu.memory_space<hbm>>) dst(%dma_wait3A_146 : memref<128x32xf32, #tpu.memory_space<vmem>>)
    %dma_wait3A_150 = arith.constant 1 : i32
    %dma_wait3A_151 = arith.constant 2 : i32
    %dma_wait3A_152 = arith.constant 0 : i32
    %dma_wait3A_153 = arith.constant 0 : i32
    %dma_wait3A_154 = tpu.memref_slice %arg9[%dma_wait3A_150, %dma_wait3A_151, %dma_wait3A_152, %dma_wait3A_153] : memref<2x8x128x32xf32, #tpu.memory_space<vmem>> -> memref<1x1x128x32xf32, #tpu.memory_space<vmem>>
    %dma_wait3A_155 = tpu.memref_squeeze %dma_wait3A_154 : memref<1x1x128x32xf32, #tpu.memory_space<vmem>> -> memref<128x32xf32, #tpu.memory_space<vmem>>
    %dma_wait3A_156 = arith.constant 0 : i32
    %dma_wait3A_157 = arith.constant 0 : i32
    %dma_wait3A_158 = tpu.memref_slice %arg2[%dma_wait3A_156, %dma_wait3A_157] : memref<40000x32xf32, #tpu.memory_space<hbm>> -> memref<128x32xf32, #tpu.memory_space<hbm>>
    %dma_wait3A_159 = arith.constant 0 : i32
    %dma_wait3A_160 = arith.constant 0 : i32
    %dma_wait3A_161 = tpu.memref_slice %arg9[%dma_wait3A_150, %dma_wait3A_151, %dma_wait3A_159, %dma_wait3A_160] : memref<2x8x128x32xf32, #tpu.memory_space<vmem>> -> memref<1x1x128x32xf32, #tpu.memory_space<vmem>>
    %dma_wait3A_162 = tpu.memref_squeeze %dma_wait3A_161 : memref<1x1x128x32xf32, #tpu.memory_space<vmem>> -> memref<128x32xf32, #tpu.memory_space<vmem>>
    %dma_wait3A_163 = arith.constant 0 : i32
    %dma_wait3A_164 = arith.constant 0 : i32
    %dma_wait3A_165 = tpu.memref_slice %arg2[%dma_wait3A_163, %dma_wait3A_164] : memref<40000x32xf32, #tpu.memory_space<hbm>> -> memref<128x32xf32, #tpu.memory_space<hbm>>
    tpu.wait_dma2 semaphore(%arg12 : memref<!tpu.dma_semaphore, #tpu.memory_space<semaphore_mem>>) src(%dma_wait3A_165 : memref<128x32xf32, #tpu.memory_space<hbm>>) dst(%dma_wait3A_162 : memref<128x32xf32, #tpu.memory_space<vmem>>)
    %dma_wait3A_166 = arith.constant 1 : i32
    %dma_wait3A_167 = arith.constant 3 : i32
    %dma_wait3A_168 = arith.constant 0 : i32
    %dma_wait3A_169 = arith.constant 0 : i32
    %dma_wait3A_170 = tpu.memref_slice %arg9[%dma_wait3A_166, %dma_wait3A_167, %dma_wait3A_168, %dma_wait3A_169] : memref<2x8x128x32xf32, #tpu.memory_space<vmem>> -> memref<1x1x128x32xf32, #tpu.memory_space<vmem>>
    %dma_wait3A_171 = tpu.memref_squeeze %dma_wait3A_170 : memref<1x1x128x32xf32, #tpu.memory_space<vmem>> -> memref<128x32xf32, #tpu.memory_space<vmem>>
    %dma_wait3A_172 = arith.constant 0 : i32
    %dma_wait3A_173 = arith.constant 0 : i32
    %dma_wait3A_174 = tpu.memref_slice %arg2[%dma_wait3A_172, %dma_wait3A_173] : memref<40000x32xf32, #tpu.memory_space<hbm>> -> memref<128x32xf32, #tpu.memory_space<hbm>>
    %dma_wait3A_175 = arith.constant 0 : i32
    %dma_wait3A_176 = arith.constant 0 : i32
    %dma_wait3A_177 = tpu.memref_slice %arg9[%dma_wait3A_166, %dma_wait3A_167, %dma_wait3A_175, %dma_wait3A_176] : memref<2x8x128x32xf32, #tpu.memory_space<vmem>> -> memref<1x1x128x32xf32, #tpu.memory_space<vmem>>
    %dma_wait3A_178 = tpu.memref_squeeze %dma_wait3A_177 : memref<1x1x128x32xf32, #tpu.memory_space<vmem>> -> memref<128x32xf32, #tpu.memory_space<vmem>>
    %dma_wait3A_179 = arith.constant 0 : i32
    %dma_wait3A_180 = arith.constant 0 : i32
    %dma_wait3A_181 = tpu.memref_slice %arg2[%dma_wait3A_179, %dma_wait3A_180] : memref<40000x32xf32, #tpu.memory_space<hbm>> -> memref<128x32xf32, #tpu.memory_space<hbm>>
    tpu.wait_dma2 semaphore(%arg12 : memref<!tpu.dma_semaphore, #tpu.memory_space<semaphore_mem>>) src(%dma_wait3A_181 : memref<128x32xf32, #tpu.memory_space<hbm>>) dst(%dma_wait3A_178 : memref<128x32xf32, #tpu.memory_space<vmem>>)
    %dma_wait3A_182 = arith.constant 1 : i32
    %dma_wait3A_183 = arith.constant 4 : i32
    %dma_wait3A_184 = arith.constant 0 : i32
    %dma_wait3A_185 = arith.constant 0 : i32
    %dma_wait3A_186 = tpu.memref_slice %arg9[%dma_wait3A_182, %dma_wait3A_183, %dma_wait3A_184, %dma_wait3A_185] : memref<2x8x128x32xf32, #tpu.memory_space<vmem>> -> memref<1x1x128x32xf32, #tpu.memory_space<vmem>>
    %dma_wait3A_187 = tpu.memref_squeeze %dma_wait3A_186 : memref<1x1x128x32xf32, #tpu.memory_space<vmem>> -> memref<128x32xf32, #tpu.memory_space<vmem>>
    %dma_wait3A_188 = arith.constant 0 : i32
    %dma_wait3A_189 = arith.constant 0 : i32
    %dma_wait3A_190 = tpu.memref_slice %arg2[%dma_wait3A_188, %dma_wait3A_189] : memref<40000x32xf32, #tpu.memory_space<hbm>> -> memref<128x32xf32, #tpu.memory_space<hbm>>
    %dma_wait3A_191 = arith.constant 0 : i32
    %dma_wait3A_192 = arith.constant 0 : i32
    %dma_wait3A_193 = tpu.memref_slice %arg9[%dma_wait3A_182, %dma_wait3A_183, %dma_wait3A_191, %dma_wait3A_192] : memref<2x8x128x32xf32, #tpu.memory_space<vmem>> -> memref<1x1x128x32xf32, #tpu.memory_space<vmem>>
    %dma_wait3A_194 = tpu.memref_squeeze %dma_wait3A_193 : memref<1x1x128x32xf32, #tpu.memory_space<vmem>> -> memref<128x32xf32, #tpu.memory_space<vmem>>
    %dma_wait3A_195 = arith.constant 0 : i32
    %dma_wait3A_196 = arith.constant 0 : i32
    %dma_wait3A_197 = tpu.memref_slice %arg2[%dma_wait3A_195, %dma_wait3A_196] : memref<40000x32xf32, #tpu.memory_space<hbm>> -> memref<128x32xf32, #tpu.memory_space<hbm>>
    tpu.wait_dma2 semaphore(%arg12 : memref<!tpu.dma_semaphore, #tpu.memory_space<semaphore_mem>>) src(%dma_wait3A_197 : memref<128x32xf32, #tpu.memory_space<hbm>>) dst(%dma_wait3A_194 : memref<128x32xf32, #tpu.memory_space<vmem>>)
    %dma_wait3A_198 = arith.constant 1 : i32
    %dma_wait3A_199 = arith.constant 5 : i32
    %dma_wait3A_200 = arith.constant 0 : i32
    %dma_wait3A_201 = arith.constant 0 : i32
    %dma_wait3A_202 = tpu.memref_slice %arg9[%dma_wait3A_198, %dma_wait3A_199, %dma_wait3A_200, %dma_wait3A_201] : memref<2x8x128x32xf32, #tpu.memory_space<vmem>> -> memref<1x1x128x32xf32, #tpu.memory_space<vmem>>
    %dma_wait3A_203 = tpu.memref_squeeze %dma_wait3A_202 : memref<1x1x128x32xf32, #tpu.memory_space<vmem>> -> memref<128x32xf32, #tpu.memory_space<vmem>>
    %dma_wait3A_204 = arith.constant 0 : i32
    %dma_wait3A_205 = arith.constant 0 : i32
    %dma_wait3A_206 = tpu.memref_slice %arg2[%dma_wait3A_204, %dma_wait3A_205] : memref<40000x32xf32, #tpu.memory_space<hbm>> -> memref<128x32xf32, #tpu.memory_space<hbm>>
    %dma_wait3A_207 = arith.constant 0 : i32
    %dma_wait3A_208 = arith.constant 0 : i32
    %dma_wait3A_209 = tpu.memref_slice %arg9[%dma_wait3A_198, %dma_wait3A_199, %dma_wait3A_207, %dma_wait3A_208] : memref<2x8x128x32xf32, #tpu.memory_space<vmem>> -> memref<1x1x128x32xf32, #tpu.memory_space<vmem>>
    %dma_wait3A_210 = tpu.memref_squeeze %dma_wait3A_209 : memref<1x1x128x32xf32, #tpu.memory_space<vmem>> -> memref<128x32xf32, #tpu.memory_space<vmem>>
    %dma_wait3A_211 = arith.constant 0 : i32
    %dma_wait3A_212 = arith.constant 0 : i32
    %dma_wait3A_213 = tpu.memref_slice %arg2[%dma_wait3A_211, %dma_wait3A_212] : memref<40000x32xf32, #tpu.memory_space<hbm>> -> memref<128x32xf32, #tpu.memory_space<hbm>>
    tpu.wait_dma2 semaphore(%arg12 : memref<!tpu.dma_semaphore, #tpu.memory_space<semaphore_mem>>) src(%dma_wait3A_213 : memref<128x32xf32, #tpu.memory_space<hbm>>) dst(%dma_wait3A_210 : memref<128x32xf32, #tpu.memory_space<vmem>>)
    %dma_wait3A_214 = arith.constant 1 : i32
    %dma_wait3A_215 = arith.constant 6 : i32
    %dma_wait3A_216 = arith.constant 0 : i32
    %dma_wait3A_217 = arith.constant 0 : i32
    %dma_wait3A_218 = tpu.memref_slice %arg9[%dma_wait3A_214, %dma_wait3A_215, %dma_wait3A_216, %dma_wait3A_217] : memref<2x8x128x32xf32, #tpu.memory_space<vmem>> -> memref<1x1x128x32xf32, #tpu.memory_space<vmem>>
    %dma_wait3A_219 = tpu.memref_squeeze %dma_wait3A_218 : memref<1x1x128x32xf32, #tpu.memory_space<vmem>> -> memref<128x32xf32, #tpu.memory_space<vmem>>
    %dma_wait3A_220 = arith.constant 0 : i32
    %dma_wait3A_221 = arith.constant 0 : i32
    %dma_wait3A_222 = tpu.memref_slice %arg2[%dma_wait3A_220, %dma_wait3A_221] : memref<40000x32xf32, #tpu.memory_space<hbm>> -> memref<128x32xf32, #tpu.memory_space<hbm>>
    %dma_wait3A_223 = arith.constant 0 : i32
    %dma_wait3A_224 = arith.constant 0 : i32
    %dma_wait3A_225 = tpu.memref_slice %arg9[%dma_wait3A_214, %dma_wait3A_215, %dma_wait3A_223, %dma_wait3A_224] : memref<2x8x128x32xf32, #tpu.memory_space<vmem>> -> memref<1x1x128x32xf32, #tpu.memory_space<vmem>>
    %dma_wait3A_226 = tpu.memref_squeeze %dma_wait3A_225 : memref<1x1x128x32xf32, #tpu.memory_space<vmem>> -> memref<128x32xf32, #tpu.memory_space<vmem>>
    %dma_wait3A_227 = arith.constant 0 : i32
    %dma_wait3A_228 = arith.constant 0 : i32
    %dma_wait3A_229 = tpu.memref_slice %arg2[%dma_wait3A_227, %dma_wait3A_228] : memref<40000x32xf32, #tpu.memory_space<hbm>> -> memref<128x32xf32, #tpu.memory_space<hbm>>
    tpu.wait_dma2 semaphore(%arg12 : memref<!tpu.dma_semaphore, #tpu.memory_space<semaphore_mem>>) src(%dma_wait3A_229 : memref<128x32xf32, #tpu.memory_space<hbm>>) dst(%dma_wait3A_226 : memref<128x32xf32, #tpu.memory_space<vmem>>)
    %dma_wait3A_230 = arith.constant 1 : i32
    %dma_wait3A_231 = arith.constant 7 : i32
    %dma_wait3A_232 = arith.constant 0 : i32
    %dma_wait3A_233 = arith.constant 0 : i32
    %dma_wait3A_234 = tpu.memref_slice %arg9[%dma_wait3A_230, %dma_wait3A_231, %dma_wait3A_232, %dma_wait3A_233] : memref<2x8x128x32xf32, #tpu.memory_space<vmem>> -> memref<1x1x128x32xf32, #tpu.memory_space<vmem>>
    %dma_wait3A_235 = tpu.memref_squeeze %dma_wait3A_234 : memref<1x1x128x32xf32, #tpu.memory_space<vmem>> -> memref<128x32xf32, #tpu.memory_space<vmem>>
    %dma_wait3A_236 = arith.constant 0 : i32
    %dma_wait3A_237 = arith.constant 0 : i32
    %dma_wait3A_238 = tpu.memref_slice %arg2[%dma_wait3A_236, %dma_wait3A_237] : memref<40000x32xf32, #tpu.memory_space<hbm>> -> memref<128x32xf32, #tpu.memory_space<hbm>>
    %dma_wait3A_239 = arith.constant 0 : i32
    %dma_wait3A_240 = arith.constant 0 : i32
    %dma_wait3A_241 = tpu.memref_slice %arg9[%dma_wait3A_230, %dma_wait3A_231, %dma_wait3A_239, %dma_wait3A_240] : memref<2x8x128x32xf32, #tpu.memory_space<vmem>> -> memref<1x1x128x32xf32, #tpu.memory_space<vmem>>
    %dma_wait3A_242 = tpu.memref_squeeze %dma_wait3A_241 : memref<1x1x128x32xf32, #tpu.memory_space<vmem>> -> memref<128x32xf32, #tpu.memory_space<vmem>>
    %dma_wait3A_243 = arith.constant 0 : i32
    %dma_wait3A_244 = arith.constant 0 : i32
    %dma_wait3A_245 = tpu.memref_slice %arg2[%dma_wait3A_243, %dma_wait3A_244] : memref<40000x32xf32, #tpu.memory_space<hbm>> -> memref<128x32xf32, #tpu.memory_space<hbm>>
    tpu.wait_dma2 semaphore(%arg12 : memref<!tpu.dma_semaphore, #tpu.memory_space<semaphore_mem>>) src(%dma_wait3A_245 : memref<128x32xf32, #tpu.memory_space<hbm>>) dst(%dma_wait3A_242 : memref<128x32xf32, #tpu.memory_space<vmem>>)
    %barrier3A_246 = arith.constant 0 : index
    tpu.barrier barrier_id(%barrier3A_246)
    %mul3A_247 = arith.constant 632 : i32
    %mul3A_248 = arith.muli %arg1, %mul3A_247 : i32
    %mul3A_249 = arith.constant 10112 : i32
    %mul3A_250 = arith.muli %add3A_3, %mul3A_249 : i32
    %mul3A_251 = arith.constant 632 : i32
    %mul3A_252 = arith.muli %arg1, %mul3A_251 : i32
    %add3A_253 = arith.addi %mul3A_250, %mul3A_252 : i32
    "tpu.region"() ({
      %run_scoped3A = tpu.sem_alloc : memref<!tpu.dma_semaphore, #tpu.memory_space<semaphore_mem>>
      %dma_start3A_512 = arith.constant 0 : i32
      %dma_start3A_513 = tpu.memref_slice %arg6[%add3A_253, %dma_start3A_512] : memref<40448x32xf32, #tpu.memory_space<hbm>> -> memref<632x32xf32, #tpu.memory_space<hbm>>
      %dma_start3A_514 = arith.constant 0 : i32
      %dma_start3A_515 = tpu.memref_slice %arg10[%mul3A_248, %dma_start3A_514] : memref<10112x32xf32, #tpu.memory_space<vmem_shared>> -> memref<632x32xf32, #tpu.memory_space<vmem_shared>>
      tpu.enqueue_dma source(%dma_start3A_515 : memref<632x32xf32, #tpu.memory_space<vmem_shared>>) target(%dma_start3A_513 : memref<632x32xf32, #tpu.memory_space<hbm>>) target_semaphore(%run_scoped3A : memref<!tpu.dma_semaphore, #tpu.memory_space<semaphore_mem>>)
      %dma_wait3A_516 = arith.constant 0 : i32
      %dma_wait3A_517 = tpu.memref_slice %arg6[%add3A_253, %dma_wait3A_516] : memref<40448x32xf32, #tpu.memory_space<hbm>> -> memref<632x32xf32, #tpu.memory_space<hbm>>
      %dma_wait3A_518 = arith.constant 0 : i32
      %dma_wait3A_519 = tpu.memref_slice %arg10[%mul3A_248, %dma_wait3A_518] : memref<10112x32xf32, #tpu.memory_space<vmem_shared>> -> memref<632x32xf32, #tpu.memory_space<vmem_shared>>
      tpu.wait_dma2 semaphore(%run_scoped3A : memref<!tpu.dma_semaphore, #tpu.memory_space<semaphore_mem>>) src(%dma_wait3A_519 : memref<632x32xf32, #tpu.memory_space<vmem_shared>>) dst(%dma_wait3A_517 : memref<632x32xf32, #tpu.memory_space<hbm>>)
      tpu.yield
    }) : () -> ()
    %mul3A_254 = arith.constant 2 : i32
    %mul3A_255 = arith.muli %arg0, %mul3A_254 : i32
    %add3A_256 = arith.constant 1 : i32
    %add3A_257 = arith.addi %mul3A_255, %add3A_256 : i32
    %mul3A_258 = arith.constant 632 : i32
    %mul3A_259 = arith.muli %arg1, %mul3A_258 : i32
    "tpu.region"() ({
      %run_scoped3A = tpu.sem_alloc : memref<!tpu.dma_semaphore, #tpu.memory_space<semaphore_mem>>
      %dma_start3A_512 = arith.constant 0 : i32
      %dma_start3A_513 = tpu.memref_slice %arg10[%mul3A_259, %dma_start3A_512] : memref<10112x32xf32, #tpu.memory_space<vmem_shared>> -> memref<632x32xf32, #tpu.memory_space<vmem_shared>>
      tpu.enqueue_dma source(%arg5 : memref<632x32xf32, #tpu.memory_space<hbm>>) target(%dma_start3A_513 : memref<632x32xf32, #tpu.memory_space<vmem_shared>>) target_semaphore(%run_scoped3A : memref<!tpu.dma_semaphore, #tpu.memory_space<semaphore_mem>>)
      %dma_wait3A_514 = arith.constant 0 : i32
      %dma_wait3A_515 = tpu.memref_slice %arg10[%mul3A_259, %dma_wait3A_514] : memref<10112x32xf32, #tpu.memory_space<vmem_shared>> -> memref<632x32xf32, #tpu.memory_space<vmem_shared>>
      tpu.wait_dma2 semaphore(%run_scoped3A : memref<!tpu.dma_semaphore, #tpu.memory_space<semaphore_mem>>) src(%arg5 : memref<632x32xf32, #tpu.memory_space<hbm>>) dst(%dma_wait3A_515 : memref<632x32xf32, #tpu.memory_space<vmem_shared>>)
      tpu.yield
    }) : () -> ()
    %mul3A_260 = arith.constant 16 : i32
    %mul3A_261 = arith.muli %add3A_257, %mul3A_260 : i32
    %add3A_262 = arith.addi %mul3A_261, %arg1 : i32
    %mul3A_263 = arith.constant 160 : i32
    %mul3A_264 = arith.muli %add3A_262, %mul3A_263 : i32
    "tpu.region"() ({
      %run_scoped3A = tpu.sem_alloc : memref<!tpu.dma_semaphore, #tpu.memory_space<semaphore_mem>>
      %dma_start3A_512 = arith.constant 0 : i32
      %dma_start3A_513 = tpu.memref_slice %arg3[%mul3A_264, %dma_start3A_512] : memref<10240x128xi32, #tpu.memory_space<hbm>> -> memref<160x128xi32, #tpu.memory_space<hbm>>
      %dma_start3A_514 = arith.constant 0 : i32
      %dma_start3A_515 = tpu.memref_slice %arg3[%mul3A_264, %dma_start3A_514] : memref<10240x128xi32, #tpu.memory_space<hbm>> -> memref<160x128xi32, #tpu.memory_space<hbm>>
      tpu.enqueue_dma source(%dma_start3A_515 : memref<160x128xi32, #tpu.memory_space<hbm>>) target(%arg7 : memref<160x128xi32, #tpu.memory_space<vmem>>) target_semaphore(%run_scoped3A : memref<!tpu.dma_semaphore, #tpu.memory_space<semaphore_mem>>)
      %dma_wait3A_516 = arith.constant 0 : i32
      %dma_wait3A_517 = tpu.memref_slice %arg3[%mul3A_264, %dma_wait3A_516] : memref<10240x128xi32, #tpu.memory_space<hbm>> -> memref<160x128xi32, #tpu.memory_space<hbm>>
      %dma_wait3A_518 = arith.constant 0 : i32
      %dma_wait3A_519 = tpu.memref_slice %arg3[%mul3A_264, %dma_wait3A_518] : memref<10240x128xi32, #tpu.memory_space<hbm>> -> memref<160x128xi32, #tpu.memory_space<hbm>>
      tpu.wait_dma2 semaphore(%run_scoped3A : memref<!tpu.dma_semaphore, #tpu.memory_space<semaphore_mem>>) src(%dma_wait3A_519 : memref<160x128xi32, #tpu.memory_space<hbm>>) dst(%arg7 : memref<160x128xi32, #tpu.memory_space<vmem>>)
      tpu.yield
    }) : () -> ()
    %barrier3A_265 = arith.constant 0 : index
    tpu.barrier barrier_id(%barrier3A_265)
    %dma_start3A_266 = arith.constant 0 : i32
    %dma_start3A_267 = arith.constant 0 : i32
    %dma_start3A_268 = arith.constant 0 : i32
    %dma_start3A_269 = arith.constant 0 : i32
    %dma_start3A_270 = arith.constant 0 : i32
    %dma_start3A_271 = tpu.memref_slice %arg9[%dma_start3A_267, %dma_start3A_268, %dma_start3A_269, %dma_start3A_270] : memref<2x8x128x32xf32, #tpu.memory_space<vmem>> -> memref<1x1x128x32xf32, #tpu.memory_space<vmem>>
    %dma_start3A_272 = tpu.memref_squeeze %dma_start3A_271 : memref<1x1x128x32xf32, #tpu.memory_space<vmem>> -> memref<128x32xf32, #tpu.memory_space<vmem>>
    %dma_start3A_273 = arith.constant 0 : i32
    %dma_start3A_274 = tpu.memref_slice %arg7[%dma_start3A_266, %dma_start3A_273] : memref<160x128xi32, #tpu.memory_space<vmem>> -> memref<1x128xi32, #tpu.memory_space<vmem>>
    %dma_start3A_275 = tpu.memref_squeeze %dma_start3A_274 : memref<1x128xi32, #tpu.memory_space<vmem>> -> memref<128xi32, #tpu.memory_space<vmem>>
    %dma_start3A_276 = arith.constant 0 : i32
    %dma_start3A_277 = arith.constant 0 : i32
    %dma_start3A_278 = tpu.memref_slice %arg2[%dma_start3A_276, %dma_start3A_277] : memref<40000x32xf32, #tpu.memory_space<hbm>> -> memref<40000x32xf32, #tpu.memory_space<hbm>>
    tpu.enqueue_indirect_dma source(%dma_start3A_278 : memref<40000x32xf32, #tpu.memory_space<hbm>>) target(%dma_start3A_272 : memref<128x32xf32, #tpu.memory_space<vmem>>) offsets(%dma_start3A_275 : memref<128xi32, #tpu.memory_space<vmem>>) semaphore(%arg11 : memref<!tpu.dma_semaphore, #tpu.memory_space<semaphore_mem>>)
    %dma_start3A_279 = arith.constant 1 : i32
    %dma_start3A_280 = arith.constant 0 : i32
    %dma_start3A_281 = arith.constant 1 : i32
    %dma_start3A_282 = arith.constant 0 : i32
    %dma_start3A_283 = arith.constant 0 : i32
    %dma_start3A_284 = tpu.memref_slice %arg9[%dma_start3A_280, %dma_start3A_281, %dma_start3A_282, %dma_start3A_283] : memref<2x8x128x32xf32, #tpu.memory_space<vmem>> -> memref<1x1x128x32xf32, #tpu.memory_space<vmem>>
    %dma_start3A_285 = tpu.memref_squeeze %dma_start3A_284 : memref<1x1x128x32xf32, #tpu.memory_space<vmem>> -> memref<128x32xf32, #tpu.memory_space<vmem>>
    %dma_start3A_286 = arith.constant 0 : i32
    %dma_start3A_287 = tpu.memref_slice %arg7[%dma_start3A_279, %dma_start3A_286] : memref<160x128xi32, #tpu.memory_space<vmem>> -> memref<1x128xi32, #tpu.memory_space<vmem>>
    %dma_start3A_288 = tpu.memref_squeeze %dma_start3A_287 : memref<1x128xi32, #tpu.memory_space<vmem>> -> memref<128xi32, #tpu.memory_space<vmem>>
    %dma_start3A_289 = arith.constant 0 : i32
    %dma_start3A_290 = arith.constant 0 : i32
    %dma_start3A_291 = tpu.memref_slice %arg2[%dma_start3A_289, %dma_start3A_290] : memref<40000x32xf32, #tpu.memory_space<hbm>> -> memref<40000x32xf32, #tpu.memory_space<hbm>>
    tpu.enqueue_indirect_dma source(%dma_start3A_291 : memref<40000x32xf32, #tpu.memory_space<hbm>>) target(%dma_start3A_285 : memref<128x32xf32, #tpu.memory_space<vmem>>) offsets(%dma_start3A_288 : memref<128xi32, #tpu.memory_space<vmem>>) semaphore(%arg11 : memref<!tpu.dma_semaphore, #tpu.memory_space<semaphore_mem>>)
    %dma_start3A_292 = arith.constant 2 : i32
    %dma_start3A_293 = arith.constant 0 : i32
    %dma_start3A_294 = arith.constant 2 : i32
    %dma_start3A_295 = arith.constant 0 : i32
    %dma_start3A_296 = arith.constant 0 : i32
    %dma_start3A_297 = tpu.memref_slice %arg9[%dma_start3A_293, %dma_start3A_294, %dma_start3A_295, %dma_start3A_296] : memref<2x8x128x32xf32, #tpu.memory_space<vmem>> -> memref<1x1x128x32xf32, #tpu.memory_space<vmem>>
    %dma_start3A_298 = tpu.memref_squeeze %dma_start3A_297 : memref<1x1x128x32xf32, #tpu.memory_space<vmem>> -> memref<128x32xf32, #tpu.memory_space<vmem>>
    %dma_start3A_299 = arith.constant 0 : i32
    %dma_start3A_300 = tpu.memref_slice %arg7[%dma_start3A_292, %dma_start3A_299] : memref<160x128xi32, #tpu.memory_space<vmem>> -> memref<1x128xi32, #tpu.memory_space<vmem>>
    %dma_start3A_301 = tpu.memref_squeeze %dma_start3A_300 : memref<1x128xi32, #tpu.memory_space<vmem>> -> memref<128xi32, #tpu.memory_space<vmem>>
    %dma_start3A_302 = arith.constant 0 : i32
    %dma_start3A_303 = arith.constant 0 : i32
    %dma_start3A_304 = tpu.memref_slice %arg2[%dma_start3A_302, %dma_start3A_303] : memref<40000x32xf32, #tpu.memory_space<hbm>> -> memref<40000x32xf32, #tpu.memory_space<hbm>>
    tpu.enqueue_indirect_dma source(%dma_start3A_304 : memref<40000x32xf32, #tpu.memory_space<hbm>>) target(%dma_start3A_298 : memref<128x32xf32, #tpu.memory_space<vmem>>) offsets(%dma_start3A_301 : memref<128xi32, #tpu.memory_space<vmem>>) semaphore(%arg11 : memref<!tpu.dma_semaphore, #tpu.memory_space<semaphore_mem>>)
    %dma_start3A_305 = arith.constant 3 : i32
    %dma_start3A_306 = arith.constant 0 : i32
    %dma_start3A_307 = arith.constant 3 : i32
    %dma_start3A_308 = arith.constant 0 : i32
    %dma_start3A_309 = arith.constant 0 : i32
    %dma_start3A_310 = tpu.memref_slice %arg9[%dma_start3A_306, %dma_start3A_307, %dma_start3A_308, %dma_start3A_309] : memref<2x8x128x32xf32, #tpu.memory_space<vmem>> -> memref<1x1x128x32xf32, #tpu.memory_space<vmem>>
    %dma_start3A_311 = tpu.memref_squeeze %dma_start3A_310 : memref<1x1x128x32xf32, #tpu.memory_space<vmem>> -> memref<128x32xf32, #tpu.memory_space<vmem>>
    %dma_start3A_312 = arith.constant 0 : i32
    %dma_start3A_313 = tpu.memref_slice %arg7[%dma_start3A_305, %dma_start3A_312] : memref<160x128xi32, #tpu.memory_space<vmem>> -> memref<1x128xi32, #tpu.memory_space<vmem>>
    %dma_start3A_314 = tpu.memref_squeeze %dma_start3A_313 : memref<1x128xi32, #tpu.memory_space<vmem>> -> memref<128xi32, #tpu.memory_space<vmem>>
    %dma_start3A_315 = arith.constant 0 : i32
    %dma_start3A_316 = arith.constant 0 : i32
    %dma_start3A_317 = tpu.memref_slice %arg2[%dma_start3A_315, %dma_start3A_316] : memref<40000x32xf32, #tpu.memory_space<hbm>> -> memref<40000x32xf32, #tpu.memory_space<hbm>>
    tpu.enqueue_indirect_dma source(%dma_start3A_317 : memref<40000x32xf32, #tpu.memory_space<hbm>>) target(%dma_start3A_311 : memref<128x32xf32, #tpu.memory_space<vmem>>) offsets(%dma_start3A_314 : memref<128xi32, #tpu.memory_space<vmem>>) semaphore(%arg11 : memref<!tpu.dma_semaphore, #tpu.memory_space<semaphore_mem>>)
    %dma_start3A_318 = arith.constant 4 : i32
    %dma_start3A_319 = arith.constant 0 : i32
    %dma_start3A_320 = arith.constant 4 : i32
    %dma_start3A_321 = arith.constant 0 : i32
    %dma_start3A_322 = arith.constant 0 : i32
    %dma_start3A_323 = tpu.memref_slice %arg9[%dma_start3A_319, %dma_start3A_320, %dma_start3A_321, %dma_start3A_322] : memref<2x8x128x32xf32, #tpu.memory_space<vmem>> -> memref<1x1x128x32xf32, #tpu.memory_space<vmem>>
    %dma_start3A_324 = tpu.memref_squeeze %dma_start3A_323 : memref<1x1x128x32xf32, #tpu.memory_space<vmem>> -> memref<128x32xf32, #tpu.memory_space<vmem>>
    %dma_start3A_325 = arith.constant 0 : i32
    %dma_start3A_326 = tpu.memref_slice %arg7[%dma_start3A_318, %dma_start3A_325] : memref<160x128xi32, #tpu.memory_space<vmem>> -> memref<1x128xi32, #tpu.memory_space<vmem>>
    %dma_start3A_327 = tpu.memref_squeeze %dma_start3A_326 : memref<1x128xi32, #tpu.memory_space<vmem>> -> memref<128xi32, #tpu.memory_space<vmem>>
    %dma_start3A_328 = arith.constant 0 : i32
    %dma_start3A_329 = arith.constant 0 : i32
    %dma_start3A_330 = tpu.memref_slice %arg2[%dma_start3A_328, %dma_start3A_329] : memref<40000x32xf32, #tpu.memory_space<hbm>> -> memref<40000x32xf32, #tpu.memory_space<hbm>>
    tpu.enqueue_indirect_dma source(%dma_start3A_330 : memref<40000x32xf32, #tpu.memory_space<hbm>>) target(%dma_start3A_324 : memref<128x32xf32, #tpu.memory_space<vmem>>) offsets(%dma_start3A_327 : memref<128xi32, #tpu.memory_space<vmem>>) semaphore(%arg11 : memref<!tpu.dma_semaphore, #tpu.memory_space<semaphore_mem>>)
    %dma_start3A_331 = arith.constant 5 : i32
    %dma_start3A_332 = arith.constant 0 : i32
    %dma_start3A_333 = arith.constant 5 : i32
    %dma_start3A_334 = arith.constant 0 : i32
    %dma_start3A_335 = arith.constant 0 : i32
    %dma_start3A_336 = tpu.memref_slice %arg9[%dma_start3A_332, %dma_start3A_333, %dma_start3A_334, %dma_start3A_335] : memref<2x8x128x32xf32, #tpu.memory_space<vmem>> -> memref<1x1x128x32xf32, #tpu.memory_space<vmem>>
    %dma_start3A_337 = tpu.memref_squeeze %dma_start3A_336 : memref<1x1x128x32xf32, #tpu.memory_space<vmem>> -> memref<128x32xf32, #tpu.memory_space<vmem>>
    %dma_start3A_338 = arith.constant 0 : i32
    %dma_start3A_339 = tpu.memref_slice %arg7[%dma_start3A_331, %dma_start3A_338] : memref<160x128xi32, #tpu.memory_space<vmem>> -> memref<1x128xi32, #tpu.memory_space<vmem>>
    %dma_start3A_340 = tpu.memref_squeeze %dma_start3A_339 : memref<1x128xi32, #tpu.memory_space<vmem>> -> memref<128xi32, #tpu.memory_space<vmem>>
    %dma_start3A_341 = arith.constant 0 : i32
    %dma_start3A_342 = arith.constant 0 : i32
    %dma_start3A_343 = tpu.memref_slice %arg2[%dma_start3A_341, %dma_start3A_342] : memref<40000x32xf32, #tpu.memory_space<hbm>> -> memref<40000x32xf32, #tpu.memory_space<hbm>>
    tpu.enqueue_indirect_dma source(%dma_start3A_343 : memref<40000x32xf32, #tpu.memory_space<hbm>>) target(%dma_start3A_337 : memref<128x32xf32, #tpu.memory_space<vmem>>) offsets(%dma_start3A_340 : memref<128xi32, #tpu.memory_space<vmem>>) semaphore(%arg11 : memref<!tpu.dma_semaphore, #tpu.memory_space<semaphore_mem>>)
    %dma_start3A_344 = arith.constant 6 : i32
    %dma_start3A_345 = arith.constant 0 : i32
    %dma_start3A_346 = arith.constant 6 : i32
    %dma_start3A_347 = arith.constant 0 : i32
    %dma_start3A_348 = arith.constant 0 : i32
    %dma_start3A_349 = tpu.memref_slice %arg9[%dma_start3A_345, %dma_start3A_346, %dma_start3A_347, %dma_start3A_348] : memref<2x8x128x32xf32, #tpu.memory_space<vmem>> -> memref<1x1x128x32xf32, #tpu.memory_space<vmem>>
    %dma_start3A_350 = tpu.memref_squeeze %dma_start3A_349 : memref<1x1x128x32xf32, #tpu.memory_space<vmem>> -> memref<128x32xf32, #tpu.memory_space<vmem>>
    %dma_start3A_351 = arith.constant 0 : i32
    %dma_start3A_352 = tpu.memref_slice %arg7[%dma_start3A_344, %dma_start3A_351] : memref<160x128xi32, #tpu.memory_space<vmem>> -> memref<1x128xi32, #tpu.memory_space<vmem>>
    %dma_start3A_353 = tpu.memref_squeeze %dma_start3A_352 : memref<1x128xi32, #tpu.memory_space<vmem>> -> memref<128xi32, #tpu.memory_space<vmem>>
    %dma_start3A_354 = arith.constant 0 : i32
    %dma_start3A_355 = arith.constant 0 : i32
    %dma_start3A_356 = tpu.memref_slice %arg2[%dma_start3A_354, %dma_start3A_355] : memref<40000x32xf32, #tpu.memory_space<hbm>> -> memref<40000x32xf32, #tpu.memory_space<hbm>>
    tpu.enqueue_indirect_dma source(%dma_start3A_356 : memref<40000x32xf32, #tpu.memory_space<hbm>>) target(%dma_start3A_350 : memref<128x32xf32, #tpu.memory_space<vmem>>) offsets(%dma_start3A_353 : memref<128xi32, #tpu.memory_space<vmem>>) semaphore(%arg11 : memref<!tpu.dma_semaphore, #tpu.memory_space<semaphore_mem>>)
    %dma_start3A_357 = arith.constant 7 : i32
    %dma_start3A_358 = arith.constant 0 : i32
    %dma_start3A_359 = arith.constant 7 : i32
    %dma_start3A_360 = arith.constant 0 : i32
    %dma_start3A_361 = arith.constant 0 : i32
    %dma_start3A_362 = tpu.memref_slice %arg9[%dma_start3A_358, %dma_start3A_359, %dma_start3A_360, %dma_start3A_361] : memref<2x8x128x32xf32, #tpu.memory_space<vmem>> -> memref<1x1x128x32xf32, #tpu.memory_space<vmem>>
    %dma_start3A_363 = tpu.memref_squeeze %dma_start3A_362 : memref<1x1x128x32xf32, #tpu.memory_space<vmem>> -> memref<128x32xf32, #tpu.memory_space<vmem>>
    %dma_start3A_364 = arith.constant 0 : i32
    %dma_start3A_365 = tpu.memref_slice %arg7[%dma_start3A_357, %dma_start3A_364] : memref<160x128xi32, #tpu.memory_space<vmem>> -> memref<1x128xi32, #tpu.memory_space<vmem>>
    %dma_start3A_366 = tpu.memref_squeeze %dma_start3A_365 : memref<1x128xi32, #tpu.memory_space<vmem>> -> memref<128xi32, #tpu.memory_space<vmem>>
    %dma_start3A_367 = arith.constant 0 : i32
    %dma_start3A_368 = arith.constant 0 : i32
    %dma_start3A_369 = tpu.memref_slice %arg2[%dma_start3A_367, %dma_start3A_368] : memref<40000x32xf32, #tpu.memory_space<hbm>> -> memref<40000x32xf32, #tpu.memory_space<hbm>>
    tpu.enqueue_indirect_dma source(%dma_start3A_369 : memref<40000x32xf32, #tpu.memory_space<hbm>>) target(%dma_start3A_363 : memref<128x32xf32, #tpu.memory_space<vmem>>) offsets(%dma_start3A_366 : memref<128xi32, #tpu.memory_space<vmem>>) semaphore(%arg11 : memref<!tpu.dma_semaphore, #tpu.memory_space<semaphore_mem>>)
    %scan3A_370 = arith.constant 0 : i32
    %scan3A_371 = arith.constant 0 : i32
    %scan3A_372 = arith.constant 20 : i32
    %scan3A_373 = arith.addi %scan3A_371, %scan3A_372 : i32
    %scan3A_374 = arith.constant 1 : i32
    scf.for %scan3A_512 = %scan3A_371 to %scan3A_373 step %scan3A_374  : i32 {
      %rem3A = arith.constant 2 : i32
      %rem3A_513 = arith.remsi %scan3A_512, %rem3A : i32
      %sub3A = arith.constant 1 : i32
      %sub3A_514 = arith.subi %sub3A, %rem3A_513 : i32
      %dma_wait3A_515 = arith.constant 0 : i32
      %dma_wait3A_516 = arith.constant 0 : i32
      %dma_wait3A_517 = arith.constant 0 : i32
      %dma_wait3A_518 = tpu.memref_slice %arg9[%rem3A_513, %dma_wait3A_515, %dma_wait3A_516, %dma_wait3A_517] : memref<2x8x128x32xf32, #tpu.memory_space<vmem>> -> memref<1x1x128x32xf32, #tpu.memory_space<vmem>>
      %dma_wait3A_519 = tpu.memref_squeeze %dma_wait3A_518 : memref<1x1x128x32xf32, #tpu.memory_space<vmem>> -> memref<128x32xf32, #tpu.memory_space<vmem>>
      %dma_wait3A_520 = arith.constant 0 : i32
      %dma_wait3A_521 = arith.constant 0 : i32
      %dma_wait3A_522 = tpu.memref_slice %arg2[%dma_wait3A_520, %dma_wait3A_521] : memref<40000x32xf32, #tpu.memory_space<hbm>> -> memref<128x32xf32, #tpu.memory_space<hbm>>
      %dma_wait3A_523 = arith.constant 0 : i32
      %dma_wait3A_524 = arith.constant 0 : i32
      %dma_wait3A_525 = tpu.memref_slice %arg9[%rem3A_513, %dma_wait3A_515, %dma_wait3A_523, %dma_wait3A_524] : memref<2x8x128x32xf32, #tpu.memory_space<vmem>> -> memref<1x1x128x32xf32, #tpu.memory_space<vmem>>
      %dma_wait3A_526 = tpu.memref_squeeze %dma_wait3A_525 : memref<1x1x128x32xf32, #tpu.memory_space<vmem>> -> memref<128x32xf32, #tpu.memory_space<vmem>>
      %dma_wait3A_527 = arith.constant 0 : i32
      %dma_wait3A_528 = arith.constant 0 : i32
      %dma_wait3A_529 = tpu.memref_slice %arg2[%dma_wait3A_527, %dma_wait3A_528] : memref<40000x32xf32, #tpu.memory_space<hbm>> -> memref<128x32xf32, #tpu.memory_space<hbm>>
      tpu.wait_dma2 semaphore(%arg11 : memref<!tpu.dma_semaphore, #tpu.memory_space<semaphore_mem>>) src(%dma_wait3A_529 : memref<128x32xf32, #tpu.memory_space<hbm>>) dst(%dma_wait3A_526 : memref<128x32xf32, #tpu.memory_space<vmem>>)
      %dma_wait3A_530 = arith.constant 1 : i32
      %dma_wait3A_531 = arith.constant 0 : i32
      %dma_wait3A_532 = arith.constant 0 : i32
      %dma_wait3A_533 = tpu.memref_slice %arg9[%rem3A_513, %dma_wait3A_530, %dma_wait3A_531, %dma_wait3A_532] : memref<2x8x128x32xf32, #tpu.memory_space<vmem>> -> memref<1x1x128x32xf32, #tpu.memory_space<vmem>>
      %dma_wait3A_534 = tpu.memref_squeeze %dma_wait3A_533 : memref<1x1x128x32xf32, #tpu.memory_space<vmem>> -> memref<128x32xf32, #tpu.memory_space<vmem>>
      %dma_wait3A_535 = arith.constant 0 : i32
      %dma_wait3A_536 = arith.constant 0 : i32
      %dma_wait3A_537 = tpu.memref_slice %arg2[%dma_wait3A_535, %dma_wait3A_536] : memref<40000x32xf32, #tpu.memory_space<hbm>> -> memref<128x32xf32, #tpu.memory_space<hbm>>
      %dma_wait3A_538 = arith.constant 0 : i32
      %dma_wait3A_539 = arith.constant 0 : i32
      %dma_wait3A_540 = tpu.memref_slice %arg9[%rem3A_513, %dma_wait3A_530, %dma_wait3A_538, %dma_wait3A_539] : memref<2x8x128x32xf32, #tpu.memory_space<vmem>> -> memref<1x1x128x32xf32, #tpu.memory_space<vmem>>
      %dma_wait3A_541 = tpu.memref_squeeze %dma_wait3A_540 : memref<1x1x128x32xf32, #tpu.memory_space<vmem>> -> memref<128x32xf32, #tpu.memory_space<vmem>>
      %dma_wait3A_542 = arith.constant 0 : i32
      %dma_wait3A_543 = arith.constant 0 : i32
      %dma_wait3A_544 = tpu.memref_slice %arg2[%dma_wait3A_542, %dma_wait3A_543] : memref<40000x32xf32, #tpu.memory_space<hbm>> -> memref<128x32xf32, #tpu.memory_space<hbm>>
      tpu.wait_dma2 semaphore(%arg11 : memref<!tpu.dma_semaphore, #tpu.memory_space<semaphore_mem>>) src(%dma_wait3A_544 : memref<128x32xf32, #tpu.memory_space<hbm>>) dst(%dma_wait3A_541 : memref<128x32xf32, #tpu.memory_space<vmem>>)
      %dma_wait3A_545 = arith.constant 2 : i32
      %dma_wait3A_546 = arith.constant 0 : i32
      %dma_wait3A_547 = arith.constant 0 : i32
      %dma_wait3A_548 = tpu.memref_slice %arg9[%rem3A_513, %dma_wait3A_545, %dma_wait3A_546, %dma_wait3A_547] : memref<2x8x128x32xf32, #tpu.memory_space<vmem>> -> memref<1x1x128x32xf32, #tpu.memory_space<vmem>>
      %dma_wait3A_549 = tpu.memref_squeeze %dma_wait3A_548 : memref<1x1x128x32xf32, #tpu.memory_space<vmem>> -> memref<128x32xf32, #tpu.memory_space<vmem>>
      %dma_wait3A_550 = arith.constant 0 : i32
      %dma_wait3A_551 = arith.constant 0 : i32
      %dma_wait3A_552 = tpu.memref_slice %arg2[%dma_wait3A_550, %dma_wait3A_551] : memref<40000x32xf32, #tpu.memory_space<hbm>> -> memref<128x32xf32, #tpu.memory_space<hbm>>
      %dma_wait3A_553 = arith.constant 0 : i32
      %dma_wait3A_554 = arith.constant 0 : i32
      %dma_wait3A_555 = tpu.memref_slice %arg9[%rem3A_513, %dma_wait3A_545, %dma_wait3A_553, %dma_wait3A_554] : memref<2x8x128x32xf32, #tpu.memory_space<vmem>> -> memref<1x1x128x32xf32, #tpu.memory_space<vmem>>
      %dma_wait3A_556 = tpu.memref_squeeze %dma_wait3A_555 : memref<1x1x128x32xf32, #tpu.memory_space<vmem>> -> memref<128x32xf32, #tpu.memory_space<vmem>>
      %dma_wait3A_557 = arith.constant 0 : i32
      %dma_wait3A_558 = arith.constant 0 : i32
      %dma_wait3A_559 = tpu.memref_slice %arg2[%dma_wait3A_557, %dma_wait3A_558] : memref<40000x32xf32, #tpu.memory_space<hbm>> -> memref<128x32xf32, #tpu.memory_space<hbm>>
      tpu.wait_dma2 semaphore(%arg11 : memref<!tpu.dma_semaphore, #tpu.memory_space<semaphore_mem>>) src(%dma_wait3A_559 : memref<128x32xf32, #tpu.memory_space<hbm>>) dst(%dma_wait3A_556 : memref<128x32xf32, #tpu.memory_space<vmem>>)
      %dma_wait3A_560 = arith.constant 3 : i32
      %dma_wait3A_561 = arith.constant 0 : i32
      %dma_wait3A_562 = arith.constant 0 : i32
      %dma_wait3A_563 = tpu.memref_slice %arg9[%rem3A_513, %dma_wait3A_560, %dma_wait3A_561, %dma_wait3A_562] : memref<2x8x128x32xf32, #tpu.memory_space<vmem>> -> memref<1x1x128x32xf32, #tpu.memory_space<vmem>>
      %dma_wait3A_564 = tpu.memref_squeeze %dma_wait3A_563 : memref<1x1x128x32xf32, #tpu.memory_space<vmem>> -> memref<128x32xf32, #tpu.memory_space<vmem>>
      %dma_wait3A_565 = arith.constant 0 : i32
      %dma_wait3A_566 = arith.constant 0 : i32
      %dma_wait3A_567 = tpu.memref_slice %arg2[%dma_wait3A_565, %dma_wait3A_566] : memref<40000x32xf32, #tpu.memory_space<hbm>> -> memref<128x32xf32, #tpu.memory_space<hbm>>
      %dma_wait3A_568 = arith.constant 0 : i32
      %dma_wait3A_569 = arith.constant 0 : i32
      %dma_wait3A_570 = tpu.memref_slice %arg9[%rem3A_513, %dma_wait3A_560, %dma_wait3A_568, %dma_wait3A_569] : memref<2x8x128x32xf32, #tpu.memory_space<vmem>> -> memref<1x1x128x32xf32, #tpu.memory_space<vmem>>
      %dma_wait3A_571 = tpu.memref_squeeze %dma_wait3A_570 : memref<1x1x128x32xf32, #tpu.memory_space<vmem>> -> memref<128x32xf32, #tpu.memory_space<vmem>>
      %dma_wait3A_572 = arith.constant 0 : i32
      %dma_wait3A_573 = arith.constant 0 : i32
      %dma_wait3A_574 = tpu.memref_slice %arg2[%dma_wait3A_572, %dma_wait3A_573] : memref<40000x32xf32, #tpu.memory_space<hbm>> -> memref<128x32xf32, #tpu.memory_space<hbm>>
      tpu.wait_dma2 semaphore(%arg11 : memref<!tpu.dma_semaphore, #tpu.memory_space<semaphore_mem>>) src(%dma_wait3A_574 : memref<128x32xf32, #tpu.memory_space<hbm>>) dst(%dma_wait3A_571 : memref<128x32xf32, #tpu.memory_space<vmem>>)
      %dma_wait3A_575 = arith.constant 4 : i32
      %dma_wait3A_576 = arith.constant 0 : i32
      %dma_wait3A_577 = arith.constant 0 : i32
      %dma_wait3A_578 = tpu.memref_slice %arg9[%rem3A_513, %dma_wait3A_575, %dma_wait3A_576, %dma_wait3A_577] : memref<2x8x128x32xf32, #tpu.memory_space<vmem>> -> memref<1x1x128x32xf32, #tpu.memory_space<vmem>>
      %dma_wait3A_579 = tpu.memref_squeeze %dma_wait3A_578 : memref<1x1x128x32xf32, #tpu.memory_space<vmem>> -> memref<128x32xf32, #tpu.memory_space<vmem>>
      %dma_wait3A_580 = arith.constant 0 : i32
      %dma_wait3A_581 = arith.constant 0 : i32
      %dma_wait3A_582 = tpu.memref_slice %arg2[%dma_wait3A_580, %dma_wait3A_581] : memref<40000x32xf32, #tpu.memory_space<hbm>> -> memref<128x32xf32, #tpu.memory_space<hbm>>
      %dma_wait3A_583 = arith.constant 0 : i32
      %dma_wait3A_584 = arith.constant 0 : i32
      %dma_wait3A_585 = tpu.memref_slice %arg9[%rem3A_513, %dma_wait3A_575, %dma_wait3A_583, %dma_wait3A_584] : memref<2x8x128x32xf32, #tpu.memory_space<vmem>> -> memref<1x1x128x32xf32, #tpu.memory_space<vmem>>
      %dma_wait3A_586 = tpu.memref_squeeze %dma_wait3A_585 : memref<1x1x128x32xf32, #tpu.memory_space<vmem>> -> memref<128x32xf32, #tpu.memory_space<vmem>>
      %dma_wait3A_587 = arith.constant 0 : i32
      %dma_wait3A_588 = arith.constant 0 : i32
      %dma_wait3A_589 = tpu.memref_slice %arg2[%dma_wait3A_587, %dma_wait3A_588] : memref<40000x32xf32, #tpu.memory_space<hbm>> -> memref<128x32xf32, #tpu.memory_space<hbm>>
      tpu.wait_dma2 semaphore(%arg11 : memref<!tpu.dma_semaphore, #tpu.memory_space<semaphore_mem>>) src(%dma_wait3A_589 : memref<128x32xf32, #tpu.memory_space<hbm>>) dst(%dma_wait3A_586 : memref<128x32xf32, #tpu.memory_space<vmem>>)
      %dma_wait3A_590 = arith.constant 5 : i32
      %dma_wait3A_591 = arith.constant 0 : i32
      %dma_wait3A_592 = arith.constant 0 : i32
      %dma_wait3A_593 = tpu.memref_slice %arg9[%rem3A_513, %dma_wait3A_590, %dma_wait3A_591, %dma_wait3A_592] : memref<2x8x128x32xf32, #tpu.memory_space<vmem>> -> memref<1x1x128x32xf32, #tpu.memory_space<vmem>>
      %dma_wait3A_594 = tpu.memref_squeeze %dma_wait3A_593 : memref<1x1x128x32xf32, #tpu.memory_space<vmem>> -> memref<128x32xf32, #tpu.memory_space<vmem>>
      %dma_wait3A_595 = arith.constant 0 : i32
      %dma_wait3A_596 = arith.constant 0 : i32
      %dma_wait3A_597 = tpu.memref_slice %arg2[%dma_wait3A_595, %dma_wait3A_596] : memref<40000x32xf32, #tpu.memory_space<hbm>> -> memref<128x32xf32, #tpu.memory_space<hbm>>
      %dma_wait3A_598 = arith.constant 0 : i32
      %dma_wait3A_599 = arith.constant 0 : i32
      %dma_wait3A_600 = tpu.memref_slice %arg9[%rem3A_513, %dma_wait3A_590, %dma_wait3A_598, %dma_wait3A_599] : memref<2x8x128x32xf32, #tpu.memory_space<vmem>> -> memref<1x1x128x32xf32, #tpu.memory_space<vmem>>
      %dma_wait3A_601 = tpu.memref_squeeze %dma_wait3A_600 : memref<1x1x128x32xf32, #tpu.memory_space<vmem>> -> memref<128x32xf32, #tpu.memory_space<vmem>>
      %dma_wait3A_602 = arith.constant 0 : i32
      %dma_wait3A_603 = arith.constant 0 : i32
      %dma_wait3A_604 = tpu.memref_slice %arg2[%dma_wait3A_602, %dma_wait3A_603] : memref<40000x32xf32, #tpu.memory_space<hbm>> -> memref<128x32xf32, #tpu.memory_space<hbm>>
      tpu.wait_dma2 semaphore(%arg11 : memref<!tpu.dma_semaphore, #tpu.memory_space<semaphore_mem>>) src(%dma_wait3A_604 : memref<128x32xf32, #tpu.memory_space<hbm>>) dst(%dma_wait3A_601 : memref<128x32xf32, #tpu.memory_space<vmem>>)
      %dma_wait3A_605 = arith.constant 6 : i32
      %dma_wait3A_606 = arith.constant 0 : i32
      %dma_wait3A_607 = arith.constant 0 : i32
      %dma_wait3A_608 = tpu.memref_slice %arg9[%rem3A_513, %dma_wait3A_605, %dma_wait3A_606, %dma_wait3A_607] : memref<2x8x128x32xf32, #tpu.memory_space<vmem>> -> memref<1x1x128x32xf32, #tpu.memory_space<vmem>>
      %dma_wait3A_609 = tpu.memref_squeeze %dma_wait3A_608 : memref<1x1x128x32xf32, #tpu.memory_space<vmem>> -> memref<128x32xf32, #tpu.memory_space<vmem>>
      %dma_wait3A_610 = arith.constant 0 : i32
      %dma_wait3A_611 = arith.constant 0 : i32
      %dma_wait3A_612 = tpu.memref_slice %arg2[%dma_wait3A_610, %dma_wait3A_611] : memref<40000x32xf32, #tpu.memory_space<hbm>> -> memref<128x32xf32, #tpu.memory_space<hbm>>
      %dma_wait3A_613 = arith.constant 0 : i32
      %dma_wait3A_614 = arith.constant 0 : i32
      %dma_wait3A_615 = tpu.memref_slice %arg9[%rem3A_513, %dma_wait3A_605, %dma_wait3A_613, %dma_wait3A_614] : memref<2x8x128x32xf32, #tpu.memory_space<vmem>> -> memref<1x1x128x32xf32, #tpu.memory_space<vmem>>
      %dma_wait3A_616 = tpu.memref_squeeze %dma_wait3A_615 : memref<1x1x128x32xf32, #tpu.memory_space<vmem>> -> memref<128x32xf32, #tpu.memory_space<vmem>>
      %dma_wait3A_617 = arith.constant 0 : i32
      %dma_wait3A_618 = arith.constant 0 : i32
      %dma_wait3A_619 = tpu.memref_slice %arg2[%dma_wait3A_617, %dma_wait3A_618] : memref<40000x32xf32, #tpu.memory_space<hbm>> -> memref<128x32xf32, #tpu.memory_space<hbm>>
      tpu.wait_dma2 semaphore(%arg11 : memref<!tpu.dma_semaphore, #tpu.memory_space<semaphore_mem>>) src(%dma_wait3A_619 : memref<128x32xf32, #tpu.memory_space<hbm>>) dst(%dma_wait3A_616 : memref<128x32xf32, #tpu.memory_space<vmem>>)
      %dma_wait3A_620 = arith.constant 7 : i32
      %dma_wait3A_621 = arith.constant 0 : i32
      %dma_wait3A_622 = arith.constant 0 : i32
      %dma_wait3A_623 = tpu.memref_slice %arg9[%rem3A_513, %dma_wait3A_620, %dma_wait3A_621, %dma_wait3A_622] : memref<2x8x128x32xf32, #tpu.memory_space<vmem>> -> memref<1x1x128x32xf32, #tpu.memory_space<vmem>>
      %dma_wait3A_624 = tpu.memref_squeeze %dma_wait3A_623 : memref<1x1x128x32xf32, #tpu.memory_space<vmem>> -> memref<128x32xf32, #tpu.memory_space<vmem>>
      %dma_wait3A_625 = arith.constant 0 : i32
      %dma_wait3A_626 = arith.constant 0 : i32
      %dma_wait3A_627 = tpu.memref_slice %arg2[%dma_wait3A_625, %dma_wait3A_626] : memref<40000x32xf32, #tpu.memory_space<hbm>> -> memref<128x32xf32, #tpu.memory_space<hbm>>
      %dma_wait3A_628 = arith.constant 0 : i32
      %dma_wait3A_629 = arith.constant 0 : i32
      %dma_wait3A_630 = tpu.memref_slice %arg9[%rem3A_513, %dma_wait3A_620, %dma_wait3A_628, %dma_wait3A_629] : memref<2x8x128x32xf32, #tpu.memory_space<vmem>> -> memref<1x1x128x32xf32, #tpu.memory_space<vmem>>
      %dma_wait3A_631 = tpu.memref_squeeze %dma_wait3A_630 : memref<1x1x128x32xf32, #tpu.memory_space<vmem>> -> memref<128x32xf32, #tpu.memory_space<vmem>>
      %dma_wait3A_632 = arith.constant 0 : i32
      %dma_wait3A_633 = arith.constant 0 : i32
      %dma_wait3A_634 = tpu.memref_slice %arg2[%dma_wait3A_632, %dma_wait3A_633] : memref<40000x32xf32, #tpu.memory_space<hbm>> -> memref<128x32xf32, #tpu.memory_space<hbm>>
      tpu.wait_dma2 semaphore(%arg11 : memref<!tpu.dma_semaphore, #tpu.memory_space<semaphore_mem>>) src(%dma_wait3A_634 : memref<128x32xf32, #tpu.memory_space<hbm>>) dst(%dma_wait3A_631 : memref<128x32xf32, #tpu.memory_space<vmem>>)
      %ge3A = arith.constant 1 : i32
      %ge3A_635 = arith.cmpi sge, %scan3A_512, %ge3A : i32
      %convert_element_type3A = arith.extui %ge3A_635 : i1 to i32
      %cond3A = arith.constant 0 : i32
      %cond3A_636 = arith.cmpi ne, %convert_element_type3A, %cond3A : i32
      scf.if %cond3A_636 {
        %dma_wait3A_763 = arith.constant 0 : i32
        %dma_wait3A_764 = arith.constant 0 : i32
        %dma_wait3A_765 = arith.constant 0 : i32
        %dma_wait3A_766 = tpu.memref_slice %arg9[%sub3A_514, %dma_wait3A_763, %dma_wait3A_764, %dma_wait3A_765] : memref<2x8x128x32xf32, #tpu.memory_space<vmem>> -> memref<1x1x128x32xf32, #tpu.memory_space<vmem>>
        %dma_wait3A_767 = tpu.memref_squeeze %dma_wait3A_766 : memref<1x1x128x32xf32, #tpu.memory_space<vmem>> -> memref<128x32xf32, #tpu.memory_space<vmem>>
        %dma_wait3A_768 = arith.constant 0 : i32
        %dma_wait3A_769 = arith.constant 0 : i32
        %dma_wait3A_770 = tpu.memref_slice %arg2[%dma_wait3A_768, %dma_wait3A_769] : memref<40000x32xf32, #tpu.memory_space<hbm>> -> memref<128x32xf32, #tpu.memory_space<hbm>>
        %dma_wait3A_771 = arith.constant 0 : i32
        %dma_wait3A_772 = arith.constant 0 : i32
        %dma_wait3A_773 = tpu.memref_slice %arg9[%sub3A_514, %dma_wait3A_763, %dma_wait3A_771, %dma_wait3A_772] : memref<2x8x128x32xf32, #tpu.memory_space<vmem>> -> memref<1x1x128x32xf32, #tpu.memory_space<vmem>>
        %dma_wait3A_774 = tpu.memref_squeeze %dma_wait3A_773 : memref<1x1x128x32xf32, #tpu.memory_space<vmem>> -> memref<128x32xf32, #tpu.memory_space<vmem>>
        %dma_wait3A_775 = arith.constant 0 : i32
        %dma_wait3A_776 = arith.constant 0 : i32
        %dma_wait3A_777 = tpu.memref_slice %arg2[%dma_wait3A_775, %dma_wait3A_776] : memref<40000x32xf32, #tpu.memory_space<hbm>> -> memref<128x32xf32, #tpu.memory_space<hbm>>
        tpu.wait_dma2 semaphore(%arg12 : memref<!tpu.dma_semaphore, #tpu.memory_space<semaphore_mem>>) src(%dma_wait3A_777 : memref<128x32xf32, #tpu.memory_space<hbm>>) dst(%dma_wait3A_774 : memref<128x32xf32, #tpu.memory_space<vmem>>)
        %dma_wait3A_778 = arith.constant 1 : i32
        %dma_wait3A_779 = arith.constant 0 : i32
        %dma_wait3A_780 = arith.constant 0 : i32
        %dma_wait3A_781 = tpu.memref_slice %arg9[%sub3A_514, %dma_wait3A_778, %dma_wait3A_779, %dma_wait3A_780] : memref<2x8x128x32xf32, #tpu.memory_space<vmem>> -> memref<1x1x128x32xf32, #tpu.memory_space<vmem>>
        %dma_wait3A_782 = tpu.memref_squeeze %dma_wait3A_781 : memref<1x1x128x32xf32, #tpu.memory_space<vmem>> -> memref<128x32xf32, #tpu.memory_space<vmem>>
        %dma_wait3A_783 = arith.constant 0 : i32
        %dma_wait3A_784 = arith.constant 0 : i32
        %dma_wait3A_785 = tpu.memref_slice %arg2[%dma_wait3A_783, %dma_wait3A_784] : memref<40000x32xf32, #tpu.memory_space<hbm>> -> memref<128x32xf32, #tpu.memory_space<hbm>>
        %dma_wait3A_786 = arith.constant 0 : i32
        %dma_wait3A_787 = arith.constant 0 : i32
        %dma_wait3A_788 = tpu.memref_slice %arg9[%sub3A_514, %dma_wait3A_778, %dma_wait3A_786, %dma_wait3A_787] : memref<2x8x128x32xf32, #tpu.memory_space<vmem>> -> memref<1x1x128x32xf32, #tpu.memory_space<vmem>>
        %dma_wait3A_789 = tpu.memref_squeeze %dma_wait3A_788 : memref<1x1x128x32xf32, #tpu.memory_space<vmem>> -> memref<128x32xf32, #tpu.memory_space<vmem>>
        %dma_wait3A_790 = arith.constant 0 : i32
        %dma_wait3A_791 = arith.constant 0 : i32
        %dma_wait3A_792 = tpu.memref_slice %arg2[%dma_wait3A_790, %dma_wait3A_791] : memref<40000x32xf32, #tpu.memory_space<hbm>> -> memref<128x32xf32, #tpu.memory_space<hbm>>
        tpu.wait_dma2 semaphore(%arg12 : memref<!tpu.dma_semaphore, #tpu.memory_space<semaphore_mem>>) src(%dma_wait3A_792 : memref<128x32xf32, #tpu.memory_space<hbm>>) dst(%dma_wait3A_789 : memref<128x32xf32, #tpu.memory_space<vmem>>)
        %dma_wait3A_793 = arith.constant 2 : i32
        %dma_wait3A_794 = arith.constant 0 : i32
        %dma_wait3A_795 = arith.constant 0 : i32
        %dma_wait3A_796 = tpu.memref_slice %arg9[%sub3A_514, %dma_wait3A_793, %dma_wait3A_794, %dma_wait3A_795] : memref<2x8x128x32xf32, #tpu.memory_space<vmem>> -> memref<1x1x128x32xf32, #tpu.memory_space<vmem>>
        %dma_wait3A_797 = tpu.memref_squeeze %dma_wait3A_796 : memref<1x1x128x32xf32, #tpu.memory_space<vmem>> -> memref<128x32xf32, #tpu.memory_space<vmem>>
        %dma_wait3A_798 = arith.constant 0 : i32
        %dma_wait3A_799 = arith.constant 0 : i32
        %dma_wait3A_800 = tpu.memref_slice %arg2[%dma_wait3A_798, %dma_wait3A_799] : memref<40000x32xf32, #tpu.memory_space<hbm>> -> memref<128x32xf32, #tpu.memory_space<hbm>>
        %dma_wait3A_801 = arith.constant 0 : i32
        %dma_wait3A_802 = arith.constant 0 : i32
        %dma_wait3A_803 = tpu.memref_slice %arg9[%sub3A_514, %dma_wait3A_793, %dma_wait3A_801, %dma_wait3A_802] : memref<2x8x128x32xf32, #tpu.memory_space<vmem>> -> memref<1x1x128x32xf32, #tpu.memory_space<vmem>>
        %dma_wait3A_804 = tpu.memref_squeeze %dma_wait3A_803 : memref<1x1x128x32xf32, #tpu.memory_space<vmem>> -> memref<128x32xf32, #tpu.memory_space<vmem>>
        %dma_wait3A_805 = arith.constant 0 : i32
        %dma_wait3A_806 = arith.constant 0 : i32
        %dma_wait3A_807 = tpu.memref_slice %arg2[%dma_wait3A_805, %dma_wait3A_806] : memref<40000x32xf32, #tpu.memory_space<hbm>> -> memref<128x32xf32, #tpu.memory_space<hbm>>
        tpu.wait_dma2 semaphore(%arg12 : memref<!tpu.dma_semaphore, #tpu.memory_space<semaphore_mem>>) src(%dma_wait3A_807 : memref<128x32xf32, #tpu.memory_space<hbm>>) dst(%dma_wait3A_804 : memref<128x32xf32, #tpu.memory_space<vmem>>)
        %dma_wait3A_808 = arith.constant 3 : i32
        %dma_wait3A_809 = arith.constant 0 : i32
        %dma_wait3A_810 = arith.constant 0 : i32
        %dma_wait3A_811 = tpu.memref_slice %arg9[%sub3A_514, %dma_wait3A_808, %dma_wait3A_809, %dma_wait3A_810] : memref<2x8x128x32xf32, #tpu.memory_space<vmem>> -> memref<1x1x128x32xf32, #tpu.memory_space<vmem>>
        %dma_wait3A_812 = tpu.memref_squeeze %dma_wait3A_811 : memref<1x1x128x32xf32, #tpu.memory_space<vmem>> -> memref<128x32xf32, #tpu.memory_space<vmem>>
        %dma_wait3A_813 = arith.constant 0 : i32
        %dma_wait3A_814 = arith.constant 0 : i32
        %dma_wait3A_815 = tpu.memref_slice %arg2[%dma_wait3A_813, %dma_wait3A_814] : memref<40000x32xf32, #tpu.memory_space<hbm>> -> memref<128x32xf32, #tpu.memory_space<hbm>>
        %dma_wait3A_816 = arith.constant 0 : i32
        %dma_wait3A_817 = arith.constant 0 : i32
        %dma_wait3A_818 = tpu.memref_slice %arg9[%sub3A_514, %dma_wait3A_808, %dma_wait3A_816, %dma_wait3A_817] : memref<2x8x128x32xf32, #tpu.memory_space<vmem>> -> memref<1x1x128x32xf32, #tpu.memory_space<vmem>>
        %dma_wait3A_819 = tpu.memref_squeeze %dma_wait3A_818 : memref<1x1x128x32xf32, #tpu.memory_space<vmem>> -> memref<128x32xf32, #tpu.memory_space<vmem>>
        %dma_wait3A_820 = arith.constant 0 : i32
        %dma_wait3A_821 = arith.constant 0 : i32
        %dma_wait3A_822 = tpu.memref_slice %arg2[%dma_wait3A_820, %dma_wait3A_821] : memref<40000x32xf32, #tpu.memory_space<hbm>> -> memref<128x32xf32, #tpu.memory_space<hbm>>
        tpu.wait_dma2 semaphore(%arg12 : memref<!tpu.dma_semaphore, #tpu.memory_space<semaphore_mem>>) src(%dma_wait3A_822 : memref<128x32xf32, #tpu.memory_space<hbm>>) dst(%dma_wait3A_819 : memref<128x32xf32, #tpu.memory_space<vmem>>)
        %dma_wait3A_823 = arith.constant 4 : i32
        %dma_wait3A_824 = arith.constant 0 : i32
        %dma_wait3A_825 = arith.constant 0 : i32
        %dma_wait3A_826 = tpu.memref_slice %arg9[%sub3A_514, %dma_wait3A_823, %dma_wait3A_824, %dma_wait3A_825] : memref<2x8x128x32xf32, #tpu.memory_space<vmem>> -> memref<1x1x128x32xf32, #tpu.memory_space<vmem>>
        %dma_wait3A_827 = tpu.memref_squeeze %dma_wait3A_826 : memref<1x1x128x32xf32, #tpu.memory_space<vmem>> -> memref<128x32xf32, #tpu.memory_space<vmem>>
        %dma_wait3A_828 = arith.constant 0 : i32
        %dma_wait3A_829 = arith.constant 0 : i32
        %dma_wait3A_830 = tpu.memref_slice %arg2[%dma_wait3A_828, %dma_wait3A_829] : memref<40000x32xf32, #tpu.memory_space<hbm>> -> memref<128x32xf32, #tpu.memory_space<hbm>>
        %dma_wait3A_831 = arith.constant 0 : i32
        %dma_wait3A_832 = arith.constant 0 : i32
        %dma_wait3A_833 = tpu.memref_slice %arg9[%sub3A_514, %dma_wait3A_823, %dma_wait3A_831, %dma_wait3A_832] : memref<2x8x128x32xf32, #tpu.memory_space<vmem>> -> memref<1x1x128x32xf32, #tpu.memory_space<vmem>>
        %dma_wait3A_834 = tpu.memref_squeeze %dma_wait3A_833 : memref<1x1x128x32xf32, #tpu.memory_space<vmem>> -> memref<128x32xf32, #tpu.memory_space<vmem>>
        %dma_wait3A_835 = arith.constant 0 : i32
        %dma_wait3A_836 = arith.constant 0 : i32
        %dma_wait3A_837 = tpu.memref_slice %arg2[%dma_wait3A_835, %dma_wait3A_836] : memref<40000x32xf32, #tpu.memory_space<hbm>> -> memref<128x32xf32, #tpu.memory_space<hbm>>
        tpu.wait_dma2 semaphore(%arg12 : memref<!tpu.dma_semaphore, #tpu.memory_space<semaphore_mem>>) src(%dma_wait3A_837 : memref<128x32xf32, #tpu.memory_space<hbm>>) dst(%dma_wait3A_834 : memref<128x32xf32, #tpu.memory_space<vmem>>)
        %dma_wait3A_838 = arith.constant 5 : i32
        %dma_wait3A_839 = arith.constant 0 : i32
        %dma_wait3A_840 = arith.constant 0 : i32
        %dma_wait3A_841 = tpu.memref_slice %arg9[%sub3A_514, %dma_wait3A_838, %dma_wait3A_839, %dma_wait3A_840] : memref<2x8x128x32xf32, #tpu.memory_space<vmem>> -> memref<1x1x128x32xf32, #tpu.memory_space<vmem>>
        %dma_wait3A_842 = tpu.memref_squeeze %dma_wait3A_841 : memref<1x1x128x32xf32, #tpu.memory_space<vmem>> -> memref<128x32xf32, #tpu.memory_space<vmem>>
        %dma_wait3A_843 = arith.constant 0 : i32
        %dma_wait3A_844 = arith.constant 0 : i32
        %dma_wait3A_845 = tpu.memref_slice %arg2[%dma_wait3A_843, %dma_wait3A_844] : memref<40000x32xf32, #tpu.memory_space<hbm>> -> memref<128x32xf32, #tpu.memory_space<hbm>>
        %dma_wait3A_846 = arith.constant 0 : i32
        %dma_wait3A_847 = arith.constant 0 : i32
        %dma_wait3A_848 = tpu.memref_slice %arg9[%sub3A_514, %dma_wait3A_838, %dma_wait3A_846, %dma_wait3A_847] : memref<2x8x128x32xf32, #tpu.memory_space<vmem>> -> memref<1x1x128x32xf32, #tpu.memory_space<vmem>>
        %dma_wait3A_849 = tpu.memref_squeeze %dma_wait3A_848 : memref<1x1x128x32xf32, #tpu.memory_space<vmem>> -> memref<128x32xf32, #tpu.memory_space<vmem>>
        %dma_wait3A_850 = arith.constant 0 : i32
        %dma_wait3A_851 = arith.constant 0 : i32
        %dma_wait3A_852 = tpu.memref_slice %arg2[%dma_wait3A_850, %dma_wait3A_851] : memref<40000x32xf32, #tpu.memory_space<hbm>> -> memref<128x32xf32, #tpu.memory_space<hbm>>
        tpu.wait_dma2 semaphore(%arg12 : memref<!tpu.dma_semaphore, #tpu.memory_space<semaphore_mem>>) src(%dma_wait3A_852 : memref<128x32xf32, #tpu.memory_space<hbm>>) dst(%dma_wait3A_849 : memref<128x32xf32, #tpu.memory_space<vmem>>)
        %dma_wait3A_853 = arith.constant 6 : i32
        %dma_wait3A_854 = arith.constant 0 : i32
        %dma_wait3A_855 = arith.constant 0 : i32
        %dma_wait3A_856 = tpu.memref_slice %arg9[%sub3A_514, %dma_wait3A_853, %dma_wait3A_854, %dma_wait3A_855] : memref<2x8x128x32xf32, #tpu.memory_space<vmem>> -> memref<1x1x128x32xf32, #tpu.memory_space<vmem>>
        %dma_wait3A_857 = tpu.memref_squeeze %dma_wait3A_856 : memref<1x1x128x32xf32, #tpu.memory_space<vmem>> -> memref<128x32xf32, #tpu.memory_space<vmem>>
        %dma_wait3A_858 = arith.constant 0 : i32
        %dma_wait3A_859 = arith.constant 0 : i32
        %dma_wait3A_860 = tpu.memref_slice %arg2[%dma_wait3A_858, %dma_wait3A_859] : memref<40000x32xf32, #tpu.memory_space<hbm>> -> memref<128x32xf32, #tpu.memory_space<hbm>>
        %dma_wait3A_861 = arith.constant 0 : i32
        %dma_wait3A_862 = arith.constant 0 : i32
        %dma_wait3A_863 = tpu.memref_slice %arg9[%sub3A_514, %dma_wait3A_853, %dma_wait3A_861, %dma_wait3A_862] : memref<2x8x128x32xf32, #tpu.memory_space<vmem>> -> memref<1x1x128x32xf32, #tpu.memory_space<vmem>>
        %dma_wait3A_864 = tpu.memref_squeeze %dma_wait3A_863 : memref<1x1x128x32xf32, #tpu.memory_space<vmem>> -> memref<128x32xf32, #tpu.memory_space<vmem>>
        %dma_wait3A_865 = arith.constant 0 : i32
        %dma_wait3A_866 = arith.constant 0 : i32
        %dma_wait3A_867 = tpu.memref_slice %arg2[%dma_wait3A_865, %dma_wait3A_866] : memref<40000x32xf32, #tpu.memory_space<hbm>> -> memref<128x32xf32, #tpu.memory_space<hbm>>
        tpu.wait_dma2 semaphore(%arg12 : memref<!tpu.dma_semaphore, #tpu.memory_space<semaphore_mem>>) src(%dma_wait3A_867 : memref<128x32xf32, #tpu.memory_space<hbm>>) dst(%dma_wait3A_864 : memref<128x32xf32, #tpu.memory_space<vmem>>)
        %dma_wait3A_868 = arith.constant 7 : i32
        %dma_wait3A_869 = arith.constant 0 : i32
        %dma_wait3A_870 = arith.constant 0 : i32
        %dma_wait3A_871 = tpu.memref_slice %arg9[%sub3A_514, %dma_wait3A_868, %dma_wait3A_869, %dma_wait3A_870] : memref<2x8x128x32xf32, #tpu.memory_space<vmem>> -> memref<1x1x128x32xf32, #tpu.memory_space<vmem>>
        %dma_wait3A_872 = tpu.memref_squeeze %dma_wait3A_871 : memref<1x1x128x32xf32, #tpu.memory_space<vmem>> -> memref<128x32xf32, #tpu.memory_space<vmem>>
        %dma_wait3A_873 = arith.constant 0 : i32
        %dma_wait3A_874 = arith.constant 0 : i32
        %dma_wait3A_875 = tpu.memref_slice %arg2[%dma_wait3A_873, %dma_wait3A_874] : memref<40000x32xf32, #tpu.memory_space<hbm>> -> memref<128x32xf32, #tpu.memory_space<hbm>>
        %dma_wait3A_876 = arith.constant 0 : i32
        %dma_wait3A_877 = arith.constant 0 : i32
        %dma_wait3A_878 = tpu.memref_slice %arg9[%sub3A_514, %dma_wait3A_868, %dma_wait3A_876, %dma_wait3A_877] : memref<2x8x128x32xf32, #tpu.memory_space<vmem>> -> memref<1x1x128x32xf32, #tpu.memory_space<vmem>>
        %dma_wait3A_879 = tpu.memref_squeeze %dma_wait3A_878 : memref<1x1x128x32xf32, #tpu.memory_space<vmem>> -> memref<128x32xf32, #tpu.memory_space<vmem>>
        %dma_wait3A_880 = arith.constant 0 : i32
        %dma_wait3A_881 = arith.constant 0 : i32
        %dma_wait3A_882 = tpu.memref_slice %arg2[%dma_wait3A_880, %dma_wait3A_881] : memref<40000x32xf32, #tpu.memory_space<hbm>> -> memref<128x32xf32, #tpu.memory_space<hbm>>
        tpu.wait_dma2 semaphore(%arg12 : memref<!tpu.dma_semaphore, #tpu.memory_space<semaphore_mem>>) src(%dma_wait3A_882 : memref<128x32xf32, #tpu.memory_space<hbm>>) dst(%dma_wait3A_879 : memref<128x32xf32, #tpu.memory_space<vmem>>)
      } else {
      }
      %add3A_637 = arith.constant 1 : i32
      %add3A_638 = arith.addi %scan3A_512, %add3A_637 : i32
      %lt3A = arith.constant 20 : i32
      %lt3A_639 = arith.cmpi slt, %add3A_638, %lt3A : i32
      %convert_element_type3A_640 = arith.extui %lt3A_639 : i1 to i32
      %cond3A_641 = arith.constant 0 : i32
      %cond3A_642 = arith.cmpi ne, %convert_element_type3A_640, %cond3A_641 : i32
      scf.if %cond3A_642 {
        %add3A_763 = arith.constant 1 : i32
        %add3A_764 = arith.addi %scan3A_512, %add3A_763 : i32
        %mul3A_765 = arith.constant 8 : i32
        %mul3A_766 = arith.muli %add3A_764, %mul3A_765 : i32
        %add3A_767 = arith.constant 0 : i32
        %add3A_768 = arith.addi %mul3A_766, %add3A_767 : i32
        %dma_start3A_769 = arith.constant 0 : i32
        %dma_start3A_770 = arith.constant 0 : i32
        %dma_start3A_771 = arith.constant 0 : i32
        %dma_start3A_772 = tpu.memref_slice %arg9[%sub3A_514, %dma_start3A_769, %dma_start3A_770, %dma_start3A_771] : memref<2x8x128x32xf32, #tpu.memory_space<vmem>> -> memref<1x1x128x32xf32, #tpu.memory_space<vmem>>
        %dma_start3A_773 = tpu.memref_squeeze %dma_start3A_772 : memref<1x1x128x32xf32, #tpu.memory_space<vmem>> -> memref<128x32xf32, #tpu.memory_space<vmem>>
        %dma_start3A_774 = arith.constant 0 : i32
        %dma_start3A_775 = tpu.memref_slice %arg7[%add3A_768, %dma_start3A_774] : memref<160x128xi32, #tpu.memory_space<vmem>> -> memref<1x128xi32, #tpu.memory_space<vmem>>
        %dma_start3A_776 = tpu.memref_squeeze %dma_start3A_775 : memref<1x128xi32, #tpu.memory_space<vmem>> -> memref<128xi32, #tpu.memory_space<vmem>>
        %dma_start3A_777 = arith.constant 0 : i32
        %dma_start3A_778 = arith.constant 0 : i32
        %dma_start3A_779 = tpu.memref_slice %arg2[%dma_start3A_777, %dma_start3A_778] : memref<40000x32xf32, #tpu.memory_space<hbm>> -> memref<40000x32xf32, #tpu.memory_space<hbm>>
        tpu.enqueue_indirect_dma source(%dma_start3A_779 : memref<40000x32xf32, #tpu.memory_space<hbm>>) target(%dma_start3A_773 : memref<128x32xf32, #tpu.memory_space<vmem>>) offsets(%dma_start3A_776 : memref<128xi32, #tpu.memory_space<vmem>>) semaphore(%arg11 : memref<!tpu.dma_semaphore, #tpu.memory_space<semaphore_mem>>)
        %add3A_780 = arith.constant 1 : i32
        %add3A_781 = arith.addi %scan3A_512, %add3A_780 : i32
        %mul3A_782 = arith.constant 8 : i32
        %mul3A_783 = arith.muli %add3A_781, %mul3A_782 : i32
        %add3A_784 = arith.constant 1 : i32
        %add3A_785 = arith.addi %mul3A_783, %add3A_784 : i32
        %dma_start3A_786 = arith.constant 1 : i32
        %dma_start3A_787 = arith.constant 0 : i32
        %dma_start3A_788 = arith.constant 0 : i32
        %dma_start3A_789 = tpu.memref_slice %arg9[%sub3A_514, %dma_start3A_786, %dma_start3A_787, %dma_start3A_788] : memref<2x8x128x32xf32, #tpu.memory_space<vmem>> -> memref<1x1x128x32xf32, #tpu.memory_space<vmem>>
        %dma_start3A_790 = tpu.memref_squeeze %dma_start3A_789 : memref<1x1x128x32xf32, #tpu.memory_space<vmem>> -> memref<128x32xf32, #tpu.memory_space<vmem>>
        %dma_start3A_791 = arith.constant 0 : i32
        %dma_start3A_792 = tpu.memref_slice %arg7[%add3A_785, %dma_start3A_791] : memref<160x128xi32, #tpu.memory_space<vmem>> -> memref<1x128xi32, #tpu.memory_space<vmem>>
        %dma_start3A_793 = tpu.memref_squeeze %dma_start3A_792 : memref<1x128xi32, #tpu.memory_space<vmem>> -> memref<128xi32, #tpu.memory_space<vmem>>
        %dma_start3A_794 = arith.constant 0 : i32
        %dma_start3A_795 = arith.constant 0 : i32
        %dma_start3A_796 = tpu.memref_slice %arg2[%dma_start3A_794, %dma_start3A_795] : memref<40000x32xf32, #tpu.memory_space<hbm>> -> memref<40000x32xf32, #tpu.memory_space<hbm>>
        tpu.enqueue_indirect_dma source(%dma_start3A_796 : memref<40000x32xf32, #tpu.memory_space<hbm>>) target(%dma_start3A_790 : memref<128x32xf32, #tpu.memory_space<vmem>>) offsets(%dma_start3A_793 : memref<128xi32, #tpu.memory_space<vmem>>) semaphore(%arg11 : memref<!tpu.dma_semaphore, #tpu.memory_space<semaphore_mem>>)
        %add3A_797 = arith.constant 1 : i32
        %add3A_798 = arith.addi %scan3A_512, %add3A_797 : i32
        %mul3A_799 = arith.constant 8 : i32
        %mul3A_800 = arith.muli %add3A_798, %mul3A_799 : i32
        %add3A_801 = arith.constant 2 : i32
        %add3A_802 = arith.addi %mul3A_800, %add3A_801 : i32
        %dma_start3A_803 = arith.constant 2 : i32
        %dma_start3A_804 = arith.constant 0 : i32
        %dma_start3A_805 = arith.constant 0 : i32
        %dma_start3A_806 = tpu.memref_slice %arg9[%sub3A_514, %dma_start3A_803, %dma_start3A_804, %dma_start3A_805] : memref<2x8x128x32xf32, #tpu.memory_space<vmem>> -> memref<1x1x128x32xf32, #tpu.memory_space<vmem>>
        %dma_start3A_807 = tpu.memref_squeeze %dma_start3A_806 : memref<1x1x128x32xf32, #tpu.memory_space<vmem>> -> memref<128x32xf32, #tpu.memory_space<vmem>>
        %dma_start3A_808 = arith.constant 0 : i32
        %dma_start3A_809 = tpu.memref_slice %arg7[%add3A_802, %dma_start3A_808] : memref<160x128xi32, #tpu.memory_space<vmem>> -> memref<1x128xi32, #tpu.memory_space<vmem>>
        %dma_start3A_810 = tpu.memref_squeeze %dma_start3A_809 : memref<1x128xi32, #tpu.memory_space<vmem>> -> memref<128xi32, #tpu.memory_space<vmem>>
        %dma_start3A_811 = arith.constant 0 : i32
        %dma_start3A_812 = arith.constant 0 : i32
        %dma_start3A_813 = tpu.memref_slice %arg2[%dma_start3A_811, %dma_start3A_812] : memref<40000x32xf32, #tpu.memory_space<hbm>> -> memref<40000x32xf32, #tpu.memory_space<hbm>>
        tpu.enqueue_indirect_dma source(%dma_start3A_813 : memref<40000x32xf32, #tpu.memory_space<hbm>>) target(%dma_start3A_807 : memref<128x32xf32, #tpu.memory_space<vmem>>) offsets(%dma_start3A_810 : memref<128xi32, #tpu.memory_space<vmem>>) semaphore(%arg11 : memref<!tpu.dma_semaphore, #tpu.memory_space<semaphore_mem>>)
        %add3A_814 = arith.constant 1 : i32
        %add3A_815 = arith.addi %scan3A_512, %add3A_814 : i32
        %mul3A_816 = arith.constant 8 : i32
        %mul3A_817 = arith.muli %add3A_815, %mul3A_816 : i32
        %add3A_818 = arith.constant 3 : i32
        %add3A_819 = arith.addi %mul3A_817, %add3A_818 : i32
        %dma_start3A_820 = arith.constant 3 : i32
        %dma_start3A_821 = arith.constant 0 : i32
        %dma_start3A_822 = arith.constant 0 : i32
        %dma_start3A_823 = tpu.memref_slice %arg9[%sub3A_514, %dma_start3A_820, %dma_start3A_821, %dma_start3A_822] : memref<2x8x128x32xf32, #tpu.memory_space<vmem>> -> memref<1x1x128x32xf32, #tpu.memory_space<vmem>>
        %dma_start3A_824 = tpu.memref_squeeze %dma_start3A_823 : memref<1x1x128x32xf32, #tpu.memory_space<vmem>> -> memref<128x32xf32, #tpu.memory_space<vmem>>
        %dma_start3A_825 = arith.constant 0 : i32
        %dma_start3A_826 = tpu.memref_slice %arg7[%add3A_819, %dma_start3A_825] : memref<160x128xi32, #tpu.memory_space<vmem>> -> memref<1x128xi32, #tpu.memory_space<vmem>>
        %dma_start3A_827 = tpu.memref_squeeze %dma_start3A_826 : memref<1x128xi32, #tpu.memory_space<vmem>> -> memref<128xi32, #tpu.memory_space<vmem>>
        %dma_start3A_828 = arith.constant 0 : i32
        %dma_start3A_829 = arith.constant 0 : i32
        %dma_start3A_830 = tpu.memref_slice %arg2[%dma_start3A_828, %dma_start3A_829] : memref<40000x32xf32, #tpu.memory_space<hbm>> -> memref<40000x32xf32, #tpu.memory_space<hbm>>
        tpu.enqueue_indirect_dma source(%dma_start3A_830 : memref<40000x32xf32, #tpu.memory_space<hbm>>) target(%dma_start3A_824 : memref<128x32xf32, #tpu.memory_space<vmem>>) offsets(%dma_start3A_827 : memref<128xi32, #tpu.memory_space<vmem>>) semaphore(%arg11 : memref<!tpu.dma_semaphore, #tpu.memory_space<semaphore_mem>>)
        %add3A_831 = arith.constant 1 : i32
        %add3A_832 = arith.addi %scan3A_512, %add3A_831 : i32
        %mul3A_833 = arith.constant 8 : i32
        %mul3A_834 = arith.muli %add3A_832, %mul3A_833 : i32
        %add3A_835 = arith.constant 4 : i32
        %add3A_836 = arith.addi %mul3A_834, %add3A_835 : i32
        %dma_start3A_837 = arith.constant 4 : i32
        %dma_start3A_838 = arith.constant 0 : i32
        %dma_start3A_839 = arith.constant 0 : i32
        %dma_start3A_840 = tpu.memref_slice %arg9[%sub3A_514, %dma_start3A_837, %dma_start3A_838, %dma_start3A_839] : memref<2x8x128x32xf32, #tpu.memory_space<vmem>> -> memref<1x1x128x32xf32, #tpu.memory_space<vmem>>
        %dma_start3A_841 = tpu.memref_squeeze %dma_start3A_840 : memref<1x1x128x32xf32, #tpu.memory_space<vmem>> -> memref<128x32xf32, #tpu.memory_space<vmem>>
        %dma_start3A_842 = arith.constant 0 : i32
        %dma_start3A_843 = tpu.memref_slice %arg7[%add3A_836, %dma_start3A_842] : memref<160x128xi32, #tpu.memory_space<vmem>> -> memref<1x128xi32, #tpu.memory_space<vmem>>
        %dma_start3A_844 = tpu.memref_squeeze %dma_start3A_843 : memref<1x128xi32, #tpu.memory_space<vmem>> -> memref<128xi32, #tpu.memory_space<vmem>>
        %dma_start3A_845 = arith.constant 0 : i32
        %dma_start3A_846 = arith.constant 0 : i32
        %dma_start3A_847 = tpu.memref_slice %arg2[%dma_start3A_845, %dma_start3A_846] : memref<40000x32xf32, #tpu.memory_space<hbm>> -> memref<40000x32xf32, #tpu.memory_space<hbm>>
        tpu.enqueue_indirect_dma source(%dma_start3A_847 : memref<40000x32xf32, #tpu.memory_space<hbm>>) target(%dma_start3A_841 : memref<128x32xf32, #tpu.memory_space<vmem>>) offsets(%dma_start3A_844 : memref<128xi32, #tpu.memory_space<vmem>>) semaphore(%arg11 : memref<!tpu.dma_semaphore, #tpu.memory_space<semaphore_mem>>)
        %add3A_848 = arith.constant 1 : i32
        %add3A_849 = arith.addi %scan3A_512, %add3A_848 : i32
        %mul3A_850 = arith.constant 8 : i32
        %mul3A_851 = arith.muli %add3A_849, %mul3A_850 : i32
        %add3A_852 = arith.constant 5 : i32
        %add3A_853 = arith.addi %mul3A_851, %add3A_852 : i32
        %dma_start3A_854 = arith.constant 5 : i32
        %dma_start3A_855 = arith.constant 0 : i32
        %dma_start3A_856 = arith.constant 0 : i32
        %dma_start3A_857 = tpu.memref_slice %arg9[%sub3A_514, %dma_start3A_854, %dma_start3A_855, %dma_start3A_856] : memref<2x8x128x32xf32, #tpu.memory_space<vmem>> -> memref<1x1x128x32xf32, #tpu.memory_space<vmem>>
        %dma_start3A_858 = tpu.memref_squeeze %dma_start3A_857 : memref<1x1x128x32xf32, #tpu.memory_space<vmem>> -> memref<128x32xf32, #tpu.memory_space<vmem>>
        %dma_start3A_859 = arith.constant 0 : i32
        %dma_start3A_860 = tpu.memref_slice %arg7[%add3A_853, %dma_start3A_859] : memref<160x128xi32, #tpu.memory_space<vmem>> -> memref<1x128xi32, #tpu.memory_space<vmem>>
        %dma_start3A_861 = tpu.memref_squeeze %dma_start3A_860 : memref<1x128xi32, #tpu.memory_space<vmem>> -> memref<128xi32, #tpu.memory_space<vmem>>
        %dma_start3A_862 = arith.constant 0 : i32
        %dma_start3A_863 = arith.constant 0 : i32
        %dma_start3A_864 = tpu.memref_slice %arg2[%dma_start3A_862, %dma_start3A_863] : memref<40000x32xf32, #tpu.memory_space<hbm>> -> memref<40000x32xf32, #tpu.memory_space<hbm>>
        tpu.enqueue_indirect_dma source(%dma_start3A_864 : memref<40000x32xf32, #tpu.memory_space<hbm>>) target(%dma_start3A_858 : memref<128x32xf32, #tpu.memory_space<vmem>>) offsets(%dma_start3A_861 : memref<128xi32, #tpu.memory_space<vmem>>) semaphore(%arg11 : memref<!tpu.dma_semaphore, #tpu.memory_space<semaphore_mem>>)
        %add3A_865 = arith.constant 1 : i32
        %add3A_866 = arith.addi %scan3A_512, %add3A_865 : i32
        %mul3A_867 = arith.constant 8 : i32
        %mul3A_868 = arith.muli %add3A_866, %mul3A_867 : i32
        %add3A_869 = arith.constant 6 : i32
        %add3A_870 = arith.addi %mul3A_868, %add3A_869 : i32
        %dma_start3A_871 = arith.constant 6 : i32
        %dma_start3A_872 = arith.constant 0 : i32
        %dma_start3A_873 = arith.constant 0 : i32
        %dma_start3A_874 = tpu.memref_slice %arg9[%sub3A_514, %dma_start3A_871, %dma_start3A_872, %dma_start3A_873] : memref<2x8x128x32xf32, #tpu.memory_space<vmem>> -> memref<1x1x128x32xf32, #tpu.memory_space<vmem>>
        %dma_start3A_875 = tpu.memref_squeeze %dma_start3A_874 : memref<1x1x128x32xf32, #tpu.memory_space<vmem>> -> memref<128x32xf32, #tpu.memory_space<vmem>>
        %dma_start3A_876 = arith.constant 0 : i32
        %dma_start3A_877 = tpu.memref_slice %arg7[%add3A_870, %dma_start3A_876] : memref<160x128xi32, #tpu.memory_space<vmem>> -> memref<1x128xi32, #tpu.memory_space<vmem>>
        %dma_start3A_878 = tpu.memref_squeeze %dma_start3A_877 : memref<1x128xi32, #tpu.memory_space<vmem>> -> memref<128xi32, #tpu.memory_space<vmem>>
        %dma_start3A_879 = arith.constant 0 : i32
        %dma_start3A_880 = arith.constant 0 : i32
        %dma_start3A_881 = tpu.memref_slice %arg2[%dma_start3A_879, %dma_start3A_880] : memref<40000x32xf32, #tpu.memory_space<hbm>> -> memref<40000x32xf32, #tpu.memory_space<hbm>>
        tpu.enqueue_indirect_dma source(%dma_start3A_881 : memref<40000x32xf32, #tpu.memory_space<hbm>>) target(%dma_start3A_875 : memref<128x32xf32, #tpu.memory_space<vmem>>) offsets(%dma_start3A_878 : memref<128xi32, #tpu.memory_space<vmem>>) semaphore(%arg11 : memref<!tpu.dma_semaphore, #tpu.memory_space<semaphore_mem>>)
        %add3A_882 = arith.constant 1 : i32
        %add3A_883 = arith.addi %scan3A_512, %add3A_882 : i32
        %mul3A_884 = arith.constant 8 : i32
        %mul3A_885 = arith.muli %add3A_883, %mul3A_884 : i32
        %add3A_886 = arith.constant 7 : i32
        %add3A_887 = arith.addi %mul3A_885, %add3A_886 : i32
        %dma_start3A_888 = arith.constant 7 : i32
        %dma_start3A_889 = arith.constant 0 : i32
        %dma_start3A_890 = arith.constant 0 : i32
        %dma_start3A_891 = tpu.memref_slice %arg9[%sub3A_514, %dma_start3A_888, %dma_start3A_889, %dma_start3A_890] : memref<2x8x128x32xf32, #tpu.memory_space<vmem>> -> memref<1x1x128x32xf32, #tpu.memory_space<vmem>>
        %dma_start3A_892 = tpu.memref_squeeze %dma_start3A_891 : memref<1x1x128x32xf32, #tpu.memory_space<vmem>> -> memref<128x32xf32, #tpu.memory_space<vmem>>
        %dma_start3A_893 = arith.constant 0 : i32
        %dma_start3A_894 = tpu.memref_slice %arg7[%add3A_887, %dma_start3A_893] : memref<160x128xi32, #tpu.memory_space<vmem>> -> memref<1x128xi32, #tpu.memory_space<vmem>>
        %dma_start3A_895 = tpu.memref_squeeze %dma_start3A_894 : memref<1x128xi32, #tpu.memory_space<vmem>> -> memref<128xi32, #tpu.memory_space<vmem>>
        %dma_start3A_896 = arith.constant 0 : i32
        %dma_start3A_897 = arith.constant 0 : i32
        %dma_start3A_898 = tpu.memref_slice %arg2[%dma_start3A_896, %dma_start3A_897] : memref<40000x32xf32, #tpu.memory_space<hbm>> -> memref<40000x32xf32, #tpu.memory_space<hbm>>
        tpu.enqueue_indirect_dma source(%dma_start3A_898 : memref<40000x32xf32, #tpu.memory_space<hbm>>) target(%dma_start3A_892 : memref<128x32xf32, #tpu.memory_space<vmem>>) offsets(%dma_start3A_895 : memref<128xi32, #tpu.memory_space<vmem>>) semaphore(%arg11 : memref<!tpu.dma_semaphore, #tpu.memory_space<semaphore_mem>>)
      } else {
      }
      %mul3A_643 = arith.constant 8 : i32
      %mul3A_644 = arith.muli %scan3A_512, %mul3A_643 : i32
      %add3A_645 = arith.constant 0 : i32
      %add3A_646 = arith.addi %mul3A_644, %add3A_645 : i32
      %dma_start3A_647 = arith.constant 0 : i32
      %dma_start3A_648 = arith.constant 0 : i32
      %dma_start3A_649 = arith.constant 0 : i32
      %dma_start3A_650 = tpu.memref_slice %arg9[%rem3A_513, %dma_start3A_647, %dma_start3A_648, %dma_start3A_649] : memref<2x8x128x32xf32, #tpu.memory_space<vmem>> -> memref<1x1x128x32xf32, #tpu.memory_space<vmem>>
      %dma_start3A_651 = tpu.memref_squeeze %dma_start3A_650 : memref<1x1x128x32xf32, #tpu.memory_space<vmem>> -> memref<128x32xf32, #tpu.memory_space<vmem>>
      %dma_start3A_652 = arith.constant 0 : i32
      %dma_start3A_653 = tpu.memref_slice %arg8[%add3A_646, %dma_start3A_652] : memref<160x128xi32, #tpu.memory_space<vmem>> -> memref<1x128xi32, #tpu.memory_space<vmem>>
      %dma_start3A_654 = tpu.memref_squeeze %dma_start3A_653 : memref<1x128xi32, #tpu.memory_space<vmem>> -> memref<128xi32, #tpu.memory_space<vmem>>
      %dma_start3A_655 = arith.constant 0 : i32
      %dma_start3A_656 = arith.constant 0 : i32
      %dma_start3A_657 = tpu.memref_slice %arg10[%dma_start3A_655, %dma_start3A_656] : memref<10112x32xf32, #tpu.memory_space<vmem_shared>> -> memref<10112x32xf32, #tpu.memory_space<vmem_shared>>
      tpu.enqueue_indirect_dma source(%dma_start3A_651 : memref<128x32xf32, #tpu.memory_space<vmem>>) target(%dma_start3A_657 : memref<10112x32xf32, #tpu.memory_space<vmem_shared>>) offsets(%dma_start3A_654 : memref<128xi32, #tpu.memory_space<vmem>>) semaphore(%arg12 : memref<!tpu.dma_semaphore, #tpu.memory_space<semaphore_mem>>) {add = true}
      %mul3A_658 = arith.constant 8 : i32
      %mul3A_659 = arith.muli %scan3A_512, %mul3A_658 : i32
      %add3A_660 = arith.constant 1 : i32
      %add3A_661 = arith.addi %mul3A_659, %add3A_660 : i32
      %dma_start3A_662 = arith.constant 1 : i32
      %dma_start3A_663 = arith.constant 0 : i32
      %dma_start3A_664 = arith.constant 0 : i32
      %dma_start3A_665 = tpu.memref_slice %arg9[%rem3A_513, %dma_start3A_662, %dma_start3A_663, %dma_start3A_664] : memref<2x8x128x32xf32, #tpu.memory_space<vmem>> -> memref<1x1x128x32xf32, #tpu.memory_space<vmem>>
      %dma_start3A_666 = tpu.memref_squeeze %dma_start3A_665 : memref<1x1x128x32xf32, #tpu.memory_space<vmem>> -> memref<128x32xf32, #tpu.memory_space<vmem>>
      %dma_start3A_667 = arith.constant 0 : i32
      %dma_start3A_668 = tpu.memref_slice %arg8[%add3A_661, %dma_start3A_667] : memref<160x128xi32, #tpu.memory_space<vmem>> -> memref<1x128xi32, #tpu.memory_space<vmem>>
      %dma_start3A_669 = tpu.memref_squeeze %dma_start3A_668 : memref<1x128xi32, #tpu.memory_space<vmem>> -> memref<128xi32, #tpu.memory_space<vmem>>
      %dma_start3A_670 = arith.constant 0 : i32
      %dma_start3A_671 = arith.constant 0 : i32
      %dma_start3A_672 = tpu.memref_slice %arg10[%dma_start3A_670, %dma_start3A_671] : memref<10112x32xf32, #tpu.memory_space<vmem_shared>> -> memref<10112x32xf32, #tpu.memory_space<vmem_shared>>
      tpu.enqueue_indirect_dma source(%dma_start3A_666 : memref<128x32xf32, #tpu.memory_space<vmem>>) target(%dma_start3A_672 : memref<10112x32xf32, #tpu.memory_space<vmem_shared>>) offsets(%dma_start3A_669 : memref<128xi32, #tpu.memory_space<vmem>>) semaphore(%arg12 : memref<!tpu.dma_semaphore, #tpu.memory_space<semaphore_mem>>) {add = true}
      %mul3A_673 = arith.constant 8 : i32
      %mul3A_674 = arith.muli %scan3A_512, %mul3A_673 : i32
      %add3A_675 = arith.constant 2 : i32
      %add3A_676 = arith.addi %mul3A_674, %add3A_675 : i32
      %dma_start3A_677 = arith.constant 2 : i32
      %dma_start3A_678 = arith.constant 0 : i32
      %dma_start3A_679 = arith.constant 0 : i32
      %dma_start3A_680 = tpu.memref_slice %arg9[%rem3A_513, %dma_start3A_677, %dma_start3A_678, %dma_start3A_679] : memref<2x8x128x32xf32, #tpu.memory_space<vmem>> -> memref<1x1x128x32xf32, #tpu.memory_space<vmem>>
      %dma_start3A_681 = tpu.memref_squeeze %dma_start3A_680 : memref<1x1x128x32xf32, #tpu.memory_space<vmem>> -> memref<128x32xf32, #tpu.memory_space<vmem>>
      %dma_start3A_682 = arith.constant 0 : i32
      %dma_start3A_683 = tpu.memref_slice %arg8[%add3A_676, %dma_start3A_682] : memref<160x128xi32, #tpu.memory_space<vmem>> -> memref<1x128xi32, #tpu.memory_space<vmem>>
      %dma_start3A_684 = tpu.memref_squeeze %dma_start3A_683 : memref<1x128xi32, #tpu.memory_space<vmem>> -> memref<128xi32, #tpu.memory_space<vmem>>
      %dma_start3A_685 = arith.constant 0 : i32
      %dma_start3A_686 = arith.constant 0 : i32
      %dma_start3A_687 = tpu.memref_slice %arg10[%dma_start3A_685, %dma_start3A_686] : memref<10112x32xf32, #tpu.memory_space<vmem_shared>> -> memref<10112x32xf32, #tpu.memory_space<vmem_shared>>
      tpu.enqueue_indirect_dma source(%dma_start3A_681 : memref<128x32xf32, #tpu.memory_space<vmem>>) target(%dma_start3A_687 : memref<10112x32xf32, #tpu.memory_space<vmem_shared>>) offsets(%dma_start3A_684 : memref<128xi32, #tpu.memory_space<vmem>>) semaphore(%arg12 : memref<!tpu.dma_semaphore, #tpu.memory_space<semaphore_mem>>) {add = true}
      %mul3A_688 = arith.constant 8 : i32
      %mul3A_689 = arith.muli %scan3A_512, %mul3A_688 : i32
      %add3A_690 = arith.constant 3 : i32
      %add3A_691 = arith.addi %mul3A_689, %add3A_690 : i32
      %dma_start3A_692 = arith.constant 3 : i32
      %dma_start3A_693 = arith.constant 0 : i32
      %dma_start3A_694 = arith.constant 0 : i32
      %dma_start3A_695 = tpu.memref_slice %arg9[%rem3A_513, %dma_start3A_692, %dma_start3A_693, %dma_start3A_694] : memref<2x8x128x32xf32, #tpu.memory_space<vmem>> -> memref<1x1x128x32xf32, #tpu.memory_space<vmem>>
      %dma_start3A_696 = tpu.memref_squeeze %dma_start3A_695 : memref<1x1x128x32xf32, #tpu.memory_space<vmem>> -> memref<128x32xf32, #tpu.memory_space<vmem>>
      %dma_start3A_697 = arith.constant 0 : i32
      %dma_start3A_698 = tpu.memref_slice %arg8[%add3A_691, %dma_start3A_697] : memref<160x128xi32, #tpu.memory_space<vmem>> -> memref<1x128xi32, #tpu.memory_space<vmem>>
      %dma_start3A_699 = tpu.memref_squeeze %dma_start3A_698 : memref<1x128xi32, #tpu.memory_space<vmem>> -> memref<128xi32, #tpu.memory_space<vmem>>
      %dma_start3A_700 = arith.constant 0 : i32
      %dma_start3A_701 = arith.constant 0 : i32
      %dma_start3A_702 = tpu.memref_slice %arg10[%dma_start3A_700, %dma_start3A_701] : memref<10112x32xf32, #tpu.memory_space<vmem_shared>> -> memref<10112x32xf32, #tpu.memory_space<vmem_shared>>
      tpu.enqueue_indirect_dma source(%dma_start3A_696 : memref<128x32xf32, #tpu.memory_space<vmem>>) target(%dma_start3A_702 : memref<10112x32xf32, #tpu.memory_space<vmem_shared>>) offsets(%dma_start3A_699 : memref<128xi32, #tpu.memory_space<vmem>>) semaphore(%arg12 : memref<!tpu.dma_semaphore, #tpu.memory_space<semaphore_mem>>) {add = true}
      %mul3A_703 = arith.constant 8 : i32
      %mul3A_704 = arith.muli %scan3A_512, %mul3A_703 : i32
      %add3A_705 = arith.constant 4 : i32
      %add3A_706 = arith.addi %mul3A_704, %add3A_705 : i32
      %dma_start3A_707 = arith.constant 4 : i32
      %dma_start3A_708 = arith.constant 0 : i32
      %dma_start3A_709 = arith.constant 0 : i32
      %dma_start3A_710 = tpu.memref_slice %arg9[%rem3A_513, %dma_start3A_707, %dma_start3A_708, %dma_start3A_709] : memref<2x8x128x32xf32, #tpu.memory_space<vmem>> -> memref<1x1x128x32xf32, #tpu.memory_space<vmem>>
      %dma_start3A_711 = tpu.memref_squeeze %dma_start3A_710 : memref<1x1x128x32xf32, #tpu.memory_space<vmem>> -> memref<128x32xf32, #tpu.memory_space<vmem>>
      %dma_start3A_712 = arith.constant 0 : i32
      %dma_start3A_713 = tpu.memref_slice %arg8[%add3A_706, %dma_start3A_712] : memref<160x128xi32, #tpu.memory_space<vmem>> -> memref<1x128xi32, #tpu.memory_space<vmem>>
      %dma_start3A_714 = tpu.memref_squeeze %dma_start3A_713 : memref<1x128xi32, #tpu.memory_space<vmem>> -> memref<128xi32, #tpu.memory_space<vmem>>
      %dma_start3A_715 = arith.constant 0 : i32
      %dma_start3A_716 = arith.constant 0 : i32
      %dma_start3A_717 = tpu.memref_slice %arg10[%dma_start3A_715, %dma_start3A_716] : memref<10112x32xf32, #tpu.memory_space<vmem_shared>> -> memref<10112x32xf32, #tpu.memory_space<vmem_shared>>
      tpu.enqueue_indirect_dma source(%dma_start3A_711 : memref<128x32xf32, #tpu.memory_space<vmem>>) target(%dma_start3A_717 : memref<10112x32xf32, #tpu.memory_space<vmem_shared>>) offsets(%dma_start3A_714 : memref<128xi32, #tpu.memory_space<vmem>>) semaphore(%arg12 : memref<!tpu.dma_semaphore, #tpu.memory_space<semaphore_mem>>) {add = true}
      %mul3A_718 = arith.constant 8 : i32
      %mul3A_719 = arith.muli %scan3A_512, %mul3A_718 : i32
      %add3A_720 = arith.constant 5 : i32
      %add3A_721 = arith.addi %mul3A_719, %add3A_720 : i32
      %dma_start3A_722 = arith.constant 5 : i32
      %dma_start3A_723 = arith.constant 0 : i32
      %dma_start3A_724 = arith.constant 0 : i32
      %dma_start3A_725 = tpu.memref_slice %arg9[%rem3A_513, %dma_start3A_722, %dma_start3A_723, %dma_start3A_724] : memref<2x8x128x32xf32, #tpu.memory_space<vmem>> -> memref<1x1x128x32xf32, #tpu.memory_space<vmem>>
      %dma_start3A_726 = tpu.memref_squeeze %dma_start3A_725 : memref<1x1x128x32xf32, #tpu.memory_space<vmem>> -> memref<128x32xf32, #tpu.memory_space<vmem>>
      %dma_start3A_727 = arith.constant 0 : i32
      %dma_start3A_728 = tpu.memref_slice %arg8[%add3A_721, %dma_start3A_727] : memref<160x128xi32, #tpu.memory_space<vmem>> -> memref<1x128xi32, #tpu.memory_space<vmem>>
      %dma_start3A_729 = tpu.memref_squeeze %dma_start3A_728 : memref<1x128xi32, #tpu.memory_space<vmem>> -> memref<128xi32, #tpu.memory_space<vmem>>
      %dma_start3A_730 = arith.constant 0 : i32
      %dma_start3A_731 = arith.constant 0 : i32
      %dma_start3A_732 = tpu.memref_slice %arg10[%dma_start3A_730, %dma_start3A_731] : memref<10112x32xf32, #tpu.memory_space<vmem_shared>> -> memref<10112x32xf32, #tpu.memory_space<vmem_shared>>
      tpu.enqueue_indirect_dma source(%dma_start3A_726 : memref<128x32xf32, #tpu.memory_space<vmem>>) target(%dma_start3A_732 : memref<10112x32xf32, #tpu.memory_space<vmem_shared>>) offsets(%dma_start3A_729 : memref<128xi32, #tpu.memory_space<vmem>>) semaphore(%arg12 : memref<!tpu.dma_semaphore, #tpu.memory_space<semaphore_mem>>) {add = true}
      %mul3A_733 = arith.constant 8 : i32
      %mul3A_734 = arith.muli %scan3A_512, %mul3A_733 : i32
      %add3A_735 = arith.constant 6 : i32
      %add3A_736 = arith.addi %mul3A_734, %add3A_735 : i32
      %dma_start3A_737 = arith.constant 6 : i32
      %dma_start3A_738 = arith.constant 0 : i32
      %dma_start3A_739 = arith.constant 0 : i32
      %dma_start3A_740 = tpu.memref_slice %arg9[%rem3A_513, %dma_start3A_737, %dma_start3A_738, %dma_start3A_739] : memref<2x8x128x32xf32, #tpu.memory_space<vmem>> -> memref<1x1x128x32xf32, #tpu.memory_space<vmem>>
      %dma_start3A_741 = tpu.memref_squeeze %dma_start3A_740 : memref<1x1x128x32xf32, #tpu.memory_space<vmem>> -> memref<128x32xf32, #tpu.memory_space<vmem>>
      %dma_start3A_742 = arith.constant 0 : i32
      %dma_start3A_743 = tpu.memref_slice %arg8[%add3A_736, %dma_start3A_742] : memref<160x128xi32, #tpu.memory_space<vmem>> -> memref<1x128xi32, #tpu.memory_space<vmem>>
      %dma_start3A_744 = tpu.memref_squeeze %dma_start3A_743 : memref<1x128xi32, #tpu.memory_space<vmem>> -> memref<128xi32, #tpu.memory_space<vmem>>
      %dma_start3A_745 = arith.constant 0 : i32
      %dma_start3A_746 = arith.constant 0 : i32
      %dma_start3A_747 = tpu.memref_slice %arg10[%dma_start3A_745, %dma_start3A_746] : memref<10112x32xf32, #tpu.memory_space<vmem_shared>> -> memref<10112x32xf32, #tpu.memory_space<vmem_shared>>
      tpu.enqueue_indirect_dma source(%dma_start3A_741 : memref<128x32xf32, #tpu.memory_space<vmem>>) target(%dma_start3A_747 : memref<10112x32xf32, #tpu.memory_space<vmem_shared>>) offsets(%dma_start3A_744 : memref<128xi32, #tpu.memory_space<vmem>>) semaphore(%arg12 : memref<!tpu.dma_semaphore, #tpu.memory_space<semaphore_mem>>) {add = true}
      %mul3A_748 = arith.constant 8 : i32
      %mul3A_749 = arith.muli %scan3A_512, %mul3A_748 : i32
      %add3A_750 = arith.constant 7 : i32
      %add3A_751 = arith.addi %mul3A_749, %add3A_750 : i32
      %dma_start3A_752 = arith.constant 7 : i32
      %dma_start3A_753 = arith.constant 0 : i32
      %dma_start3A_754 = arith.constant 0 : i32
      %dma_start3A_755 = tpu.memref_slice %arg9[%rem3A_513, %dma_start3A_752, %dma_start3A_753, %dma_start3A_754] : memref<2x8x128x32xf32, #tpu.memory_space<vmem>> -> memref<1x1x128x32xf32, #tpu.memory_space<vmem>>
      %dma_start3A_756 = tpu.memref_squeeze %dma_start3A_755 : memref<1x1x128x32xf32, #tpu.memory_space<vmem>> -> memref<128x32xf32, #tpu.memory_space<vmem>>
      %dma_start3A_757 = arith.constant 0 : i32
      %dma_start3A_758 = tpu.memref_slice %arg8[%add3A_751, %dma_start3A_757] : memref<160x128xi32, #tpu.memory_space<vmem>> -> memref<1x128xi32, #tpu.memory_space<vmem>>
      %dma_start3A_759 = tpu.memref_squeeze %dma_start3A_758 : memref<1x128xi32, #tpu.memory_space<vmem>> -> memref<128xi32, #tpu.memory_space<vmem>>
      %dma_start3A_760 = arith.constant 0 : i32
      %dma_start3A_761 = arith.constant 0 : i32
      %dma_start3A_762 = tpu.memref_slice %arg10[%dma_start3A_760, %dma_start3A_761] : memref<10112x32xf32, #tpu.memory_space<vmem_shared>> -> memref<10112x32xf32, #tpu.memory_space<vmem_shared>>
      tpu.enqueue_indirect_dma source(%dma_start3A_756 : memref<128x32xf32, #tpu.memory_space<vmem>>) target(%dma_start3A_762 : memref<10112x32xf32, #tpu.memory_space<vmem_shared>>) offsets(%dma_start3A_759 : memref<128xi32, #tpu.memory_space<vmem>>) semaphore(%arg12 : memref<!tpu.dma_semaphore, #tpu.memory_space<semaphore_mem>>) {add = true}
    }
    %scan3A_375 = arith.constant 20 : i32
    %dma_wait3A_376 = arith.constant 1 : i32
    %dma_wait3A_377 = arith.constant 0 : i32
    %dma_wait3A_378 = arith.constant 0 : i32
    %dma_wait3A_379 = arith.constant 0 : i32
    %dma_wait3A_380 = tpu.memref_slice %arg9[%dma_wait3A_376, %dma_wait3A_377, %dma_wait3A_378, %dma_wait3A_379] : memref<2x8x128x32xf32, #tpu.memory_space<vmem>> -> memref<1x1x128x32xf32, #tpu.memory_space<vmem>>
    %dma_wait3A_381 = tpu.memref_squeeze %dma_wait3A_380 : memref<1x1x128x32xf32, #tpu.memory_space<vmem>> -> memref<128x32xf32, #tpu.memory_space<vmem>>
    %dma_wait3A_382 = arith.constant 0 : i32
    %dma_wait3A_383 = arith.constant 0 : i32
    %dma_wait3A_384 = tpu.memref_slice %arg2[%dma_wait3A_382, %dma_wait3A_383] : memref<40000x32xf32, #tpu.memory_space<hbm>> -> memref<128x32xf32, #tpu.memory_space<hbm>>
    %dma_wait3A_385 = arith.constant 0 : i32
    %dma_wait3A_386 = arith.constant 0 : i32
    %dma_wait3A_387 = tpu.memref_slice %arg9[%dma_wait3A_376, %dma_wait3A_377, %dma_wait3A_385, %dma_wait3A_386] : memref<2x8x128x32xf32, #tpu.memory_space<vmem>> -> memref<1x1x128x32xf32, #tpu.memory_space<vmem>>
    %dma_wait3A_388 = tpu.memref_squeeze %dma_wait3A_387 : memref<1x1x128x32xf32, #tpu.memory_space<vmem>> -> memref<128x32xf32, #tpu.memory_space<vmem>>
    %dma_wait3A_389 = arith.constant 0 : i32
    %dma_wait3A_390 = arith.constant 0 : i32
    %dma_wait3A_391 = tpu.memref_slice %arg2[%dma_wait3A_389, %dma_wait3A_390] : memref<40000x32xf32, #tpu.memory_space<hbm>> -> memref<128x32xf32, #tpu.memory_space<hbm>>
    tpu.wait_dma2 semaphore(%arg12 : memref<!tpu.dma_semaphore, #tpu.memory_space<semaphore_mem>>) src(%dma_wait3A_391 : memref<128x32xf32, #tpu.memory_space<hbm>>) dst(%dma_wait3A_388 : memref<128x32xf32, #tpu.memory_space<vmem>>)
    %dma_wait3A_392 = arith.constant 1 : i32
    %dma_wait3A_393 = arith.constant 1 : i32
    %dma_wait3A_394 = arith.constant 0 : i32
    %dma_wait3A_395 = arith.constant 0 : i32
    %dma_wait3A_396 = tpu.memref_slice %arg9[%dma_wait3A_392, %dma_wait3A_393, %dma_wait3A_394, %dma_wait3A_395] : memref<2x8x128x32xf32, #tpu.memory_space<vmem>> -> memref<1x1x128x32xf32, #tpu.memory_space<vmem>>
    %dma_wait3A_397 = tpu.memref_squeeze %dma_wait3A_396 : memref<1x1x128x32xf32, #tpu.memory_space<vmem>> -> memref<128x32xf32, #tpu.memory_space<vmem>>
    %dma_wait3A_398 = arith.constant 0 : i32
    %dma_wait3A_399 = arith.constant 0 : i32
    %dma_wait3A_400 = tpu.memref_slice %arg2[%dma_wait3A_398, %dma_wait3A_399] : memref<40000x32xf32, #tpu.memory_space<hbm>> -> memref<128x32xf32, #tpu.memory_space<hbm>>
    %dma_wait3A_401 = arith.constant 0 : i32
    %dma_wait3A_402 = arith.constant 0 : i32
    %dma_wait3A_403 = tpu.memref_slice %arg9[%dma_wait3A_392, %dma_wait3A_393, %dma_wait3A_401, %dma_wait3A_402] : memref<2x8x128x32xf32, #tpu.memory_space<vmem>> -> memref<1x1x128x32xf32, #tpu.memory_space<vmem>>
    %dma_wait3A_404 = tpu.memref_squeeze %dma_wait3A_403 : memref<1x1x128x32xf32, #tpu.memory_space<vmem>> -> memref<128x32xf32, #tpu.memory_space<vmem>>
    %dma_wait3A_405 = arith.constant 0 : i32
    %dma_wait3A_406 = arith.constant 0 : i32
    %dma_wait3A_407 = tpu.memref_slice %arg2[%dma_wait3A_405, %dma_wait3A_406] : memref<40000x32xf32, #tpu.memory_space<hbm>> -> memref<128x32xf32, #tpu.memory_space<hbm>>
    tpu.wait_dma2 semaphore(%arg12 : memref<!tpu.dma_semaphore, #tpu.memory_space<semaphore_mem>>) src(%dma_wait3A_407 : memref<128x32xf32, #tpu.memory_space<hbm>>) dst(%dma_wait3A_404 : memref<128x32xf32, #tpu.memory_space<vmem>>)
    %dma_wait3A_408 = arith.constant 1 : i32
    %dma_wait3A_409 = arith.constant 2 : i32
    %dma_wait3A_410 = arith.constant 0 : i32
    %dma_wait3A_411 = arith.constant 0 : i32
    %dma_wait3A_412 = tpu.memref_slice %arg9[%dma_wait3A_408, %dma_wait3A_409, %dma_wait3A_410, %dma_wait3A_411] : memref<2x8x128x32xf32, #tpu.memory_space<vmem>> -> memref<1x1x128x32xf32, #tpu.memory_space<vmem>>
    %dma_wait3A_413 = tpu.memref_squeeze %dma_wait3A_412 : memref<1x1x128x32xf32, #tpu.memory_space<vmem>> -> memref<128x32xf32, #tpu.memory_space<vmem>>
    %dma_wait3A_414 = arith.constant 0 : i32
    %dma_wait3A_415 = arith.constant 0 : i32
    %dma_wait3A_416 = tpu.memref_slice %arg2[%dma_wait3A_414, %dma_wait3A_415] : memref<40000x32xf32, #tpu.memory_space<hbm>> -> memref<128x32xf32, #tpu.memory_space<hbm>>
    %dma_wait3A_417 = arith.constant 0 : i32
    %dma_wait3A_418 = arith.constant 0 : i32
    %dma_wait3A_419 = tpu.memref_slice %arg9[%dma_wait3A_408, %dma_wait3A_409, %dma_wait3A_417, %dma_wait3A_418] : memref<2x8x128x32xf32, #tpu.memory_space<vmem>> -> memref<1x1x128x32xf32, #tpu.memory_space<vmem>>
    %dma_wait3A_420 = tpu.memref_squeeze %dma_wait3A_419 : memref<1x1x128x32xf32, #tpu.memory_space<vmem>> -> memref<128x32xf32, #tpu.memory_space<vmem>>
    %dma_wait3A_421 = arith.constant 0 : i32
    %dma_wait3A_422 = arith.constant 0 : i32
    %dma_wait3A_423 = tpu.memref_slice %arg2[%dma_wait3A_421, %dma_wait3A_422] : memref<40000x32xf32, #tpu.memory_space<hbm>> -> memref<128x32xf32, #tpu.memory_space<hbm>>
    tpu.wait_dma2 semaphore(%arg12 : memref<!tpu.dma_semaphore, #tpu.memory_space<semaphore_mem>>) src(%dma_wait3A_423 : memref<128x32xf32, #tpu.memory_space<hbm>>) dst(%dma_wait3A_420 : memref<128x32xf32, #tpu.memory_space<vmem>>)
    %dma_wait3A_424 = arith.constant 1 : i32
    %dma_wait3A_425 = arith.constant 3 : i32
    %dma_wait3A_426 = arith.constant 0 : i32
    %dma_wait3A_427 = arith.constant 0 : i32
    %dma_wait3A_428 = tpu.memref_slice %arg9[%dma_wait3A_424, %dma_wait3A_425, %dma_wait3A_426, %dma_wait3A_427] : memref<2x8x128x32xf32, #tpu.memory_space<vmem>> -> memref<1x1x128x32xf32, #tpu.memory_space<vmem>>
    %dma_wait3A_429 = tpu.memref_squeeze %dma_wait3A_428 : memref<1x1x128x32xf32, #tpu.memory_space<vmem>> -> memref<128x32xf32, #tpu.memory_space<vmem>>
    %dma_wait3A_430 = arith.constant 0 : i32
    %dma_wait3A_431 = arith.constant 0 : i32
    %dma_wait3A_432 = tpu.memref_slice %arg2[%dma_wait3A_430, %dma_wait3A_431] : memref<40000x32xf32, #tpu.memory_space<hbm>> -> memref<128x32xf32, #tpu.memory_space<hbm>>
    %dma_wait3A_433 = arith.constant 0 : i32
    %dma_wait3A_434 = arith.constant 0 : i32
    %dma_wait3A_435 = tpu.memref_slice %arg9[%dma_wait3A_424, %dma_wait3A_425, %dma_wait3A_433, %dma_wait3A_434] : memref<2x8x128x32xf32, #tpu.memory_space<vmem>> -> memref<1x1x128x32xf32, #tpu.memory_space<vmem>>
    %dma_wait3A_436 = tpu.memref_squeeze %dma_wait3A_435 : memref<1x1x128x32xf32, #tpu.memory_space<vmem>> -> memref<128x32xf32, #tpu.memory_space<vmem>>
    %dma_wait3A_437 = arith.constant 0 : i32
    %dma_wait3A_438 = arith.constant 0 : i32
    %dma_wait3A_439 = tpu.memref_slice %arg2[%dma_wait3A_437, %dma_wait3A_438] : memref<40000x32xf32, #tpu.memory_space<hbm>> -> memref<128x32xf32, #tpu.memory_space<hbm>>
    tpu.wait_dma2 semaphore(%arg12 : memref<!tpu.dma_semaphore, #tpu.memory_space<semaphore_mem>>) src(%dma_wait3A_439 : memref<128x32xf32, #tpu.memory_space<hbm>>) dst(%dma_wait3A_436 : memref<128x32xf32, #tpu.memory_space<vmem>>)
    %dma_wait3A_440 = arith.constant 1 : i32
    %dma_wait3A_441 = arith.constant 4 : i32
    %dma_wait3A_442 = arith.constant 0 : i32
    %dma_wait3A_443 = arith.constant 0 : i32
    %dma_wait3A_444 = tpu.memref_slice %arg9[%dma_wait3A_440, %dma_wait3A_441, %dma_wait3A_442, %dma_wait3A_443] : memref<2x8x128x32xf32, #tpu.memory_space<vmem>> -> memref<1x1x128x32xf32, #tpu.memory_space<vmem>>
    %dma_wait3A_445 = tpu.memref_squeeze %dma_wait3A_444 : memref<1x1x128x32xf32, #tpu.memory_space<vmem>> -> memref<128x32xf32, #tpu.memory_space<vmem>>
    %dma_wait3A_446 = arith.constant 0 : i32
    %dma_wait3A_447 = arith.constant 0 : i32
    %dma_wait3A_448 = tpu.memref_slice %arg2[%dma_wait3A_446, %dma_wait3A_447] : memref<40000x32xf32, #tpu.memory_space<hbm>> -> memref<128x32xf32, #tpu.memory_space<hbm>>
    %dma_wait3A_449 = arith.constant 0 : i32
    %dma_wait3A_450 = arith.constant 0 : i32
    %dma_wait3A_451 = tpu.memref_slice %arg9[%dma_wait3A_440, %dma_wait3A_441, %dma_wait3A_449, %dma_wait3A_450] : memref<2x8x128x32xf32, #tpu.memory_space<vmem>> -> memref<1x1x128x32xf32, #tpu.memory_space<vmem>>
    %dma_wait3A_452 = tpu.memref_squeeze %dma_wait3A_451 : memref<1x1x128x32xf32, #tpu.memory_space<vmem>> -> memref<128x32xf32, #tpu.memory_space<vmem>>
    %dma_wait3A_453 = arith.constant 0 : i32
    %dma_wait3A_454 = arith.constant 0 : i32
    %dma_wait3A_455 = tpu.memref_slice %arg2[%dma_wait3A_453, %dma_wait3A_454] : memref<40000x32xf32, #tpu.memory_space<hbm>> -> memref<128x32xf32, #tpu.memory_space<hbm>>
    tpu.wait_dma2 semaphore(%arg12 : memref<!tpu.dma_semaphore, #tpu.memory_space<semaphore_mem>>) src(%dma_wait3A_455 : memref<128x32xf32, #tpu.memory_space<hbm>>) dst(%dma_wait3A_452 : memref<128x32xf32, #tpu.memory_space<vmem>>)
    %dma_wait3A_456 = arith.constant 1 : i32
    %dma_wait3A_457 = arith.constant 5 : i32
    %dma_wait3A_458 = arith.constant 0 : i32
    %dma_wait3A_459 = arith.constant 0 : i32
    %dma_wait3A_460 = tpu.memref_slice %arg9[%dma_wait3A_456, %dma_wait3A_457, %dma_wait3A_458, %dma_wait3A_459] : memref<2x8x128x32xf32, #tpu.memory_space<vmem>> -> memref<1x1x128x32xf32, #tpu.memory_space<vmem>>
    %dma_wait3A_461 = tpu.memref_squeeze %dma_wait3A_460 : memref<1x1x128x32xf32, #tpu.memory_space<vmem>> -> memref<128x32xf32, #tpu.memory_space<vmem>>
    %dma_wait3A_462 = arith.constant 0 : i32
    %dma_wait3A_463 = arith.constant 0 : i32
    %dma_wait3A_464 = tpu.memref_slice %arg2[%dma_wait3A_462, %dma_wait3A_463] : memref<40000x32xf32, #tpu.memory_space<hbm>> -> memref<128x32xf32, #tpu.memory_space<hbm>>
    %dma_wait3A_465 = arith.constant 0 : i32
    %dma_wait3A_466 = arith.constant 0 : i32
    %dma_wait3A_467 = tpu.memref_slice %arg9[%dma_wait3A_456, %dma_wait3A_457, %dma_wait3A_465, %dma_wait3A_466] : memref<2x8x128x32xf32, #tpu.memory_space<vmem>> -> memref<1x1x128x32xf32, #tpu.memory_space<vmem>>
    %dma_wait3A_468 = tpu.memref_squeeze %dma_wait3A_467 : memref<1x1x128x32xf32, #tpu.memory_space<vmem>> -> memref<128x32xf32, #tpu.memory_space<vmem>>
    %dma_wait3A_469 = arith.constant 0 : i32
    %dma_wait3A_470 = arith.constant 0 : i32
    %dma_wait3A_471 = tpu.memref_slice %arg2[%dma_wait3A_469, %dma_wait3A_470] : memref<40000x32xf32, #tpu.memory_space<hbm>> -> memref<128x32xf32, #tpu.memory_space<hbm>>
    tpu.wait_dma2 semaphore(%arg12 : memref<!tpu.dma_semaphore, #tpu.memory_space<semaphore_mem>>) src(%dma_wait3A_471 : memref<128x32xf32, #tpu.memory_space<hbm>>) dst(%dma_wait3A_468 : memref<128x32xf32, #tpu.memory_space<vmem>>)
    %dma_wait3A_472 = arith.constant 1 : i32
    %dma_wait3A_473 = arith.constant 6 : i32
    %dma_wait3A_474 = arith.constant 0 : i32
    %dma_wait3A_475 = arith.constant 0 : i32
    %dma_wait3A_476 = tpu.memref_slice %arg9[%dma_wait3A_472, %dma_wait3A_473, %dma_wait3A_474, %dma_wait3A_475] : memref<2x8x128x32xf32, #tpu.memory_space<vmem>> -> memref<1x1x128x32xf32, #tpu.memory_space<vmem>>
    %dma_wait3A_477 = tpu.memref_squeeze %dma_wait3A_476 : memref<1x1x128x32xf32, #tpu.memory_space<vmem>> -> memref<128x32xf32, #tpu.memory_space<vmem>>
    %dma_wait3A_478 = arith.constant 0 : i32
    %dma_wait3A_479 = arith.constant 0 : i32
    %dma_wait3A_480 = tpu.memref_slice %arg2[%dma_wait3A_478, %dma_wait3A_479] : memref<40000x32xf32, #tpu.memory_space<hbm>> -> memref<128x32xf32, #tpu.memory_space<hbm>>
    %dma_wait3A_481 = arith.constant 0 : i32
    %dma_wait3A_482 = arith.constant 0 : i32
    %dma_wait3A_483 = tpu.memref_slice %arg9[%dma_wait3A_472, %dma_wait3A_473, %dma_wait3A_481, %dma_wait3A_482] : memref<2x8x128x32xf32, #tpu.memory_space<vmem>> -> memref<1x1x128x32xf32, #tpu.memory_space<vmem>>
    %dma_wait3A_484 = tpu.memref_squeeze %dma_wait3A_483 : memref<1x1x128x32xf32, #tpu.memory_space<vmem>> -> memref<128x32xf32, #tpu.memory_space<vmem>>
    %dma_wait3A_485 = arith.constant 0 : i32
    %dma_wait3A_486 = arith.constant 0 : i32
    %dma_wait3A_487 = tpu.memref_slice %arg2[%dma_wait3A_485, %dma_wait3A_486] : memref<40000x32xf32, #tpu.memory_space<hbm>> -> memref<128x32xf32, #tpu.memory_space<hbm>>
    tpu.wait_dma2 semaphore(%arg12 : memref<!tpu.dma_semaphore, #tpu.memory_space<semaphore_mem>>) src(%dma_wait3A_487 : memref<128x32xf32, #tpu.memory_space<hbm>>) dst(%dma_wait3A_484 : memref<128x32xf32, #tpu.memory_space<vmem>>)
    %dma_wait3A_488 = arith.constant 1 : i32
    %dma_wait3A_489 = arith.constant 7 : i32
    %dma_wait3A_490 = arith.constant 0 : i32
    %dma_wait3A_491 = arith.constant 0 : i32
    %dma_wait3A_492 = tpu.memref_slice %arg9[%dma_wait3A_488, %dma_wait3A_489, %dma_wait3A_490, %dma_wait3A_491] : memref<2x8x128x32xf32, #tpu.memory_space<vmem>> -> memref<1x1x128x32xf32, #tpu.memory_space<vmem>>
    %dma_wait3A_493 = tpu.memref_squeeze %dma_wait3A_492 : memref<1x1x128x32xf32, #tpu.memory_space<vmem>> -> memref<128x32xf32, #tpu.memory_space<vmem>>
    %dma_wait3A_494 = arith.constant 0 : i32
    %dma_wait3A_495 = arith.constant 0 : i32
    %dma_wait3A_496 = tpu.memref_slice %arg2[%dma_wait3A_494, %dma_wait3A_495] : memref<40000x32xf32, #tpu.memory_space<hbm>> -> memref<128x32xf32, #tpu.memory_space<hbm>>
    %dma_wait3A_497 = arith.constant 0 : i32
    %dma_wait3A_498 = arith.constant 0 : i32
    %dma_wait3A_499 = tpu.memref_slice %arg9[%dma_wait3A_488, %dma_wait3A_489, %dma_wait3A_497, %dma_wait3A_498] : memref<2x8x128x32xf32, #tpu.memory_space<vmem>> -> memref<1x1x128x32xf32, #tpu.memory_space<vmem>>
    %dma_wait3A_500 = tpu.memref_squeeze %dma_wait3A_499 : memref<1x1x128x32xf32, #tpu.memory_space<vmem>> -> memref<128x32xf32, #tpu.memory_space<vmem>>
    %dma_wait3A_501 = arith.constant 0 : i32
    %dma_wait3A_502 = arith.constant 0 : i32
    %dma_wait3A_503 = tpu.memref_slice %arg2[%dma_wait3A_501, %dma_wait3A_502] : memref<40000x32xf32, #tpu.memory_space<hbm>> -> memref<128x32xf32, #tpu.memory_space<hbm>>
    tpu.wait_dma2 semaphore(%arg12 : memref<!tpu.dma_semaphore, #tpu.memory_space<semaphore_mem>>) src(%dma_wait3A_503 : memref<128x32xf32, #tpu.memory_space<hbm>>) dst(%dma_wait3A_500 : memref<128x32xf32, #tpu.memory_space<vmem>>)
    %barrier3A_504 = arith.constant 0 : index
    tpu.barrier barrier_id(%barrier3A_504)
    %mul3A_505 = arith.constant 632 : i32
    %mul3A_506 = arith.muli %arg1, %mul3A_505 : i32
    %mul3A_507 = arith.constant 10112 : i32
    %mul3A_508 = arith.muli %add3A_257, %mul3A_507 : i32
    %mul3A_509 = arith.constant 632 : i32
    %mul3A_510 = arith.muli %arg1, %mul3A_509 : i32
    %add3A_511 = arith.addi %mul3A_508, %mul3A_510 : i32
    "tpu.region"() ({
      %run_scoped3A = tpu.sem_alloc : memref<!tpu.dma_semaphore, #tpu.memory_space<semaphore_mem>>
      %dma_start3A_512 = arith.constant 0 : i32
      %dma_start3A_513 = tpu.memref_slice %arg6[%add3A_511, %dma_start3A_512] : memref<40448x32xf32, #tpu.memory_space<hbm>> -> memref<632x32xf32, #tpu.memory_space<hbm>>
      %dma_start3A_514 = arith.constant 0 : i32
      %dma_start3A_515 = tpu.memref_slice %arg10[%mul3A_506, %dma_start3A_514] : memref<10112x32xf32, #tpu.memory_space<vmem_shared>> -> memref<632x32xf32, #tpu.memory_space<vmem_shared>>
      tpu.enqueue_dma source(%dma_start3A_515 : memref<632x32xf32, #tpu.memory_space<vmem_shared>>) target(%dma_start3A_513 : memref<632x32xf32, #tpu.memory_space<hbm>>) target_semaphore(%run_scoped3A : memref<!tpu.dma_semaphore, #tpu.memory_space<semaphore_mem>>)
      %dma_wait3A_516 = arith.constant 0 : i32
      %dma_wait3A_517 = tpu.memref_slice %arg6[%add3A_511, %dma_wait3A_516] : memref<40448x32xf32, #tpu.memory_space<hbm>> -> memref<632x32xf32, #tpu.memory_space<hbm>>
      %dma_wait3A_518 = arith.constant 0 : i32
      %dma_wait3A_519 = tpu.memref_slice %arg10[%mul3A_506, %dma_wait3A_518] : memref<10112x32xf32, #tpu.memory_space<vmem_shared>> -> memref<632x32xf32, #tpu.memory_space<vmem_shared>>
      tpu.wait_dma2 semaphore(%run_scoped3A : memref<!tpu.dma_semaphore, #tpu.memory_space<semaphore_mem>>) src(%dma_wait3A_519 : memref<632x32xf32, #tpu.memory_space<vmem_shared>>) dst(%dma_wait3A_517 : memref<632x32xf32, #tpu.memory_space<hbm>>)
      tpu.yield
    }) : () -> ()
    return
  }
}

#map = affine_map<(d0, d1) -> (0, 0)>
module attributes {stable_mosaic.version = 14 : i64} {
  func.func @_sc_agg32(%arg0: i32, %arg1: i32, %arg2: memref<10112x32xf32, #tpu.memory_space<hbm>>, %arg3: memref<2560x128xi32, #tpu.memory_space<hbm>>, %arg4: memref<2560x128xi32, #tpu.memory_space<hbm>>, %arg5: memref<632x32xf32, #tpu.memory_space<hbm>>, %arg6: memref<20224x32xf32, #tpu.memory_space<hbm>>, %arg7: memref<80x128xi32, #tpu.memory_space<vmem>>, %arg8: memref<80x128xi32, #tpu.memory_space<vmem>>, %arg9: memref<2x8x128x32xf32, #tpu.memory_space<vmem>>, %arg10: memref<10112x32xf32, #tpu.memory_space<vmem_shared>>, %arg11: memref<!tpu.dma_semaphore, #tpu.memory_space<semaphore_mem>>, %arg12: memref<!tpu.dma_semaphore, #tpu.memory_space<semaphore_mem>>) attributes {dimension_semantics = [#tpu.dimension_semantics<core_parallel>, #tpu.dimension_semantics<subcore_parallel>], iteration_bounds = array<i64: 2, 16>, scalar_prefetch = 0 : i64, scratch_operands = 6 : i64, tpu.core_type = #tpu.core_type<sc_vector_subcore>, window_params = [{transform_indices = #map}, {transform_indices = #map}, {transform_indices = #map}, {transform_indices = #map}, {transform_indices = #map}]} {
    %mul3A = arith.constant 16 : i32
    %mul3A_0 = arith.muli %arg0, %mul3A : i32
    %add3A = arith.addi %mul3A_0, %arg1 : i32
    %mul3A_1 = arith.constant 632 : i32
    %mul3A_2 = arith.muli %arg1, %mul3A_1 : i32
    "tpu.region"() ({
      %run_scoped3A = tpu.sem_alloc : memref<!tpu.dma_semaphore, #tpu.memory_space<semaphore_mem>>
      %dma_start3A_250 = arith.constant 0 : i32
      %dma_start3A_251 = tpu.memref_slice %arg10[%mul3A_2, %dma_start3A_250] : memref<10112x32xf32, #tpu.memory_space<vmem_shared>> -> memref<632x32xf32, #tpu.memory_space<vmem_shared>>
      tpu.enqueue_dma source(%arg5 : memref<632x32xf32, #tpu.memory_space<hbm>>) target(%dma_start3A_251 : memref<632x32xf32, #tpu.memory_space<vmem_shared>>) target_semaphore(%run_scoped3A : memref<!tpu.dma_semaphore, #tpu.memory_space<semaphore_mem>>)
      %dma_wait3A_252 = arith.constant 0 : i32
      %dma_wait3A_253 = tpu.memref_slice %arg10[%mul3A_2, %dma_wait3A_252] : memref<10112x32xf32, #tpu.memory_space<vmem_shared>> -> memref<632x32xf32, #tpu.memory_space<vmem_shared>>
      tpu.wait_dma2 semaphore(%run_scoped3A : memref<!tpu.dma_semaphore, #tpu.memory_space<semaphore_mem>>) src(%arg5 : memref<632x32xf32, #tpu.memory_space<hbm>>) dst(%dma_wait3A_253 : memref<632x32xf32, #tpu.memory_space<vmem_shared>>)
      tpu.yield
    }) : () -> ()
    %mul3A_3 = arith.constant 80 : i32
    %mul3A_4 = arith.muli %add3A, %mul3A_3 : i32
    "tpu.region"() ({
      %run_scoped3A = tpu.sem_alloc : memref<!tpu.dma_semaphore, #tpu.memory_space<semaphore_mem>>
      %dma_start3A_250 = arith.constant 0 : i32
      %dma_start3A_251 = tpu.memref_slice %arg3[%mul3A_4, %dma_start3A_250] : memref<2560x128xi32, #tpu.memory_space<hbm>> -> memref<80x128xi32, #tpu.memory_space<hbm>>
      %dma_start3A_252 = arith.constant 0 : i32
      %dma_start3A_253 = tpu.memref_slice %arg3[%mul3A_4, %dma_start3A_252] : memref<2560x128xi32, #tpu.memory_space<hbm>> -> memref<80x128xi32, #tpu.memory_space<hbm>>
      tpu.enqueue_dma source(%dma_start3A_253 : memref<80x128xi32, #tpu.memory_space<hbm>>) target(%arg7 : memref<80x128xi32, #tpu.memory_space<vmem>>) target_semaphore(%run_scoped3A : memref<!tpu.dma_semaphore, #tpu.memory_space<semaphore_mem>>)
      %dma_wait3A_254 = arith.constant 0 : i32
      %dma_wait3A_255 = tpu.memref_slice %arg3[%mul3A_4, %dma_wait3A_254] : memref<2560x128xi32, #tpu.memory_space<hbm>> -> memref<80x128xi32, #tpu.memory_space<hbm>>
      %dma_wait3A_256 = arith.constant 0 : i32
      %dma_wait3A_257 = tpu.memref_slice %arg3[%mul3A_4, %dma_wait3A_256] : memref<2560x128xi32, #tpu.memory_space<hbm>> -> memref<80x128xi32, #tpu.memory_space<hbm>>
      tpu.wait_dma2 semaphore(%run_scoped3A : memref<!tpu.dma_semaphore, #tpu.memory_space<semaphore_mem>>) src(%dma_wait3A_257 : memref<80x128xi32, #tpu.memory_space<hbm>>) dst(%arg7 : memref<80x128xi32, #tpu.memory_space<vmem>>)
      tpu.yield
    }) : () -> ()
    %mul3A_5 = arith.constant 80 : i32
    %mul3A_6 = arith.muli %add3A, %mul3A_5 : i32
    "tpu.region"() ({
      %run_scoped3A = tpu.sem_alloc : memref<!tpu.dma_semaphore, #tpu.memory_space<semaphore_mem>>
      %dma_start3A_250 = arith.constant 0 : i32
      %dma_start3A_251 = tpu.memref_slice %arg4[%mul3A_6, %dma_start3A_250] : memref<2560x128xi32, #tpu.memory_space<hbm>> -> memref<80x128xi32, #tpu.memory_space<hbm>>
      %dma_start3A_252 = arith.constant 0 : i32
      %dma_start3A_253 = tpu.memref_slice %arg4[%mul3A_6, %dma_start3A_252] : memref<2560x128xi32, #tpu.memory_space<hbm>> -> memref<80x128xi32, #tpu.memory_space<hbm>>
      tpu.enqueue_dma source(%dma_start3A_253 : memref<80x128xi32, #tpu.memory_space<hbm>>) target(%arg8 : memref<80x128xi32, #tpu.memory_space<vmem>>) target_semaphore(%run_scoped3A : memref<!tpu.dma_semaphore, #tpu.memory_space<semaphore_mem>>)
      %dma_wait3A_254 = arith.constant 0 : i32
      %dma_wait3A_255 = tpu.memref_slice %arg4[%mul3A_6, %dma_wait3A_254] : memref<2560x128xi32, #tpu.memory_space<hbm>> -> memref<80x128xi32, #tpu.memory_space<hbm>>
      %dma_wait3A_256 = arith.constant 0 : i32
      %dma_wait3A_257 = tpu.memref_slice %arg4[%mul3A_6, %dma_wait3A_256] : memref<2560x128xi32, #tpu.memory_space<hbm>> -> memref<80x128xi32, #tpu.memory_space<hbm>>
      tpu.wait_dma2 semaphore(%run_scoped3A : memref<!tpu.dma_semaphore, #tpu.memory_space<semaphore_mem>>) src(%dma_wait3A_257 : memref<80x128xi32, #tpu.memory_space<hbm>>) dst(%arg8 : memref<80x128xi32, #tpu.memory_space<vmem>>)
      tpu.yield
    }) : () -> ()
    %barrier3A = arith.constant 0 : index
    tpu.barrier barrier_id(%barrier3A)
    %dma_start3A = arith.constant 0 : i32
    %dma_start3A_7 = arith.constant 0 : i32
    %dma_start3A_8 = arith.constant 0 : i32
    %dma_start3A_9 = arith.constant 0 : i32
    %dma_start3A_10 = arith.constant 0 : i32
    %dma_start3A_11 = tpu.memref_slice %arg9[%dma_start3A_7, %dma_start3A_8, %dma_start3A_9, %dma_start3A_10] : memref<2x8x128x32xf32, #tpu.memory_space<vmem>> -> memref<1x1x128x32xf32, #tpu.memory_space<vmem>>
    %dma_start3A_12 = tpu.memref_squeeze %dma_start3A_11 : memref<1x1x128x32xf32, #tpu.memory_space<vmem>> -> memref<128x32xf32, #tpu.memory_space<vmem>>
    %dma_start3A_13 = arith.constant 0 : i32
    %dma_start3A_14 = tpu.memref_slice %arg7[%dma_start3A, %dma_start3A_13] : memref<80x128xi32, #tpu.memory_space<vmem>> -> memref<1x128xi32, #tpu.memory_space<vmem>>
    %dma_start3A_15 = tpu.memref_squeeze %dma_start3A_14 : memref<1x128xi32, #tpu.memory_space<vmem>> -> memref<128xi32, #tpu.memory_space<vmem>>
    %dma_start3A_16 = arith.constant 0 : i32
    %dma_start3A_17 = arith.constant 0 : i32
    %dma_start3A_18 = tpu.memref_slice %arg2[%dma_start3A_16, %dma_start3A_17] : memref<10112x32xf32, #tpu.memory_space<hbm>> -> memref<10112x32xf32, #tpu.memory_space<hbm>>
    tpu.enqueue_indirect_dma source(%dma_start3A_18 : memref<10112x32xf32, #tpu.memory_space<hbm>>) target(%dma_start3A_12 : memref<128x32xf32, #tpu.memory_space<vmem>>) offsets(%dma_start3A_15 : memref<128xi32, #tpu.memory_space<vmem>>) semaphore(%arg11 : memref<!tpu.dma_semaphore, #tpu.memory_space<semaphore_mem>>)
    %dma_start3A_19 = arith.constant 1 : i32
    %dma_start3A_20 = arith.constant 0 : i32
    %dma_start3A_21 = arith.constant 1 : i32
    %dma_start3A_22 = arith.constant 0 : i32
    %dma_start3A_23 = arith.constant 0 : i32
    %dma_start3A_24 = tpu.memref_slice %arg9[%dma_start3A_20, %dma_start3A_21, %dma_start3A_22, %dma_start3A_23] : memref<2x8x128x32xf32, #tpu.memory_space<vmem>> -> memref<1x1x128x32xf32, #tpu.memory_space<vmem>>
    %dma_start3A_25 = tpu.memref_squeeze %dma_start3A_24 : memref<1x1x128x32xf32, #tpu.memory_space<vmem>> -> memref<128x32xf32, #tpu.memory_space<vmem>>
    %dma_start3A_26 = arith.constant 0 : i32
    %dma_start3A_27 = tpu.memref_slice %arg7[%dma_start3A_19, %dma_start3A_26] : memref<80x128xi32, #tpu.memory_space<vmem>> -> memref<1x128xi32, #tpu.memory_space<vmem>>
    %dma_start3A_28 = tpu.memref_squeeze %dma_start3A_27 : memref<1x128xi32, #tpu.memory_space<vmem>> -> memref<128xi32, #tpu.memory_space<vmem>>
    %dma_start3A_29 = arith.constant 0 : i32
    %dma_start3A_30 = arith.constant 0 : i32
    %dma_start3A_31 = tpu.memref_slice %arg2[%dma_start3A_29, %dma_start3A_30] : memref<10112x32xf32, #tpu.memory_space<hbm>> -> memref<10112x32xf32, #tpu.memory_space<hbm>>
    tpu.enqueue_indirect_dma source(%dma_start3A_31 : memref<10112x32xf32, #tpu.memory_space<hbm>>) target(%dma_start3A_25 : memref<128x32xf32, #tpu.memory_space<vmem>>) offsets(%dma_start3A_28 : memref<128xi32, #tpu.memory_space<vmem>>) semaphore(%arg11 : memref<!tpu.dma_semaphore, #tpu.memory_space<semaphore_mem>>)
    %dma_start3A_32 = arith.constant 2 : i32
    %dma_start3A_33 = arith.constant 0 : i32
    %dma_start3A_34 = arith.constant 2 : i32
    %dma_start3A_35 = arith.constant 0 : i32
    %dma_start3A_36 = arith.constant 0 : i32
    %dma_start3A_37 = tpu.memref_slice %arg9[%dma_start3A_33, %dma_start3A_34, %dma_start3A_35, %dma_start3A_36] : memref<2x8x128x32xf32, #tpu.memory_space<vmem>> -> memref<1x1x128x32xf32, #tpu.memory_space<vmem>>
    %dma_start3A_38 = tpu.memref_squeeze %dma_start3A_37 : memref<1x1x128x32xf32, #tpu.memory_space<vmem>> -> memref<128x32xf32, #tpu.memory_space<vmem>>
    %dma_start3A_39 = arith.constant 0 : i32
    %dma_start3A_40 = tpu.memref_slice %arg7[%dma_start3A_32, %dma_start3A_39] : memref<80x128xi32, #tpu.memory_space<vmem>> -> memref<1x128xi32, #tpu.memory_space<vmem>>
    %dma_start3A_41 = tpu.memref_squeeze %dma_start3A_40 : memref<1x128xi32, #tpu.memory_space<vmem>> -> memref<128xi32, #tpu.memory_space<vmem>>
    %dma_start3A_42 = arith.constant 0 : i32
    %dma_start3A_43 = arith.constant 0 : i32
    %dma_start3A_44 = tpu.memref_slice %arg2[%dma_start3A_42, %dma_start3A_43] : memref<10112x32xf32, #tpu.memory_space<hbm>> -> memref<10112x32xf32, #tpu.memory_space<hbm>>
    tpu.enqueue_indirect_dma source(%dma_start3A_44 : memref<10112x32xf32, #tpu.memory_space<hbm>>) target(%dma_start3A_38 : memref<128x32xf32, #tpu.memory_space<vmem>>) offsets(%dma_start3A_41 : memref<128xi32, #tpu.memory_space<vmem>>) semaphore(%arg11 : memref<!tpu.dma_semaphore, #tpu.memory_space<semaphore_mem>>)
    %dma_start3A_45 = arith.constant 3 : i32
    %dma_start3A_46 = arith.constant 0 : i32
    %dma_start3A_47 = arith.constant 3 : i32
    %dma_start3A_48 = arith.constant 0 : i32
    %dma_start3A_49 = arith.constant 0 : i32
    %dma_start3A_50 = tpu.memref_slice %arg9[%dma_start3A_46, %dma_start3A_47, %dma_start3A_48, %dma_start3A_49] : memref<2x8x128x32xf32, #tpu.memory_space<vmem>> -> memref<1x1x128x32xf32, #tpu.memory_space<vmem>>
    %dma_start3A_51 = tpu.memref_squeeze %dma_start3A_50 : memref<1x1x128x32xf32, #tpu.memory_space<vmem>> -> memref<128x32xf32, #tpu.memory_space<vmem>>
    %dma_start3A_52 = arith.constant 0 : i32
    %dma_start3A_53 = tpu.memref_slice %arg7[%dma_start3A_45, %dma_start3A_52] : memref<80x128xi32, #tpu.memory_space<vmem>> -> memref<1x128xi32, #tpu.memory_space<vmem>>
    %dma_start3A_54 = tpu.memref_squeeze %dma_start3A_53 : memref<1x128xi32, #tpu.memory_space<vmem>> -> memref<128xi32, #tpu.memory_space<vmem>>
    %dma_start3A_55 = arith.constant 0 : i32
    %dma_start3A_56 = arith.constant 0 : i32
    %dma_start3A_57 = tpu.memref_slice %arg2[%dma_start3A_55, %dma_start3A_56] : memref<10112x32xf32, #tpu.memory_space<hbm>> -> memref<10112x32xf32, #tpu.memory_space<hbm>>
    tpu.enqueue_indirect_dma source(%dma_start3A_57 : memref<10112x32xf32, #tpu.memory_space<hbm>>) target(%dma_start3A_51 : memref<128x32xf32, #tpu.memory_space<vmem>>) offsets(%dma_start3A_54 : memref<128xi32, #tpu.memory_space<vmem>>) semaphore(%arg11 : memref<!tpu.dma_semaphore, #tpu.memory_space<semaphore_mem>>)
    %dma_start3A_58 = arith.constant 4 : i32
    %dma_start3A_59 = arith.constant 0 : i32
    %dma_start3A_60 = arith.constant 4 : i32
    %dma_start3A_61 = arith.constant 0 : i32
    %dma_start3A_62 = arith.constant 0 : i32
    %dma_start3A_63 = tpu.memref_slice %arg9[%dma_start3A_59, %dma_start3A_60, %dma_start3A_61, %dma_start3A_62] : memref<2x8x128x32xf32, #tpu.memory_space<vmem>> -> memref<1x1x128x32xf32, #tpu.memory_space<vmem>>
    %dma_start3A_64 = tpu.memref_squeeze %dma_start3A_63 : memref<1x1x128x32xf32, #tpu.memory_space<vmem>> -> memref<128x32xf32, #tpu.memory_space<vmem>>
    %dma_start3A_65 = arith.constant 0 : i32
    %dma_start3A_66 = tpu.memref_slice %arg7[%dma_start3A_58, %dma_start3A_65] : memref<80x128xi32, #tpu.memory_space<vmem>> -> memref<1x128xi32, #tpu.memory_space<vmem>>
    %dma_start3A_67 = tpu.memref_squeeze %dma_start3A_66 : memref<1x128xi32, #tpu.memory_space<vmem>> -> memref<128xi32, #tpu.memory_space<vmem>>
    %dma_start3A_68 = arith.constant 0 : i32
    %dma_start3A_69 = arith.constant 0 : i32
    %dma_start3A_70 = tpu.memref_slice %arg2[%dma_start3A_68, %dma_start3A_69] : memref<10112x32xf32, #tpu.memory_space<hbm>> -> memref<10112x32xf32, #tpu.memory_space<hbm>>
    tpu.enqueue_indirect_dma source(%dma_start3A_70 : memref<10112x32xf32, #tpu.memory_space<hbm>>) target(%dma_start3A_64 : memref<128x32xf32, #tpu.memory_space<vmem>>) offsets(%dma_start3A_67 : memref<128xi32, #tpu.memory_space<vmem>>) semaphore(%arg11 : memref<!tpu.dma_semaphore, #tpu.memory_space<semaphore_mem>>)
    %dma_start3A_71 = arith.constant 5 : i32
    %dma_start3A_72 = arith.constant 0 : i32
    %dma_start3A_73 = arith.constant 5 : i32
    %dma_start3A_74 = arith.constant 0 : i32
    %dma_start3A_75 = arith.constant 0 : i32
    %dma_start3A_76 = tpu.memref_slice %arg9[%dma_start3A_72, %dma_start3A_73, %dma_start3A_74, %dma_start3A_75] : memref<2x8x128x32xf32, #tpu.memory_space<vmem>> -> memref<1x1x128x32xf32, #tpu.memory_space<vmem>>
    %dma_start3A_77 = tpu.memref_squeeze %dma_start3A_76 : memref<1x1x128x32xf32, #tpu.memory_space<vmem>> -> memref<128x32xf32, #tpu.memory_space<vmem>>
    %dma_start3A_78 = arith.constant 0 : i32
    %dma_start3A_79 = tpu.memref_slice %arg7[%dma_start3A_71, %dma_start3A_78] : memref<80x128xi32, #tpu.memory_space<vmem>> -> memref<1x128xi32, #tpu.memory_space<vmem>>
    %dma_start3A_80 = tpu.memref_squeeze %dma_start3A_79 : memref<1x128xi32, #tpu.memory_space<vmem>> -> memref<128xi32, #tpu.memory_space<vmem>>
    %dma_start3A_81 = arith.constant 0 : i32
    %dma_start3A_82 = arith.constant 0 : i32
    %dma_start3A_83 = tpu.memref_slice %arg2[%dma_start3A_81, %dma_start3A_82] : memref<10112x32xf32, #tpu.memory_space<hbm>> -> memref<10112x32xf32, #tpu.memory_space<hbm>>
    tpu.enqueue_indirect_dma source(%dma_start3A_83 : memref<10112x32xf32, #tpu.memory_space<hbm>>) target(%dma_start3A_77 : memref<128x32xf32, #tpu.memory_space<vmem>>) offsets(%dma_start3A_80 : memref<128xi32, #tpu.memory_space<vmem>>) semaphore(%arg11 : memref<!tpu.dma_semaphore, #tpu.memory_space<semaphore_mem>>)
    %dma_start3A_84 = arith.constant 6 : i32
    %dma_start3A_85 = arith.constant 0 : i32
    %dma_start3A_86 = arith.constant 6 : i32
    %dma_start3A_87 = arith.constant 0 : i32
    %dma_start3A_88 = arith.constant 0 : i32
    %dma_start3A_89 = tpu.memref_slice %arg9[%dma_start3A_85, %dma_start3A_86, %dma_start3A_87, %dma_start3A_88] : memref<2x8x128x32xf32, #tpu.memory_space<vmem>> -> memref<1x1x128x32xf32, #tpu.memory_space<vmem>>
    %dma_start3A_90 = tpu.memref_squeeze %dma_start3A_89 : memref<1x1x128x32xf32, #tpu.memory_space<vmem>> -> memref<128x32xf32, #tpu.memory_space<vmem>>
    %dma_start3A_91 = arith.constant 0 : i32
    %dma_start3A_92 = tpu.memref_slice %arg7[%dma_start3A_84, %dma_start3A_91] : memref<80x128xi32, #tpu.memory_space<vmem>> -> memref<1x128xi32, #tpu.memory_space<vmem>>
    %dma_start3A_93 = tpu.memref_squeeze %dma_start3A_92 : memref<1x128xi32, #tpu.memory_space<vmem>> -> memref<128xi32, #tpu.memory_space<vmem>>
    %dma_start3A_94 = arith.constant 0 : i32
    %dma_start3A_95 = arith.constant 0 : i32
    %dma_start3A_96 = tpu.memref_slice %arg2[%dma_start3A_94, %dma_start3A_95] : memref<10112x32xf32, #tpu.memory_space<hbm>> -> memref<10112x32xf32, #tpu.memory_space<hbm>>
    tpu.enqueue_indirect_dma source(%dma_start3A_96 : memref<10112x32xf32, #tpu.memory_space<hbm>>) target(%dma_start3A_90 : memref<128x32xf32, #tpu.memory_space<vmem>>) offsets(%dma_start3A_93 : memref<128xi32, #tpu.memory_space<vmem>>) semaphore(%arg11 : memref<!tpu.dma_semaphore, #tpu.memory_space<semaphore_mem>>)
    %dma_start3A_97 = arith.constant 7 : i32
    %dma_start3A_98 = arith.constant 0 : i32
    %dma_start3A_99 = arith.constant 7 : i32
    %dma_start3A_100 = arith.constant 0 : i32
    %dma_start3A_101 = arith.constant 0 : i32
    %dma_start3A_102 = tpu.memref_slice %arg9[%dma_start3A_98, %dma_start3A_99, %dma_start3A_100, %dma_start3A_101] : memref<2x8x128x32xf32, #tpu.memory_space<vmem>> -> memref<1x1x128x32xf32, #tpu.memory_space<vmem>>
    %dma_start3A_103 = tpu.memref_squeeze %dma_start3A_102 : memref<1x1x128x32xf32, #tpu.memory_space<vmem>> -> memref<128x32xf32, #tpu.memory_space<vmem>>
    %dma_start3A_104 = arith.constant 0 : i32
    %dma_start3A_105 = tpu.memref_slice %arg7[%dma_start3A_97, %dma_start3A_104] : memref<80x128xi32, #tpu.memory_space<vmem>> -> memref<1x128xi32, #tpu.memory_space<vmem>>
    %dma_start3A_106 = tpu.memref_squeeze %dma_start3A_105 : memref<1x128xi32, #tpu.memory_space<vmem>> -> memref<128xi32, #tpu.memory_space<vmem>>
    %dma_start3A_107 = arith.constant 0 : i32
    %dma_start3A_108 = arith.constant 0 : i32
    %dma_start3A_109 = tpu.memref_slice %arg2[%dma_start3A_107, %dma_start3A_108] : memref<10112x32xf32, #tpu.memory_space<hbm>> -> memref<10112x32xf32, #tpu.memory_space<hbm>>
    tpu.enqueue_indirect_dma source(%dma_start3A_109 : memref<10112x32xf32, #tpu.memory_space<hbm>>) target(%dma_start3A_103 : memref<128x32xf32, #tpu.memory_space<vmem>>) offsets(%dma_start3A_106 : memref<128xi32, #tpu.memory_space<vmem>>) semaphore(%arg11 : memref<!tpu.dma_semaphore, #tpu.memory_space<semaphore_mem>>)
    %scan3A = arith.constant 0 : i32
    %scan3A_110 = arith.constant 0 : i32
    %scan3A_111 = arith.constant 10 : i32
    %scan3A_112 = arith.addi %scan3A_110, %scan3A_111 : i32
    %scan3A_113 = arith.constant 1 : i32
    scf.for %scan3A_250 = %scan3A_110 to %scan3A_112 step %scan3A_113  : i32 {
      %rem3A = arith.constant 2 : i32
      %rem3A_251 = arith.remsi %scan3A_250, %rem3A : i32
      %sub3A = arith.constant 1 : i32
      %sub3A_252 = arith.subi %sub3A, %rem3A_251 : i32
      %dma_wait3A_253 = arith.constant 0 : i32
      %dma_wait3A_254 = arith.constant 0 : i32
      %dma_wait3A_255 = arith.constant 0 : i32
      %dma_wait3A_256 = tpu.memref_slice %arg9[%rem3A_251, %dma_wait3A_253, %dma_wait3A_254, %dma_wait3A_255] : memref<2x8x128x32xf32, #tpu.memory_space<vmem>> -> memref<1x1x128x32xf32, #tpu.memory_space<vmem>>
      %dma_wait3A_257 = tpu.memref_squeeze %dma_wait3A_256 : memref<1x1x128x32xf32, #tpu.memory_space<vmem>> -> memref<128x32xf32, #tpu.memory_space<vmem>>
      %dma_wait3A_258 = arith.constant 0 : i32
      %dma_wait3A_259 = arith.constant 0 : i32
      %dma_wait3A_260 = tpu.memref_slice %arg2[%dma_wait3A_258, %dma_wait3A_259] : memref<10112x32xf32, #tpu.memory_space<hbm>> -> memref<128x32xf32, #tpu.memory_space<hbm>>
      %dma_wait3A_261 = arith.constant 0 : i32
      %dma_wait3A_262 = arith.constant 0 : i32
      %dma_wait3A_263 = tpu.memref_slice %arg9[%rem3A_251, %dma_wait3A_253, %dma_wait3A_261, %dma_wait3A_262] : memref<2x8x128x32xf32, #tpu.memory_space<vmem>> -> memref<1x1x128x32xf32, #tpu.memory_space<vmem>>
      %dma_wait3A_264 = tpu.memref_squeeze %dma_wait3A_263 : memref<1x1x128x32xf32, #tpu.memory_space<vmem>> -> memref<128x32xf32, #tpu.memory_space<vmem>>
      %dma_wait3A_265 = arith.constant 0 : i32
      %dma_wait3A_266 = arith.constant 0 : i32
      %dma_wait3A_267 = tpu.memref_slice %arg2[%dma_wait3A_265, %dma_wait3A_266] : memref<10112x32xf32, #tpu.memory_space<hbm>> -> memref<128x32xf32, #tpu.memory_space<hbm>>
      tpu.wait_dma2 semaphore(%arg11 : memref<!tpu.dma_semaphore, #tpu.memory_space<semaphore_mem>>) src(%dma_wait3A_267 : memref<128x32xf32, #tpu.memory_space<hbm>>) dst(%dma_wait3A_264 : memref<128x32xf32, #tpu.memory_space<vmem>>)
      %dma_wait3A_268 = arith.constant 1 : i32
      %dma_wait3A_269 = arith.constant 0 : i32
      %dma_wait3A_270 = arith.constant 0 : i32
      %dma_wait3A_271 = tpu.memref_slice %arg9[%rem3A_251, %dma_wait3A_268, %dma_wait3A_269, %dma_wait3A_270] : memref<2x8x128x32xf32, #tpu.memory_space<vmem>> -> memref<1x1x128x32xf32, #tpu.memory_space<vmem>>
      %dma_wait3A_272 = tpu.memref_squeeze %dma_wait3A_271 : memref<1x1x128x32xf32, #tpu.memory_space<vmem>> -> memref<128x32xf32, #tpu.memory_space<vmem>>
      %dma_wait3A_273 = arith.constant 0 : i32
      %dma_wait3A_274 = arith.constant 0 : i32
      %dma_wait3A_275 = tpu.memref_slice %arg2[%dma_wait3A_273, %dma_wait3A_274] : memref<10112x32xf32, #tpu.memory_space<hbm>> -> memref<128x32xf32, #tpu.memory_space<hbm>>
      %dma_wait3A_276 = arith.constant 0 : i32
      %dma_wait3A_277 = arith.constant 0 : i32
      %dma_wait3A_278 = tpu.memref_slice %arg9[%rem3A_251, %dma_wait3A_268, %dma_wait3A_276, %dma_wait3A_277] : memref<2x8x128x32xf32, #tpu.memory_space<vmem>> -> memref<1x1x128x32xf32, #tpu.memory_space<vmem>>
      %dma_wait3A_279 = tpu.memref_squeeze %dma_wait3A_278 : memref<1x1x128x32xf32, #tpu.memory_space<vmem>> -> memref<128x32xf32, #tpu.memory_space<vmem>>
      %dma_wait3A_280 = arith.constant 0 : i32
      %dma_wait3A_281 = arith.constant 0 : i32
      %dma_wait3A_282 = tpu.memref_slice %arg2[%dma_wait3A_280, %dma_wait3A_281] : memref<10112x32xf32, #tpu.memory_space<hbm>> -> memref<128x32xf32, #tpu.memory_space<hbm>>
      tpu.wait_dma2 semaphore(%arg11 : memref<!tpu.dma_semaphore, #tpu.memory_space<semaphore_mem>>) src(%dma_wait3A_282 : memref<128x32xf32, #tpu.memory_space<hbm>>) dst(%dma_wait3A_279 : memref<128x32xf32, #tpu.memory_space<vmem>>)
      %dma_wait3A_283 = arith.constant 2 : i32
      %dma_wait3A_284 = arith.constant 0 : i32
      %dma_wait3A_285 = arith.constant 0 : i32
      %dma_wait3A_286 = tpu.memref_slice %arg9[%rem3A_251, %dma_wait3A_283, %dma_wait3A_284, %dma_wait3A_285] : memref<2x8x128x32xf32, #tpu.memory_space<vmem>> -> memref<1x1x128x32xf32, #tpu.memory_space<vmem>>
      %dma_wait3A_287 = tpu.memref_squeeze %dma_wait3A_286 : memref<1x1x128x32xf32, #tpu.memory_space<vmem>> -> memref<128x32xf32, #tpu.memory_space<vmem>>
      %dma_wait3A_288 = arith.constant 0 : i32
      %dma_wait3A_289 = arith.constant 0 : i32
      %dma_wait3A_290 = tpu.memref_slice %arg2[%dma_wait3A_288, %dma_wait3A_289] : memref<10112x32xf32, #tpu.memory_space<hbm>> -> memref<128x32xf32, #tpu.memory_space<hbm>>
      %dma_wait3A_291 = arith.constant 0 : i32
      %dma_wait3A_292 = arith.constant 0 : i32
      %dma_wait3A_293 = tpu.memref_slice %arg9[%rem3A_251, %dma_wait3A_283, %dma_wait3A_291, %dma_wait3A_292] : memref<2x8x128x32xf32, #tpu.memory_space<vmem>> -> memref<1x1x128x32xf32, #tpu.memory_space<vmem>>
      %dma_wait3A_294 = tpu.memref_squeeze %dma_wait3A_293 : memref<1x1x128x32xf32, #tpu.memory_space<vmem>> -> memref<128x32xf32, #tpu.memory_space<vmem>>
      %dma_wait3A_295 = arith.constant 0 : i32
      %dma_wait3A_296 = arith.constant 0 : i32
      %dma_wait3A_297 = tpu.memref_slice %arg2[%dma_wait3A_295, %dma_wait3A_296] : memref<10112x32xf32, #tpu.memory_space<hbm>> -> memref<128x32xf32, #tpu.memory_space<hbm>>
      tpu.wait_dma2 semaphore(%arg11 : memref<!tpu.dma_semaphore, #tpu.memory_space<semaphore_mem>>) src(%dma_wait3A_297 : memref<128x32xf32, #tpu.memory_space<hbm>>) dst(%dma_wait3A_294 : memref<128x32xf32, #tpu.memory_space<vmem>>)
      %dma_wait3A_298 = arith.constant 3 : i32
      %dma_wait3A_299 = arith.constant 0 : i32
      %dma_wait3A_300 = arith.constant 0 : i32
      %dma_wait3A_301 = tpu.memref_slice %arg9[%rem3A_251, %dma_wait3A_298, %dma_wait3A_299, %dma_wait3A_300] : memref<2x8x128x32xf32, #tpu.memory_space<vmem>> -> memref<1x1x128x32xf32, #tpu.memory_space<vmem>>
      %dma_wait3A_302 = tpu.memref_squeeze %dma_wait3A_301 : memref<1x1x128x32xf32, #tpu.memory_space<vmem>> -> memref<128x32xf32, #tpu.memory_space<vmem>>
      %dma_wait3A_303 = arith.constant 0 : i32
      %dma_wait3A_304 = arith.constant 0 : i32
      %dma_wait3A_305 = tpu.memref_slice %arg2[%dma_wait3A_303, %dma_wait3A_304] : memref<10112x32xf32, #tpu.memory_space<hbm>> -> memref<128x32xf32, #tpu.memory_space<hbm>>
      %dma_wait3A_306 = arith.constant 0 : i32
      %dma_wait3A_307 = arith.constant 0 : i32
      %dma_wait3A_308 = tpu.memref_slice %arg9[%rem3A_251, %dma_wait3A_298, %dma_wait3A_306, %dma_wait3A_307] : memref<2x8x128x32xf32, #tpu.memory_space<vmem>> -> memref<1x1x128x32xf32, #tpu.memory_space<vmem>>
      %dma_wait3A_309 = tpu.memref_squeeze %dma_wait3A_308 : memref<1x1x128x32xf32, #tpu.memory_space<vmem>> -> memref<128x32xf32, #tpu.memory_space<vmem>>
      %dma_wait3A_310 = arith.constant 0 : i32
      %dma_wait3A_311 = arith.constant 0 : i32
      %dma_wait3A_312 = tpu.memref_slice %arg2[%dma_wait3A_310, %dma_wait3A_311] : memref<10112x32xf32, #tpu.memory_space<hbm>> -> memref<128x32xf32, #tpu.memory_space<hbm>>
      tpu.wait_dma2 semaphore(%arg11 : memref<!tpu.dma_semaphore, #tpu.memory_space<semaphore_mem>>) src(%dma_wait3A_312 : memref<128x32xf32, #tpu.memory_space<hbm>>) dst(%dma_wait3A_309 : memref<128x32xf32, #tpu.memory_space<vmem>>)
      %dma_wait3A_313 = arith.constant 4 : i32
      %dma_wait3A_314 = arith.constant 0 : i32
      %dma_wait3A_315 = arith.constant 0 : i32
      %dma_wait3A_316 = tpu.memref_slice %arg9[%rem3A_251, %dma_wait3A_313, %dma_wait3A_314, %dma_wait3A_315] : memref<2x8x128x32xf32, #tpu.memory_space<vmem>> -> memref<1x1x128x32xf32, #tpu.memory_space<vmem>>
      %dma_wait3A_317 = tpu.memref_squeeze %dma_wait3A_316 : memref<1x1x128x32xf32, #tpu.memory_space<vmem>> -> memref<128x32xf32, #tpu.memory_space<vmem>>
      %dma_wait3A_318 = arith.constant 0 : i32
      %dma_wait3A_319 = arith.constant 0 : i32
      %dma_wait3A_320 = tpu.memref_slice %arg2[%dma_wait3A_318, %dma_wait3A_319] : memref<10112x32xf32, #tpu.memory_space<hbm>> -> memref<128x32xf32, #tpu.memory_space<hbm>>
      %dma_wait3A_321 = arith.constant 0 : i32
      %dma_wait3A_322 = arith.constant 0 : i32
      %dma_wait3A_323 = tpu.memref_slice %arg9[%rem3A_251, %dma_wait3A_313, %dma_wait3A_321, %dma_wait3A_322] : memref<2x8x128x32xf32, #tpu.memory_space<vmem>> -> memref<1x1x128x32xf32, #tpu.memory_space<vmem>>
      %dma_wait3A_324 = tpu.memref_squeeze %dma_wait3A_323 : memref<1x1x128x32xf32, #tpu.memory_space<vmem>> -> memref<128x32xf32, #tpu.memory_space<vmem>>
      %dma_wait3A_325 = arith.constant 0 : i32
      %dma_wait3A_326 = arith.constant 0 : i32
      %dma_wait3A_327 = tpu.memref_slice %arg2[%dma_wait3A_325, %dma_wait3A_326] : memref<10112x32xf32, #tpu.memory_space<hbm>> -> memref<128x32xf32, #tpu.memory_space<hbm>>
      tpu.wait_dma2 semaphore(%arg11 : memref<!tpu.dma_semaphore, #tpu.memory_space<semaphore_mem>>) src(%dma_wait3A_327 : memref<128x32xf32, #tpu.memory_space<hbm>>) dst(%dma_wait3A_324 : memref<128x32xf32, #tpu.memory_space<vmem>>)
      %dma_wait3A_328 = arith.constant 5 : i32
      %dma_wait3A_329 = arith.constant 0 : i32
      %dma_wait3A_330 = arith.constant 0 : i32
      %dma_wait3A_331 = tpu.memref_slice %arg9[%rem3A_251, %dma_wait3A_328, %dma_wait3A_329, %dma_wait3A_330] : memref<2x8x128x32xf32, #tpu.memory_space<vmem>> -> memref<1x1x128x32xf32, #tpu.memory_space<vmem>>
      %dma_wait3A_332 = tpu.memref_squeeze %dma_wait3A_331 : memref<1x1x128x32xf32, #tpu.memory_space<vmem>> -> memref<128x32xf32, #tpu.memory_space<vmem>>
      %dma_wait3A_333 = arith.constant 0 : i32
      %dma_wait3A_334 = arith.constant 0 : i32
      %dma_wait3A_335 = tpu.memref_slice %arg2[%dma_wait3A_333, %dma_wait3A_334] : memref<10112x32xf32, #tpu.memory_space<hbm>> -> memref<128x32xf32, #tpu.memory_space<hbm>>
      %dma_wait3A_336 = arith.constant 0 : i32
      %dma_wait3A_337 = arith.constant 0 : i32
      %dma_wait3A_338 = tpu.memref_slice %arg9[%rem3A_251, %dma_wait3A_328, %dma_wait3A_336, %dma_wait3A_337] : memref<2x8x128x32xf32, #tpu.memory_space<vmem>> -> memref<1x1x128x32xf32, #tpu.memory_space<vmem>>
      %dma_wait3A_339 = tpu.memref_squeeze %dma_wait3A_338 : memref<1x1x128x32xf32, #tpu.memory_space<vmem>> -> memref<128x32xf32, #tpu.memory_space<vmem>>
      %dma_wait3A_340 = arith.constant 0 : i32
      %dma_wait3A_341 = arith.constant 0 : i32
      %dma_wait3A_342 = tpu.memref_slice %arg2[%dma_wait3A_340, %dma_wait3A_341] : memref<10112x32xf32, #tpu.memory_space<hbm>> -> memref<128x32xf32, #tpu.memory_space<hbm>>
      tpu.wait_dma2 semaphore(%arg11 : memref<!tpu.dma_semaphore, #tpu.memory_space<semaphore_mem>>) src(%dma_wait3A_342 : memref<128x32xf32, #tpu.memory_space<hbm>>) dst(%dma_wait3A_339 : memref<128x32xf32, #tpu.memory_space<vmem>>)
      %dma_wait3A_343 = arith.constant 6 : i32
      %dma_wait3A_344 = arith.constant 0 : i32
      %dma_wait3A_345 = arith.constant 0 : i32
      %dma_wait3A_346 = tpu.memref_slice %arg9[%rem3A_251, %dma_wait3A_343, %dma_wait3A_344, %dma_wait3A_345] : memref<2x8x128x32xf32, #tpu.memory_space<vmem>> -> memref<1x1x128x32xf32, #tpu.memory_space<vmem>>
      %dma_wait3A_347 = tpu.memref_squeeze %dma_wait3A_346 : memref<1x1x128x32xf32, #tpu.memory_space<vmem>> -> memref<128x32xf32, #tpu.memory_space<vmem>>
      %dma_wait3A_348 = arith.constant 0 : i32
      %dma_wait3A_349 = arith.constant 0 : i32
      %dma_wait3A_350 = tpu.memref_slice %arg2[%dma_wait3A_348, %dma_wait3A_349] : memref<10112x32xf32, #tpu.memory_space<hbm>> -> memref<128x32xf32, #tpu.memory_space<hbm>>
      %dma_wait3A_351 = arith.constant 0 : i32
      %dma_wait3A_352 = arith.constant 0 : i32
      %dma_wait3A_353 = tpu.memref_slice %arg9[%rem3A_251, %dma_wait3A_343, %dma_wait3A_351, %dma_wait3A_352] : memref<2x8x128x32xf32, #tpu.memory_space<vmem>> -> memref<1x1x128x32xf32, #tpu.memory_space<vmem>>
      %dma_wait3A_354 = tpu.memref_squeeze %dma_wait3A_353 : memref<1x1x128x32xf32, #tpu.memory_space<vmem>> -> memref<128x32xf32, #tpu.memory_space<vmem>>
      %dma_wait3A_355 = arith.constant 0 : i32
      %dma_wait3A_356 = arith.constant 0 : i32
      %dma_wait3A_357 = tpu.memref_slice %arg2[%dma_wait3A_355, %dma_wait3A_356] : memref<10112x32xf32, #tpu.memory_space<hbm>> -> memref<128x32xf32, #tpu.memory_space<hbm>>
      tpu.wait_dma2 semaphore(%arg11 : memref<!tpu.dma_semaphore, #tpu.memory_space<semaphore_mem>>) src(%dma_wait3A_357 : memref<128x32xf32, #tpu.memory_space<hbm>>) dst(%dma_wait3A_354 : memref<128x32xf32, #tpu.memory_space<vmem>>)
      %dma_wait3A_358 = arith.constant 7 : i32
      %dma_wait3A_359 = arith.constant 0 : i32
      %dma_wait3A_360 = arith.constant 0 : i32
      %dma_wait3A_361 = tpu.memref_slice %arg9[%rem3A_251, %dma_wait3A_358, %dma_wait3A_359, %dma_wait3A_360] : memref<2x8x128x32xf32, #tpu.memory_space<vmem>> -> memref<1x1x128x32xf32, #tpu.memory_space<vmem>>
      %dma_wait3A_362 = tpu.memref_squeeze %dma_wait3A_361 : memref<1x1x128x32xf32, #tpu.memory_space<vmem>> -> memref<128x32xf32, #tpu.memory_space<vmem>>
      %dma_wait3A_363 = arith.constant 0 : i32
      %dma_wait3A_364 = arith.constant 0 : i32
      %dma_wait3A_365 = tpu.memref_slice %arg2[%dma_wait3A_363, %dma_wait3A_364] : memref<10112x32xf32, #tpu.memory_space<hbm>> -> memref<128x32xf32, #tpu.memory_space<hbm>>
      %dma_wait3A_366 = arith.constant 0 : i32
      %dma_wait3A_367 = arith.constant 0 : i32
      %dma_wait3A_368 = tpu.memref_slice %arg9[%rem3A_251, %dma_wait3A_358, %dma_wait3A_366, %dma_wait3A_367] : memref<2x8x128x32xf32, #tpu.memory_space<vmem>> -> memref<1x1x128x32xf32, #tpu.memory_space<vmem>>
      %dma_wait3A_369 = tpu.memref_squeeze %dma_wait3A_368 : memref<1x1x128x32xf32, #tpu.memory_space<vmem>> -> memref<128x32xf32, #tpu.memory_space<vmem>>
      %dma_wait3A_370 = arith.constant 0 : i32
      %dma_wait3A_371 = arith.constant 0 : i32
      %dma_wait3A_372 = tpu.memref_slice %arg2[%dma_wait3A_370, %dma_wait3A_371] : memref<10112x32xf32, #tpu.memory_space<hbm>> -> memref<128x32xf32, #tpu.memory_space<hbm>>
      tpu.wait_dma2 semaphore(%arg11 : memref<!tpu.dma_semaphore, #tpu.memory_space<semaphore_mem>>) src(%dma_wait3A_372 : memref<128x32xf32, #tpu.memory_space<hbm>>) dst(%dma_wait3A_369 : memref<128x32xf32, #tpu.memory_space<vmem>>)
      %ge3A = arith.constant 1 : i32
      %ge3A_373 = arith.cmpi sge, %scan3A_250, %ge3A : i32
      %convert_element_type3A = arith.extui %ge3A_373 : i1 to i32
      %cond3A = arith.constant 0 : i32
      %cond3A_374 = arith.cmpi ne, %convert_element_type3A, %cond3A : i32
      scf.if %cond3A_374 {
        %dma_wait3A_501 = arith.constant 0 : i32
        %dma_wait3A_502 = arith.constant 0 : i32
        %dma_wait3A_503 = arith.constant 0 : i32
        %dma_wait3A_504 = tpu.memref_slice %arg9[%sub3A_252, %dma_wait3A_501, %dma_wait3A_502, %dma_wait3A_503] : memref<2x8x128x32xf32, #tpu.memory_space<vmem>> -> memref<1x1x128x32xf32, #tpu.memory_space<vmem>>
        %dma_wait3A_505 = tpu.memref_squeeze %dma_wait3A_504 : memref<1x1x128x32xf32, #tpu.memory_space<vmem>> -> memref<128x32xf32, #tpu.memory_space<vmem>>
        %dma_wait3A_506 = arith.constant 0 : i32
        %dma_wait3A_507 = arith.constant 0 : i32
        %dma_wait3A_508 = tpu.memref_slice %arg2[%dma_wait3A_506, %dma_wait3A_507] : memref<10112x32xf32, #tpu.memory_space<hbm>> -> memref<128x32xf32, #tpu.memory_space<hbm>>
        %dma_wait3A_509 = arith.constant 0 : i32
        %dma_wait3A_510 = arith.constant 0 : i32
        %dma_wait3A_511 = tpu.memref_slice %arg9[%sub3A_252, %dma_wait3A_501, %dma_wait3A_509, %dma_wait3A_510] : memref<2x8x128x32xf32, #tpu.memory_space<vmem>> -> memref<1x1x128x32xf32, #tpu.memory_space<vmem>>
        %dma_wait3A_512 = tpu.memref_squeeze %dma_wait3A_511 : memref<1x1x128x32xf32, #tpu.memory_space<vmem>> -> memref<128x32xf32, #tpu.memory_space<vmem>>
        %dma_wait3A_513 = arith.constant 0 : i32
        %dma_wait3A_514 = arith.constant 0 : i32
        %dma_wait3A_515 = tpu.memref_slice %arg2[%dma_wait3A_513, %dma_wait3A_514] : memref<10112x32xf32, #tpu.memory_space<hbm>> -> memref<128x32xf32, #tpu.memory_space<hbm>>
        tpu.wait_dma2 semaphore(%arg12 : memref<!tpu.dma_semaphore, #tpu.memory_space<semaphore_mem>>) src(%dma_wait3A_515 : memref<128x32xf32, #tpu.memory_space<hbm>>) dst(%dma_wait3A_512 : memref<128x32xf32, #tpu.memory_space<vmem>>)
        %dma_wait3A_516 = arith.constant 1 : i32
        %dma_wait3A_517 = arith.constant 0 : i32
        %dma_wait3A_518 = arith.constant 0 : i32
        %dma_wait3A_519 = tpu.memref_slice %arg9[%sub3A_252, %dma_wait3A_516, %dma_wait3A_517, %dma_wait3A_518] : memref<2x8x128x32xf32, #tpu.memory_space<vmem>> -> memref<1x1x128x32xf32, #tpu.memory_space<vmem>>
        %dma_wait3A_520 = tpu.memref_squeeze %dma_wait3A_519 : memref<1x1x128x32xf32, #tpu.memory_space<vmem>> -> memref<128x32xf32, #tpu.memory_space<vmem>>
        %dma_wait3A_521 = arith.constant 0 : i32
        %dma_wait3A_522 = arith.constant 0 : i32
        %dma_wait3A_523 = tpu.memref_slice %arg2[%dma_wait3A_521, %dma_wait3A_522] : memref<10112x32xf32, #tpu.memory_space<hbm>> -> memref<128x32xf32, #tpu.memory_space<hbm>>
        %dma_wait3A_524 = arith.constant 0 : i32
        %dma_wait3A_525 = arith.constant 0 : i32
        %dma_wait3A_526 = tpu.memref_slice %arg9[%sub3A_252, %dma_wait3A_516, %dma_wait3A_524, %dma_wait3A_525] : memref<2x8x128x32xf32, #tpu.memory_space<vmem>> -> memref<1x1x128x32xf32, #tpu.memory_space<vmem>>
        %dma_wait3A_527 = tpu.memref_squeeze %dma_wait3A_526 : memref<1x1x128x32xf32, #tpu.memory_space<vmem>> -> memref<128x32xf32, #tpu.memory_space<vmem>>
        %dma_wait3A_528 = arith.constant 0 : i32
        %dma_wait3A_529 = arith.constant 0 : i32
        %dma_wait3A_530 = tpu.memref_slice %arg2[%dma_wait3A_528, %dma_wait3A_529] : memref<10112x32xf32, #tpu.memory_space<hbm>> -> memref<128x32xf32, #tpu.memory_space<hbm>>
        tpu.wait_dma2 semaphore(%arg12 : memref<!tpu.dma_semaphore, #tpu.memory_space<semaphore_mem>>) src(%dma_wait3A_530 : memref<128x32xf32, #tpu.memory_space<hbm>>) dst(%dma_wait3A_527 : memref<128x32xf32, #tpu.memory_space<vmem>>)
        %dma_wait3A_531 = arith.constant 2 : i32
        %dma_wait3A_532 = arith.constant 0 : i32
        %dma_wait3A_533 = arith.constant 0 : i32
        %dma_wait3A_534 = tpu.memref_slice %arg9[%sub3A_252, %dma_wait3A_531, %dma_wait3A_532, %dma_wait3A_533] : memref<2x8x128x32xf32, #tpu.memory_space<vmem>> -> memref<1x1x128x32xf32, #tpu.memory_space<vmem>>
        %dma_wait3A_535 = tpu.memref_squeeze %dma_wait3A_534 : memref<1x1x128x32xf32, #tpu.memory_space<vmem>> -> memref<128x32xf32, #tpu.memory_space<vmem>>
        %dma_wait3A_536 = arith.constant 0 : i32
        %dma_wait3A_537 = arith.constant 0 : i32
        %dma_wait3A_538 = tpu.memref_slice %arg2[%dma_wait3A_536, %dma_wait3A_537] : memref<10112x32xf32, #tpu.memory_space<hbm>> -> memref<128x32xf32, #tpu.memory_space<hbm>>
        %dma_wait3A_539 = arith.constant 0 : i32
        %dma_wait3A_540 = arith.constant 0 : i32
        %dma_wait3A_541 = tpu.memref_slice %arg9[%sub3A_252, %dma_wait3A_531, %dma_wait3A_539, %dma_wait3A_540] : memref<2x8x128x32xf32, #tpu.memory_space<vmem>> -> memref<1x1x128x32xf32, #tpu.memory_space<vmem>>
        %dma_wait3A_542 = tpu.memref_squeeze %dma_wait3A_541 : memref<1x1x128x32xf32, #tpu.memory_space<vmem>> -> memref<128x32xf32, #tpu.memory_space<vmem>>
        %dma_wait3A_543 = arith.constant 0 : i32
        %dma_wait3A_544 = arith.constant 0 : i32
        %dma_wait3A_545 = tpu.memref_slice %arg2[%dma_wait3A_543, %dma_wait3A_544] : memref<10112x32xf32, #tpu.memory_space<hbm>> -> memref<128x32xf32, #tpu.memory_space<hbm>>
        tpu.wait_dma2 semaphore(%arg12 : memref<!tpu.dma_semaphore, #tpu.memory_space<semaphore_mem>>) src(%dma_wait3A_545 : memref<128x32xf32, #tpu.memory_space<hbm>>) dst(%dma_wait3A_542 : memref<128x32xf32, #tpu.memory_space<vmem>>)
        %dma_wait3A_546 = arith.constant 3 : i32
        %dma_wait3A_547 = arith.constant 0 : i32
        %dma_wait3A_548 = arith.constant 0 : i32
        %dma_wait3A_549 = tpu.memref_slice %arg9[%sub3A_252, %dma_wait3A_546, %dma_wait3A_547, %dma_wait3A_548] : memref<2x8x128x32xf32, #tpu.memory_space<vmem>> -> memref<1x1x128x32xf32, #tpu.memory_space<vmem>>
        %dma_wait3A_550 = tpu.memref_squeeze %dma_wait3A_549 : memref<1x1x128x32xf32, #tpu.memory_space<vmem>> -> memref<128x32xf32, #tpu.memory_space<vmem>>
        %dma_wait3A_551 = arith.constant 0 : i32
        %dma_wait3A_552 = arith.constant 0 : i32
        %dma_wait3A_553 = tpu.memref_slice %arg2[%dma_wait3A_551, %dma_wait3A_552] : memref<10112x32xf32, #tpu.memory_space<hbm>> -> memref<128x32xf32, #tpu.memory_space<hbm>>
        %dma_wait3A_554 = arith.constant 0 : i32
        %dma_wait3A_555 = arith.constant 0 : i32
        %dma_wait3A_556 = tpu.memref_slice %arg9[%sub3A_252, %dma_wait3A_546, %dma_wait3A_554, %dma_wait3A_555] : memref<2x8x128x32xf32, #tpu.memory_space<vmem>> -> memref<1x1x128x32xf32, #tpu.memory_space<vmem>>
        %dma_wait3A_557 = tpu.memref_squeeze %dma_wait3A_556 : memref<1x1x128x32xf32, #tpu.memory_space<vmem>> -> memref<128x32xf32, #tpu.memory_space<vmem>>
        %dma_wait3A_558 = arith.constant 0 : i32
        %dma_wait3A_559 = arith.constant 0 : i32
        %dma_wait3A_560 = tpu.memref_slice %arg2[%dma_wait3A_558, %dma_wait3A_559] : memref<10112x32xf32, #tpu.memory_space<hbm>> -> memref<128x32xf32, #tpu.memory_space<hbm>>
        tpu.wait_dma2 semaphore(%arg12 : memref<!tpu.dma_semaphore, #tpu.memory_space<semaphore_mem>>) src(%dma_wait3A_560 : memref<128x32xf32, #tpu.memory_space<hbm>>) dst(%dma_wait3A_557 : memref<128x32xf32, #tpu.memory_space<vmem>>)
        %dma_wait3A_561 = arith.constant 4 : i32
        %dma_wait3A_562 = arith.constant 0 : i32
        %dma_wait3A_563 = arith.constant 0 : i32
        %dma_wait3A_564 = tpu.memref_slice %arg9[%sub3A_252, %dma_wait3A_561, %dma_wait3A_562, %dma_wait3A_563] : memref<2x8x128x32xf32, #tpu.memory_space<vmem>> -> memref<1x1x128x32xf32, #tpu.memory_space<vmem>>
        %dma_wait3A_565 = tpu.memref_squeeze %dma_wait3A_564 : memref<1x1x128x32xf32, #tpu.memory_space<vmem>> -> memref<128x32xf32, #tpu.memory_space<vmem>>
        %dma_wait3A_566 = arith.constant 0 : i32
        %dma_wait3A_567 = arith.constant 0 : i32
        %dma_wait3A_568 = tpu.memref_slice %arg2[%dma_wait3A_566, %dma_wait3A_567] : memref<10112x32xf32, #tpu.memory_space<hbm>> -> memref<128x32xf32, #tpu.memory_space<hbm>>
        %dma_wait3A_569 = arith.constant 0 : i32
        %dma_wait3A_570 = arith.constant 0 : i32
        %dma_wait3A_571 = tpu.memref_slice %arg9[%sub3A_252, %dma_wait3A_561, %dma_wait3A_569, %dma_wait3A_570] : memref<2x8x128x32xf32, #tpu.memory_space<vmem>> -> memref<1x1x128x32xf32, #tpu.memory_space<vmem>>
        %dma_wait3A_572 = tpu.memref_squeeze %dma_wait3A_571 : memref<1x1x128x32xf32, #tpu.memory_space<vmem>> -> memref<128x32xf32, #tpu.memory_space<vmem>>
        %dma_wait3A_573 = arith.constant 0 : i32
        %dma_wait3A_574 = arith.constant 0 : i32
        %dma_wait3A_575 = tpu.memref_slice %arg2[%dma_wait3A_573, %dma_wait3A_574] : memref<10112x32xf32, #tpu.memory_space<hbm>> -> memref<128x32xf32, #tpu.memory_space<hbm>>
        tpu.wait_dma2 semaphore(%arg12 : memref<!tpu.dma_semaphore, #tpu.memory_space<semaphore_mem>>) src(%dma_wait3A_575 : memref<128x32xf32, #tpu.memory_space<hbm>>) dst(%dma_wait3A_572 : memref<128x32xf32, #tpu.memory_space<vmem>>)
        %dma_wait3A_576 = arith.constant 5 : i32
        %dma_wait3A_577 = arith.constant 0 : i32
        %dma_wait3A_578 = arith.constant 0 : i32
        %dma_wait3A_579 = tpu.memref_slice %arg9[%sub3A_252, %dma_wait3A_576, %dma_wait3A_577, %dma_wait3A_578] : memref<2x8x128x32xf32, #tpu.memory_space<vmem>> -> memref<1x1x128x32xf32, #tpu.memory_space<vmem>>
        %dma_wait3A_580 = tpu.memref_squeeze %dma_wait3A_579 : memref<1x1x128x32xf32, #tpu.memory_space<vmem>> -> memref<128x32xf32, #tpu.memory_space<vmem>>
        %dma_wait3A_581 = arith.constant 0 : i32
        %dma_wait3A_582 = arith.constant 0 : i32
        %dma_wait3A_583 = tpu.memref_slice %arg2[%dma_wait3A_581, %dma_wait3A_582] : memref<10112x32xf32, #tpu.memory_space<hbm>> -> memref<128x32xf32, #tpu.memory_space<hbm>>
        %dma_wait3A_584 = arith.constant 0 : i32
        %dma_wait3A_585 = arith.constant 0 : i32
        %dma_wait3A_586 = tpu.memref_slice %arg9[%sub3A_252, %dma_wait3A_576, %dma_wait3A_584, %dma_wait3A_585] : memref<2x8x128x32xf32, #tpu.memory_space<vmem>> -> memref<1x1x128x32xf32, #tpu.memory_space<vmem>>
        %dma_wait3A_587 = tpu.memref_squeeze %dma_wait3A_586 : memref<1x1x128x32xf32, #tpu.memory_space<vmem>> -> memref<128x32xf32, #tpu.memory_space<vmem>>
        %dma_wait3A_588 = arith.constant 0 : i32
        %dma_wait3A_589 = arith.constant 0 : i32
        %dma_wait3A_590 = tpu.memref_slice %arg2[%dma_wait3A_588, %dma_wait3A_589] : memref<10112x32xf32, #tpu.memory_space<hbm>> -> memref<128x32xf32, #tpu.memory_space<hbm>>
        tpu.wait_dma2 semaphore(%arg12 : memref<!tpu.dma_semaphore, #tpu.memory_space<semaphore_mem>>) src(%dma_wait3A_590 : memref<128x32xf32, #tpu.memory_space<hbm>>) dst(%dma_wait3A_587 : memref<128x32xf32, #tpu.memory_space<vmem>>)
        %dma_wait3A_591 = arith.constant 6 : i32
        %dma_wait3A_592 = arith.constant 0 : i32
        %dma_wait3A_593 = arith.constant 0 : i32
        %dma_wait3A_594 = tpu.memref_slice %arg9[%sub3A_252, %dma_wait3A_591, %dma_wait3A_592, %dma_wait3A_593] : memref<2x8x128x32xf32, #tpu.memory_space<vmem>> -> memref<1x1x128x32xf32, #tpu.memory_space<vmem>>
        %dma_wait3A_595 = tpu.memref_squeeze %dma_wait3A_594 : memref<1x1x128x32xf32, #tpu.memory_space<vmem>> -> memref<128x32xf32, #tpu.memory_space<vmem>>
        %dma_wait3A_596 = arith.constant 0 : i32
        %dma_wait3A_597 = arith.constant 0 : i32
        %dma_wait3A_598 = tpu.memref_slice %arg2[%dma_wait3A_596, %dma_wait3A_597] : memref<10112x32xf32, #tpu.memory_space<hbm>> -> memref<128x32xf32, #tpu.memory_space<hbm>>
        %dma_wait3A_599 = arith.constant 0 : i32
        %dma_wait3A_600 = arith.constant 0 : i32
        %dma_wait3A_601 = tpu.memref_slice %arg9[%sub3A_252, %dma_wait3A_591, %dma_wait3A_599, %dma_wait3A_600] : memref<2x8x128x32xf32, #tpu.memory_space<vmem>> -> memref<1x1x128x32xf32, #tpu.memory_space<vmem>>
        %dma_wait3A_602 = tpu.memref_squeeze %dma_wait3A_601 : memref<1x1x128x32xf32, #tpu.memory_space<vmem>> -> memref<128x32xf32, #tpu.memory_space<vmem>>
        %dma_wait3A_603 = arith.constant 0 : i32
        %dma_wait3A_604 = arith.constant 0 : i32
        %dma_wait3A_605 = tpu.memref_slice %arg2[%dma_wait3A_603, %dma_wait3A_604] : memref<10112x32xf32, #tpu.memory_space<hbm>> -> memref<128x32xf32, #tpu.memory_space<hbm>>
        tpu.wait_dma2 semaphore(%arg12 : memref<!tpu.dma_semaphore, #tpu.memory_space<semaphore_mem>>) src(%dma_wait3A_605 : memref<128x32xf32, #tpu.memory_space<hbm>>) dst(%dma_wait3A_602 : memref<128x32xf32, #tpu.memory_space<vmem>>)
        %dma_wait3A_606 = arith.constant 7 : i32
        %dma_wait3A_607 = arith.constant 0 : i32
        %dma_wait3A_608 = arith.constant 0 : i32
        %dma_wait3A_609 = tpu.memref_slice %arg9[%sub3A_252, %dma_wait3A_606, %dma_wait3A_607, %dma_wait3A_608] : memref<2x8x128x32xf32, #tpu.memory_space<vmem>> -> memref<1x1x128x32xf32, #tpu.memory_space<vmem>>
        %dma_wait3A_610 = tpu.memref_squeeze %dma_wait3A_609 : memref<1x1x128x32xf32, #tpu.memory_space<vmem>> -> memref<128x32xf32, #tpu.memory_space<vmem>>
        %dma_wait3A_611 = arith.constant 0 : i32
        %dma_wait3A_612 = arith.constant 0 : i32
        %dma_wait3A_613 = tpu.memref_slice %arg2[%dma_wait3A_611, %dma_wait3A_612] : memref<10112x32xf32, #tpu.memory_space<hbm>> -> memref<128x32xf32, #tpu.memory_space<hbm>>
        %dma_wait3A_614 = arith.constant 0 : i32
        %dma_wait3A_615 = arith.constant 0 : i32
        %dma_wait3A_616 = tpu.memref_slice %arg9[%sub3A_252, %dma_wait3A_606, %dma_wait3A_614, %dma_wait3A_615] : memref<2x8x128x32xf32, #tpu.memory_space<vmem>> -> memref<1x1x128x32xf32, #tpu.memory_space<vmem>>
        %dma_wait3A_617 = tpu.memref_squeeze %dma_wait3A_616 : memref<1x1x128x32xf32, #tpu.memory_space<vmem>> -> memref<128x32xf32, #tpu.memory_space<vmem>>
        %dma_wait3A_618 = arith.constant 0 : i32
        %dma_wait3A_619 = arith.constant 0 : i32
        %dma_wait3A_620 = tpu.memref_slice %arg2[%dma_wait3A_618, %dma_wait3A_619] : memref<10112x32xf32, #tpu.memory_space<hbm>> -> memref<128x32xf32, #tpu.memory_space<hbm>>
        tpu.wait_dma2 semaphore(%arg12 : memref<!tpu.dma_semaphore, #tpu.memory_space<semaphore_mem>>) src(%dma_wait3A_620 : memref<128x32xf32, #tpu.memory_space<hbm>>) dst(%dma_wait3A_617 : memref<128x32xf32, #tpu.memory_space<vmem>>)
      } else {
      }
      %add3A_375 = arith.constant 1 : i32
      %add3A_376 = arith.addi %scan3A_250, %add3A_375 : i32
      %lt3A = arith.constant 10 : i32
      %lt3A_377 = arith.cmpi slt, %add3A_376, %lt3A : i32
      %convert_element_type3A_378 = arith.extui %lt3A_377 : i1 to i32
      %cond3A_379 = arith.constant 0 : i32
      %cond3A_380 = arith.cmpi ne, %convert_element_type3A_378, %cond3A_379 : i32
      scf.if %cond3A_380 {
        %add3A_501 = arith.constant 1 : i32
        %add3A_502 = arith.addi %scan3A_250, %add3A_501 : i32
        %mul3A_503 = arith.constant 8 : i32
        %mul3A_504 = arith.muli %add3A_502, %mul3A_503 : i32
        %add3A_505 = arith.constant 0 : i32
        %add3A_506 = arith.addi %mul3A_504, %add3A_505 : i32
        %dma_start3A_507 = arith.constant 0 : i32
        %dma_start3A_508 = arith.constant 0 : i32
        %dma_start3A_509 = arith.constant 0 : i32
        %dma_start3A_510 = tpu.memref_slice %arg9[%sub3A_252, %dma_start3A_507, %dma_start3A_508, %dma_start3A_509] : memref<2x8x128x32xf32, #tpu.memory_space<vmem>> -> memref<1x1x128x32xf32, #tpu.memory_space<vmem>>
        %dma_start3A_511 = tpu.memref_squeeze %dma_start3A_510 : memref<1x1x128x32xf32, #tpu.memory_space<vmem>> -> memref<128x32xf32, #tpu.memory_space<vmem>>
        %dma_start3A_512 = arith.constant 0 : i32
        %dma_start3A_513 = tpu.memref_slice %arg7[%add3A_506, %dma_start3A_512] : memref<80x128xi32, #tpu.memory_space<vmem>> -> memref<1x128xi32, #tpu.memory_space<vmem>>
        %dma_start3A_514 = tpu.memref_squeeze %dma_start3A_513 : memref<1x128xi32, #tpu.memory_space<vmem>> -> memref<128xi32, #tpu.memory_space<vmem>>
        %dma_start3A_515 = arith.constant 0 : i32
        %dma_start3A_516 = arith.constant 0 : i32
        %dma_start3A_517 = tpu.memref_slice %arg2[%dma_start3A_515, %dma_start3A_516] : memref<10112x32xf32, #tpu.memory_space<hbm>> -> memref<10112x32xf32, #tpu.memory_space<hbm>>
        tpu.enqueue_indirect_dma source(%dma_start3A_517 : memref<10112x32xf32, #tpu.memory_space<hbm>>) target(%dma_start3A_511 : memref<128x32xf32, #tpu.memory_space<vmem>>) offsets(%dma_start3A_514 : memref<128xi32, #tpu.memory_space<vmem>>) semaphore(%arg11 : memref<!tpu.dma_semaphore, #tpu.memory_space<semaphore_mem>>)
        %add3A_518 = arith.constant 1 : i32
        %add3A_519 = arith.addi %scan3A_250, %add3A_518 : i32
        %mul3A_520 = arith.constant 8 : i32
        %mul3A_521 = arith.muli %add3A_519, %mul3A_520 : i32
        %add3A_522 = arith.constant 1 : i32
        %add3A_523 = arith.addi %mul3A_521, %add3A_522 : i32
        %dma_start3A_524 = arith.constant 1 : i32
        %dma_start3A_525 = arith.constant 0 : i32
        %dma_start3A_526 = arith.constant 0 : i32
        %dma_start3A_527 = tpu.memref_slice %arg9[%sub3A_252, %dma_start3A_524, %dma_start3A_525, %dma_start3A_526] : memref<2x8x128x32xf32, #tpu.memory_space<vmem>> -> memref<1x1x128x32xf32, #tpu.memory_space<vmem>>
        %dma_start3A_528 = tpu.memref_squeeze %dma_start3A_527 : memref<1x1x128x32xf32, #tpu.memory_space<vmem>> -> memref<128x32xf32, #tpu.memory_space<vmem>>
        %dma_start3A_529 = arith.constant 0 : i32
        %dma_start3A_530 = tpu.memref_slice %arg7[%add3A_523, %dma_start3A_529] : memref<80x128xi32, #tpu.memory_space<vmem>> -> memref<1x128xi32, #tpu.memory_space<vmem>>
        %dma_start3A_531 = tpu.memref_squeeze %dma_start3A_530 : memref<1x128xi32, #tpu.memory_space<vmem>> -> memref<128xi32, #tpu.memory_space<vmem>>
        %dma_start3A_532 = arith.constant 0 : i32
        %dma_start3A_533 = arith.constant 0 : i32
        %dma_start3A_534 = tpu.memref_slice %arg2[%dma_start3A_532, %dma_start3A_533] : memref<10112x32xf32, #tpu.memory_space<hbm>> -> memref<10112x32xf32, #tpu.memory_space<hbm>>
        tpu.enqueue_indirect_dma source(%dma_start3A_534 : memref<10112x32xf32, #tpu.memory_space<hbm>>) target(%dma_start3A_528 : memref<128x32xf32, #tpu.memory_space<vmem>>) offsets(%dma_start3A_531 : memref<128xi32, #tpu.memory_space<vmem>>) semaphore(%arg11 : memref<!tpu.dma_semaphore, #tpu.memory_space<semaphore_mem>>)
        %add3A_535 = arith.constant 1 : i32
        %add3A_536 = arith.addi %scan3A_250, %add3A_535 : i32
        %mul3A_537 = arith.constant 8 : i32
        %mul3A_538 = arith.muli %add3A_536, %mul3A_537 : i32
        %add3A_539 = arith.constant 2 : i32
        %add3A_540 = arith.addi %mul3A_538, %add3A_539 : i32
        %dma_start3A_541 = arith.constant 2 : i32
        %dma_start3A_542 = arith.constant 0 : i32
        %dma_start3A_543 = arith.constant 0 : i32
        %dma_start3A_544 = tpu.memref_slice %arg9[%sub3A_252, %dma_start3A_541, %dma_start3A_542, %dma_start3A_543] : memref<2x8x128x32xf32, #tpu.memory_space<vmem>> -> memref<1x1x128x32xf32, #tpu.memory_space<vmem>>
        %dma_start3A_545 = tpu.memref_squeeze %dma_start3A_544 : memref<1x1x128x32xf32, #tpu.memory_space<vmem>> -> memref<128x32xf32, #tpu.memory_space<vmem>>
        %dma_start3A_546 = arith.constant 0 : i32
        %dma_start3A_547 = tpu.memref_slice %arg7[%add3A_540, %dma_start3A_546] : memref<80x128xi32, #tpu.memory_space<vmem>> -> memref<1x128xi32, #tpu.memory_space<vmem>>
        %dma_start3A_548 = tpu.memref_squeeze %dma_start3A_547 : memref<1x128xi32, #tpu.memory_space<vmem>> -> memref<128xi32, #tpu.memory_space<vmem>>
        %dma_start3A_549 = arith.constant 0 : i32
        %dma_start3A_550 = arith.constant 0 : i32
        %dma_start3A_551 = tpu.memref_slice %arg2[%dma_start3A_549, %dma_start3A_550] : memref<10112x32xf32, #tpu.memory_space<hbm>> -> memref<10112x32xf32, #tpu.memory_space<hbm>>
        tpu.enqueue_indirect_dma source(%dma_start3A_551 : memref<10112x32xf32, #tpu.memory_space<hbm>>) target(%dma_start3A_545 : memref<128x32xf32, #tpu.memory_space<vmem>>) offsets(%dma_start3A_548 : memref<128xi32, #tpu.memory_space<vmem>>) semaphore(%arg11 : memref<!tpu.dma_semaphore, #tpu.memory_space<semaphore_mem>>)
        %add3A_552 = arith.constant 1 : i32
        %add3A_553 = arith.addi %scan3A_250, %add3A_552 : i32
        %mul3A_554 = arith.constant 8 : i32
        %mul3A_555 = arith.muli %add3A_553, %mul3A_554 : i32
        %add3A_556 = arith.constant 3 : i32
        %add3A_557 = arith.addi %mul3A_555, %add3A_556 : i32
        %dma_start3A_558 = arith.constant 3 : i32
        %dma_start3A_559 = arith.constant 0 : i32
        %dma_start3A_560 = arith.constant 0 : i32
        %dma_start3A_561 = tpu.memref_slice %arg9[%sub3A_252, %dma_start3A_558, %dma_start3A_559, %dma_start3A_560] : memref<2x8x128x32xf32, #tpu.memory_space<vmem>> -> memref<1x1x128x32xf32, #tpu.memory_space<vmem>>
        %dma_start3A_562 = tpu.memref_squeeze %dma_start3A_561 : memref<1x1x128x32xf32, #tpu.memory_space<vmem>> -> memref<128x32xf32, #tpu.memory_space<vmem>>
        %dma_start3A_563 = arith.constant 0 : i32
        %dma_start3A_564 = tpu.memref_slice %arg7[%add3A_557, %dma_start3A_563] : memref<80x128xi32, #tpu.memory_space<vmem>> -> memref<1x128xi32, #tpu.memory_space<vmem>>
        %dma_start3A_565 = tpu.memref_squeeze %dma_start3A_564 : memref<1x128xi32, #tpu.memory_space<vmem>> -> memref<128xi32, #tpu.memory_space<vmem>>
        %dma_start3A_566 = arith.constant 0 : i32
        %dma_start3A_567 = arith.constant 0 : i32
        %dma_start3A_568 = tpu.memref_slice %arg2[%dma_start3A_566, %dma_start3A_567] : memref<10112x32xf32, #tpu.memory_space<hbm>> -> memref<10112x32xf32, #tpu.memory_space<hbm>>
        tpu.enqueue_indirect_dma source(%dma_start3A_568 : memref<10112x32xf32, #tpu.memory_space<hbm>>) target(%dma_start3A_562 : memref<128x32xf32, #tpu.memory_space<vmem>>) offsets(%dma_start3A_565 : memref<128xi32, #tpu.memory_space<vmem>>) semaphore(%arg11 : memref<!tpu.dma_semaphore, #tpu.memory_space<semaphore_mem>>)
        %add3A_569 = arith.constant 1 : i32
        %add3A_570 = arith.addi %scan3A_250, %add3A_569 : i32
        %mul3A_571 = arith.constant 8 : i32
        %mul3A_572 = arith.muli %add3A_570, %mul3A_571 : i32
        %add3A_573 = arith.constant 4 : i32
        %add3A_574 = arith.addi %mul3A_572, %add3A_573 : i32
        %dma_start3A_575 = arith.constant 4 : i32
        %dma_start3A_576 = arith.constant 0 : i32
        %dma_start3A_577 = arith.constant 0 : i32
        %dma_start3A_578 = tpu.memref_slice %arg9[%sub3A_252, %dma_start3A_575, %dma_start3A_576, %dma_start3A_577] : memref<2x8x128x32xf32, #tpu.memory_space<vmem>> -> memref<1x1x128x32xf32, #tpu.memory_space<vmem>>
        %dma_start3A_579 = tpu.memref_squeeze %dma_start3A_578 : memref<1x1x128x32xf32, #tpu.memory_space<vmem>> -> memref<128x32xf32, #tpu.memory_space<vmem>>
        %dma_start3A_580 = arith.constant 0 : i32
        %dma_start3A_581 = tpu.memref_slice %arg7[%add3A_574, %dma_start3A_580] : memref<80x128xi32, #tpu.memory_space<vmem>> -> memref<1x128xi32, #tpu.memory_space<vmem>>
        %dma_start3A_582 = tpu.memref_squeeze %dma_start3A_581 : memref<1x128xi32, #tpu.memory_space<vmem>> -> memref<128xi32, #tpu.memory_space<vmem>>
        %dma_start3A_583 = arith.constant 0 : i32
        %dma_start3A_584 = arith.constant 0 : i32
        %dma_start3A_585 = tpu.memref_slice %arg2[%dma_start3A_583, %dma_start3A_584] : memref<10112x32xf32, #tpu.memory_space<hbm>> -> memref<10112x32xf32, #tpu.memory_space<hbm>>
        tpu.enqueue_indirect_dma source(%dma_start3A_585 : memref<10112x32xf32, #tpu.memory_space<hbm>>) target(%dma_start3A_579 : memref<128x32xf32, #tpu.memory_space<vmem>>) offsets(%dma_start3A_582 : memref<128xi32, #tpu.memory_space<vmem>>) semaphore(%arg11 : memref<!tpu.dma_semaphore, #tpu.memory_space<semaphore_mem>>)
        %add3A_586 = arith.constant 1 : i32
        %add3A_587 = arith.addi %scan3A_250, %add3A_586 : i32
        %mul3A_588 = arith.constant 8 : i32
        %mul3A_589 = arith.muli %add3A_587, %mul3A_588 : i32
        %add3A_590 = arith.constant 5 : i32
        %add3A_591 = arith.addi %mul3A_589, %add3A_590 : i32
        %dma_start3A_592 = arith.constant 5 : i32
        %dma_start3A_593 = arith.constant 0 : i32
        %dma_start3A_594 = arith.constant 0 : i32
        %dma_start3A_595 = tpu.memref_slice %arg9[%sub3A_252, %dma_start3A_592, %dma_start3A_593, %dma_start3A_594] : memref<2x8x128x32xf32, #tpu.memory_space<vmem>> -> memref<1x1x128x32xf32, #tpu.memory_space<vmem>>
        %dma_start3A_596 = tpu.memref_squeeze %dma_start3A_595 : memref<1x1x128x32xf32, #tpu.memory_space<vmem>> -> memref<128x32xf32, #tpu.memory_space<vmem>>
        %dma_start3A_597 = arith.constant 0 : i32
        %dma_start3A_598 = tpu.memref_slice %arg7[%add3A_591, %dma_start3A_597] : memref<80x128xi32, #tpu.memory_space<vmem>> -> memref<1x128xi32, #tpu.memory_space<vmem>>
        %dma_start3A_599 = tpu.memref_squeeze %dma_start3A_598 : memref<1x128xi32, #tpu.memory_space<vmem>> -> memref<128xi32, #tpu.memory_space<vmem>>
        %dma_start3A_600 = arith.constant 0 : i32
        %dma_start3A_601 = arith.constant 0 : i32
        %dma_start3A_602 = tpu.memref_slice %arg2[%dma_start3A_600, %dma_start3A_601] : memref<10112x32xf32, #tpu.memory_space<hbm>> -> memref<10112x32xf32, #tpu.memory_space<hbm>>
        tpu.enqueue_indirect_dma source(%dma_start3A_602 : memref<10112x32xf32, #tpu.memory_space<hbm>>) target(%dma_start3A_596 : memref<128x32xf32, #tpu.memory_space<vmem>>) offsets(%dma_start3A_599 : memref<128xi32, #tpu.memory_space<vmem>>) semaphore(%arg11 : memref<!tpu.dma_semaphore, #tpu.memory_space<semaphore_mem>>)
        %add3A_603 = arith.constant 1 : i32
        %add3A_604 = arith.addi %scan3A_250, %add3A_603 : i32
        %mul3A_605 = arith.constant 8 : i32
        %mul3A_606 = arith.muli %add3A_604, %mul3A_605 : i32
        %add3A_607 = arith.constant 6 : i32
        %add3A_608 = arith.addi %mul3A_606, %add3A_607 : i32
        %dma_start3A_609 = arith.constant 6 : i32
        %dma_start3A_610 = arith.constant 0 : i32
        %dma_start3A_611 = arith.constant 0 : i32
        %dma_start3A_612 = tpu.memref_slice %arg9[%sub3A_252, %dma_start3A_609, %dma_start3A_610, %dma_start3A_611] : memref<2x8x128x32xf32, #tpu.memory_space<vmem>> -> memref<1x1x128x32xf32, #tpu.memory_space<vmem>>
        %dma_start3A_613 = tpu.memref_squeeze %dma_start3A_612 : memref<1x1x128x32xf32, #tpu.memory_space<vmem>> -> memref<128x32xf32, #tpu.memory_space<vmem>>
        %dma_start3A_614 = arith.constant 0 : i32
        %dma_start3A_615 = tpu.memref_slice %arg7[%add3A_608, %dma_start3A_614] : memref<80x128xi32, #tpu.memory_space<vmem>> -> memref<1x128xi32, #tpu.memory_space<vmem>>
        %dma_start3A_616 = tpu.memref_squeeze %dma_start3A_615 : memref<1x128xi32, #tpu.memory_space<vmem>> -> memref<128xi32, #tpu.memory_space<vmem>>
        %dma_start3A_617 = arith.constant 0 : i32
        %dma_start3A_618 = arith.constant 0 : i32
        %dma_start3A_619 = tpu.memref_slice %arg2[%dma_start3A_617, %dma_start3A_618] : memref<10112x32xf32, #tpu.memory_space<hbm>> -> memref<10112x32xf32, #tpu.memory_space<hbm>>
        tpu.enqueue_indirect_dma source(%dma_start3A_619 : memref<10112x32xf32, #tpu.memory_space<hbm>>) target(%dma_start3A_613 : memref<128x32xf32, #tpu.memory_space<vmem>>) offsets(%dma_start3A_616 : memref<128xi32, #tpu.memory_space<vmem>>) semaphore(%arg11 : memref<!tpu.dma_semaphore, #tpu.memory_space<semaphore_mem>>)
        %add3A_620 = arith.constant 1 : i32
        %add3A_621 = arith.addi %scan3A_250, %add3A_620 : i32
        %mul3A_622 = arith.constant 8 : i32
        %mul3A_623 = arith.muli %add3A_621, %mul3A_622 : i32
        %add3A_624 = arith.constant 7 : i32
        %add3A_625 = arith.addi %mul3A_623, %add3A_624 : i32
        %dma_start3A_626 = arith.constant 7 : i32
        %dma_start3A_627 = arith.constant 0 : i32
        %dma_start3A_628 = arith.constant 0 : i32
        %dma_start3A_629 = tpu.memref_slice %arg9[%sub3A_252, %dma_start3A_626, %dma_start3A_627, %dma_start3A_628] : memref<2x8x128x32xf32, #tpu.memory_space<vmem>> -> memref<1x1x128x32xf32, #tpu.memory_space<vmem>>
        %dma_start3A_630 = tpu.memref_squeeze %dma_start3A_629 : memref<1x1x128x32xf32, #tpu.memory_space<vmem>> -> memref<128x32xf32, #tpu.memory_space<vmem>>
        %dma_start3A_631 = arith.constant 0 : i32
        %dma_start3A_632 = tpu.memref_slice %arg7[%add3A_625, %dma_start3A_631] : memref<80x128xi32, #tpu.memory_space<vmem>> -> memref<1x128xi32, #tpu.memory_space<vmem>>
        %dma_start3A_633 = tpu.memref_squeeze %dma_start3A_632 : memref<1x128xi32, #tpu.memory_space<vmem>> -> memref<128xi32, #tpu.memory_space<vmem>>
        %dma_start3A_634 = arith.constant 0 : i32
        %dma_start3A_635 = arith.constant 0 : i32
        %dma_start3A_636 = tpu.memref_slice %arg2[%dma_start3A_634, %dma_start3A_635] : memref<10112x32xf32, #tpu.memory_space<hbm>> -> memref<10112x32xf32, #tpu.memory_space<hbm>>
        tpu.enqueue_indirect_dma source(%dma_start3A_636 : memref<10112x32xf32, #tpu.memory_space<hbm>>) target(%dma_start3A_630 : memref<128x32xf32, #tpu.memory_space<vmem>>) offsets(%dma_start3A_633 : memref<128xi32, #tpu.memory_space<vmem>>) semaphore(%arg11 : memref<!tpu.dma_semaphore, #tpu.memory_space<semaphore_mem>>)
      } else {
      }
      %mul3A_381 = arith.constant 8 : i32
      %mul3A_382 = arith.muli %scan3A_250, %mul3A_381 : i32
      %add3A_383 = arith.constant 0 : i32
      %add3A_384 = arith.addi %mul3A_382, %add3A_383 : i32
      %dma_start3A_385 = arith.constant 0 : i32
      %dma_start3A_386 = arith.constant 0 : i32
      %dma_start3A_387 = arith.constant 0 : i32
      %dma_start3A_388 = tpu.memref_slice %arg9[%rem3A_251, %dma_start3A_385, %dma_start3A_386, %dma_start3A_387] : memref<2x8x128x32xf32, #tpu.memory_space<vmem>> -> memref<1x1x128x32xf32, #tpu.memory_space<vmem>>
      %dma_start3A_389 = tpu.memref_squeeze %dma_start3A_388 : memref<1x1x128x32xf32, #tpu.memory_space<vmem>> -> memref<128x32xf32, #tpu.memory_space<vmem>>
      %dma_start3A_390 = arith.constant 0 : i32
      %dma_start3A_391 = tpu.memref_slice %arg8[%add3A_384, %dma_start3A_390] : memref<80x128xi32, #tpu.memory_space<vmem>> -> memref<1x128xi32, #tpu.memory_space<vmem>>
      %dma_start3A_392 = tpu.memref_squeeze %dma_start3A_391 : memref<1x128xi32, #tpu.memory_space<vmem>> -> memref<128xi32, #tpu.memory_space<vmem>>
      %dma_start3A_393 = arith.constant 0 : i32
      %dma_start3A_394 = arith.constant 0 : i32
      %dma_start3A_395 = tpu.memref_slice %arg10[%dma_start3A_393, %dma_start3A_394] : memref<10112x32xf32, #tpu.memory_space<vmem_shared>> -> memref<10112x32xf32, #tpu.memory_space<vmem_shared>>
      tpu.enqueue_indirect_dma source(%dma_start3A_389 : memref<128x32xf32, #tpu.memory_space<vmem>>) target(%dma_start3A_395 : memref<10112x32xf32, #tpu.memory_space<vmem_shared>>) offsets(%dma_start3A_392 : memref<128xi32, #tpu.memory_space<vmem>>) semaphore(%arg12 : memref<!tpu.dma_semaphore, #tpu.memory_space<semaphore_mem>>) {add = true}
      %mul3A_396 = arith.constant 8 : i32
      %mul3A_397 = arith.muli %scan3A_250, %mul3A_396 : i32
      %add3A_398 = arith.constant 1 : i32
      %add3A_399 = arith.addi %mul3A_397, %add3A_398 : i32
      %dma_start3A_400 = arith.constant 1 : i32
      %dma_start3A_401 = arith.constant 0 : i32
      %dma_start3A_402 = arith.constant 0 : i32
      %dma_start3A_403 = tpu.memref_slice %arg9[%rem3A_251, %dma_start3A_400, %dma_start3A_401, %dma_start3A_402] : memref<2x8x128x32xf32, #tpu.memory_space<vmem>> -> memref<1x1x128x32xf32, #tpu.memory_space<vmem>>
      %dma_start3A_404 = tpu.memref_squeeze %dma_start3A_403 : memref<1x1x128x32xf32, #tpu.memory_space<vmem>> -> memref<128x32xf32, #tpu.memory_space<vmem>>
      %dma_start3A_405 = arith.constant 0 : i32
      %dma_start3A_406 = tpu.memref_slice %arg8[%add3A_399, %dma_start3A_405] : memref<80x128xi32, #tpu.memory_space<vmem>> -> memref<1x128xi32, #tpu.memory_space<vmem>>
      %dma_start3A_407 = tpu.memref_squeeze %dma_start3A_406 : memref<1x128xi32, #tpu.memory_space<vmem>> -> memref<128xi32, #tpu.memory_space<vmem>>
      %dma_start3A_408 = arith.constant 0 : i32
      %dma_start3A_409 = arith.constant 0 : i32
      %dma_start3A_410 = tpu.memref_slice %arg10[%dma_start3A_408, %dma_start3A_409] : memref<10112x32xf32, #tpu.memory_space<vmem_shared>> -> memref<10112x32xf32, #tpu.memory_space<vmem_shared>>
      tpu.enqueue_indirect_dma source(%dma_start3A_404 : memref<128x32xf32, #tpu.memory_space<vmem>>) target(%dma_start3A_410 : memref<10112x32xf32, #tpu.memory_space<vmem_shared>>) offsets(%dma_start3A_407 : memref<128xi32, #tpu.memory_space<vmem>>) semaphore(%arg12 : memref<!tpu.dma_semaphore, #tpu.memory_space<semaphore_mem>>) {add = true}
      %mul3A_411 = arith.constant 8 : i32
      %mul3A_412 = arith.muli %scan3A_250, %mul3A_411 : i32
      %add3A_413 = arith.constant 2 : i32
      %add3A_414 = arith.addi %mul3A_412, %add3A_413 : i32
      %dma_start3A_415 = arith.constant 2 : i32
      %dma_start3A_416 = arith.constant 0 : i32
      %dma_start3A_417 = arith.constant 0 : i32
      %dma_start3A_418 = tpu.memref_slice %arg9[%rem3A_251, %dma_start3A_415, %dma_start3A_416, %dma_start3A_417] : memref<2x8x128x32xf32, #tpu.memory_space<vmem>> -> memref<1x1x128x32xf32, #tpu.memory_space<vmem>>
      %dma_start3A_419 = tpu.memref_squeeze %dma_start3A_418 : memref<1x1x128x32xf32, #tpu.memory_space<vmem>> -> memref<128x32xf32, #tpu.memory_space<vmem>>
      %dma_start3A_420 = arith.constant 0 : i32
      %dma_start3A_421 = tpu.memref_slice %arg8[%add3A_414, %dma_start3A_420] : memref<80x128xi32, #tpu.memory_space<vmem>> -> memref<1x128xi32, #tpu.memory_space<vmem>>
      %dma_start3A_422 = tpu.memref_squeeze %dma_start3A_421 : memref<1x128xi32, #tpu.memory_space<vmem>> -> memref<128xi32, #tpu.memory_space<vmem>>
      %dma_start3A_423 = arith.constant 0 : i32
      %dma_start3A_424 = arith.constant 0 : i32
      %dma_start3A_425 = tpu.memref_slice %arg10[%dma_start3A_423, %dma_start3A_424] : memref<10112x32xf32, #tpu.memory_space<vmem_shared>> -> memref<10112x32xf32, #tpu.memory_space<vmem_shared>>
      tpu.enqueue_indirect_dma source(%dma_start3A_419 : memref<128x32xf32, #tpu.memory_space<vmem>>) target(%dma_start3A_425 : memref<10112x32xf32, #tpu.memory_space<vmem_shared>>) offsets(%dma_start3A_422 : memref<128xi32, #tpu.memory_space<vmem>>) semaphore(%arg12 : memref<!tpu.dma_semaphore, #tpu.memory_space<semaphore_mem>>) {add = true}
      %mul3A_426 = arith.constant 8 : i32
      %mul3A_427 = arith.muli %scan3A_250, %mul3A_426 : i32
      %add3A_428 = arith.constant 3 : i32
      %add3A_429 = arith.addi %mul3A_427, %add3A_428 : i32
      %dma_start3A_430 = arith.constant 3 : i32
      %dma_start3A_431 = arith.constant 0 : i32
      %dma_start3A_432 = arith.constant 0 : i32
      %dma_start3A_433 = tpu.memref_slice %arg9[%rem3A_251, %dma_start3A_430, %dma_start3A_431, %dma_start3A_432] : memref<2x8x128x32xf32, #tpu.memory_space<vmem>> -> memref<1x1x128x32xf32, #tpu.memory_space<vmem>>
      %dma_start3A_434 = tpu.memref_squeeze %dma_start3A_433 : memref<1x1x128x32xf32, #tpu.memory_space<vmem>> -> memref<128x32xf32, #tpu.memory_space<vmem>>
      %dma_start3A_435 = arith.constant 0 : i32
      %dma_start3A_436 = tpu.memref_slice %arg8[%add3A_429, %dma_start3A_435] : memref<80x128xi32, #tpu.memory_space<vmem>> -> memref<1x128xi32, #tpu.memory_space<vmem>>
      %dma_start3A_437 = tpu.memref_squeeze %dma_start3A_436 : memref<1x128xi32, #tpu.memory_space<vmem>> -> memref<128xi32, #tpu.memory_space<vmem>>
      %dma_start3A_438 = arith.constant 0 : i32
      %dma_start3A_439 = arith.constant 0 : i32
      %dma_start3A_440 = tpu.memref_slice %arg10[%dma_start3A_438, %dma_start3A_439] : memref<10112x32xf32, #tpu.memory_space<vmem_shared>> -> memref<10112x32xf32, #tpu.memory_space<vmem_shared>>
      tpu.enqueue_indirect_dma source(%dma_start3A_434 : memref<128x32xf32, #tpu.memory_space<vmem>>) target(%dma_start3A_440 : memref<10112x32xf32, #tpu.memory_space<vmem_shared>>) offsets(%dma_start3A_437 : memref<128xi32, #tpu.memory_space<vmem>>) semaphore(%arg12 : memref<!tpu.dma_semaphore, #tpu.memory_space<semaphore_mem>>) {add = true}
      %mul3A_441 = arith.constant 8 : i32
      %mul3A_442 = arith.muli %scan3A_250, %mul3A_441 : i32
      %add3A_443 = arith.constant 4 : i32
      %add3A_444 = arith.addi %mul3A_442, %add3A_443 : i32
      %dma_start3A_445 = arith.constant 4 : i32
      %dma_start3A_446 = arith.constant 0 : i32
      %dma_start3A_447 = arith.constant 0 : i32
      %dma_start3A_448 = tpu.memref_slice %arg9[%rem3A_251, %dma_start3A_445, %dma_start3A_446, %dma_start3A_447] : memref<2x8x128x32xf32, #tpu.memory_space<vmem>> -> memref<1x1x128x32xf32, #tpu.memory_space<vmem>>
      %dma_start3A_449 = tpu.memref_squeeze %dma_start3A_448 : memref<1x1x128x32xf32, #tpu.memory_space<vmem>> -> memref<128x32xf32, #tpu.memory_space<vmem>>
      %dma_start3A_450 = arith.constant 0 : i32
      %dma_start3A_451 = tpu.memref_slice %arg8[%add3A_444, %dma_start3A_450] : memref<80x128xi32, #tpu.memory_space<vmem>> -> memref<1x128xi32, #tpu.memory_space<vmem>>
      %dma_start3A_452 = tpu.memref_squeeze %dma_start3A_451 : memref<1x128xi32, #tpu.memory_space<vmem>> -> memref<128xi32, #tpu.memory_space<vmem>>
      %dma_start3A_453 = arith.constant 0 : i32
      %dma_start3A_454 = arith.constant 0 : i32
      %dma_start3A_455 = tpu.memref_slice %arg10[%dma_start3A_453, %dma_start3A_454] : memref<10112x32xf32, #tpu.memory_space<vmem_shared>> -> memref<10112x32xf32, #tpu.memory_space<vmem_shared>>
      tpu.enqueue_indirect_dma source(%dma_start3A_449 : memref<128x32xf32, #tpu.memory_space<vmem>>) target(%dma_start3A_455 : memref<10112x32xf32, #tpu.memory_space<vmem_shared>>) offsets(%dma_start3A_452 : memref<128xi32, #tpu.memory_space<vmem>>) semaphore(%arg12 : memref<!tpu.dma_semaphore, #tpu.memory_space<semaphore_mem>>) {add = true}
      %mul3A_456 = arith.constant 8 : i32
      %mul3A_457 = arith.muli %scan3A_250, %mul3A_456 : i32
      %add3A_458 = arith.constant 5 : i32
      %add3A_459 = arith.addi %mul3A_457, %add3A_458 : i32
      %dma_start3A_460 = arith.constant 5 : i32
      %dma_start3A_461 = arith.constant 0 : i32
      %dma_start3A_462 = arith.constant 0 : i32
      %dma_start3A_463 = tpu.memref_slice %arg9[%rem3A_251, %dma_start3A_460, %dma_start3A_461, %dma_start3A_462] : memref<2x8x128x32xf32, #tpu.memory_space<vmem>> -> memref<1x1x128x32xf32, #tpu.memory_space<vmem>>
      %dma_start3A_464 = tpu.memref_squeeze %dma_start3A_463 : memref<1x1x128x32xf32, #tpu.memory_space<vmem>> -> memref<128x32xf32, #tpu.memory_space<vmem>>
      %dma_start3A_465 = arith.constant 0 : i32
      %dma_start3A_466 = tpu.memref_slice %arg8[%add3A_459, %dma_start3A_465] : memref<80x128xi32, #tpu.memory_space<vmem>> -> memref<1x128xi32, #tpu.memory_space<vmem>>
      %dma_start3A_467 = tpu.memref_squeeze %dma_start3A_466 : memref<1x128xi32, #tpu.memory_space<vmem>> -> memref<128xi32, #tpu.memory_space<vmem>>
      %dma_start3A_468 = arith.constant 0 : i32
      %dma_start3A_469 = arith.constant 0 : i32
      %dma_start3A_470 = tpu.memref_slice %arg10[%dma_start3A_468, %dma_start3A_469] : memref<10112x32xf32, #tpu.memory_space<vmem_shared>> -> memref<10112x32xf32, #tpu.memory_space<vmem_shared>>
      tpu.enqueue_indirect_dma source(%dma_start3A_464 : memref<128x32xf32, #tpu.memory_space<vmem>>) target(%dma_start3A_470 : memref<10112x32xf32, #tpu.memory_space<vmem_shared>>) offsets(%dma_start3A_467 : memref<128xi32, #tpu.memory_space<vmem>>) semaphore(%arg12 : memref<!tpu.dma_semaphore, #tpu.memory_space<semaphore_mem>>) {add = true}
      %mul3A_471 = arith.constant 8 : i32
      %mul3A_472 = arith.muli %scan3A_250, %mul3A_471 : i32
      %add3A_473 = arith.constant 6 : i32
      %add3A_474 = arith.addi %mul3A_472, %add3A_473 : i32
      %dma_start3A_475 = arith.constant 6 : i32
      %dma_start3A_476 = arith.constant 0 : i32
      %dma_start3A_477 = arith.constant 0 : i32
      %dma_start3A_478 = tpu.memref_slice %arg9[%rem3A_251, %dma_start3A_475, %dma_start3A_476, %dma_start3A_477] : memref<2x8x128x32xf32, #tpu.memory_space<vmem>> -> memref<1x1x128x32xf32, #tpu.memory_space<vmem>>
      %dma_start3A_479 = tpu.memref_squeeze %dma_start3A_478 : memref<1x1x128x32xf32, #tpu.memory_space<vmem>> -> memref<128x32xf32, #tpu.memory_space<vmem>>
      %dma_start3A_480 = arith.constant 0 : i32
      %dma_start3A_481 = tpu.memref_slice %arg8[%add3A_474, %dma_start3A_480] : memref<80x128xi32, #tpu.memory_space<vmem>> -> memref<1x128xi32, #tpu.memory_space<vmem>>
      %dma_start3A_482 = tpu.memref_squeeze %dma_start3A_481 : memref<1x128xi32, #tpu.memory_space<vmem>> -> memref<128xi32, #tpu.memory_space<vmem>>
      %dma_start3A_483 = arith.constant 0 : i32
      %dma_start3A_484 = arith.constant 0 : i32
      %dma_start3A_485 = tpu.memref_slice %arg10[%dma_start3A_483, %dma_start3A_484] : memref<10112x32xf32, #tpu.memory_space<vmem_shared>> -> memref<10112x32xf32, #tpu.memory_space<vmem_shared>>
      tpu.enqueue_indirect_dma source(%dma_start3A_479 : memref<128x32xf32, #tpu.memory_space<vmem>>) target(%dma_start3A_485 : memref<10112x32xf32, #tpu.memory_space<vmem_shared>>) offsets(%dma_start3A_482 : memref<128xi32, #tpu.memory_space<vmem>>) semaphore(%arg12 : memref<!tpu.dma_semaphore, #tpu.memory_space<semaphore_mem>>) {add = true}
      %mul3A_486 = arith.constant 8 : i32
      %mul3A_487 = arith.muli %scan3A_250, %mul3A_486 : i32
      %add3A_488 = arith.constant 7 : i32
      %add3A_489 = arith.addi %mul3A_487, %add3A_488 : i32
      %dma_start3A_490 = arith.constant 7 : i32
      %dma_start3A_491 = arith.constant 0 : i32
      %dma_start3A_492 = arith.constant 0 : i32
      %dma_start3A_493 = tpu.memref_slice %arg9[%rem3A_251, %dma_start3A_490, %dma_start3A_491, %dma_start3A_492] : memref<2x8x128x32xf32, #tpu.memory_space<vmem>> -> memref<1x1x128x32xf32, #tpu.memory_space<vmem>>
      %dma_start3A_494 = tpu.memref_squeeze %dma_start3A_493 : memref<1x1x128x32xf32, #tpu.memory_space<vmem>> -> memref<128x32xf32, #tpu.memory_space<vmem>>
      %dma_start3A_495 = arith.constant 0 : i32
      %dma_start3A_496 = tpu.memref_slice %arg8[%add3A_489, %dma_start3A_495] : memref<80x128xi32, #tpu.memory_space<vmem>> -> memref<1x128xi32, #tpu.memory_space<vmem>>
      %dma_start3A_497 = tpu.memref_squeeze %dma_start3A_496 : memref<1x128xi32, #tpu.memory_space<vmem>> -> memref<128xi32, #tpu.memory_space<vmem>>
      %dma_start3A_498 = arith.constant 0 : i32
      %dma_start3A_499 = arith.constant 0 : i32
      %dma_start3A_500 = tpu.memref_slice %arg10[%dma_start3A_498, %dma_start3A_499] : memref<10112x32xf32, #tpu.memory_space<vmem_shared>> -> memref<10112x32xf32, #tpu.memory_space<vmem_shared>>
      tpu.enqueue_indirect_dma source(%dma_start3A_494 : memref<128x32xf32, #tpu.memory_space<vmem>>) target(%dma_start3A_500 : memref<10112x32xf32, #tpu.memory_space<vmem_shared>>) offsets(%dma_start3A_497 : memref<128xi32, #tpu.memory_space<vmem>>) semaphore(%arg12 : memref<!tpu.dma_semaphore, #tpu.memory_space<semaphore_mem>>) {add = true}
    }
    %scan3A_114 = arith.constant 10 : i32
    %dma_wait3A = arith.constant 1 : i32
    %dma_wait3A_115 = arith.constant 0 : i32
    %dma_wait3A_116 = arith.constant 0 : i32
    %dma_wait3A_117 = arith.constant 0 : i32
    %dma_wait3A_118 = tpu.memref_slice %arg9[%dma_wait3A, %dma_wait3A_115, %dma_wait3A_116, %dma_wait3A_117] : memref<2x8x128x32xf32, #tpu.memory_space<vmem>> -> memref<1x1x128x32xf32, #tpu.memory_space<vmem>>
    %dma_wait3A_119 = tpu.memref_squeeze %dma_wait3A_118 : memref<1x1x128x32xf32, #tpu.memory_space<vmem>> -> memref<128x32xf32, #tpu.memory_space<vmem>>
    %dma_wait3A_120 = arith.constant 0 : i32
    %dma_wait3A_121 = arith.constant 0 : i32
    %dma_wait3A_122 = tpu.memref_slice %arg2[%dma_wait3A_120, %dma_wait3A_121] : memref<10112x32xf32, #tpu.memory_space<hbm>> -> memref<128x32xf32, #tpu.memory_space<hbm>>
    %dma_wait3A_123 = arith.constant 0 : i32
    %dma_wait3A_124 = arith.constant 0 : i32
    %dma_wait3A_125 = tpu.memref_slice %arg9[%dma_wait3A, %dma_wait3A_115, %dma_wait3A_123, %dma_wait3A_124] : memref<2x8x128x32xf32, #tpu.memory_space<vmem>> -> memref<1x1x128x32xf32, #tpu.memory_space<vmem>>
    %dma_wait3A_126 = tpu.memref_squeeze %dma_wait3A_125 : memref<1x1x128x32xf32, #tpu.memory_space<vmem>> -> memref<128x32xf32, #tpu.memory_space<vmem>>
    %dma_wait3A_127 = arith.constant 0 : i32
    %dma_wait3A_128 = arith.constant 0 : i32
    %dma_wait3A_129 = tpu.memref_slice %arg2[%dma_wait3A_127, %dma_wait3A_128] : memref<10112x32xf32, #tpu.memory_space<hbm>> -> memref<128x32xf32, #tpu.memory_space<hbm>>
    tpu.wait_dma2 semaphore(%arg12 : memref<!tpu.dma_semaphore, #tpu.memory_space<semaphore_mem>>) src(%dma_wait3A_129 : memref<128x32xf32, #tpu.memory_space<hbm>>) dst(%dma_wait3A_126 : memref<128x32xf32, #tpu.memory_space<vmem>>)
    %dma_wait3A_130 = arith.constant 1 : i32
    %dma_wait3A_131 = arith.constant 1 : i32
    %dma_wait3A_132 = arith.constant 0 : i32
    %dma_wait3A_133 = arith.constant 0 : i32
    %dma_wait3A_134 = tpu.memref_slice %arg9[%dma_wait3A_130, %dma_wait3A_131, %dma_wait3A_132, %dma_wait3A_133] : memref<2x8x128x32xf32, #tpu.memory_space<vmem>> -> memref<1x1x128x32xf32, #tpu.memory_space<vmem>>
    %dma_wait3A_135 = tpu.memref_squeeze %dma_wait3A_134 : memref<1x1x128x32xf32, #tpu.memory_space<vmem>> -> memref<128x32xf32, #tpu.memory_space<vmem>>
    %dma_wait3A_136 = arith.constant 0 : i32
    %dma_wait3A_137 = arith.constant 0 : i32
    %dma_wait3A_138 = tpu.memref_slice %arg2[%dma_wait3A_136, %dma_wait3A_137] : memref<10112x32xf32, #tpu.memory_space<hbm>> -> memref<128x32xf32, #tpu.memory_space<hbm>>
    %dma_wait3A_139 = arith.constant 0 : i32
    %dma_wait3A_140 = arith.constant 0 : i32
    %dma_wait3A_141 = tpu.memref_slice %arg9[%dma_wait3A_130, %dma_wait3A_131, %dma_wait3A_139, %dma_wait3A_140] : memref<2x8x128x32xf32, #tpu.memory_space<vmem>> -> memref<1x1x128x32xf32, #tpu.memory_space<vmem>>
    %dma_wait3A_142 = tpu.memref_squeeze %dma_wait3A_141 : memref<1x1x128x32xf32, #tpu.memory_space<vmem>> -> memref<128x32xf32, #tpu.memory_space<vmem>>
    %dma_wait3A_143 = arith.constant 0 : i32
    %dma_wait3A_144 = arith.constant 0 : i32
    %dma_wait3A_145 = tpu.memref_slice %arg2[%dma_wait3A_143, %dma_wait3A_144] : memref<10112x32xf32, #tpu.memory_space<hbm>> -> memref<128x32xf32, #tpu.memory_space<hbm>>
    tpu.wait_dma2 semaphore(%arg12 : memref<!tpu.dma_semaphore, #tpu.memory_space<semaphore_mem>>) src(%dma_wait3A_145 : memref<128x32xf32, #tpu.memory_space<hbm>>) dst(%dma_wait3A_142 : memref<128x32xf32, #tpu.memory_space<vmem>>)
    %dma_wait3A_146 = arith.constant 1 : i32
    %dma_wait3A_147 = arith.constant 2 : i32
    %dma_wait3A_148 = arith.constant 0 : i32
    %dma_wait3A_149 = arith.constant 0 : i32
    %dma_wait3A_150 = tpu.memref_slice %arg9[%dma_wait3A_146, %dma_wait3A_147, %dma_wait3A_148, %dma_wait3A_149] : memref<2x8x128x32xf32, #tpu.memory_space<vmem>> -> memref<1x1x128x32xf32, #tpu.memory_space<vmem>>
    %dma_wait3A_151 = tpu.memref_squeeze %dma_wait3A_150 : memref<1x1x128x32xf32, #tpu.memory_space<vmem>> -> memref<128x32xf32, #tpu.memory_space<vmem>>
    %dma_wait3A_152 = arith.constant 0 : i32
    %dma_wait3A_153 = arith.constant 0 : i32
    %dma_wait3A_154 = tpu.memref_slice %arg2[%dma_wait3A_152, %dma_wait3A_153] : memref<10112x32xf32, #tpu.memory_space<hbm>> -> memref<128x32xf32, #tpu.memory_space<hbm>>
    %dma_wait3A_155 = arith.constant 0 : i32
    %dma_wait3A_156 = arith.constant 0 : i32
    %dma_wait3A_157 = tpu.memref_slice %arg9[%dma_wait3A_146, %dma_wait3A_147, %dma_wait3A_155, %dma_wait3A_156] : memref<2x8x128x32xf32, #tpu.memory_space<vmem>> -> memref<1x1x128x32xf32, #tpu.memory_space<vmem>>
    %dma_wait3A_158 = tpu.memref_squeeze %dma_wait3A_157 : memref<1x1x128x32xf32, #tpu.memory_space<vmem>> -> memref<128x32xf32, #tpu.memory_space<vmem>>
    %dma_wait3A_159 = arith.constant 0 : i32
    %dma_wait3A_160 = arith.constant 0 : i32
    %dma_wait3A_161 = tpu.memref_slice %arg2[%dma_wait3A_159, %dma_wait3A_160] : memref<10112x32xf32, #tpu.memory_space<hbm>> -> memref<128x32xf32, #tpu.memory_space<hbm>>
    tpu.wait_dma2 semaphore(%arg12 : memref<!tpu.dma_semaphore, #tpu.memory_space<semaphore_mem>>) src(%dma_wait3A_161 : memref<128x32xf32, #tpu.memory_space<hbm>>) dst(%dma_wait3A_158 : memref<128x32xf32, #tpu.memory_space<vmem>>)
    %dma_wait3A_162 = arith.constant 1 : i32
    %dma_wait3A_163 = arith.constant 3 : i32
    %dma_wait3A_164 = arith.constant 0 : i32
    %dma_wait3A_165 = arith.constant 0 : i32
    %dma_wait3A_166 = tpu.memref_slice %arg9[%dma_wait3A_162, %dma_wait3A_163, %dma_wait3A_164, %dma_wait3A_165] : memref<2x8x128x32xf32, #tpu.memory_space<vmem>> -> memref<1x1x128x32xf32, #tpu.memory_space<vmem>>
    %dma_wait3A_167 = tpu.memref_squeeze %dma_wait3A_166 : memref<1x1x128x32xf32, #tpu.memory_space<vmem>> -> memref<128x32xf32, #tpu.memory_space<vmem>>
    %dma_wait3A_168 = arith.constant 0 : i32
    %dma_wait3A_169 = arith.constant 0 : i32
    %dma_wait3A_170 = tpu.memref_slice %arg2[%dma_wait3A_168, %dma_wait3A_169] : memref<10112x32xf32, #tpu.memory_space<hbm>> -> memref<128x32xf32, #tpu.memory_space<hbm>>
    %dma_wait3A_171 = arith.constant 0 : i32
    %dma_wait3A_172 = arith.constant 0 : i32
    %dma_wait3A_173 = tpu.memref_slice %arg9[%dma_wait3A_162, %dma_wait3A_163, %dma_wait3A_171, %dma_wait3A_172] : memref<2x8x128x32xf32, #tpu.memory_space<vmem>> -> memref<1x1x128x32xf32, #tpu.memory_space<vmem>>
    %dma_wait3A_174 = tpu.memref_squeeze %dma_wait3A_173 : memref<1x1x128x32xf32, #tpu.memory_space<vmem>> -> memref<128x32xf32, #tpu.memory_space<vmem>>
    %dma_wait3A_175 = arith.constant 0 : i32
    %dma_wait3A_176 = arith.constant 0 : i32
    %dma_wait3A_177 = tpu.memref_slice %arg2[%dma_wait3A_175, %dma_wait3A_176] : memref<10112x32xf32, #tpu.memory_space<hbm>> -> memref<128x32xf32, #tpu.memory_space<hbm>>
    tpu.wait_dma2 semaphore(%arg12 : memref<!tpu.dma_semaphore, #tpu.memory_space<semaphore_mem>>) src(%dma_wait3A_177 : memref<128x32xf32, #tpu.memory_space<hbm>>) dst(%dma_wait3A_174 : memref<128x32xf32, #tpu.memory_space<vmem>>)
    %dma_wait3A_178 = arith.constant 1 : i32
    %dma_wait3A_179 = arith.constant 4 : i32
    %dma_wait3A_180 = arith.constant 0 : i32
    %dma_wait3A_181 = arith.constant 0 : i32
    %dma_wait3A_182 = tpu.memref_slice %arg9[%dma_wait3A_178, %dma_wait3A_179, %dma_wait3A_180, %dma_wait3A_181] : memref<2x8x128x32xf32, #tpu.memory_space<vmem>> -> memref<1x1x128x32xf32, #tpu.memory_space<vmem>>
    %dma_wait3A_183 = tpu.memref_squeeze %dma_wait3A_182 : memref<1x1x128x32xf32, #tpu.memory_space<vmem>> -> memref<128x32xf32, #tpu.memory_space<vmem>>
    %dma_wait3A_184 = arith.constant 0 : i32
    %dma_wait3A_185 = arith.constant 0 : i32
    %dma_wait3A_186 = tpu.memref_slice %arg2[%dma_wait3A_184, %dma_wait3A_185] : memref<10112x32xf32, #tpu.memory_space<hbm>> -> memref<128x32xf32, #tpu.memory_space<hbm>>
    %dma_wait3A_187 = arith.constant 0 : i32
    %dma_wait3A_188 = arith.constant 0 : i32
    %dma_wait3A_189 = tpu.memref_slice %arg9[%dma_wait3A_178, %dma_wait3A_179, %dma_wait3A_187, %dma_wait3A_188] : memref<2x8x128x32xf32, #tpu.memory_space<vmem>> -> memref<1x1x128x32xf32, #tpu.memory_space<vmem>>
    %dma_wait3A_190 = tpu.memref_squeeze %dma_wait3A_189 : memref<1x1x128x32xf32, #tpu.memory_space<vmem>> -> memref<128x32xf32, #tpu.memory_space<vmem>>
    %dma_wait3A_191 = arith.constant 0 : i32
    %dma_wait3A_192 = arith.constant 0 : i32
    %dma_wait3A_193 = tpu.memref_slice %arg2[%dma_wait3A_191, %dma_wait3A_192] : memref<10112x32xf32, #tpu.memory_space<hbm>> -> memref<128x32xf32, #tpu.memory_space<hbm>>
    tpu.wait_dma2 semaphore(%arg12 : memref<!tpu.dma_semaphore, #tpu.memory_space<semaphore_mem>>) src(%dma_wait3A_193 : memref<128x32xf32, #tpu.memory_space<hbm>>) dst(%dma_wait3A_190 : memref<128x32xf32, #tpu.memory_space<vmem>>)
    %dma_wait3A_194 = arith.constant 1 : i32
    %dma_wait3A_195 = arith.constant 5 : i32
    %dma_wait3A_196 = arith.constant 0 : i32
    %dma_wait3A_197 = arith.constant 0 : i32
    %dma_wait3A_198 = tpu.memref_slice %arg9[%dma_wait3A_194, %dma_wait3A_195, %dma_wait3A_196, %dma_wait3A_197] : memref<2x8x128x32xf32, #tpu.memory_space<vmem>> -> memref<1x1x128x32xf32, #tpu.memory_space<vmem>>
    %dma_wait3A_199 = tpu.memref_squeeze %dma_wait3A_198 : memref<1x1x128x32xf32, #tpu.memory_space<vmem>> -> memref<128x32xf32, #tpu.memory_space<vmem>>
    %dma_wait3A_200 = arith.constant 0 : i32
    %dma_wait3A_201 = arith.constant 0 : i32
    %dma_wait3A_202 = tpu.memref_slice %arg2[%dma_wait3A_200, %dma_wait3A_201] : memref<10112x32xf32, #tpu.memory_space<hbm>> -> memref<128x32xf32, #tpu.memory_space<hbm>>
    %dma_wait3A_203 = arith.constant 0 : i32
    %dma_wait3A_204 = arith.constant 0 : i32
    %dma_wait3A_205 = tpu.memref_slice %arg9[%dma_wait3A_194, %dma_wait3A_195, %dma_wait3A_203, %dma_wait3A_204] : memref<2x8x128x32xf32, #tpu.memory_space<vmem>> -> memref<1x1x128x32xf32, #tpu.memory_space<vmem>>
    %dma_wait3A_206 = tpu.memref_squeeze %dma_wait3A_205 : memref<1x1x128x32xf32, #tpu.memory_space<vmem>> -> memref<128x32xf32, #tpu.memory_space<vmem>>
    %dma_wait3A_207 = arith.constant 0 : i32
    %dma_wait3A_208 = arith.constant 0 : i32
    %dma_wait3A_209 = tpu.memref_slice %arg2[%dma_wait3A_207, %dma_wait3A_208] : memref<10112x32xf32, #tpu.memory_space<hbm>> -> memref<128x32xf32, #tpu.memory_space<hbm>>
    tpu.wait_dma2 semaphore(%arg12 : memref<!tpu.dma_semaphore, #tpu.memory_space<semaphore_mem>>) src(%dma_wait3A_209 : memref<128x32xf32, #tpu.memory_space<hbm>>) dst(%dma_wait3A_206 : memref<128x32xf32, #tpu.memory_space<vmem>>)
    %dma_wait3A_210 = arith.constant 1 : i32
    %dma_wait3A_211 = arith.constant 6 : i32
    %dma_wait3A_212 = arith.constant 0 : i32
    %dma_wait3A_213 = arith.constant 0 : i32
    %dma_wait3A_214 = tpu.memref_slice %arg9[%dma_wait3A_210, %dma_wait3A_211, %dma_wait3A_212, %dma_wait3A_213] : memref<2x8x128x32xf32, #tpu.memory_space<vmem>> -> memref<1x1x128x32xf32, #tpu.memory_space<vmem>>
    %dma_wait3A_215 = tpu.memref_squeeze %dma_wait3A_214 : memref<1x1x128x32xf32, #tpu.memory_space<vmem>> -> memref<128x32xf32, #tpu.memory_space<vmem>>
    %dma_wait3A_216 = arith.constant 0 : i32
    %dma_wait3A_217 = arith.constant 0 : i32
    %dma_wait3A_218 = tpu.memref_slice %arg2[%dma_wait3A_216, %dma_wait3A_217] : memref<10112x32xf32, #tpu.memory_space<hbm>> -> memref<128x32xf32, #tpu.memory_space<hbm>>
    %dma_wait3A_219 = arith.constant 0 : i32
    %dma_wait3A_220 = arith.constant 0 : i32
    %dma_wait3A_221 = tpu.memref_slice %arg9[%dma_wait3A_210, %dma_wait3A_211, %dma_wait3A_219, %dma_wait3A_220] : memref<2x8x128x32xf32, #tpu.memory_space<vmem>> -> memref<1x1x128x32xf32, #tpu.memory_space<vmem>>
    %dma_wait3A_222 = tpu.memref_squeeze %dma_wait3A_221 : memref<1x1x128x32xf32, #tpu.memory_space<vmem>> -> memref<128x32xf32, #tpu.memory_space<vmem>>
    %dma_wait3A_223 = arith.constant 0 : i32
    %dma_wait3A_224 = arith.constant 0 : i32
    %dma_wait3A_225 = tpu.memref_slice %arg2[%dma_wait3A_223, %dma_wait3A_224] : memref<10112x32xf32, #tpu.memory_space<hbm>> -> memref<128x32xf32, #tpu.memory_space<hbm>>
    tpu.wait_dma2 semaphore(%arg12 : memref<!tpu.dma_semaphore, #tpu.memory_space<semaphore_mem>>) src(%dma_wait3A_225 : memref<128x32xf32, #tpu.memory_space<hbm>>) dst(%dma_wait3A_222 : memref<128x32xf32, #tpu.memory_space<vmem>>)
    %dma_wait3A_226 = arith.constant 1 : i32
    %dma_wait3A_227 = arith.constant 7 : i32
    %dma_wait3A_228 = arith.constant 0 : i32
    %dma_wait3A_229 = arith.constant 0 : i32
    %dma_wait3A_230 = tpu.memref_slice %arg9[%dma_wait3A_226, %dma_wait3A_227, %dma_wait3A_228, %dma_wait3A_229] : memref<2x8x128x32xf32, #tpu.memory_space<vmem>> -> memref<1x1x128x32xf32, #tpu.memory_space<vmem>>
    %dma_wait3A_231 = tpu.memref_squeeze %dma_wait3A_230 : memref<1x1x128x32xf32, #tpu.memory_space<vmem>> -> memref<128x32xf32, #tpu.memory_space<vmem>>
    %dma_wait3A_232 = arith.constant 0 : i32
    %dma_wait3A_233 = arith.constant 0 : i32
    %dma_wait3A_234 = tpu.memref_slice %arg2[%dma_wait3A_232, %dma_wait3A_233] : memref<10112x32xf32, #tpu.memory_space<hbm>> -> memref<128x32xf32, #tpu.memory_space<hbm>>
    %dma_wait3A_235 = arith.constant 0 : i32
    %dma_wait3A_236 = arith.constant 0 : i32
    %dma_wait3A_237 = tpu.memref_slice %arg9[%dma_wait3A_226, %dma_wait3A_227, %dma_wait3A_235, %dma_wait3A_236] : memref<2x8x128x32xf32, #tpu.memory_space<vmem>> -> memref<1x1x128x32xf32, #tpu.memory_space<vmem>>
    %dma_wait3A_238 = tpu.memref_squeeze %dma_wait3A_237 : memref<1x1x128x32xf32, #tpu.memory_space<vmem>> -> memref<128x32xf32, #tpu.memory_space<vmem>>
    %dma_wait3A_239 = arith.constant 0 : i32
    %dma_wait3A_240 = arith.constant 0 : i32
    %dma_wait3A_241 = tpu.memref_slice %arg2[%dma_wait3A_239, %dma_wait3A_240] : memref<10112x32xf32, #tpu.memory_space<hbm>> -> memref<128x32xf32, #tpu.memory_space<hbm>>
    tpu.wait_dma2 semaphore(%arg12 : memref<!tpu.dma_semaphore, #tpu.memory_space<semaphore_mem>>) src(%dma_wait3A_241 : memref<128x32xf32, #tpu.memory_space<hbm>>) dst(%dma_wait3A_238 : memref<128x32xf32, #tpu.memory_space<vmem>>)
    %barrier3A_242 = arith.constant 0 : index
    tpu.barrier barrier_id(%barrier3A_242)
    %mul3A_243 = arith.constant 632 : i32
    %mul3A_244 = arith.muli %arg1, %mul3A_243 : i32
    %mul3A_245 = arith.constant 10112 : i32
    %mul3A_246 = arith.muli %arg0, %mul3A_245 : i32
    %mul3A_247 = arith.constant 632 : i32
    %mul3A_248 = arith.muli %arg1, %mul3A_247 : i32
    %add3A_249 = arith.addi %mul3A_246, %mul3A_248 : i32
    "tpu.region"() ({
      %run_scoped3A = tpu.sem_alloc : memref<!tpu.dma_semaphore, #tpu.memory_space<semaphore_mem>>
      %dma_start3A_250 = arith.constant 0 : i32
      %dma_start3A_251 = tpu.memref_slice %arg6[%add3A_249, %dma_start3A_250] : memref<20224x32xf32, #tpu.memory_space<hbm>> -> memref<632x32xf32, #tpu.memory_space<hbm>>
      %dma_start3A_252 = arith.constant 0 : i32
      %dma_start3A_253 = tpu.memref_slice %arg10[%mul3A_244, %dma_start3A_252] : memref<10112x32xf32, #tpu.memory_space<vmem_shared>> -> memref<632x32xf32, #tpu.memory_space<vmem_shared>>
      tpu.enqueue_dma source(%dma_start3A_253 : memref<632x32xf32, #tpu.memory_space<vmem_shared>>) target(%dma_start3A_251 : memref<632x32xf32, #tpu.memory_space<hbm>>) target_semaphore(%run_scoped3A : memref<!tpu.dma_semaphore, #tpu.memory_space<semaphore_mem>>)
      %dma_wait3A_254 = arith.constant 0 : i32
      %dma_wait3A_255 = tpu.memref_slice %arg6[%add3A_249, %dma_wait3A_254] : memref<20224x32xf32, #tpu.memory_space<hbm>> -> memref<632x32xf32, #tpu.memory_space<hbm>>
      %dma_wait3A_256 = arith.constant 0 : i32
      %dma_wait3A_257 = tpu.memref_slice %arg10[%mul3A_244, %dma_wait3A_256] : memref<10112x32xf32, #tpu.memory_space<vmem_shared>> -> memref<632x32xf32, #tpu.memory_space<vmem_shared>>
      tpu.wait_dma2 semaphore(%run_scoped3A : memref<!tpu.dma_semaphore, #tpu.memory_space<semaphore_mem>>) src(%dma_wait3A_257 : memref<632x32xf32, #tpu.memory_space<vmem_shared>>) dst(%dma_wait3A_255 : memref<632x32xf32, #tpu.memory_space<hbm>>)
      tpu.yield
    }) : () -> ()
    return
  }
}

#map = affine_map<(d0, d1) -> (0, 0)>
module attributes {stable_mosaic.version = 14 : i64} {
  func.func @_sc_agg32(%arg0: i32, %arg1: i32, %arg2: memref<10112x32xf32, #tpu.memory_space<hbm>>, %arg3: memref<2560x128xi32, #tpu.memory_space<hbm>>, %arg4: memref<2560x128xi32, #tpu.memory_space<hbm>>, %arg5: memref<632x32xf32, #tpu.memory_space<hbm>>, %arg6: memref<20224x32xf32, #tpu.memory_space<hbm>>, %arg7: memref<80x128xi32, #tpu.memory_space<vmem>>, %arg8: memref<80x128xi32, #tpu.memory_space<vmem>>, %arg9: memref<2x8x128x32xf32, #tpu.memory_space<vmem>>, %arg10: memref<10112x32xf32, #tpu.memory_space<vmem_shared>>, %arg11: memref<!tpu.dma_semaphore, #tpu.memory_space<semaphore_mem>>, %arg12: memref<!tpu.dma_semaphore, #tpu.memory_space<semaphore_mem>>) attributes {dimension_semantics = [#tpu.dimension_semantics<core_parallel>, #tpu.dimension_semantics<subcore_parallel>], iteration_bounds = array<i64: 2, 16>, scalar_prefetch = 0 : i64, scratch_operands = 6 : i64, tpu.core_type = #tpu.core_type<sc_vector_subcore>, window_params = [{transform_indices = #map}, {transform_indices = #map}, {transform_indices = #map}, {transform_indices = #map}, {transform_indices = #map}]} {
    %mul3A = arith.constant 16 : i32
    %mul3A_0 = arith.muli %arg0, %mul3A : i32
    %add3A = arith.addi %mul3A_0, %arg1 : i32
    %mul3A_1 = arith.constant 632 : i32
    %mul3A_2 = arith.muli %arg1, %mul3A_1 : i32
    "tpu.region"() ({
      %run_scoped3A = tpu.sem_alloc : memref<!tpu.dma_semaphore, #tpu.memory_space<semaphore_mem>>
      %dma_start3A_250 = arith.constant 0 : i32
      %dma_start3A_251 = tpu.memref_slice %arg10[%mul3A_2, %dma_start3A_250] : memref<10112x32xf32, #tpu.memory_space<vmem_shared>> -> memref<632x32xf32, #tpu.memory_space<vmem_shared>>
      tpu.enqueue_dma source(%arg5 : memref<632x32xf32, #tpu.memory_space<hbm>>) target(%dma_start3A_251 : memref<632x32xf32, #tpu.memory_space<vmem_shared>>) target_semaphore(%run_scoped3A : memref<!tpu.dma_semaphore, #tpu.memory_space<semaphore_mem>>)
      %dma_wait3A_252 = arith.constant 0 : i32
      %dma_wait3A_253 = tpu.memref_slice %arg10[%mul3A_2, %dma_wait3A_252] : memref<10112x32xf32, #tpu.memory_space<vmem_shared>> -> memref<632x32xf32, #tpu.memory_space<vmem_shared>>
      tpu.wait_dma2 semaphore(%run_scoped3A : memref<!tpu.dma_semaphore, #tpu.memory_space<semaphore_mem>>) src(%arg5 : memref<632x32xf32, #tpu.memory_space<hbm>>) dst(%dma_wait3A_253 : memref<632x32xf32, #tpu.memory_space<vmem_shared>>)
      tpu.yield
    }) : () -> ()
    %mul3A_3 = arith.constant 80 : i32
    %mul3A_4 = arith.muli %add3A, %mul3A_3 : i32
    "tpu.region"() ({
      %run_scoped3A = tpu.sem_alloc : memref<!tpu.dma_semaphore, #tpu.memory_space<semaphore_mem>>
      %dma_start3A_250 = arith.constant 0 : i32
      %dma_start3A_251 = tpu.memref_slice %arg3[%mul3A_4, %dma_start3A_250] : memref<2560x128xi32, #tpu.memory_space<hbm>> -> memref<80x128xi32, #tpu.memory_space<hbm>>
      %dma_start3A_252 = arith.constant 0 : i32
      %dma_start3A_253 = tpu.memref_slice %arg3[%mul3A_4, %dma_start3A_252] : memref<2560x128xi32, #tpu.memory_space<hbm>> -> memref<80x128xi32, #tpu.memory_space<hbm>>
      tpu.enqueue_dma source(%dma_start3A_253 : memref<80x128xi32, #tpu.memory_space<hbm>>) target(%arg7 : memref<80x128xi32, #tpu.memory_space<vmem>>) target_semaphore(%run_scoped3A : memref<!tpu.dma_semaphore, #tpu.memory_space<semaphore_mem>>)
      %dma_wait3A_254 = arith.constant 0 : i32
      %dma_wait3A_255 = tpu.memref_slice %arg3[%mul3A_4, %dma_wait3A_254] : memref<2560x128xi32, #tpu.memory_space<hbm>> -> memref<80x128xi32, #tpu.memory_space<hbm>>
      %dma_wait3A_256 = arith.constant 0 : i32
      %dma_wait3A_257 = tpu.memref_slice %arg3[%mul3A_4, %dma_wait3A_256] : memref<2560x128xi32, #tpu.memory_space<hbm>> -> memref<80x128xi32, #tpu.memory_space<hbm>>
      tpu.wait_dma2 semaphore(%run_scoped3A : memref<!tpu.dma_semaphore, #tpu.memory_space<semaphore_mem>>) src(%dma_wait3A_257 : memref<80x128xi32, #tpu.memory_space<hbm>>) dst(%arg7 : memref<80x128xi32, #tpu.memory_space<vmem>>)
      tpu.yield
    }) : () -> ()
    %mul3A_5 = arith.constant 80 : i32
    %mul3A_6 = arith.muli %add3A, %mul3A_5 : i32
    "tpu.region"() ({
      %run_scoped3A = tpu.sem_alloc : memref<!tpu.dma_semaphore, #tpu.memory_space<semaphore_mem>>
      %dma_start3A_250 = arith.constant 0 : i32
      %dma_start3A_251 = tpu.memref_slice %arg4[%mul3A_6, %dma_start3A_250] : memref<2560x128xi32, #tpu.memory_space<hbm>> -> memref<80x128xi32, #tpu.memory_space<hbm>>
      %dma_start3A_252 = arith.constant 0 : i32
      %dma_start3A_253 = tpu.memref_slice %arg4[%mul3A_6, %dma_start3A_252] : memref<2560x128xi32, #tpu.memory_space<hbm>> -> memref<80x128xi32, #tpu.memory_space<hbm>>
      tpu.enqueue_dma source(%dma_start3A_253 : memref<80x128xi32, #tpu.memory_space<hbm>>) target(%arg8 : memref<80x128xi32, #tpu.memory_space<vmem>>) target_semaphore(%run_scoped3A : memref<!tpu.dma_semaphore, #tpu.memory_space<semaphore_mem>>)
      %dma_wait3A_254 = arith.constant 0 : i32
      %dma_wait3A_255 = tpu.memref_slice %arg4[%mul3A_6, %dma_wait3A_254] : memref<2560x128xi32, #tpu.memory_space<hbm>> -> memref<80x128xi32, #tpu.memory_space<hbm>>
      %dma_wait3A_256 = arith.constant 0 : i32
      %dma_wait3A_257 = tpu.memref_slice %arg4[%mul3A_6, %dma_wait3A_256] : memref<2560x128xi32, #tpu.memory_space<hbm>> -> memref<80x128xi32, #tpu.memory_space<hbm>>
      tpu.wait_dma2 semaphore(%run_scoped3A : memref<!tpu.dma_semaphore, #tpu.memory_space<semaphore_mem>>) src(%dma_wait3A_257 : memref<80x128xi32, #tpu.memory_space<hbm>>) dst(%arg8 : memref<80x128xi32, #tpu.memory_space<vmem>>)
      tpu.yield
    }) : () -> ()
    %barrier3A = arith.constant 0 : index
    tpu.barrier barrier_id(%barrier3A)
    %dma_start3A = arith.constant 0 : i32
    %dma_start3A_7 = arith.constant 0 : i32
    %dma_start3A_8 = arith.constant 0 : i32
    %dma_start3A_9 = arith.constant 0 : i32
    %dma_start3A_10 = arith.constant 0 : i32
    %dma_start3A_11 = tpu.memref_slice %arg9[%dma_start3A_7, %dma_start3A_8, %dma_start3A_9, %dma_start3A_10] : memref<2x8x128x32xf32, #tpu.memory_space<vmem>> -> memref<1x1x128x32xf32, #tpu.memory_space<vmem>>
    %dma_start3A_12 = tpu.memref_squeeze %dma_start3A_11 : memref<1x1x128x32xf32, #tpu.memory_space<vmem>> -> memref<128x32xf32, #tpu.memory_space<vmem>>
    %dma_start3A_13 = arith.constant 0 : i32
    %dma_start3A_14 = tpu.memref_slice %arg7[%dma_start3A, %dma_start3A_13] : memref<80x128xi32, #tpu.memory_space<vmem>> -> memref<1x128xi32, #tpu.memory_space<vmem>>
    %dma_start3A_15 = tpu.memref_squeeze %dma_start3A_14 : memref<1x128xi32, #tpu.memory_space<vmem>> -> memref<128xi32, #tpu.memory_space<vmem>>
    %dma_start3A_16 = arith.constant 0 : i32
    %dma_start3A_17 = arith.constant 0 : i32
    %dma_start3A_18 = tpu.memref_slice %arg2[%dma_start3A_16, %dma_start3A_17] : memref<10112x32xf32, #tpu.memory_space<hbm>> -> memref<10112x32xf32, #tpu.memory_space<hbm>>
    tpu.enqueue_indirect_dma source(%dma_start3A_18 : memref<10112x32xf32, #tpu.memory_space<hbm>>) target(%dma_start3A_12 : memref<128x32xf32, #tpu.memory_space<vmem>>) offsets(%dma_start3A_15 : memref<128xi32, #tpu.memory_space<vmem>>) semaphore(%arg11 : memref<!tpu.dma_semaphore, #tpu.memory_space<semaphore_mem>>)
    %dma_start3A_19 = arith.constant 1 : i32
    %dma_start3A_20 = arith.constant 0 : i32
    %dma_start3A_21 = arith.constant 1 : i32
    %dma_start3A_22 = arith.constant 0 : i32
    %dma_start3A_23 = arith.constant 0 : i32
    %dma_start3A_24 = tpu.memref_slice %arg9[%dma_start3A_20, %dma_start3A_21, %dma_start3A_22, %dma_start3A_23] : memref<2x8x128x32xf32, #tpu.memory_space<vmem>> -> memref<1x1x128x32xf32, #tpu.memory_space<vmem>>
    %dma_start3A_25 = tpu.memref_squeeze %dma_start3A_24 : memref<1x1x128x32xf32, #tpu.memory_space<vmem>> -> memref<128x32xf32, #tpu.memory_space<vmem>>
    %dma_start3A_26 = arith.constant 0 : i32
    %dma_start3A_27 = tpu.memref_slice %arg7[%dma_start3A_19, %dma_start3A_26] : memref<80x128xi32, #tpu.memory_space<vmem>> -> memref<1x128xi32, #tpu.memory_space<vmem>>
    %dma_start3A_28 = tpu.memref_squeeze %dma_start3A_27 : memref<1x128xi32, #tpu.memory_space<vmem>> -> memref<128xi32, #tpu.memory_space<vmem>>
    %dma_start3A_29 = arith.constant 0 : i32
    %dma_start3A_30 = arith.constant 0 : i32
    %dma_start3A_31 = tpu.memref_slice %arg2[%dma_start3A_29, %dma_start3A_30] : memref<10112x32xf32, #tpu.memory_space<hbm>> -> memref<10112x32xf32, #tpu.memory_space<hbm>>
    tpu.enqueue_indirect_dma source(%dma_start3A_31 : memref<10112x32xf32, #tpu.memory_space<hbm>>) target(%dma_start3A_25 : memref<128x32xf32, #tpu.memory_space<vmem>>) offsets(%dma_start3A_28 : memref<128xi32, #tpu.memory_space<vmem>>) semaphore(%arg11 : memref<!tpu.dma_semaphore, #tpu.memory_space<semaphore_mem>>)
    %dma_start3A_32 = arith.constant 2 : i32
    %dma_start3A_33 = arith.constant 0 : i32
    %dma_start3A_34 = arith.constant 2 : i32
    %dma_start3A_35 = arith.constant 0 : i32
    %dma_start3A_36 = arith.constant 0 : i32
    %dma_start3A_37 = tpu.memref_slice %arg9[%dma_start3A_33, %dma_start3A_34, %dma_start3A_35, %dma_start3A_36] : memref<2x8x128x32xf32, #tpu.memory_space<vmem>> -> memref<1x1x128x32xf32, #tpu.memory_space<vmem>>
    %dma_start3A_38 = tpu.memref_squeeze %dma_start3A_37 : memref<1x1x128x32xf32, #tpu.memory_space<vmem>> -> memref<128x32xf32, #tpu.memory_space<vmem>>
    %dma_start3A_39 = arith.constant 0 : i32
    %dma_start3A_40 = tpu.memref_slice %arg7[%dma_start3A_32, %dma_start3A_39] : memref<80x128xi32, #tpu.memory_space<vmem>> -> memref<1x128xi32, #tpu.memory_space<vmem>>
    %dma_start3A_41 = tpu.memref_squeeze %dma_start3A_40 : memref<1x128xi32, #tpu.memory_space<vmem>> -> memref<128xi32, #tpu.memory_space<vmem>>
    %dma_start3A_42 = arith.constant 0 : i32
    %dma_start3A_43 = arith.constant 0 : i32
    %dma_start3A_44 = tpu.memref_slice %arg2[%dma_start3A_42, %dma_start3A_43] : memref<10112x32xf32, #tpu.memory_space<hbm>> -> memref<10112x32xf32, #tpu.memory_space<hbm>>
    tpu.enqueue_indirect_dma source(%dma_start3A_44 : memref<10112x32xf32, #tpu.memory_space<hbm>>) target(%dma_start3A_38 : memref<128x32xf32, #tpu.memory_space<vmem>>) offsets(%dma_start3A_41 : memref<128xi32, #tpu.memory_space<vmem>>) semaphore(%arg11 : memref<!tpu.dma_semaphore, #tpu.memory_space<semaphore_mem>>)
    %dma_start3A_45 = arith.constant 3 : i32
    %dma_start3A_46 = arith.constant 0 : i32
    %dma_start3A_47 = arith.constant 3 : i32
    %dma_start3A_48 = arith.constant 0 : i32
    %dma_start3A_49 = arith.constant 0 : i32
    %dma_start3A_50 = tpu.memref_slice %arg9[%dma_start3A_46, %dma_start3A_47, %dma_start3A_48, %dma_start3A_49] : memref<2x8x128x32xf32, #tpu.memory_space<vmem>> -> memref<1x1x128x32xf32, #tpu.memory_space<vmem>>
    %dma_start3A_51 = tpu.memref_squeeze %dma_start3A_50 : memref<1x1x128x32xf32, #tpu.memory_space<vmem>> -> memref<128x32xf32, #tpu.memory_space<vmem>>
    %dma_start3A_52 = arith.constant 0 : i32
    %dma_start3A_53 = tpu.memref_slice %arg7[%dma_start3A_45, %dma_start3A_52] : memref<80x128xi32, #tpu.memory_space<vmem>> -> memref<1x128xi32, #tpu.memory_space<vmem>>
    %dma_start3A_54 = tpu.memref_squeeze %dma_start3A_53 : memref<1x128xi32, #tpu.memory_space<vmem>> -> memref<128xi32, #tpu.memory_space<vmem>>
    %dma_start3A_55 = arith.constant 0 : i32
    %dma_start3A_56 = arith.constant 0 : i32
    %dma_start3A_57 = tpu.memref_slice %arg2[%dma_start3A_55, %dma_start3A_56] : memref<10112x32xf32, #tpu.memory_space<hbm>> -> memref<10112x32xf32, #tpu.memory_space<hbm>>
    tpu.enqueue_indirect_dma source(%dma_start3A_57 : memref<10112x32xf32, #tpu.memory_space<hbm>>) target(%dma_start3A_51 : memref<128x32xf32, #tpu.memory_space<vmem>>) offsets(%dma_start3A_54 : memref<128xi32, #tpu.memory_space<vmem>>) semaphore(%arg11 : memref<!tpu.dma_semaphore, #tpu.memory_space<semaphore_mem>>)
    %dma_start3A_58 = arith.constant 4 : i32
    %dma_start3A_59 = arith.constant 0 : i32
    %dma_start3A_60 = arith.constant 4 : i32
    %dma_start3A_61 = arith.constant 0 : i32
    %dma_start3A_62 = arith.constant 0 : i32
    %dma_start3A_63 = tpu.memref_slice %arg9[%dma_start3A_59, %dma_start3A_60, %dma_start3A_61, %dma_start3A_62] : memref<2x8x128x32xf32, #tpu.memory_space<vmem>> -> memref<1x1x128x32xf32, #tpu.memory_space<vmem>>
    %dma_start3A_64 = tpu.memref_squeeze %dma_start3A_63 : memref<1x1x128x32xf32, #tpu.memory_space<vmem>> -> memref<128x32xf32, #tpu.memory_space<vmem>>
    %dma_start3A_65 = arith.constant 0 : i32
    %dma_start3A_66 = tpu.memref_slice %arg7[%dma_start3A_58, %dma_start3A_65] : memref<80x128xi32, #tpu.memory_space<vmem>> -> memref<1x128xi32, #tpu.memory_space<vmem>>
    %dma_start3A_67 = tpu.memref_squeeze %dma_start3A_66 : memref<1x128xi32, #tpu.memory_space<vmem>> -> memref<128xi32, #tpu.memory_space<vmem>>
    %dma_start3A_68 = arith.constant 0 : i32
    %dma_start3A_69 = arith.constant 0 : i32
    %dma_start3A_70 = tpu.memref_slice %arg2[%dma_start3A_68, %dma_start3A_69] : memref<10112x32xf32, #tpu.memory_space<hbm>> -> memref<10112x32xf32, #tpu.memory_space<hbm>>
    tpu.enqueue_indirect_dma source(%dma_start3A_70 : memref<10112x32xf32, #tpu.memory_space<hbm>>) target(%dma_start3A_64 : memref<128x32xf32, #tpu.memory_space<vmem>>) offsets(%dma_start3A_67 : memref<128xi32, #tpu.memory_space<vmem>>) semaphore(%arg11 : memref<!tpu.dma_semaphore, #tpu.memory_space<semaphore_mem>>)
    %dma_start3A_71 = arith.constant 5 : i32
    %dma_start3A_72 = arith.constant 0 : i32
    %dma_start3A_73 = arith.constant 5 : i32
    %dma_start3A_74 = arith.constant 0 : i32
    %dma_start3A_75 = arith.constant 0 : i32
    %dma_start3A_76 = tpu.memref_slice %arg9[%dma_start3A_72, %dma_start3A_73, %dma_start3A_74, %dma_start3A_75] : memref<2x8x128x32xf32, #tpu.memory_space<vmem>> -> memref<1x1x128x32xf32, #tpu.memory_space<vmem>>
    %dma_start3A_77 = tpu.memref_squeeze %dma_start3A_76 : memref<1x1x128x32xf32, #tpu.memory_space<vmem>> -> memref<128x32xf32, #tpu.memory_space<vmem>>
    %dma_start3A_78 = arith.constant 0 : i32
    %dma_start3A_79 = tpu.memref_slice %arg7[%dma_start3A_71, %dma_start3A_78] : memref<80x128xi32, #tpu.memory_space<vmem>> -> memref<1x128xi32, #tpu.memory_space<vmem>>
    %dma_start3A_80 = tpu.memref_squeeze %dma_start3A_79 : memref<1x128xi32, #tpu.memory_space<vmem>> -> memref<128xi32, #tpu.memory_space<vmem>>
    %dma_start3A_81 = arith.constant 0 : i32
    %dma_start3A_82 = arith.constant 0 : i32
    %dma_start3A_83 = tpu.memref_slice %arg2[%dma_start3A_81, %dma_start3A_82] : memref<10112x32xf32, #tpu.memory_space<hbm>> -> memref<10112x32xf32, #tpu.memory_space<hbm>>
    tpu.enqueue_indirect_dma source(%dma_start3A_83 : memref<10112x32xf32, #tpu.memory_space<hbm>>) target(%dma_start3A_77 : memref<128x32xf32, #tpu.memory_space<vmem>>) offsets(%dma_start3A_80 : memref<128xi32, #tpu.memory_space<vmem>>) semaphore(%arg11 : memref<!tpu.dma_semaphore, #tpu.memory_space<semaphore_mem>>)
    %dma_start3A_84 = arith.constant 6 : i32
    %dma_start3A_85 = arith.constant 0 : i32
    %dma_start3A_86 = arith.constant 6 : i32
    %dma_start3A_87 = arith.constant 0 : i32
    %dma_start3A_88 = arith.constant 0 : i32
    %dma_start3A_89 = tpu.memref_slice %arg9[%dma_start3A_85, %dma_start3A_86, %dma_start3A_87, %dma_start3A_88] : memref<2x8x128x32xf32, #tpu.memory_space<vmem>> -> memref<1x1x128x32xf32, #tpu.memory_space<vmem>>
    %dma_start3A_90 = tpu.memref_squeeze %dma_start3A_89 : memref<1x1x128x32xf32, #tpu.memory_space<vmem>> -> memref<128x32xf32, #tpu.memory_space<vmem>>
    %dma_start3A_91 = arith.constant 0 : i32
    %dma_start3A_92 = tpu.memref_slice %arg7[%dma_start3A_84, %dma_start3A_91] : memref<80x128xi32, #tpu.memory_space<vmem>> -> memref<1x128xi32, #tpu.memory_space<vmem>>
    %dma_start3A_93 = tpu.memref_squeeze %dma_start3A_92 : memref<1x128xi32, #tpu.memory_space<vmem>> -> memref<128xi32, #tpu.memory_space<vmem>>
    %dma_start3A_94 = arith.constant 0 : i32
    %dma_start3A_95 = arith.constant 0 : i32
    %dma_start3A_96 = tpu.memref_slice %arg2[%dma_start3A_94, %dma_start3A_95] : memref<10112x32xf32, #tpu.memory_space<hbm>> -> memref<10112x32xf32, #tpu.memory_space<hbm>>
    tpu.enqueue_indirect_dma source(%dma_start3A_96 : memref<10112x32xf32, #tpu.memory_space<hbm>>) target(%dma_start3A_90 : memref<128x32xf32, #tpu.memory_space<vmem>>) offsets(%dma_start3A_93 : memref<128xi32, #tpu.memory_space<vmem>>) semaphore(%arg11 : memref<!tpu.dma_semaphore, #tpu.memory_space<semaphore_mem>>)
    %dma_start3A_97 = arith.constant 7 : i32
    %dma_start3A_98 = arith.constant 0 : i32
    %dma_start3A_99 = arith.constant 7 : i32
    %dma_start3A_100 = arith.constant 0 : i32
    %dma_start3A_101 = arith.constant 0 : i32
    %dma_start3A_102 = tpu.memref_slice %arg9[%dma_start3A_98, %dma_start3A_99, %dma_start3A_100, %dma_start3A_101] : memref<2x8x128x32xf32, #tpu.memory_space<vmem>> -> memref<1x1x128x32xf32, #tpu.memory_space<vmem>>
    %dma_start3A_103 = tpu.memref_squeeze %dma_start3A_102 : memref<1x1x128x32xf32, #tpu.memory_space<vmem>> -> memref<128x32xf32, #tpu.memory_space<vmem>>
    %dma_start3A_104 = arith.constant 0 : i32
    %dma_start3A_105 = tpu.memref_slice %arg7[%dma_start3A_97, %dma_start3A_104] : memref<80x128xi32, #tpu.memory_space<vmem>> -> memref<1x128xi32, #tpu.memory_space<vmem>>
    %dma_start3A_106 = tpu.memref_squeeze %dma_start3A_105 : memref<1x128xi32, #tpu.memory_space<vmem>> -> memref<128xi32, #tpu.memory_space<vmem>>
    %dma_start3A_107 = arith.constant 0 : i32
    %dma_start3A_108 = arith.constant 0 : i32
    %dma_start3A_109 = tpu.memref_slice %arg2[%dma_start3A_107, %dma_start3A_108] : memref<10112x32xf32, #tpu.memory_space<hbm>> -> memref<10112x32xf32, #tpu.memory_space<hbm>>
    tpu.enqueue_indirect_dma source(%dma_start3A_109 : memref<10112x32xf32, #tpu.memory_space<hbm>>) target(%dma_start3A_103 : memref<128x32xf32, #tpu.memory_space<vmem>>) offsets(%dma_start3A_106 : memref<128xi32, #tpu.memory_space<vmem>>) semaphore(%arg11 : memref<!tpu.dma_semaphore, #tpu.memory_space<semaphore_mem>>)
    %scan3A = arith.constant 0 : i32
    %scan3A_110 = arith.constant 0 : i32
    %scan3A_111 = arith.constant 10 : i32
    %scan3A_112 = arith.addi %scan3A_110, %scan3A_111 : i32
    %scan3A_113 = arith.constant 1 : i32
    scf.for %scan3A_250 = %scan3A_110 to %scan3A_112 step %scan3A_113  : i32 {
      %rem3A = arith.constant 2 : i32
      %rem3A_251 = arith.remsi %scan3A_250, %rem3A : i32
      %sub3A = arith.constant 1 : i32
      %sub3A_252 = arith.subi %sub3A, %rem3A_251 : i32
      %dma_wait3A_253 = arith.constant 0 : i32
      %dma_wait3A_254 = arith.constant 0 : i32
      %dma_wait3A_255 = arith.constant 0 : i32
      %dma_wait3A_256 = tpu.memref_slice %arg9[%rem3A_251, %dma_wait3A_253, %dma_wait3A_254, %dma_wait3A_255] : memref<2x8x128x32xf32, #tpu.memory_space<vmem>> -> memref<1x1x128x32xf32, #tpu.memory_space<vmem>>
      %dma_wait3A_257 = tpu.memref_squeeze %dma_wait3A_256 : memref<1x1x128x32xf32, #tpu.memory_space<vmem>> -> memref<128x32xf32, #tpu.memory_space<vmem>>
      %dma_wait3A_258 = arith.constant 0 : i32
      %dma_wait3A_259 = arith.constant 0 : i32
      %dma_wait3A_260 = tpu.memref_slice %arg2[%dma_wait3A_258, %dma_wait3A_259] : memref<10112x32xf32, #tpu.memory_space<hbm>> -> memref<128x32xf32, #tpu.memory_space<hbm>>
      %dma_wait3A_261 = arith.constant 0 : i32
      %dma_wait3A_262 = arith.constant 0 : i32
      %dma_wait3A_263 = tpu.memref_slice %arg9[%rem3A_251, %dma_wait3A_253, %dma_wait3A_261, %dma_wait3A_262] : memref<2x8x128x32xf32, #tpu.memory_space<vmem>> -> memref<1x1x128x32xf32, #tpu.memory_space<vmem>>
      %dma_wait3A_264 = tpu.memref_squeeze %dma_wait3A_263 : memref<1x1x128x32xf32, #tpu.memory_space<vmem>> -> memref<128x32xf32, #tpu.memory_space<vmem>>
      %dma_wait3A_265 = arith.constant 0 : i32
      %dma_wait3A_266 = arith.constant 0 : i32
      %dma_wait3A_267 = tpu.memref_slice %arg2[%dma_wait3A_265, %dma_wait3A_266] : memref<10112x32xf32, #tpu.memory_space<hbm>> -> memref<128x32xf32, #tpu.memory_space<hbm>>
      tpu.wait_dma2 semaphore(%arg11 : memref<!tpu.dma_semaphore, #tpu.memory_space<semaphore_mem>>) src(%dma_wait3A_267 : memref<128x32xf32, #tpu.memory_space<hbm>>) dst(%dma_wait3A_264 : memref<128x32xf32, #tpu.memory_space<vmem>>)
      %dma_wait3A_268 = arith.constant 1 : i32
      %dma_wait3A_269 = arith.constant 0 : i32
      %dma_wait3A_270 = arith.constant 0 : i32
      %dma_wait3A_271 = tpu.memref_slice %arg9[%rem3A_251, %dma_wait3A_268, %dma_wait3A_269, %dma_wait3A_270] : memref<2x8x128x32xf32, #tpu.memory_space<vmem>> -> memref<1x1x128x32xf32, #tpu.memory_space<vmem>>
      %dma_wait3A_272 = tpu.memref_squeeze %dma_wait3A_271 : memref<1x1x128x32xf32, #tpu.memory_space<vmem>> -> memref<128x32xf32, #tpu.memory_space<vmem>>
      %dma_wait3A_273 = arith.constant 0 : i32
      %dma_wait3A_274 = arith.constant 0 : i32
      %dma_wait3A_275 = tpu.memref_slice %arg2[%dma_wait3A_273, %dma_wait3A_274] : memref<10112x32xf32, #tpu.memory_space<hbm>> -> memref<128x32xf32, #tpu.memory_space<hbm>>
      %dma_wait3A_276 = arith.constant 0 : i32
      %dma_wait3A_277 = arith.constant 0 : i32
      %dma_wait3A_278 = tpu.memref_slice %arg9[%rem3A_251, %dma_wait3A_268, %dma_wait3A_276, %dma_wait3A_277] : memref<2x8x128x32xf32, #tpu.memory_space<vmem>> -> memref<1x1x128x32xf32, #tpu.memory_space<vmem>>
      %dma_wait3A_279 = tpu.memref_squeeze %dma_wait3A_278 : memref<1x1x128x32xf32, #tpu.memory_space<vmem>> -> memref<128x32xf32, #tpu.memory_space<vmem>>
      %dma_wait3A_280 = arith.constant 0 : i32
      %dma_wait3A_281 = arith.constant 0 : i32
      %dma_wait3A_282 = tpu.memref_slice %arg2[%dma_wait3A_280, %dma_wait3A_281] : memref<10112x32xf32, #tpu.memory_space<hbm>> -> memref<128x32xf32, #tpu.memory_space<hbm>>
      tpu.wait_dma2 semaphore(%arg11 : memref<!tpu.dma_semaphore, #tpu.memory_space<semaphore_mem>>) src(%dma_wait3A_282 : memref<128x32xf32, #tpu.memory_space<hbm>>) dst(%dma_wait3A_279 : memref<128x32xf32, #tpu.memory_space<vmem>>)
      %dma_wait3A_283 = arith.constant 2 : i32
      %dma_wait3A_284 = arith.constant 0 : i32
      %dma_wait3A_285 = arith.constant 0 : i32
      %dma_wait3A_286 = tpu.memref_slice %arg9[%rem3A_251, %dma_wait3A_283, %dma_wait3A_284, %dma_wait3A_285] : memref<2x8x128x32xf32, #tpu.memory_space<vmem>> -> memref<1x1x128x32xf32, #tpu.memory_space<vmem>>
      %dma_wait3A_287 = tpu.memref_squeeze %dma_wait3A_286 : memref<1x1x128x32xf32, #tpu.memory_space<vmem>> -> memref<128x32xf32, #tpu.memory_space<vmem>>
      %dma_wait3A_288 = arith.constant 0 : i32
      %dma_wait3A_289 = arith.constant 0 : i32
      %dma_wait3A_290 = tpu.memref_slice %arg2[%dma_wait3A_288, %dma_wait3A_289] : memref<10112x32xf32, #tpu.memory_space<hbm>> -> memref<128x32xf32, #tpu.memory_space<hbm>>
      %dma_wait3A_291 = arith.constant 0 : i32
      %dma_wait3A_292 = arith.constant 0 : i32
      %dma_wait3A_293 = tpu.memref_slice %arg9[%rem3A_251, %dma_wait3A_283, %dma_wait3A_291, %dma_wait3A_292] : memref<2x8x128x32xf32, #tpu.memory_space<vmem>> -> memref<1x1x128x32xf32, #tpu.memory_space<vmem>>
      %dma_wait3A_294 = tpu.memref_squeeze %dma_wait3A_293 : memref<1x1x128x32xf32, #tpu.memory_space<vmem>> -> memref<128x32xf32, #tpu.memory_space<vmem>>
      %dma_wait3A_295 = arith.constant 0 : i32
      %dma_wait3A_296 = arith.constant 0 : i32
      %dma_wait3A_297 = tpu.memref_slice %arg2[%dma_wait3A_295, %dma_wait3A_296] : memref<10112x32xf32, #tpu.memory_space<hbm>> -> memref<128x32xf32, #tpu.memory_space<hbm>>
      tpu.wait_dma2 semaphore(%arg11 : memref<!tpu.dma_semaphore, #tpu.memory_space<semaphore_mem>>) src(%dma_wait3A_297 : memref<128x32xf32, #tpu.memory_space<hbm>>) dst(%dma_wait3A_294 : memref<128x32xf32, #tpu.memory_space<vmem>>)
      %dma_wait3A_298 = arith.constant 3 : i32
      %dma_wait3A_299 = arith.constant 0 : i32
      %dma_wait3A_300 = arith.constant 0 : i32
      %dma_wait3A_301 = tpu.memref_slice %arg9[%rem3A_251, %dma_wait3A_298, %dma_wait3A_299, %dma_wait3A_300] : memref<2x8x128x32xf32, #tpu.memory_space<vmem>> -> memref<1x1x128x32xf32, #tpu.memory_space<vmem>>
      %dma_wait3A_302 = tpu.memref_squeeze %dma_wait3A_301 : memref<1x1x128x32xf32, #tpu.memory_space<vmem>> -> memref<128x32xf32, #tpu.memory_space<vmem>>
      %dma_wait3A_303 = arith.constant 0 : i32
      %dma_wait3A_304 = arith.constant 0 : i32
      %dma_wait3A_305 = tpu.memref_slice %arg2[%dma_wait3A_303, %dma_wait3A_304] : memref<10112x32xf32, #tpu.memory_space<hbm>> -> memref<128x32xf32, #tpu.memory_space<hbm>>
      %dma_wait3A_306 = arith.constant 0 : i32
      %dma_wait3A_307 = arith.constant 0 : i32
      %dma_wait3A_308 = tpu.memref_slice %arg9[%rem3A_251, %dma_wait3A_298, %dma_wait3A_306, %dma_wait3A_307] : memref<2x8x128x32xf32, #tpu.memory_space<vmem>> -> memref<1x1x128x32xf32, #tpu.memory_space<vmem>>
      %dma_wait3A_309 = tpu.memref_squeeze %dma_wait3A_308 : memref<1x1x128x32xf32, #tpu.memory_space<vmem>> -> memref<128x32xf32, #tpu.memory_space<vmem>>
      %dma_wait3A_310 = arith.constant 0 : i32
      %dma_wait3A_311 = arith.constant 0 : i32
      %dma_wait3A_312 = tpu.memref_slice %arg2[%dma_wait3A_310, %dma_wait3A_311] : memref<10112x32xf32, #tpu.memory_space<hbm>> -> memref<128x32xf32, #tpu.memory_space<hbm>>
      tpu.wait_dma2 semaphore(%arg11 : memref<!tpu.dma_semaphore, #tpu.memory_space<semaphore_mem>>) src(%dma_wait3A_312 : memref<128x32xf32, #tpu.memory_space<hbm>>) dst(%dma_wait3A_309 : memref<128x32xf32, #tpu.memory_space<vmem>>)
      %dma_wait3A_313 = arith.constant 4 : i32
      %dma_wait3A_314 = arith.constant 0 : i32
      %dma_wait3A_315 = arith.constant 0 : i32
      %dma_wait3A_316 = tpu.memref_slice %arg9[%rem3A_251, %dma_wait3A_313, %dma_wait3A_314, %dma_wait3A_315] : memref<2x8x128x32xf32, #tpu.memory_space<vmem>> -> memref<1x1x128x32xf32, #tpu.memory_space<vmem>>
      %dma_wait3A_317 = tpu.memref_squeeze %dma_wait3A_316 : memref<1x1x128x32xf32, #tpu.memory_space<vmem>> -> memref<128x32xf32, #tpu.memory_space<vmem>>
      %dma_wait3A_318 = arith.constant 0 : i32
      %dma_wait3A_319 = arith.constant 0 : i32
      %dma_wait3A_320 = tpu.memref_slice %arg2[%dma_wait3A_318, %dma_wait3A_319] : memref<10112x32xf32, #tpu.memory_space<hbm>> -> memref<128x32xf32, #tpu.memory_space<hbm>>
      %dma_wait3A_321 = arith.constant 0 : i32
      %dma_wait3A_322 = arith.constant 0 : i32
      %dma_wait3A_323 = tpu.memref_slice %arg9[%rem3A_251, %dma_wait3A_313, %dma_wait3A_321, %dma_wait3A_322] : memref<2x8x128x32xf32, #tpu.memory_space<vmem>> -> memref<1x1x128x32xf32, #tpu.memory_space<vmem>>
      %dma_wait3A_324 = tpu.memref_squeeze %dma_wait3A_323 : memref<1x1x128x32xf32, #tpu.memory_space<vmem>> -> memref<128x32xf32, #tpu.memory_space<vmem>>
      %dma_wait3A_325 = arith.constant 0 : i32
      %dma_wait3A_326 = arith.constant 0 : i32
      %dma_wait3A_327 = tpu.memref_slice %arg2[%dma_wait3A_325, %dma_wait3A_326] : memref<10112x32xf32, #tpu.memory_space<hbm>> -> memref<128x32xf32, #tpu.memory_space<hbm>>
      tpu.wait_dma2 semaphore(%arg11 : memref<!tpu.dma_semaphore, #tpu.memory_space<semaphore_mem>>) src(%dma_wait3A_327 : memref<128x32xf32, #tpu.memory_space<hbm>>) dst(%dma_wait3A_324 : memref<128x32xf32, #tpu.memory_space<vmem>>)
      %dma_wait3A_328 = arith.constant 5 : i32
      %dma_wait3A_329 = arith.constant 0 : i32
      %dma_wait3A_330 = arith.constant 0 : i32
      %dma_wait3A_331 = tpu.memref_slice %arg9[%rem3A_251, %dma_wait3A_328, %dma_wait3A_329, %dma_wait3A_330] : memref<2x8x128x32xf32, #tpu.memory_space<vmem>> -> memref<1x1x128x32xf32, #tpu.memory_space<vmem>>
      %dma_wait3A_332 = tpu.memref_squeeze %dma_wait3A_331 : memref<1x1x128x32xf32, #tpu.memory_space<vmem>> -> memref<128x32xf32, #tpu.memory_space<vmem>>
      %dma_wait3A_333 = arith.constant 0 : i32
      %dma_wait3A_334 = arith.constant 0 : i32
      %dma_wait3A_335 = tpu.memref_slice %arg2[%dma_wait3A_333, %dma_wait3A_334] : memref<10112x32xf32, #tpu.memory_space<hbm>> -> memref<128x32xf32, #tpu.memory_space<hbm>>
      %dma_wait3A_336 = arith.constant 0 : i32
      %dma_wait3A_337 = arith.constant 0 : i32
      %dma_wait3A_338 = tpu.memref_slice %arg9[%rem3A_251, %dma_wait3A_328, %dma_wait3A_336, %dma_wait3A_337] : memref<2x8x128x32xf32, #tpu.memory_space<vmem>> -> memref<1x1x128x32xf32, #tpu.memory_space<vmem>>
      %dma_wait3A_339 = tpu.memref_squeeze %dma_wait3A_338 : memref<1x1x128x32xf32, #tpu.memory_space<vmem>> -> memref<128x32xf32, #tpu.memory_space<vmem>>
      %dma_wait3A_340 = arith.constant 0 : i32
      %dma_wait3A_341 = arith.constant 0 : i32
      %dma_wait3A_342 = tpu.memref_slice %arg2[%dma_wait3A_340, %dma_wait3A_341] : memref<10112x32xf32, #tpu.memory_space<hbm>> -> memref<128x32xf32, #tpu.memory_space<hbm>>
      tpu.wait_dma2 semaphore(%arg11 : memref<!tpu.dma_semaphore, #tpu.memory_space<semaphore_mem>>) src(%dma_wait3A_342 : memref<128x32xf32, #tpu.memory_space<hbm>>) dst(%dma_wait3A_339 : memref<128x32xf32, #tpu.memory_space<vmem>>)
      %dma_wait3A_343 = arith.constant 6 : i32
      %dma_wait3A_344 = arith.constant 0 : i32
      %dma_wait3A_345 = arith.constant 0 : i32
      %dma_wait3A_346 = tpu.memref_slice %arg9[%rem3A_251, %dma_wait3A_343, %dma_wait3A_344, %dma_wait3A_345] : memref<2x8x128x32xf32, #tpu.memory_space<vmem>> -> memref<1x1x128x32xf32, #tpu.memory_space<vmem>>
      %dma_wait3A_347 = tpu.memref_squeeze %dma_wait3A_346 : memref<1x1x128x32xf32, #tpu.memory_space<vmem>> -> memref<128x32xf32, #tpu.memory_space<vmem>>
      %dma_wait3A_348 = arith.constant 0 : i32
      %dma_wait3A_349 = arith.constant 0 : i32
      %dma_wait3A_350 = tpu.memref_slice %arg2[%dma_wait3A_348, %dma_wait3A_349] : memref<10112x32xf32, #tpu.memory_space<hbm>> -> memref<128x32xf32, #tpu.memory_space<hbm>>
      %dma_wait3A_351 = arith.constant 0 : i32
      %dma_wait3A_352 = arith.constant 0 : i32
      %dma_wait3A_353 = tpu.memref_slice %arg9[%rem3A_251, %dma_wait3A_343, %dma_wait3A_351, %dma_wait3A_352] : memref<2x8x128x32xf32, #tpu.memory_space<vmem>> -> memref<1x1x128x32xf32, #tpu.memory_space<vmem>>
      %dma_wait3A_354 = tpu.memref_squeeze %dma_wait3A_353 : memref<1x1x128x32xf32, #tpu.memory_space<vmem>> -> memref<128x32xf32, #tpu.memory_space<vmem>>
      %dma_wait3A_355 = arith.constant 0 : i32
      %dma_wait3A_356 = arith.constant 0 : i32
      %dma_wait3A_357 = tpu.memref_slice %arg2[%dma_wait3A_355, %dma_wait3A_356] : memref<10112x32xf32, #tpu.memory_space<hbm>> -> memref<128x32xf32, #tpu.memory_space<hbm>>
      tpu.wait_dma2 semaphore(%arg11 : memref<!tpu.dma_semaphore, #tpu.memory_space<semaphore_mem>>) src(%dma_wait3A_357 : memref<128x32xf32, #tpu.memory_space<hbm>>) dst(%dma_wait3A_354 : memref<128x32xf32, #tpu.memory_space<vmem>>)
      %dma_wait3A_358 = arith.constant 7 : i32
      %dma_wait3A_359 = arith.constant 0 : i32
      %dma_wait3A_360 = arith.constant 0 : i32
      %dma_wait3A_361 = tpu.memref_slice %arg9[%rem3A_251, %dma_wait3A_358, %dma_wait3A_359, %dma_wait3A_360] : memref<2x8x128x32xf32, #tpu.memory_space<vmem>> -> memref<1x1x128x32xf32, #tpu.memory_space<vmem>>
      %dma_wait3A_362 = tpu.memref_squeeze %dma_wait3A_361 : memref<1x1x128x32xf32, #tpu.memory_space<vmem>> -> memref<128x32xf32, #tpu.memory_space<vmem>>
      %dma_wait3A_363 = arith.constant 0 : i32
      %dma_wait3A_364 = arith.constant 0 : i32
      %dma_wait3A_365 = tpu.memref_slice %arg2[%dma_wait3A_363, %dma_wait3A_364] : memref<10112x32xf32, #tpu.memory_space<hbm>> -> memref<128x32xf32, #tpu.memory_space<hbm>>
      %dma_wait3A_366 = arith.constant 0 : i32
      %dma_wait3A_367 = arith.constant 0 : i32
      %dma_wait3A_368 = tpu.memref_slice %arg9[%rem3A_251, %dma_wait3A_358, %dma_wait3A_366, %dma_wait3A_367] : memref<2x8x128x32xf32, #tpu.memory_space<vmem>> -> memref<1x1x128x32xf32, #tpu.memory_space<vmem>>
      %dma_wait3A_369 = tpu.memref_squeeze %dma_wait3A_368 : memref<1x1x128x32xf32, #tpu.memory_space<vmem>> -> memref<128x32xf32, #tpu.memory_space<vmem>>
      %dma_wait3A_370 = arith.constant 0 : i32
      %dma_wait3A_371 = arith.constant 0 : i32
      %dma_wait3A_372 = tpu.memref_slice %arg2[%dma_wait3A_370, %dma_wait3A_371] : memref<10112x32xf32, #tpu.memory_space<hbm>> -> memref<128x32xf32, #tpu.memory_space<hbm>>
      tpu.wait_dma2 semaphore(%arg11 : memref<!tpu.dma_semaphore, #tpu.memory_space<semaphore_mem>>) src(%dma_wait3A_372 : memref<128x32xf32, #tpu.memory_space<hbm>>) dst(%dma_wait3A_369 : memref<128x32xf32, #tpu.memory_space<vmem>>)
      %ge3A = arith.constant 1 : i32
      %ge3A_373 = arith.cmpi sge, %scan3A_250, %ge3A : i32
      %convert_element_type3A = arith.extui %ge3A_373 : i1 to i32
      %cond3A = arith.constant 0 : i32
      %cond3A_374 = arith.cmpi ne, %convert_element_type3A, %cond3A : i32
      scf.if %cond3A_374 {
        %dma_wait3A_501 = arith.constant 0 : i32
        %dma_wait3A_502 = arith.constant 0 : i32
        %dma_wait3A_503 = arith.constant 0 : i32
        %dma_wait3A_504 = tpu.memref_slice %arg9[%sub3A_252, %dma_wait3A_501, %dma_wait3A_502, %dma_wait3A_503] : memref<2x8x128x32xf32, #tpu.memory_space<vmem>> -> memref<1x1x128x32xf32, #tpu.memory_space<vmem>>
        %dma_wait3A_505 = tpu.memref_squeeze %dma_wait3A_504 : memref<1x1x128x32xf32, #tpu.memory_space<vmem>> -> memref<128x32xf32, #tpu.memory_space<vmem>>
        %dma_wait3A_506 = arith.constant 0 : i32
        %dma_wait3A_507 = arith.constant 0 : i32
        %dma_wait3A_508 = tpu.memref_slice %arg2[%dma_wait3A_506, %dma_wait3A_507] : memref<10112x32xf32, #tpu.memory_space<hbm>> -> memref<128x32xf32, #tpu.memory_space<hbm>>
        %dma_wait3A_509 = arith.constant 0 : i32
        %dma_wait3A_510 = arith.constant 0 : i32
        %dma_wait3A_511 = tpu.memref_slice %arg9[%sub3A_252, %dma_wait3A_501, %dma_wait3A_509, %dma_wait3A_510] : memref<2x8x128x32xf32, #tpu.memory_space<vmem>> -> memref<1x1x128x32xf32, #tpu.memory_space<vmem>>
        %dma_wait3A_512 = tpu.memref_squeeze %dma_wait3A_511 : memref<1x1x128x32xf32, #tpu.memory_space<vmem>> -> memref<128x32xf32, #tpu.memory_space<vmem>>
        %dma_wait3A_513 = arith.constant 0 : i32
        %dma_wait3A_514 = arith.constant 0 : i32
        %dma_wait3A_515 = tpu.memref_slice %arg2[%dma_wait3A_513, %dma_wait3A_514] : memref<10112x32xf32, #tpu.memory_space<hbm>> -> memref<128x32xf32, #tpu.memory_space<hbm>>
        tpu.wait_dma2 semaphore(%arg12 : memref<!tpu.dma_semaphore, #tpu.memory_space<semaphore_mem>>) src(%dma_wait3A_515 : memref<128x32xf32, #tpu.memory_space<hbm>>) dst(%dma_wait3A_512 : memref<128x32xf32, #tpu.memory_space<vmem>>)
        %dma_wait3A_516 = arith.constant 1 : i32
        %dma_wait3A_517 = arith.constant 0 : i32
        %dma_wait3A_518 = arith.constant 0 : i32
        %dma_wait3A_519 = tpu.memref_slice %arg9[%sub3A_252, %dma_wait3A_516, %dma_wait3A_517, %dma_wait3A_518] : memref<2x8x128x32xf32, #tpu.memory_space<vmem>> -> memref<1x1x128x32xf32, #tpu.memory_space<vmem>>
        %dma_wait3A_520 = tpu.memref_squeeze %dma_wait3A_519 : memref<1x1x128x32xf32, #tpu.memory_space<vmem>> -> memref<128x32xf32, #tpu.memory_space<vmem>>
        %dma_wait3A_521 = arith.constant 0 : i32
        %dma_wait3A_522 = arith.constant 0 : i32
        %dma_wait3A_523 = tpu.memref_slice %arg2[%dma_wait3A_521, %dma_wait3A_522] : memref<10112x32xf32, #tpu.memory_space<hbm>> -> memref<128x32xf32, #tpu.memory_space<hbm>>
        %dma_wait3A_524 = arith.constant 0 : i32
        %dma_wait3A_525 = arith.constant 0 : i32
        %dma_wait3A_526 = tpu.memref_slice %arg9[%sub3A_252, %dma_wait3A_516, %dma_wait3A_524, %dma_wait3A_525] : memref<2x8x128x32xf32, #tpu.memory_space<vmem>> -> memref<1x1x128x32xf32, #tpu.memory_space<vmem>>
        %dma_wait3A_527 = tpu.memref_squeeze %dma_wait3A_526 : memref<1x1x128x32xf32, #tpu.memory_space<vmem>> -> memref<128x32xf32, #tpu.memory_space<vmem>>
        %dma_wait3A_528 = arith.constant 0 : i32
        %dma_wait3A_529 = arith.constant 0 : i32
        %dma_wait3A_530 = tpu.memref_slice %arg2[%dma_wait3A_528, %dma_wait3A_529] : memref<10112x32xf32, #tpu.memory_space<hbm>> -> memref<128x32xf32, #tpu.memory_space<hbm>>
        tpu.wait_dma2 semaphore(%arg12 : memref<!tpu.dma_semaphore, #tpu.memory_space<semaphore_mem>>) src(%dma_wait3A_530 : memref<128x32xf32, #tpu.memory_space<hbm>>) dst(%dma_wait3A_527 : memref<128x32xf32, #tpu.memory_space<vmem>>)
        %dma_wait3A_531 = arith.constant 2 : i32
        %dma_wait3A_532 = arith.constant 0 : i32
        %dma_wait3A_533 = arith.constant 0 : i32
        %dma_wait3A_534 = tpu.memref_slice %arg9[%sub3A_252, %dma_wait3A_531, %dma_wait3A_532, %dma_wait3A_533] : memref<2x8x128x32xf32, #tpu.memory_space<vmem>> -> memref<1x1x128x32xf32, #tpu.memory_space<vmem>>
        %dma_wait3A_535 = tpu.memref_squeeze %dma_wait3A_534 : memref<1x1x128x32xf32, #tpu.memory_space<vmem>> -> memref<128x32xf32, #tpu.memory_space<vmem>>
        %dma_wait3A_536 = arith.constant 0 : i32
        %dma_wait3A_537 = arith.constant 0 : i32
        %dma_wait3A_538 = tpu.memref_slice %arg2[%dma_wait3A_536, %dma_wait3A_537] : memref<10112x32xf32, #tpu.memory_space<hbm>> -> memref<128x32xf32, #tpu.memory_space<hbm>>
        %dma_wait3A_539 = arith.constant 0 : i32
        %dma_wait3A_540 = arith.constant 0 : i32
        %dma_wait3A_541 = tpu.memref_slice %arg9[%sub3A_252, %dma_wait3A_531, %dma_wait3A_539, %dma_wait3A_540] : memref<2x8x128x32xf32, #tpu.memory_space<vmem>> -> memref<1x1x128x32xf32, #tpu.memory_space<vmem>>
        %dma_wait3A_542 = tpu.memref_squeeze %dma_wait3A_541 : memref<1x1x128x32xf32, #tpu.memory_space<vmem>> -> memref<128x32xf32, #tpu.memory_space<vmem>>
        %dma_wait3A_543 = arith.constant 0 : i32
        %dma_wait3A_544 = arith.constant 0 : i32
        %dma_wait3A_545 = tpu.memref_slice %arg2[%dma_wait3A_543, %dma_wait3A_544] : memref<10112x32xf32, #tpu.memory_space<hbm>> -> memref<128x32xf32, #tpu.memory_space<hbm>>
        tpu.wait_dma2 semaphore(%arg12 : memref<!tpu.dma_semaphore, #tpu.memory_space<semaphore_mem>>) src(%dma_wait3A_545 : memref<128x32xf32, #tpu.memory_space<hbm>>) dst(%dma_wait3A_542 : memref<128x32xf32, #tpu.memory_space<vmem>>)
        %dma_wait3A_546 = arith.constant 3 : i32
        %dma_wait3A_547 = arith.constant 0 : i32
        %dma_wait3A_548 = arith.constant 0 : i32
        %dma_wait3A_549 = tpu.memref_slice %arg9[%sub3A_252, %dma_wait3A_546, %dma_wait3A_547, %dma_wait3A_548] : memref<2x8x128x32xf32, #tpu.memory_space<vmem>> -> memref<1x1x128x32xf32, #tpu.memory_space<vmem>>
        %dma_wait3A_550 = tpu.memref_squeeze %dma_wait3A_549 : memref<1x1x128x32xf32, #tpu.memory_space<vmem>> -> memref<128x32xf32, #tpu.memory_space<vmem>>
        %dma_wait3A_551 = arith.constant 0 : i32
        %dma_wait3A_552 = arith.constant 0 : i32
        %dma_wait3A_553 = tpu.memref_slice %arg2[%dma_wait3A_551, %dma_wait3A_552] : memref<10112x32xf32, #tpu.memory_space<hbm>> -> memref<128x32xf32, #tpu.memory_space<hbm>>
        %dma_wait3A_554 = arith.constant 0 : i32
        %dma_wait3A_555 = arith.constant 0 : i32
        %dma_wait3A_556 = tpu.memref_slice %arg9[%sub3A_252, %dma_wait3A_546, %dma_wait3A_554, %dma_wait3A_555] : memref<2x8x128x32xf32, #tpu.memory_space<vmem>> -> memref<1x1x128x32xf32, #tpu.memory_space<vmem>>
        %dma_wait3A_557 = tpu.memref_squeeze %dma_wait3A_556 : memref<1x1x128x32xf32, #tpu.memory_space<vmem>> -> memref<128x32xf32, #tpu.memory_space<vmem>>
        %dma_wait3A_558 = arith.constant 0 : i32
        %dma_wait3A_559 = arith.constant 0 : i32
        %dma_wait3A_560 = tpu.memref_slice %arg2[%dma_wait3A_558, %dma_wait3A_559] : memref<10112x32xf32, #tpu.memory_space<hbm>> -> memref<128x32xf32, #tpu.memory_space<hbm>>
        tpu.wait_dma2 semaphore(%arg12 : memref<!tpu.dma_semaphore, #tpu.memory_space<semaphore_mem>>) src(%dma_wait3A_560 : memref<128x32xf32, #tpu.memory_space<hbm>>) dst(%dma_wait3A_557 : memref<128x32xf32, #tpu.memory_space<vmem>>)
        %dma_wait3A_561 = arith.constant 4 : i32
        %dma_wait3A_562 = arith.constant 0 : i32
        %dma_wait3A_563 = arith.constant 0 : i32
        %dma_wait3A_564 = tpu.memref_slice %arg9[%sub3A_252, %dma_wait3A_561, %dma_wait3A_562, %dma_wait3A_563] : memref<2x8x128x32xf32, #tpu.memory_space<vmem>> -> memref<1x1x128x32xf32, #tpu.memory_space<vmem>>
        %dma_wait3A_565 = tpu.memref_squeeze %dma_wait3A_564 : memref<1x1x128x32xf32, #tpu.memory_space<vmem>> -> memref<128x32xf32, #tpu.memory_space<vmem>>
        %dma_wait3A_566 = arith.constant 0 : i32
        %dma_wait3A_567 = arith.constant 0 : i32
        %dma_wait3A_568 = tpu.memref_slice %arg2[%dma_wait3A_566, %dma_wait3A_567] : memref<10112x32xf32, #tpu.memory_space<hbm>> -> memref<128x32xf32, #tpu.memory_space<hbm>>
        %dma_wait3A_569 = arith.constant 0 : i32
        %dma_wait3A_570 = arith.constant 0 : i32
        %dma_wait3A_571 = tpu.memref_slice %arg9[%sub3A_252, %dma_wait3A_561, %dma_wait3A_569, %dma_wait3A_570] : memref<2x8x128x32xf32, #tpu.memory_space<vmem>> -> memref<1x1x128x32xf32, #tpu.memory_space<vmem>>
        %dma_wait3A_572 = tpu.memref_squeeze %dma_wait3A_571 : memref<1x1x128x32xf32, #tpu.memory_space<vmem>> -> memref<128x32xf32, #tpu.memory_space<vmem>>
        %dma_wait3A_573 = arith.constant 0 : i32
        %dma_wait3A_574 = arith.constant 0 : i32
        %dma_wait3A_575 = tpu.memref_slice %arg2[%dma_wait3A_573, %dma_wait3A_574] : memref<10112x32xf32, #tpu.memory_space<hbm>> -> memref<128x32xf32, #tpu.memory_space<hbm>>
        tpu.wait_dma2 semaphore(%arg12 : memref<!tpu.dma_semaphore, #tpu.memory_space<semaphore_mem>>) src(%dma_wait3A_575 : memref<128x32xf32, #tpu.memory_space<hbm>>) dst(%dma_wait3A_572 : memref<128x32xf32, #tpu.memory_space<vmem>>)
        %dma_wait3A_576 = arith.constant 5 : i32
        %dma_wait3A_577 = arith.constant 0 : i32
        %dma_wait3A_578 = arith.constant 0 : i32
        %dma_wait3A_579 = tpu.memref_slice %arg9[%sub3A_252, %dma_wait3A_576, %dma_wait3A_577, %dma_wait3A_578] : memref<2x8x128x32xf32, #tpu.memory_space<vmem>> -> memref<1x1x128x32xf32, #tpu.memory_space<vmem>>
        %dma_wait3A_580 = tpu.memref_squeeze %dma_wait3A_579 : memref<1x1x128x32xf32, #tpu.memory_space<vmem>> -> memref<128x32xf32, #tpu.memory_space<vmem>>
        %dma_wait3A_581 = arith.constant 0 : i32
        %dma_wait3A_582 = arith.constant 0 : i32
        %dma_wait3A_583 = tpu.memref_slice %arg2[%dma_wait3A_581, %dma_wait3A_582] : memref<10112x32xf32, #tpu.memory_space<hbm>> -> memref<128x32xf32, #tpu.memory_space<hbm>>
        %dma_wait3A_584 = arith.constant 0 : i32
        %dma_wait3A_585 = arith.constant 0 : i32
        %dma_wait3A_586 = tpu.memref_slice %arg9[%sub3A_252, %dma_wait3A_576, %dma_wait3A_584, %dma_wait3A_585] : memref<2x8x128x32xf32, #tpu.memory_space<vmem>> -> memref<1x1x128x32xf32, #tpu.memory_space<vmem>>
        %dma_wait3A_587 = tpu.memref_squeeze %dma_wait3A_586 : memref<1x1x128x32xf32, #tpu.memory_space<vmem>> -> memref<128x32xf32, #tpu.memory_space<vmem>>
        %dma_wait3A_588 = arith.constant 0 : i32
        %dma_wait3A_589 = arith.constant 0 : i32
        %dma_wait3A_590 = tpu.memref_slice %arg2[%dma_wait3A_588, %dma_wait3A_589] : memref<10112x32xf32, #tpu.memory_space<hbm>> -> memref<128x32xf32, #tpu.memory_space<hbm>>
        tpu.wait_dma2 semaphore(%arg12 : memref<!tpu.dma_semaphore, #tpu.memory_space<semaphore_mem>>) src(%dma_wait3A_590 : memref<128x32xf32, #tpu.memory_space<hbm>>) dst(%dma_wait3A_587 : memref<128x32xf32, #tpu.memory_space<vmem>>)
        %dma_wait3A_591 = arith.constant 6 : i32
        %dma_wait3A_592 = arith.constant 0 : i32
        %dma_wait3A_593 = arith.constant 0 : i32
        %dma_wait3A_594 = tpu.memref_slice %arg9[%sub3A_252, %dma_wait3A_591, %dma_wait3A_592, %dma_wait3A_593] : memref<2x8x128x32xf32, #tpu.memory_space<vmem>> -> memref<1x1x128x32xf32, #tpu.memory_space<vmem>>
        %dma_wait3A_595 = tpu.memref_squeeze %dma_wait3A_594 : memref<1x1x128x32xf32, #tpu.memory_space<vmem>> -> memref<128x32xf32, #tpu.memory_space<vmem>>
        %dma_wait3A_596 = arith.constant 0 : i32
        %dma_wait3A_597 = arith.constant 0 : i32
        %dma_wait3A_598 = tpu.memref_slice %arg2[%dma_wait3A_596, %dma_wait3A_597] : memref<10112x32xf32, #tpu.memory_space<hbm>> -> memref<128x32xf32, #tpu.memory_space<hbm>>
        %dma_wait3A_599 = arith.constant 0 : i32
        %dma_wait3A_600 = arith.constant 0 : i32
        %dma_wait3A_601 = tpu.memref_slice %arg9[%sub3A_252, %dma_wait3A_591, %dma_wait3A_599, %dma_wait3A_600] : memref<2x8x128x32xf32, #tpu.memory_space<vmem>> -> memref<1x1x128x32xf32, #tpu.memory_space<vmem>>
        %dma_wait3A_602 = tpu.memref_squeeze %dma_wait3A_601 : memref<1x1x128x32xf32, #tpu.memory_space<vmem>> -> memref<128x32xf32, #tpu.memory_space<vmem>>
        %dma_wait3A_603 = arith.constant 0 : i32
        %dma_wait3A_604 = arith.constant 0 : i32
        %dma_wait3A_605 = tpu.memref_slice %arg2[%dma_wait3A_603, %dma_wait3A_604] : memref<10112x32xf32, #tpu.memory_space<hbm>> -> memref<128x32xf32, #tpu.memory_space<hbm>>
        tpu.wait_dma2 semaphore(%arg12 : memref<!tpu.dma_semaphore, #tpu.memory_space<semaphore_mem>>) src(%dma_wait3A_605 : memref<128x32xf32, #tpu.memory_space<hbm>>) dst(%dma_wait3A_602 : memref<128x32xf32, #tpu.memory_space<vmem>>)
        %dma_wait3A_606 = arith.constant 7 : i32
        %dma_wait3A_607 = arith.constant 0 : i32
        %dma_wait3A_608 = arith.constant 0 : i32
        %dma_wait3A_609 = tpu.memref_slice %arg9[%sub3A_252, %dma_wait3A_606, %dma_wait3A_607, %dma_wait3A_608] : memref<2x8x128x32xf32, #tpu.memory_space<vmem>> -> memref<1x1x128x32xf32, #tpu.memory_space<vmem>>
        %dma_wait3A_610 = tpu.memref_squeeze %dma_wait3A_609 : memref<1x1x128x32xf32, #tpu.memory_space<vmem>> -> memref<128x32xf32, #tpu.memory_space<vmem>>
        %dma_wait3A_611 = arith.constant 0 : i32
        %dma_wait3A_612 = arith.constant 0 : i32
        %dma_wait3A_613 = tpu.memref_slice %arg2[%dma_wait3A_611, %dma_wait3A_612] : memref<10112x32xf32, #tpu.memory_space<hbm>> -> memref<128x32xf32, #tpu.memory_space<hbm>>
        %dma_wait3A_614 = arith.constant 0 : i32
        %dma_wait3A_615 = arith.constant 0 : i32
        %dma_wait3A_616 = tpu.memref_slice %arg9[%sub3A_252, %dma_wait3A_606, %dma_wait3A_614, %dma_wait3A_615] : memref<2x8x128x32xf32, #tpu.memory_space<vmem>> -> memref<1x1x128x32xf32, #tpu.memory_space<vmem>>
        %dma_wait3A_617 = tpu.memref_squeeze %dma_wait3A_616 : memref<1x1x128x32xf32, #tpu.memory_space<vmem>> -> memref<128x32xf32, #tpu.memory_space<vmem>>
        %dma_wait3A_618 = arith.constant 0 : i32
        %dma_wait3A_619 = arith.constant 0 : i32
        %dma_wait3A_620 = tpu.memref_slice %arg2[%dma_wait3A_618, %dma_wait3A_619] : memref<10112x32xf32, #tpu.memory_space<hbm>> -> memref<128x32xf32, #tpu.memory_space<hbm>>
        tpu.wait_dma2 semaphore(%arg12 : memref<!tpu.dma_semaphore, #tpu.memory_space<semaphore_mem>>) src(%dma_wait3A_620 : memref<128x32xf32, #tpu.memory_space<hbm>>) dst(%dma_wait3A_617 : memref<128x32xf32, #tpu.memory_space<vmem>>)
      } else {
      }
      %add3A_375 = arith.constant 1 : i32
      %add3A_376 = arith.addi %scan3A_250, %add3A_375 : i32
      %lt3A = arith.constant 10 : i32
      %lt3A_377 = arith.cmpi slt, %add3A_376, %lt3A : i32
      %convert_element_type3A_378 = arith.extui %lt3A_377 : i1 to i32
      %cond3A_379 = arith.constant 0 : i32
      %cond3A_380 = arith.cmpi ne, %convert_element_type3A_378, %cond3A_379 : i32
      scf.if %cond3A_380 {
        %add3A_501 = arith.constant 1 : i32
        %add3A_502 = arith.addi %scan3A_250, %add3A_501 : i32
        %mul3A_503 = arith.constant 8 : i32
        %mul3A_504 = arith.muli %add3A_502, %mul3A_503 : i32
        %add3A_505 = arith.constant 0 : i32
        %add3A_506 = arith.addi %mul3A_504, %add3A_505 : i32
        %dma_start3A_507 = arith.constant 0 : i32
        %dma_start3A_508 = arith.constant 0 : i32
        %dma_start3A_509 = arith.constant 0 : i32
        %dma_start3A_510 = tpu.memref_slice %arg9[%sub3A_252, %dma_start3A_507, %dma_start3A_508, %dma_start3A_509] : memref<2x8x128x32xf32, #tpu.memory_space<vmem>> -> memref<1x1x128x32xf32, #tpu.memory_space<vmem>>
        %dma_start3A_511 = tpu.memref_squeeze %dma_start3A_510 : memref<1x1x128x32xf32, #tpu.memory_space<vmem>> -> memref<128x32xf32, #tpu.memory_space<vmem>>
        %dma_start3A_512 = arith.constant 0 : i32
        %dma_start3A_513 = tpu.memref_slice %arg7[%add3A_506, %dma_start3A_512] : memref<80x128xi32, #tpu.memory_space<vmem>> -> memref<1x128xi32, #tpu.memory_space<vmem>>
        %dma_start3A_514 = tpu.memref_squeeze %dma_start3A_513 : memref<1x128xi32, #tpu.memory_space<vmem>> -> memref<128xi32, #tpu.memory_space<vmem>>
        %dma_start3A_515 = arith.constant 0 : i32
        %dma_start3A_516 = arith.constant 0 : i32
        %dma_start3A_517 = tpu.memref_slice %arg2[%dma_start3A_515, %dma_start3A_516] : memref<10112x32xf32, #tpu.memory_space<hbm>> -> memref<10112x32xf32, #tpu.memory_space<hbm>>
        tpu.enqueue_indirect_dma source(%dma_start3A_517 : memref<10112x32xf32, #tpu.memory_space<hbm>>) target(%dma_start3A_511 : memref<128x32xf32, #tpu.memory_space<vmem>>) offsets(%dma_start3A_514 : memref<128xi32, #tpu.memory_space<vmem>>) semaphore(%arg11 : memref<!tpu.dma_semaphore, #tpu.memory_space<semaphore_mem>>)
        %add3A_518 = arith.constant 1 : i32
        %add3A_519 = arith.addi %scan3A_250, %add3A_518 : i32
        %mul3A_520 = arith.constant 8 : i32
        %mul3A_521 = arith.muli %add3A_519, %mul3A_520 : i32
        %add3A_522 = arith.constant 1 : i32
        %add3A_523 = arith.addi %mul3A_521, %add3A_522 : i32
        %dma_start3A_524 = arith.constant 1 : i32
        %dma_start3A_525 = arith.constant 0 : i32
        %dma_start3A_526 = arith.constant 0 : i32
        %dma_start3A_527 = tpu.memref_slice %arg9[%sub3A_252, %dma_start3A_524, %dma_start3A_525, %dma_start3A_526] : memref<2x8x128x32xf32, #tpu.memory_space<vmem>> -> memref<1x1x128x32xf32, #tpu.memory_space<vmem>>
        %dma_start3A_528 = tpu.memref_squeeze %dma_start3A_527 : memref<1x1x128x32xf32, #tpu.memory_space<vmem>> -> memref<128x32xf32, #tpu.memory_space<vmem>>
        %dma_start3A_529 = arith.constant 0 : i32
        %dma_start3A_530 = tpu.memref_slice %arg7[%add3A_523, %dma_start3A_529] : memref<80x128xi32, #tpu.memory_space<vmem>> -> memref<1x128xi32, #tpu.memory_space<vmem>>
        %dma_start3A_531 = tpu.memref_squeeze %dma_start3A_530 : memref<1x128xi32, #tpu.memory_space<vmem>> -> memref<128xi32, #tpu.memory_space<vmem>>
        %dma_start3A_532 = arith.constant 0 : i32
        %dma_start3A_533 = arith.constant 0 : i32
        %dma_start3A_534 = tpu.memref_slice %arg2[%dma_start3A_532, %dma_start3A_533] : memref<10112x32xf32, #tpu.memory_space<hbm>> -> memref<10112x32xf32, #tpu.memory_space<hbm>>
        tpu.enqueue_indirect_dma source(%dma_start3A_534 : memref<10112x32xf32, #tpu.memory_space<hbm>>) target(%dma_start3A_528 : memref<128x32xf32, #tpu.memory_space<vmem>>) offsets(%dma_start3A_531 : memref<128xi32, #tpu.memory_space<vmem>>) semaphore(%arg11 : memref<!tpu.dma_semaphore, #tpu.memory_space<semaphore_mem>>)
        %add3A_535 = arith.constant 1 : i32
        %add3A_536 = arith.addi %scan3A_250, %add3A_535 : i32
        %mul3A_537 = arith.constant 8 : i32
        %mul3A_538 = arith.muli %add3A_536, %mul3A_537 : i32
        %add3A_539 = arith.constant 2 : i32
        %add3A_540 = arith.addi %mul3A_538, %add3A_539 : i32
        %dma_start3A_541 = arith.constant 2 : i32
        %dma_start3A_542 = arith.constant 0 : i32
        %dma_start3A_543 = arith.constant 0 : i32
        %dma_start3A_544 = tpu.memref_slice %arg9[%sub3A_252, %dma_start3A_541, %dma_start3A_542, %dma_start3A_543] : memref<2x8x128x32xf32, #tpu.memory_space<vmem>> -> memref<1x1x128x32xf32, #tpu.memory_space<vmem>>
        %dma_start3A_545 = tpu.memref_squeeze %dma_start3A_544 : memref<1x1x128x32xf32, #tpu.memory_space<vmem>> -> memref<128x32xf32, #tpu.memory_space<vmem>>
        %dma_start3A_546 = arith.constant 0 : i32
        %dma_start3A_547 = tpu.memref_slice %arg7[%add3A_540, %dma_start3A_546] : memref<80x128xi32, #tpu.memory_space<vmem>> -> memref<1x128xi32, #tpu.memory_space<vmem>>
        %dma_start3A_548 = tpu.memref_squeeze %dma_start3A_547 : memref<1x128xi32, #tpu.memory_space<vmem>> -> memref<128xi32, #tpu.memory_space<vmem>>
        %dma_start3A_549 = arith.constant 0 : i32
        %dma_start3A_550 = arith.constant 0 : i32
        %dma_start3A_551 = tpu.memref_slice %arg2[%dma_start3A_549, %dma_start3A_550] : memref<10112x32xf32, #tpu.memory_space<hbm>> -> memref<10112x32xf32, #tpu.memory_space<hbm>>
        tpu.enqueue_indirect_dma source(%dma_start3A_551 : memref<10112x32xf32, #tpu.memory_space<hbm>>) target(%dma_start3A_545 : memref<128x32xf32, #tpu.memory_space<vmem>>) offsets(%dma_start3A_548 : memref<128xi32, #tpu.memory_space<vmem>>) semaphore(%arg11 : memref<!tpu.dma_semaphore, #tpu.memory_space<semaphore_mem>>)
        %add3A_552 = arith.constant 1 : i32
        %add3A_553 = arith.addi %scan3A_250, %add3A_552 : i32
        %mul3A_554 = arith.constant 8 : i32
        %mul3A_555 = arith.muli %add3A_553, %mul3A_554 : i32
        %add3A_556 = arith.constant 3 : i32
        %add3A_557 = arith.addi %mul3A_555, %add3A_556 : i32
        %dma_start3A_558 = arith.constant 3 : i32
        %dma_start3A_559 = arith.constant 0 : i32
        %dma_start3A_560 = arith.constant 0 : i32
        %dma_start3A_561 = tpu.memref_slice %arg9[%sub3A_252, %dma_start3A_558, %dma_start3A_559, %dma_start3A_560] : memref<2x8x128x32xf32, #tpu.memory_space<vmem>> -> memref<1x1x128x32xf32, #tpu.memory_space<vmem>>
        %dma_start3A_562 = tpu.memref_squeeze %dma_start3A_561 : memref<1x1x128x32xf32, #tpu.memory_space<vmem>> -> memref<128x32xf32, #tpu.memory_space<vmem>>
        %dma_start3A_563 = arith.constant 0 : i32
        %dma_start3A_564 = tpu.memref_slice %arg7[%add3A_557, %dma_start3A_563] : memref<80x128xi32, #tpu.memory_space<vmem>> -> memref<1x128xi32, #tpu.memory_space<vmem>>
        %dma_start3A_565 = tpu.memref_squeeze %dma_start3A_564 : memref<1x128xi32, #tpu.memory_space<vmem>> -> memref<128xi32, #tpu.memory_space<vmem>>
        %dma_start3A_566 = arith.constant 0 : i32
        %dma_start3A_567 = arith.constant 0 : i32
        %dma_start3A_568 = tpu.memref_slice %arg2[%dma_start3A_566, %dma_start3A_567] : memref<10112x32xf32, #tpu.memory_space<hbm>> -> memref<10112x32xf32, #tpu.memory_space<hbm>>
        tpu.enqueue_indirect_dma source(%dma_start3A_568 : memref<10112x32xf32, #tpu.memory_space<hbm>>) target(%dma_start3A_562 : memref<128x32xf32, #tpu.memory_space<vmem>>) offsets(%dma_start3A_565 : memref<128xi32, #tpu.memory_space<vmem>>) semaphore(%arg11 : memref<!tpu.dma_semaphore, #tpu.memory_space<semaphore_mem>>)
        %add3A_569 = arith.constant 1 : i32
        %add3A_570 = arith.addi %scan3A_250, %add3A_569 : i32
        %mul3A_571 = arith.constant 8 : i32
        %mul3A_572 = arith.muli %add3A_570, %mul3A_571 : i32
        %add3A_573 = arith.constant 4 : i32
        %add3A_574 = arith.addi %mul3A_572, %add3A_573 : i32
        %dma_start3A_575 = arith.constant 4 : i32
        %dma_start3A_576 = arith.constant 0 : i32
        %dma_start3A_577 = arith.constant 0 : i32
        %dma_start3A_578 = tpu.memref_slice %arg9[%sub3A_252, %dma_start3A_575, %dma_start3A_576, %dma_start3A_577] : memref<2x8x128x32xf32, #tpu.memory_space<vmem>> -> memref<1x1x128x32xf32, #tpu.memory_space<vmem>>
        %dma_start3A_579 = tpu.memref_squeeze %dma_start3A_578 : memref<1x1x128x32xf32, #tpu.memory_space<vmem>> -> memref<128x32xf32, #tpu.memory_space<vmem>>
        %dma_start3A_580 = arith.constant 0 : i32
        %dma_start3A_581 = tpu.memref_slice %arg7[%add3A_574, %dma_start3A_580] : memref<80x128xi32, #tpu.memory_space<vmem>> -> memref<1x128xi32, #tpu.memory_space<vmem>>
        %dma_start3A_582 = tpu.memref_squeeze %dma_start3A_581 : memref<1x128xi32, #tpu.memory_space<vmem>> -> memref<128xi32, #tpu.memory_space<vmem>>
        %dma_start3A_583 = arith.constant 0 : i32
        %dma_start3A_584 = arith.constant 0 : i32
        %dma_start3A_585 = tpu.memref_slice %arg2[%dma_start3A_583, %dma_start3A_584] : memref<10112x32xf32, #tpu.memory_space<hbm>> -> memref<10112x32xf32, #tpu.memory_space<hbm>>
        tpu.enqueue_indirect_dma source(%dma_start3A_585 : memref<10112x32xf32, #tpu.memory_space<hbm>>) target(%dma_start3A_579 : memref<128x32xf32, #tpu.memory_space<vmem>>) offsets(%dma_start3A_582 : memref<128xi32, #tpu.memory_space<vmem>>) semaphore(%arg11 : memref<!tpu.dma_semaphore, #tpu.memory_space<semaphore_mem>>)
        %add3A_586 = arith.constant 1 : i32
        %add3A_587 = arith.addi %scan3A_250, %add3A_586 : i32
        %mul3A_588 = arith.constant 8 : i32
        %mul3A_589 = arith.muli %add3A_587, %mul3A_588 : i32
        %add3A_590 = arith.constant 5 : i32
        %add3A_591 = arith.addi %mul3A_589, %add3A_590 : i32
        %dma_start3A_592 = arith.constant 5 : i32
        %dma_start3A_593 = arith.constant 0 : i32
        %dma_start3A_594 = arith.constant 0 : i32
        %dma_start3A_595 = tpu.memref_slice %arg9[%sub3A_252, %dma_start3A_592, %dma_start3A_593, %dma_start3A_594] : memref<2x8x128x32xf32, #tpu.memory_space<vmem>> -> memref<1x1x128x32xf32, #tpu.memory_space<vmem>>
        %dma_start3A_596 = tpu.memref_squeeze %dma_start3A_595 : memref<1x1x128x32xf32, #tpu.memory_space<vmem>> -> memref<128x32xf32, #tpu.memory_space<vmem>>
        %dma_start3A_597 = arith.constant 0 : i32
        %dma_start3A_598 = tpu.memref_slice %arg7[%add3A_591, %dma_start3A_597] : memref<80x128xi32, #tpu.memory_space<vmem>> -> memref<1x128xi32, #tpu.memory_space<vmem>>
        %dma_start3A_599 = tpu.memref_squeeze %dma_start3A_598 : memref<1x128xi32, #tpu.memory_space<vmem>> -> memref<128xi32, #tpu.memory_space<vmem>>
        %dma_start3A_600 = arith.constant 0 : i32
        %dma_start3A_601 = arith.constant 0 : i32
        %dma_start3A_602 = tpu.memref_slice %arg2[%dma_start3A_600, %dma_start3A_601] : memref<10112x32xf32, #tpu.memory_space<hbm>> -> memref<10112x32xf32, #tpu.memory_space<hbm>>
        tpu.enqueue_indirect_dma source(%dma_start3A_602 : memref<10112x32xf32, #tpu.memory_space<hbm>>) target(%dma_start3A_596 : memref<128x32xf32, #tpu.memory_space<vmem>>) offsets(%dma_start3A_599 : memref<128xi32, #tpu.memory_space<vmem>>) semaphore(%arg11 : memref<!tpu.dma_semaphore, #tpu.memory_space<semaphore_mem>>)
        %add3A_603 = arith.constant 1 : i32
        %add3A_604 = arith.addi %scan3A_250, %add3A_603 : i32
        %mul3A_605 = arith.constant 8 : i32
        %mul3A_606 = arith.muli %add3A_604, %mul3A_605 : i32
        %add3A_607 = arith.constant 6 : i32
        %add3A_608 = arith.addi %mul3A_606, %add3A_607 : i32
        %dma_start3A_609 = arith.constant 6 : i32
        %dma_start3A_610 = arith.constant 0 : i32
        %dma_start3A_611 = arith.constant 0 : i32
        %dma_start3A_612 = tpu.memref_slice %arg9[%sub3A_252, %dma_start3A_609, %dma_start3A_610, %dma_start3A_611] : memref<2x8x128x32xf32, #tpu.memory_space<vmem>> -> memref<1x1x128x32xf32, #tpu.memory_space<vmem>>
        %dma_start3A_613 = tpu.memref_squeeze %dma_start3A_612 : memref<1x1x128x32xf32, #tpu.memory_space<vmem>> -> memref<128x32xf32, #tpu.memory_space<vmem>>
        %dma_start3A_614 = arith.constant 0 : i32
        %dma_start3A_615 = tpu.memref_slice %arg7[%add3A_608, %dma_start3A_614] : memref<80x128xi32, #tpu.memory_space<vmem>> -> memref<1x128xi32, #tpu.memory_space<vmem>>
        %dma_start3A_616 = tpu.memref_squeeze %dma_start3A_615 : memref<1x128xi32, #tpu.memory_space<vmem>> -> memref<128xi32, #tpu.memory_space<vmem>>
        %dma_start3A_617 = arith.constant 0 : i32
        %dma_start3A_618 = arith.constant 0 : i32
        %dma_start3A_619 = tpu.memref_slice %arg2[%dma_start3A_617, %dma_start3A_618] : memref<10112x32xf32, #tpu.memory_space<hbm>> -> memref<10112x32xf32, #tpu.memory_space<hbm>>
        tpu.enqueue_indirect_dma source(%dma_start3A_619 : memref<10112x32xf32, #tpu.memory_space<hbm>>) target(%dma_start3A_613 : memref<128x32xf32, #tpu.memory_space<vmem>>) offsets(%dma_start3A_616 : memref<128xi32, #tpu.memory_space<vmem>>) semaphore(%arg11 : memref<!tpu.dma_semaphore, #tpu.memory_space<semaphore_mem>>)
        %add3A_620 = arith.constant 1 : i32
        %add3A_621 = arith.addi %scan3A_250, %add3A_620 : i32
        %mul3A_622 = arith.constant 8 : i32
        %mul3A_623 = arith.muli %add3A_621, %mul3A_622 : i32
        %add3A_624 = arith.constant 7 : i32
        %add3A_625 = arith.addi %mul3A_623, %add3A_624 : i32
        %dma_start3A_626 = arith.constant 7 : i32
        %dma_start3A_627 = arith.constant 0 : i32
        %dma_start3A_628 = arith.constant 0 : i32
        %dma_start3A_629 = tpu.memref_slice %arg9[%sub3A_252, %dma_start3A_626, %dma_start3A_627, %dma_start3A_628] : memref<2x8x128x32xf32, #tpu.memory_space<vmem>> -> memref<1x1x128x32xf32, #tpu.memory_space<vmem>>
        %dma_start3A_630 = tpu.memref_squeeze %dma_start3A_629 : memref<1x1x128x32xf32, #tpu.memory_space<vmem>> -> memref<128x32xf32, #tpu.memory_space<vmem>>
        %dma_start3A_631 = arith.constant 0 : i32
        %dma_start3A_632 = tpu.memref_slice %arg7[%add3A_625, %dma_start3A_631] : memref<80x128xi32, #tpu.memory_space<vmem>> -> memref<1x128xi32, #tpu.memory_space<vmem>>
        %dma_start3A_633 = tpu.memref_squeeze %dma_start3A_632 : memref<1x128xi32, #tpu.memory_space<vmem>> -> memref<128xi32, #tpu.memory_space<vmem>>
        %dma_start3A_634 = arith.constant 0 : i32
        %dma_start3A_635 = arith.constant 0 : i32
        %dma_start3A_636 = tpu.memref_slice %arg2[%dma_start3A_634, %dma_start3A_635] : memref<10112x32xf32, #tpu.memory_space<hbm>> -> memref<10112x32xf32, #tpu.memory_space<hbm>>
        tpu.enqueue_indirect_dma source(%dma_start3A_636 : memref<10112x32xf32, #tpu.memory_space<hbm>>) target(%dma_start3A_630 : memref<128x32xf32, #tpu.memory_space<vmem>>) offsets(%dma_start3A_633 : memref<128xi32, #tpu.memory_space<vmem>>) semaphore(%arg11 : memref<!tpu.dma_semaphore, #tpu.memory_space<semaphore_mem>>)
      } else {
      }
      %mul3A_381 = arith.constant 8 : i32
      %mul3A_382 = arith.muli %scan3A_250, %mul3A_381 : i32
      %add3A_383 = arith.constant 0 : i32
      %add3A_384 = arith.addi %mul3A_382, %add3A_383 : i32
      %dma_start3A_385 = arith.constant 0 : i32
      %dma_start3A_386 = arith.constant 0 : i32
      %dma_start3A_387 = arith.constant 0 : i32
      %dma_start3A_388 = tpu.memref_slice %arg9[%rem3A_251, %dma_start3A_385, %dma_start3A_386, %dma_start3A_387] : memref<2x8x128x32xf32, #tpu.memory_space<vmem>> -> memref<1x1x128x32xf32, #tpu.memory_space<vmem>>
      %dma_start3A_389 = tpu.memref_squeeze %dma_start3A_388 : memref<1x1x128x32xf32, #tpu.memory_space<vmem>> -> memref<128x32xf32, #tpu.memory_space<vmem>>
      %dma_start3A_390 = arith.constant 0 : i32
      %dma_start3A_391 = tpu.memref_slice %arg8[%add3A_384, %dma_start3A_390] : memref<80x128xi32, #tpu.memory_space<vmem>> -> memref<1x128xi32, #tpu.memory_space<vmem>>
      %dma_start3A_392 = tpu.memref_squeeze %dma_start3A_391 : memref<1x128xi32, #tpu.memory_space<vmem>> -> memref<128xi32, #tpu.memory_space<vmem>>
      %dma_start3A_393 = arith.constant 0 : i32
      %dma_start3A_394 = arith.constant 0 : i32
      %dma_start3A_395 = tpu.memref_slice %arg10[%dma_start3A_393, %dma_start3A_394] : memref<10112x32xf32, #tpu.memory_space<vmem_shared>> -> memref<10112x32xf32, #tpu.memory_space<vmem_shared>>
      tpu.enqueue_indirect_dma source(%dma_start3A_389 : memref<128x32xf32, #tpu.memory_space<vmem>>) target(%dma_start3A_395 : memref<10112x32xf32, #tpu.memory_space<vmem_shared>>) offsets(%dma_start3A_392 : memref<128xi32, #tpu.memory_space<vmem>>) semaphore(%arg12 : memref<!tpu.dma_semaphore, #tpu.memory_space<semaphore_mem>>) {add = true}
      %mul3A_396 = arith.constant 8 : i32
      %mul3A_397 = arith.muli %scan3A_250, %mul3A_396 : i32
      %add3A_398 = arith.constant 1 : i32
      %add3A_399 = arith.addi %mul3A_397, %add3A_398 : i32
      %dma_start3A_400 = arith.constant 1 : i32
      %dma_start3A_401 = arith.constant 0 : i32
      %dma_start3A_402 = arith.constant 0 : i32
      %dma_start3A_403 = tpu.memref_slice %arg9[%rem3A_251, %dma_start3A_400, %dma_start3A_401, %dma_start3A_402] : memref<2x8x128x32xf32, #tpu.memory_space<vmem>> -> memref<1x1x128x32xf32, #tpu.memory_space<vmem>>
      %dma_start3A_404 = tpu.memref_squeeze %dma_start3A_403 : memref<1x1x128x32xf32, #tpu.memory_space<vmem>> -> memref<128x32xf32, #tpu.memory_space<vmem>>
      %dma_start3A_405 = arith.constant 0 : i32
      %dma_start3A_406 = tpu.memref_slice %arg8[%add3A_399, %dma_start3A_405] : memref<80x128xi32, #tpu.memory_space<vmem>> -> memref<1x128xi32, #tpu.memory_space<vmem>>
      %dma_start3A_407 = tpu.memref_squeeze %dma_start3A_406 : memref<1x128xi32, #tpu.memory_space<vmem>> -> memref<128xi32, #tpu.memory_space<vmem>>
      %dma_start3A_408 = arith.constant 0 : i32
      %dma_start3A_409 = arith.constant 0 : i32
      %dma_start3A_410 = tpu.memref_slice %arg10[%dma_start3A_408, %dma_start3A_409] : memref<10112x32xf32, #tpu.memory_space<vmem_shared>> -> memref<10112x32xf32, #tpu.memory_space<vmem_shared>>
      tpu.enqueue_indirect_dma source(%dma_start3A_404 : memref<128x32xf32, #tpu.memory_space<vmem>>) target(%dma_start3A_410 : memref<10112x32xf32, #tpu.memory_space<vmem_shared>>) offsets(%dma_start3A_407 : memref<128xi32, #tpu.memory_space<vmem>>) semaphore(%arg12 : memref<!tpu.dma_semaphore, #tpu.memory_space<semaphore_mem>>) {add = true}
      %mul3A_411 = arith.constant 8 : i32
      %mul3A_412 = arith.muli %scan3A_250, %mul3A_411 : i32
      %add3A_413 = arith.constant 2 : i32
      %add3A_414 = arith.addi %mul3A_412, %add3A_413 : i32
      %dma_start3A_415 = arith.constant 2 : i32
      %dma_start3A_416 = arith.constant 0 : i32
      %dma_start3A_417 = arith.constant 0 : i32
      %dma_start3A_418 = tpu.memref_slice %arg9[%rem3A_251, %dma_start3A_415, %dma_start3A_416, %dma_start3A_417] : memref<2x8x128x32xf32, #tpu.memory_space<vmem>> -> memref<1x1x128x32xf32, #tpu.memory_space<vmem>>
      %dma_start3A_419 = tpu.memref_squeeze %dma_start3A_418 : memref<1x1x128x32xf32, #tpu.memory_space<vmem>> -> memref<128x32xf32, #tpu.memory_space<vmem>>
      %dma_start3A_420 = arith.constant 0 : i32
      %dma_start3A_421 = tpu.memref_slice %arg8[%add3A_414, %dma_start3A_420] : memref<80x128xi32, #tpu.memory_space<vmem>> -> memref<1x128xi32, #tpu.memory_space<vmem>>
      %dma_start3A_422 = tpu.memref_squeeze %dma_start3A_421 : memref<1x128xi32, #tpu.memory_space<vmem>> -> memref<128xi32, #tpu.memory_space<vmem>>
      %dma_start3A_423 = arith.constant 0 : i32
      %dma_start3A_424 = arith.constant 0 : i32
      %dma_start3A_425 = tpu.memref_slice %arg10[%dma_start3A_423, %dma_start3A_424] : memref<10112x32xf32, #tpu.memory_space<vmem_shared>> -> memref<10112x32xf32, #tpu.memory_space<vmem_shared>>
      tpu.enqueue_indirect_dma source(%dma_start3A_419 : memref<128x32xf32, #tpu.memory_space<vmem>>) target(%dma_start3A_425 : memref<10112x32xf32, #tpu.memory_space<vmem_shared>>) offsets(%dma_start3A_422 : memref<128xi32, #tpu.memory_space<vmem>>) semaphore(%arg12 : memref<!tpu.dma_semaphore, #tpu.memory_space<semaphore_mem>>) {add = true}
      %mul3A_426 = arith.constant 8 : i32
      %mul3A_427 = arith.muli %scan3A_250, %mul3A_426 : i32
      %add3A_428 = arith.constant 3 : i32
      %add3A_429 = arith.addi %mul3A_427, %add3A_428 : i32
      %dma_start3A_430 = arith.constant 3 : i32
      %dma_start3A_431 = arith.constant 0 : i32
      %dma_start3A_432 = arith.constant 0 : i32
      %dma_start3A_433 = tpu.memref_slice %arg9[%rem3A_251, %dma_start3A_430, %dma_start3A_431, %dma_start3A_432] : memref<2x8x128x32xf32, #tpu.memory_space<vmem>> -> memref<1x1x128x32xf32, #tpu.memory_space<vmem>>
      %dma_start3A_434 = tpu.memref_squeeze %dma_start3A_433 : memref<1x1x128x32xf32, #tpu.memory_space<vmem>> -> memref<128x32xf32, #tpu.memory_space<vmem>>
      %dma_start3A_435 = arith.constant 0 : i32
      %dma_start3A_436 = tpu.memref_slice %arg8[%add3A_429, %dma_start3A_435] : memref<80x128xi32, #tpu.memory_space<vmem>> -> memref<1x128xi32, #tpu.memory_space<vmem>>
      %dma_start3A_437 = tpu.memref_squeeze %dma_start3A_436 : memref<1x128xi32, #tpu.memory_space<vmem>> -> memref<128xi32, #tpu.memory_space<vmem>>
      %dma_start3A_438 = arith.constant 0 : i32
      %dma_start3A_439 = arith.constant 0 : i32
      %dma_start3A_440 = tpu.memref_slice %arg10[%dma_start3A_438, %dma_start3A_439] : memref<10112x32xf32, #tpu.memory_space<vmem_shared>> -> memref<10112x32xf32, #tpu.memory_space<vmem_shared>>
      tpu.enqueue_indirect_dma source(%dma_start3A_434 : memref<128x32xf32, #tpu.memory_space<vmem>>) target(%dma_start3A_440 : memref<10112x32xf32, #tpu.memory_space<vmem_shared>>) offsets(%dma_start3A_437 : memref<128xi32, #tpu.memory_space<vmem>>) semaphore(%arg12 : memref<!tpu.dma_semaphore, #tpu.memory_space<semaphore_mem>>) {add = true}
      %mul3A_441 = arith.constant 8 : i32
      %mul3A_442 = arith.muli %scan3A_250, %mul3A_441 : i32
      %add3A_443 = arith.constant 4 : i32
      %add3A_444 = arith.addi %mul3A_442, %add3A_443 : i32
      %dma_start3A_445 = arith.constant 4 : i32
      %dma_start3A_446 = arith.constant 0 : i32
      %dma_start3A_447 = arith.constant 0 : i32
      %dma_start3A_448 = tpu.memref_slice %arg9[%rem3A_251, %dma_start3A_445, %dma_start3A_446, %dma_start3A_447] : memref<2x8x128x32xf32, #tpu.memory_space<vmem>> -> memref<1x1x128x32xf32, #tpu.memory_space<vmem>>
      %dma_start3A_449 = tpu.memref_squeeze %dma_start3A_448 : memref<1x1x128x32xf32, #tpu.memory_space<vmem>> -> memref<128x32xf32, #tpu.memory_space<vmem>>
      %dma_start3A_450 = arith.constant 0 : i32
      %dma_start3A_451 = tpu.memref_slice %arg8[%add3A_444, %dma_start3A_450] : memref<80x128xi32, #tpu.memory_space<vmem>> -> memref<1x128xi32, #tpu.memory_space<vmem>>
      %dma_start3A_452 = tpu.memref_squeeze %dma_start3A_451 : memref<1x128xi32, #tpu.memory_space<vmem>> -> memref<128xi32, #tpu.memory_space<vmem>>
      %dma_start3A_453 = arith.constant 0 : i32
      %dma_start3A_454 = arith.constant 0 : i32
      %dma_start3A_455 = tpu.memref_slice %arg10[%dma_start3A_453, %dma_start3A_454] : memref<10112x32xf32, #tpu.memory_space<vmem_shared>> -> memref<10112x32xf32, #tpu.memory_space<vmem_shared>>
      tpu.enqueue_indirect_dma source(%dma_start3A_449 : memref<128x32xf32, #tpu.memory_space<vmem>>) target(%dma_start3A_455 : memref<10112x32xf32, #tpu.memory_space<vmem_shared>>) offsets(%dma_start3A_452 : memref<128xi32, #tpu.memory_space<vmem>>) semaphore(%arg12 : memref<!tpu.dma_semaphore, #tpu.memory_space<semaphore_mem>>) {add = true}
      %mul3A_456 = arith.constant 8 : i32
      %mul3A_457 = arith.muli %scan3A_250, %mul3A_456 : i32
      %add3A_458 = arith.constant 5 : i32
      %add3A_459 = arith.addi %mul3A_457, %add3A_458 : i32
      %dma_start3A_460 = arith.constant 5 : i32
      %dma_start3A_461 = arith.constant 0 : i32
      %dma_start3A_462 = arith.constant 0 : i32
      %dma_start3A_463 = tpu.memref_slice %arg9[%rem3A_251, %dma_start3A_460, %dma_start3A_461, %dma_start3A_462] : memref<2x8x128x32xf32, #tpu.memory_space<vmem>> -> memref<1x1x128x32xf32, #tpu.memory_space<vmem>>
      %dma_start3A_464 = tpu.memref_squeeze %dma_start3A_463 : memref<1x1x128x32xf32, #tpu.memory_space<vmem>> -> memref<128x32xf32, #tpu.memory_space<vmem>>
      %dma_start3A_465 = arith.constant 0 : i32
      %dma_start3A_466 = tpu.memref_slice %arg8[%add3A_459, %dma_start3A_465] : memref<80x128xi32, #tpu.memory_space<vmem>> -> memref<1x128xi32, #tpu.memory_space<vmem>>
      %dma_start3A_467 = tpu.memref_squeeze %dma_start3A_466 : memref<1x128xi32, #tpu.memory_space<vmem>> -> memref<128xi32, #tpu.memory_space<vmem>>
      %dma_start3A_468 = arith.constant 0 : i32
      %dma_start3A_469 = arith.constant 0 : i32
      %dma_start3A_470 = tpu.memref_slice %arg10[%dma_start3A_468, %dma_start3A_469] : memref<10112x32xf32, #tpu.memory_space<vmem_shared>> -> memref<10112x32xf32, #tpu.memory_space<vmem_shared>>
      tpu.enqueue_indirect_dma source(%dma_start3A_464 : memref<128x32xf32, #tpu.memory_space<vmem>>) target(%dma_start3A_470 : memref<10112x32xf32, #tpu.memory_space<vmem_shared>>) offsets(%dma_start3A_467 : memref<128xi32, #tpu.memory_space<vmem>>) semaphore(%arg12 : memref<!tpu.dma_semaphore, #tpu.memory_space<semaphore_mem>>) {add = true}
      %mul3A_471 = arith.constant 8 : i32
      %mul3A_472 = arith.muli %scan3A_250, %mul3A_471 : i32
      %add3A_473 = arith.constant 6 : i32
      %add3A_474 = arith.addi %mul3A_472, %add3A_473 : i32
      %dma_start3A_475 = arith.constant 6 : i32
      %dma_start3A_476 = arith.constant 0 : i32
      %dma_start3A_477 = arith.constant 0 : i32
      %dma_start3A_478 = tpu.memref_slice %arg9[%rem3A_251, %dma_start3A_475, %dma_start3A_476, %dma_start3A_477] : memref<2x8x128x32xf32, #tpu.memory_space<vmem>> -> memref<1x1x128x32xf32, #tpu.memory_space<vmem>>
      %dma_start3A_479 = tpu.memref_squeeze %dma_start3A_478 : memref<1x1x128x32xf32, #tpu.memory_space<vmem>> -> memref<128x32xf32, #tpu.memory_space<vmem>>
      %dma_start3A_480 = arith.constant 0 : i32
      %dma_start3A_481 = tpu.memref_slice %arg8[%add3A_474, %dma_start3A_480] : memref<80x128xi32, #tpu.memory_space<vmem>> -> memref<1x128xi32, #tpu.memory_space<vmem>>
      %dma_start3A_482 = tpu.memref_squeeze %dma_start3A_481 : memref<1x128xi32, #tpu.memory_space<vmem>> -> memref<128xi32, #tpu.memory_space<vmem>>
      %dma_start3A_483 = arith.constant 0 : i32
      %dma_start3A_484 = arith.constant 0 : i32
      %dma_start3A_485 = tpu.memref_slice %arg10[%dma_start3A_483, %dma_start3A_484] : memref<10112x32xf32, #tpu.memory_space<vmem_shared>> -> memref<10112x32xf32, #tpu.memory_space<vmem_shared>>
      tpu.enqueue_indirect_dma source(%dma_start3A_479 : memref<128x32xf32, #tpu.memory_space<vmem>>) target(%dma_start3A_485 : memref<10112x32xf32, #tpu.memory_space<vmem_shared>>) offsets(%dma_start3A_482 : memref<128xi32, #tpu.memory_space<vmem>>) semaphore(%arg12 : memref<!tpu.dma_semaphore, #tpu.memory_space<semaphore_mem>>) {add = true}
      %mul3A_486 = arith.constant 8 : i32
      %mul3A_487 = arith.muli %scan3A_250, %mul3A_486 : i32
      %add3A_488 = arith.constant 7 : i32
      %add3A_489 = arith.addi %mul3A_487, %add3A_488 : i32
      %dma_start3A_490 = arith.constant 7 : i32
      %dma_start3A_491 = arith.constant 0 : i32
      %dma_start3A_492 = arith.constant 0 : i32
      %dma_start3A_493 = tpu.memref_slice %arg9[%rem3A_251, %dma_start3A_490, %dma_start3A_491, %dma_start3A_492] : memref<2x8x128x32xf32, #tpu.memory_space<vmem>> -> memref<1x1x128x32xf32, #tpu.memory_space<vmem>>
      %dma_start3A_494 = tpu.memref_squeeze %dma_start3A_493 : memref<1x1x128x32xf32, #tpu.memory_space<vmem>> -> memref<128x32xf32, #tpu.memory_space<vmem>>
      %dma_start3A_495 = arith.constant 0 : i32
      %dma_start3A_496 = tpu.memref_slice %arg8[%add3A_489, %dma_start3A_495] : memref<80x128xi32, #tpu.memory_space<vmem>> -> memref<1x128xi32, #tpu.memory_space<vmem>>
      %dma_start3A_497 = tpu.memref_squeeze %dma_start3A_496 : memref<1x128xi32, #tpu.memory_space<vmem>> -> memref<128xi32, #tpu.memory_space<vmem>>
      %dma_start3A_498 = arith.constant 0 : i32
      %dma_start3A_499 = arith.constant 0 : i32
      %dma_start3A_500 = tpu.memref_slice %arg10[%dma_start3A_498, %dma_start3A_499] : memref<10112x32xf32, #tpu.memory_space<vmem_shared>> -> memref<10112x32xf32, #tpu.memory_space<vmem_shared>>
      tpu.enqueue_indirect_dma source(%dma_start3A_494 : memref<128x32xf32, #tpu.memory_space<vmem>>) target(%dma_start3A_500 : memref<10112x32xf32, #tpu.memory_space<vmem_shared>>) offsets(%dma_start3A_497 : memref<128xi32, #tpu.memory_space<vmem>>) semaphore(%arg12 : memref<!tpu.dma_semaphore, #tpu.memory_space<semaphore_mem>>) {add = true}
    }
    %scan3A_114 = arith.constant 10 : i32
    %dma_wait3A = arith.constant 1 : i32
    %dma_wait3A_115 = arith.constant 0 : i32
    %dma_wait3A_116 = arith.constant 0 : i32
    %dma_wait3A_117 = arith.constant 0 : i32
    %dma_wait3A_118 = tpu.memref_slice %arg9[%dma_wait3A, %dma_wait3A_115, %dma_wait3A_116, %dma_wait3A_117] : memref<2x8x128x32xf32, #tpu.memory_space<vmem>> -> memref<1x1x128x32xf32, #tpu.memory_space<vmem>>
    %dma_wait3A_119 = tpu.memref_squeeze %dma_wait3A_118 : memref<1x1x128x32xf32, #tpu.memory_space<vmem>> -> memref<128x32xf32, #tpu.memory_space<vmem>>
    %dma_wait3A_120 = arith.constant 0 : i32
    %dma_wait3A_121 = arith.constant 0 : i32
    %dma_wait3A_122 = tpu.memref_slice %arg2[%dma_wait3A_120, %dma_wait3A_121] : memref<10112x32xf32, #tpu.memory_space<hbm>> -> memref<128x32xf32, #tpu.memory_space<hbm>>
    %dma_wait3A_123 = arith.constant 0 : i32
    %dma_wait3A_124 = arith.constant 0 : i32
    %dma_wait3A_125 = tpu.memref_slice %arg9[%dma_wait3A, %dma_wait3A_115, %dma_wait3A_123, %dma_wait3A_124] : memref<2x8x128x32xf32, #tpu.memory_space<vmem>> -> memref<1x1x128x32xf32, #tpu.memory_space<vmem>>
    %dma_wait3A_126 = tpu.memref_squeeze %dma_wait3A_125 : memref<1x1x128x32xf32, #tpu.memory_space<vmem>> -> memref<128x32xf32, #tpu.memory_space<vmem>>
    %dma_wait3A_127 = arith.constant 0 : i32
    %dma_wait3A_128 = arith.constant 0 : i32
    %dma_wait3A_129 = tpu.memref_slice %arg2[%dma_wait3A_127, %dma_wait3A_128] : memref<10112x32xf32, #tpu.memory_space<hbm>> -> memref<128x32xf32, #tpu.memory_space<hbm>>
    tpu.wait_dma2 semaphore(%arg12 : memref<!tpu.dma_semaphore, #tpu.memory_space<semaphore_mem>>) src(%dma_wait3A_129 : memref<128x32xf32, #tpu.memory_space<hbm>>) dst(%dma_wait3A_126 : memref<128x32xf32, #tpu.memory_space<vmem>>)
    %dma_wait3A_130 = arith.constant 1 : i32
    %dma_wait3A_131 = arith.constant 1 : i32
    %dma_wait3A_132 = arith.constant 0 : i32
    %dma_wait3A_133 = arith.constant 0 : i32
    %dma_wait3A_134 = tpu.memref_slice %arg9[%dma_wait3A_130, %dma_wait3A_131, %dma_wait3A_132, %dma_wait3A_133] : memref<2x8x128x32xf32, #tpu.memory_space<vmem>> -> memref<1x1x128x32xf32, #tpu.memory_space<vmem>>
    %dma_wait3A_135 = tpu.memref_squeeze %dma_wait3A_134 : memref<1x1x128x32xf32, #tpu.memory_space<vmem>> -> memref<128x32xf32, #tpu.memory_space<vmem>>
    %dma_wait3A_136 = arith.constant 0 : i32
    %dma_wait3A_137 = arith.constant 0 : i32
    %dma_wait3A_138 = tpu.memref_slice %arg2[%dma_wait3A_136, %dma_wait3A_137] : memref<10112x32xf32, #tpu.memory_space<hbm>> -> memref<128x32xf32, #tpu.memory_space<hbm>>
    %dma_wait3A_139 = arith.constant 0 : i32
    %dma_wait3A_140 = arith.constant 0 : i32
    %dma_wait3A_141 = tpu.memref_slice %arg9[%dma_wait3A_130, %dma_wait3A_131, %dma_wait3A_139, %dma_wait3A_140] : memref<2x8x128x32xf32, #tpu.memory_space<vmem>> -> memref<1x1x128x32xf32, #tpu.memory_space<vmem>>
    %dma_wait3A_142 = tpu.memref_squeeze %dma_wait3A_141 : memref<1x1x128x32xf32, #tpu.memory_space<vmem>> -> memref<128x32xf32, #tpu.memory_space<vmem>>
    %dma_wait3A_143 = arith.constant 0 : i32
    %dma_wait3A_144 = arith.constant 0 : i32
    %dma_wait3A_145 = tpu.memref_slice %arg2[%dma_wait3A_143, %dma_wait3A_144] : memref<10112x32xf32, #tpu.memory_space<hbm>> -> memref<128x32xf32, #tpu.memory_space<hbm>>
    tpu.wait_dma2 semaphore(%arg12 : memref<!tpu.dma_semaphore, #tpu.memory_space<semaphore_mem>>) src(%dma_wait3A_145 : memref<128x32xf32, #tpu.memory_space<hbm>>) dst(%dma_wait3A_142 : memref<128x32xf32, #tpu.memory_space<vmem>>)
    %dma_wait3A_146 = arith.constant 1 : i32
    %dma_wait3A_147 = arith.constant 2 : i32
    %dma_wait3A_148 = arith.constant 0 : i32
    %dma_wait3A_149 = arith.constant 0 : i32
    %dma_wait3A_150 = tpu.memref_slice %arg9[%dma_wait3A_146, %dma_wait3A_147, %dma_wait3A_148, %dma_wait3A_149] : memref<2x8x128x32xf32, #tpu.memory_space<vmem>> -> memref<1x1x128x32xf32, #tpu.memory_space<vmem>>
    %dma_wait3A_151 = tpu.memref_squeeze %dma_wait3A_150 : memref<1x1x128x32xf32, #tpu.memory_space<vmem>> -> memref<128x32xf32, #tpu.memory_space<vmem>>
    %dma_wait3A_152 = arith.constant 0 : i32
    %dma_wait3A_153 = arith.constant 0 : i32
    %dma_wait3A_154 = tpu.memref_slice %arg2[%dma_wait3A_152, %dma_wait3A_153] : memref<10112x32xf32, #tpu.memory_space<hbm>> -> memref<128x32xf32, #tpu.memory_space<hbm>>
    %dma_wait3A_155 = arith.constant 0 : i32
    %dma_wait3A_156 = arith.constant 0 : i32
    %dma_wait3A_157 = tpu.memref_slice %arg9[%dma_wait3A_146, %dma_wait3A_147, %dma_wait3A_155, %dma_wait3A_156] : memref<2x8x128x32xf32, #tpu.memory_space<vmem>> -> memref<1x1x128x32xf32, #tpu.memory_space<vmem>>
    %dma_wait3A_158 = tpu.memref_squeeze %dma_wait3A_157 : memref<1x1x128x32xf32, #tpu.memory_space<vmem>> -> memref<128x32xf32, #tpu.memory_space<vmem>>
    %dma_wait3A_159 = arith.constant 0 : i32
    %dma_wait3A_160 = arith.constant 0 : i32
    %dma_wait3A_161 = tpu.memref_slice %arg2[%dma_wait3A_159, %dma_wait3A_160] : memref<10112x32xf32, #tpu.memory_space<hbm>> -> memref<128x32xf32, #tpu.memory_space<hbm>>
    tpu.wait_dma2 semaphore(%arg12 : memref<!tpu.dma_semaphore, #tpu.memory_space<semaphore_mem>>) src(%dma_wait3A_161 : memref<128x32xf32, #tpu.memory_space<hbm>>) dst(%dma_wait3A_158 : memref<128x32xf32, #tpu.memory_space<vmem>>)
    %dma_wait3A_162 = arith.constant 1 : i32
    %dma_wait3A_163 = arith.constant 3 : i32
    %dma_wait3A_164 = arith.constant 0 : i32
    %dma_wait3A_165 = arith.constant 0 : i32
    %dma_wait3A_166 = tpu.memref_slice %arg9[%dma_wait3A_162, %dma_wait3A_163, %dma_wait3A_164, %dma_wait3A_165] : memref<2x8x128x32xf32, #tpu.memory_space<vmem>> -> memref<1x1x128x32xf32, #tpu.memory_space<vmem>>
    %dma_wait3A_167 = tpu.memref_squeeze %dma_wait3A_166 : memref<1x1x128x32xf32, #tpu.memory_space<vmem>> -> memref<128x32xf32, #tpu.memory_space<vmem>>
    %dma_wait3A_168 = arith.constant 0 : i32
    %dma_wait3A_169 = arith.constant 0 : i32
    %dma_wait3A_170 = tpu.memref_slice %arg2[%dma_wait3A_168, %dma_wait3A_169] : memref<10112x32xf32, #tpu.memory_space<hbm>> -> memref<128x32xf32, #tpu.memory_space<hbm>>
    %dma_wait3A_171 = arith.constant 0 : i32
    %dma_wait3A_172 = arith.constant 0 : i32
    %dma_wait3A_173 = tpu.memref_slice %arg9[%dma_wait3A_162, %dma_wait3A_163, %dma_wait3A_171, %dma_wait3A_172] : memref<2x8x128x32xf32, #tpu.memory_space<vmem>> -> memref<1x1x128x32xf32, #tpu.memory_space<vmem>>
    %dma_wait3A_174 = tpu.memref_squeeze %dma_wait3A_173 : memref<1x1x128x32xf32, #tpu.memory_space<vmem>> -> memref<128x32xf32, #tpu.memory_space<vmem>>
    %dma_wait3A_175 = arith.constant 0 : i32
    %dma_wait3A_176 = arith.constant 0 : i32
    %dma_wait3A_177 = tpu.memref_slice %arg2[%dma_wait3A_175, %dma_wait3A_176] : memref<10112x32xf32, #tpu.memory_space<hbm>> -> memref<128x32xf32, #tpu.memory_space<hbm>>
    tpu.wait_dma2 semaphore(%arg12 : memref<!tpu.dma_semaphore, #tpu.memory_space<semaphore_mem>>) src(%dma_wait3A_177 : memref<128x32xf32, #tpu.memory_space<hbm>>) dst(%dma_wait3A_174 : memref<128x32xf32, #tpu.memory_space<vmem>>)
    %dma_wait3A_178 = arith.constant 1 : i32
    %dma_wait3A_179 = arith.constant 4 : i32
    %dma_wait3A_180 = arith.constant 0 : i32
    %dma_wait3A_181 = arith.constant 0 : i32
    %dma_wait3A_182 = tpu.memref_slice %arg9[%dma_wait3A_178, %dma_wait3A_179, %dma_wait3A_180, %dma_wait3A_181] : memref<2x8x128x32xf32, #tpu.memory_space<vmem>> -> memref<1x1x128x32xf32, #tpu.memory_space<vmem>>
    %dma_wait3A_183 = tpu.memref_squeeze %dma_wait3A_182 : memref<1x1x128x32xf32, #tpu.memory_space<vmem>> -> memref<128x32xf32, #tpu.memory_space<vmem>>
    %dma_wait3A_184 = arith.constant 0 : i32
    %dma_wait3A_185 = arith.constant 0 : i32
    %dma_wait3A_186 = tpu.memref_slice %arg2[%dma_wait3A_184, %dma_wait3A_185] : memref<10112x32xf32, #tpu.memory_space<hbm>> -> memref<128x32xf32, #tpu.memory_space<hbm>>
    %dma_wait3A_187 = arith.constant 0 : i32
    %dma_wait3A_188 = arith.constant 0 : i32
    %dma_wait3A_189 = tpu.memref_slice %arg9[%dma_wait3A_178, %dma_wait3A_179, %dma_wait3A_187, %dma_wait3A_188] : memref<2x8x128x32xf32, #tpu.memory_space<vmem>> -> memref<1x1x128x32xf32, #tpu.memory_space<vmem>>
    %dma_wait3A_190 = tpu.memref_squeeze %dma_wait3A_189 : memref<1x1x128x32xf32, #tpu.memory_space<vmem>> -> memref<128x32xf32, #tpu.memory_space<vmem>>
    %dma_wait3A_191 = arith.constant 0 : i32
    %dma_wait3A_192 = arith.constant 0 : i32
    %dma_wait3A_193 = tpu.memref_slice %arg2[%dma_wait3A_191, %dma_wait3A_192] : memref<10112x32xf32, #tpu.memory_space<hbm>> -> memref<128x32xf32, #tpu.memory_space<hbm>>
    tpu.wait_dma2 semaphore(%arg12 : memref<!tpu.dma_semaphore, #tpu.memory_space<semaphore_mem>>) src(%dma_wait3A_193 : memref<128x32xf32, #tpu.memory_space<hbm>>) dst(%dma_wait3A_190 : memref<128x32xf32, #tpu.memory_space<vmem>>)
    %dma_wait3A_194 = arith.constant 1 : i32
    %dma_wait3A_195 = arith.constant 5 : i32
    %dma_wait3A_196 = arith.constant 0 : i32
    %dma_wait3A_197 = arith.constant 0 : i32
    %dma_wait3A_198 = tpu.memref_slice %arg9[%dma_wait3A_194, %dma_wait3A_195, %dma_wait3A_196, %dma_wait3A_197] : memref<2x8x128x32xf32, #tpu.memory_space<vmem>> -> memref<1x1x128x32xf32, #tpu.memory_space<vmem>>
    %dma_wait3A_199 = tpu.memref_squeeze %dma_wait3A_198 : memref<1x1x128x32xf32, #tpu.memory_space<vmem>> -> memref<128x32xf32, #tpu.memory_space<vmem>>
    %dma_wait3A_200 = arith.constant 0 : i32
    %dma_wait3A_201 = arith.constant 0 : i32
    %dma_wait3A_202 = tpu.memref_slice %arg2[%dma_wait3A_200, %dma_wait3A_201] : memref<10112x32xf32, #tpu.memory_space<hbm>> -> memref<128x32xf32, #tpu.memory_space<hbm>>
    %dma_wait3A_203 = arith.constant 0 : i32
    %dma_wait3A_204 = arith.constant 0 : i32
    %dma_wait3A_205 = tpu.memref_slice %arg9[%dma_wait3A_194, %dma_wait3A_195, %dma_wait3A_203, %dma_wait3A_204] : memref<2x8x128x32xf32, #tpu.memory_space<vmem>> -> memref<1x1x128x32xf32, #tpu.memory_space<vmem>>
    %dma_wait3A_206 = tpu.memref_squeeze %dma_wait3A_205 : memref<1x1x128x32xf32, #tpu.memory_space<vmem>> -> memref<128x32xf32, #tpu.memory_space<vmem>>
    %dma_wait3A_207 = arith.constant 0 : i32
    %dma_wait3A_208 = arith.constant 0 : i32
    %dma_wait3A_209 = tpu.memref_slice %arg2[%dma_wait3A_207, %dma_wait3A_208] : memref<10112x32xf32, #tpu.memory_space<hbm>> -> memref<128x32xf32, #tpu.memory_space<hbm>>
    tpu.wait_dma2 semaphore(%arg12 : memref<!tpu.dma_semaphore, #tpu.memory_space<semaphore_mem>>) src(%dma_wait3A_209 : memref<128x32xf32, #tpu.memory_space<hbm>>) dst(%dma_wait3A_206 : memref<128x32xf32, #tpu.memory_space<vmem>>)
    %dma_wait3A_210 = arith.constant 1 : i32
    %dma_wait3A_211 = arith.constant 6 : i32
    %dma_wait3A_212 = arith.constant 0 : i32
    %dma_wait3A_213 = arith.constant 0 : i32
    %dma_wait3A_214 = tpu.memref_slice %arg9[%dma_wait3A_210, %dma_wait3A_211, %dma_wait3A_212, %dma_wait3A_213] : memref<2x8x128x32xf32, #tpu.memory_space<vmem>> -> memref<1x1x128x32xf32, #tpu.memory_space<vmem>>
    %dma_wait3A_215 = tpu.memref_squeeze %dma_wait3A_214 : memref<1x1x128x32xf32, #tpu.memory_space<vmem>> -> memref<128x32xf32, #tpu.memory_space<vmem>>
    %dma_wait3A_216 = arith.constant 0 : i32
    %dma_wait3A_217 = arith.constant 0 : i32
    %dma_wait3A_218 = tpu.memref_slice %arg2[%dma_wait3A_216, %dma_wait3A_217] : memref<10112x32xf32, #tpu.memory_space<hbm>> -> memref<128x32xf32, #tpu.memory_space<hbm>>
    %dma_wait3A_219 = arith.constant 0 : i32
    %dma_wait3A_220 = arith.constant 0 : i32
    %dma_wait3A_221 = tpu.memref_slice %arg9[%dma_wait3A_210, %dma_wait3A_211, %dma_wait3A_219, %dma_wait3A_220] : memref<2x8x128x32xf32, #tpu.memory_space<vmem>> -> memref<1x1x128x32xf32, #tpu.memory_space<vmem>>
    %dma_wait3A_222 = tpu.memref_squeeze %dma_wait3A_221 : memref<1x1x128x32xf32, #tpu.memory_space<vmem>> -> memref<128x32xf32, #tpu.memory_space<vmem>>
    %dma_wait3A_223 = arith.constant 0 : i32
    %dma_wait3A_224 = arith.constant 0 : i32
    %dma_wait3A_225 = tpu.memref_slice %arg2[%dma_wait3A_223, %dma_wait3A_224] : memref<10112x32xf32, #tpu.memory_space<hbm>> -> memref<128x32xf32, #tpu.memory_space<hbm>>
    tpu.wait_dma2 semaphore(%arg12 : memref<!tpu.dma_semaphore, #tpu.memory_space<semaphore_mem>>) src(%dma_wait3A_225 : memref<128x32xf32, #tpu.memory_space<hbm>>) dst(%dma_wait3A_222 : memref<128x32xf32, #tpu.memory_space<vmem>>)
    %dma_wait3A_226 = arith.constant 1 : i32
    %dma_wait3A_227 = arith.constant 7 : i32
    %dma_wait3A_228 = arith.constant 0 : i32
    %dma_wait3A_229 = arith.constant 0 : i32
    %dma_wait3A_230 = tpu.memref_slice %arg9[%dma_wait3A_226, %dma_wait3A_227, %dma_wait3A_228, %dma_wait3A_229] : memref<2x8x128x32xf32, #tpu.memory_space<vmem>> -> memref<1x1x128x32xf32, #tpu.memory_space<vmem>>
    %dma_wait3A_231 = tpu.memref_squeeze %dma_wait3A_230 : memref<1x1x128x32xf32, #tpu.memory_space<vmem>> -> memref<128x32xf32, #tpu.memory_space<vmem>>
    %dma_wait3A_232 = arith.constant 0 : i32
    %dma_wait3A_233 = arith.constant 0 : i32
    %dma_wait3A_234 = tpu.memref_slice %arg2[%dma_wait3A_232, %dma_wait3A_233] : memref<10112x32xf32, #tpu.memory_space<hbm>> -> memref<128x32xf32, #tpu.memory_space<hbm>>
    %dma_wait3A_235 = arith.constant 0 : i32
    %dma_wait3A_236 = arith.constant 0 : i32
    %dma_wait3A_237 = tpu.memref_slice %arg9[%dma_wait3A_226, %dma_wait3A_227, %dma_wait3A_235, %dma_wait3A_236] : memref<2x8x128x32xf32, #tpu.memory_space<vmem>> -> memref<1x1x128x32xf32, #tpu.memory_space<vmem>>
    %dma_wait3A_238 = tpu.memref_squeeze %dma_wait3A_237 : memref<1x1x128x32xf32, #tpu.memory_space<vmem>> -> memref<128x32xf32, #tpu.memory_space<vmem>>
    %dma_wait3A_239 = arith.constant 0 : i32
    %dma_wait3A_240 = arith.constant 0 : i32
    %dma_wait3A_241 = tpu.memref_slice %arg2[%dma_wait3A_239, %dma_wait3A_240] : memref<10112x32xf32, #tpu.memory_space<hbm>> -> memref<128x32xf32, #tpu.memory_space<hbm>>
    tpu.wait_dma2 semaphore(%arg12 : memref<!tpu.dma_semaphore, #tpu.memory_space<semaphore_mem>>) src(%dma_wait3A_241 : memref<128x32xf32, #tpu.memory_space<hbm>>) dst(%dma_wait3A_238 : memref<128x32xf32, #tpu.memory_space<vmem>>)
    %barrier3A_242 = arith.constant 0 : index
    tpu.barrier barrier_id(%barrier3A_242)
    %mul3A_243 = arith.constant 632 : i32
    %mul3A_244 = arith.muli %arg1, %mul3A_243 : i32
    %mul3A_245 = arith.constant 10112 : i32
    %mul3A_246 = arith.muli %arg0, %mul3A_245 : i32
    %mul3A_247 = arith.constant 632 : i32
    %mul3A_248 = arith.muli %arg1, %mul3A_247 : i32
    %add3A_249 = arith.addi %mul3A_246, %mul3A_248 : i32
    "tpu.region"() ({
      %run_scoped3A = tpu.sem_alloc : memref<!tpu.dma_semaphore, #tpu.memory_space<semaphore_mem>>
      %dma_start3A_250 = arith.constant 0 : i32
      %dma_start3A_251 = tpu.memref_slice %arg6[%add3A_249, %dma_start3A_250] : memref<20224x32xf32, #tpu.memory_space<hbm>> -> memref<632x32xf32, #tpu.memory_space<hbm>>
      %dma_start3A_252 = arith.constant 0 : i32
      %dma_start3A_253 = tpu.memref_slice %arg10[%mul3A_244, %dma_start3A_252] : memref<10112x32xf32, #tpu.memory_space<vmem_shared>> -> memref<632x32xf32, #tpu.memory_space<vmem_shared>>
      tpu.enqueue_dma source(%dma_start3A_253 : memref<632x32xf32, #tpu.memory_space<vmem_shared>>) target(%dma_start3A_251 : memref<632x32xf32, #tpu.memory_space<hbm>>) target_semaphore(%run_scoped3A : memref<!tpu.dma_semaphore, #tpu.memory_space<semaphore_mem>>)
      %dma_wait3A_254 = arith.constant 0 : i32
      %dma_wait3A_255 = tpu.memref_slice %arg6[%add3A_249, %dma_wait3A_254] : memref<20224x32xf32, #tpu.memory_space<hbm>> -> memref<632x32xf32, #tpu.memory_space<hbm>>
      %dma_wait3A_256 = arith.constant 0 : i32
      %dma_wait3A_257 = tpu.memref_slice %arg10[%mul3A_244, %dma_wait3A_256] : memref<10112x32xf32, #tpu.memory_space<vmem_shared>> -> memref<632x32xf32, #tpu.memory_space<vmem_shared>>
      tpu.wait_dma2 semaphore(%run_scoped3A : memref<!tpu.dma_semaphore, #tpu.memory_space<semaphore_mem>>) src(%dma_wait3A_257 : memref<632x32xf32, #tpu.memory_space<vmem_shared>>) dst(%dma_wait3A_255 : memref<632x32xf32, #tpu.memory_space<hbm>>)
      tpu.yield
    }) : () -> ()
    return
  }
}

module attributes {stable_mosaic.version = 14 : i64} {
  func.func @_layer1_body(%arg0: memref<10000x128xf32, #tpu.memory_space<vmem>>, %arg1: memref<40448x32xf32, #tpu.memory_space<vmem>>, %arg2: memref<128x32xf32, #tpu.memory_space<vmem>>, %arg3: memref<1x32xf32, #tpu.memory_space<vmem>>, %arg4: memref<32x32xf32, #tpu.memory_space<vmem>>, %arg5: memref<1x32xf32, #tpu.memory_space<vmem>>, %arg6: memref<1x32xf32, #tpu.memory_space<vmem>>, %arg7: memref<1x32xf32, #tpu.memory_space<vmem>>, %arg8: memref<10112x32xf32, #tpu.memory_space<vmem>>) attributes {dimension_semantics = [], scalar_prefetch = 0 : i64, scratch_operands = 0 : i64, tpu.core_type = #tpu.core_type<tc>} {
    %get3A = arith.constant 0 : index
    %get3A_0 = arith.constant 0 : index
    %get3A_1 = vector.load %arg1[%get3A, %get3A_0] : memref<40448x32xf32, #tpu.memory_space<vmem>>, vector<10000x32xf32>
    %get3A_2 = arith.constant 10112 : index
    %get3A_3 = arith.constant 0 : index
    %get3A_4 = vector.load %arg1[%get3A_2, %get3A_3] : memref<40448x32xf32, #tpu.memory_space<vmem>>, vector<10000x32xf32>
    %get3A_5 = arith.constant 20224 : index
    %get3A_6 = arith.constant 0 : index
    %get3A_7 = vector.load %arg1[%get3A_5, %get3A_6] : memref<40448x32xf32, #tpu.memory_space<vmem>>, vector<10000x32xf32>
    %get3A_8 = arith.constant 30336 : index
    %get3A_9 = arith.constant 0 : index
    %get3A_10 = vector.load %arg1[%get3A_8, %get3A_9] : memref<40448x32xf32, #tpu.memory_space<vmem>>, vector<10000x32xf32>
    %concatenate3A = tpu.concatenate %get3A_1, %get3A_4, %get3A_7, %get3A_10 in 1 : vector<10000x32xf32>, vector<10000x32xf32>, vector<10000x32xf32>, vector<10000x32xf32> -> vector<10000x128xf32>
    %get3A_11 = arith.constant 0 : index
    %get3A_12 = arith.constant 0 : index
    %get3A_13 = vector.load %arg0[%get3A_11, %get3A_12] : memref<10000x128xf32, #tpu.memory_space<vmem>>, vector<10000x128xf32>
    %add3A = arith.addf %get3A_13, %concatenate3A : vector<10000x128xf32>
    %get3A_14 = arith.constant 0 : index
    %get3A_15 = arith.constant 0 : index
    %get3A_16 = vector.load %arg2[%get3A_14, %get3A_15] : memref<128x32xf32, #tpu.memory_space<vmem>>, vector<128x32xf32>
    %dot_general3A = arith.constant dense<0.000000e+00> : vector<10000x32xf32>
    %dot_general3A_17 = tpu.matmul %add3A, %get3A_16, %dot_general3A {dimension_numbers = #tpu.dot_dimension_numbers<[1], [0], [0], [1], [0, 0, 1, 1], [], []>, transpose_lhs_hint = false} : vector<10000x128xf32>, vector<128x32xf32>, vector<10000x32xf32> -> vector<10000x32xf32>
    %get3A_18 = arith.constant 0 : index
    %get3A_19 = arith.constant 0 : index
    %get3A_20 = vector.load %arg3[%get3A_18, %get3A_19] : memref<1x32xf32, #tpu.memory_space<vmem>>, vector<1x32xf32>
    %add3A_21 = vector.broadcast %get3A_20 : vector<1x32xf32> to vector<10000x32xf32>
    %add3A_22 = arith.addf %dot_general3A_17, %add3A_21 : vector<10000x32xf32>
    %max3A = arith.constant 0.000000e+00 : f32
    %max3A_23 = vector.broadcast %max3A : f32 to vector<10000x32xf32>
    %max3A_24 = arith.maximumf %add3A_22, %max3A_23 : vector<10000x32xf32>
    %get3A_25 = arith.constant 0 : index
    %get3A_26 = arith.constant 0 : index
    %get3A_27 = vector.load %arg4[%get3A_25, %get3A_26] : memref<32x32xf32, #tpu.memory_space<vmem>>, vector<32x32xf32>
    %dot_general3A_28 = arith.constant dense<0.000000e+00> : vector<10000x32xf32>
    %dot_general3A_29 = tpu.matmul %max3A_24, %get3A_27, %dot_general3A_28 {dimension_numbers = #tpu.dot_dimension_numbers<[1], [0], [0], [1], [0, 0, 1, 1], [], []>, transpose_lhs_hint = false} : vector<10000x32xf32>, vector<32x32xf32>, vector<10000x32xf32> -> vector<10000x32xf32>
    %get3A_30 = arith.constant 0 : index
    %get3A_31 = arith.constant 0 : index
    %get3A_32 = vector.load %arg5[%get3A_30, %get3A_31] : memref<1x32xf32, #tpu.memory_space<vmem>>, vector<1x32xf32>
    %add3A_33 = vector.broadcast %get3A_32 : vector<1x32xf32> to vector<10000x32xf32>
    %add3A_34 = arith.addf %dot_general3A_29, %add3A_33 : vector<10000x32xf32>
    %get3A_35 = arith.constant 0 : index
    %get3A_36 = arith.constant 0 : index
    %get3A_37 = vector.load %arg6[%get3A_35, %get3A_36] : memref<1x32xf32, #tpu.memory_space<vmem>>, vector<1x32xf32>
    %mul3A = vector.broadcast %get3A_37 : vector<1x32xf32> to vector<10000x32xf32>
    %mul3A_38 = arith.mulf %add3A_34, %mul3A : vector<10000x32xf32>
    %get3A_39 = arith.constant 0 : index
    %get3A_40 = arith.constant 0 : index
    %get3A_41 = vector.load %arg7[%get3A_39, %get3A_40] : memref<1x32xf32, #tpu.memory_space<vmem>>, vector<1x32xf32>
    %add3A_42 = vector.broadcast %get3A_41 : vector<1x32xf32> to vector<10000x32xf32>
    %add3A_43 = arith.addf %mul3A_38, %add3A_42 : vector<10000x32xf32>
    %swap3A = arith.constant 0 : index
    %swap3A_44 = arith.constant 0 : index
    %swap3A_45 = vector.load %arg8[%swap3A, %swap3A_44] : memref<10112x32xf32, #tpu.memory_space<vmem>>, vector<10000x32xf32>
    tpu.vector_store %arg8[%swap3A, %swap3A_44], %add3A_43 {strides = array<i32>} : memref<10112x32xf32, #tpu.memory_space<vmem>>, vector<10000x32xf32>,
    %broadcast_in_dim3A = arith.constant 0.000000e+00 : f32
    %broadcast_in_dim3A_46 = vector.broadcast %broadcast_in_dim3A : f32 to vector<112x32xf32>
    %swap3A_47 = arith.constant 10000 : index
    %swap3A_48 = arith.constant 0 : index
    %swap3A_49 = vector.load %arg8[%swap3A_47, %swap3A_48] : memref<10112x32xf32, #tpu.memory_space<vmem>>, vector<112x32xf32>
    tpu.vector_store %arg8[%swap3A_47, %swap3A_48], %broadcast_in_dim3A_46 {strides = array<i32>} : memref<10112x32xf32, #tpu.memory_space<vmem>>, vector<112x32xf32>,
    return
  }
}

module attributes {stable_mosaic.version = 14 : i64} {
  func.func @_layer_body(%arg0: memref<10112x32xf32, #tpu.memory_space<vmem>>, %arg1: memref<20224x32xf32, #tpu.memory_space<vmem>>, %arg2: memref<32x32xf32, #tpu.memory_space<vmem>>, %arg3: memref<1x32xf32, #tpu.memory_space<vmem>>, %arg4: memref<32x32xf32, #tpu.memory_space<vmem>>, %arg5: memref<1x32xf32, #tpu.memory_space<vmem>>, %arg6: memref<1x32xf32, #tpu.memory_space<vmem>>, %arg7: memref<1x32xf32, #tpu.memory_space<vmem>>, %arg8: memref<10112x32xf32, #tpu.memory_space<vmem>>) attributes {dimension_semantics = [], scalar_prefetch = 0 : i64, scratch_operands = 0 : i64, tpu.core_type = #tpu.core_type<tc>} {
    %get3A = arith.constant 0 : index
    %get3A_0 = arith.constant 0 : index
    %get3A_1 = vector.load %arg0[%get3A, %get3A_0] : memref<10112x32xf32, #tpu.memory_space<vmem>>, vector<10000x32xf32>
    %get3A_2 = arith.constant 0 : index
    %get3A_3 = arith.constant 0 : index
    %get3A_4 = vector.load %arg1[%get3A_2, %get3A_3] : memref<20224x32xf32, #tpu.memory_space<vmem>>, vector<10000x32xf32>
    %get3A_5 = arith.constant 10112 : index
    %get3A_6 = arith.constant 0 : index
    %get3A_7 = vector.load %arg1[%get3A_5, %get3A_6] : memref<20224x32xf32, #tpu.memory_space<vmem>>, vector<10000x32xf32>
    %add3A = arith.addf %get3A_4, %get3A_7 : vector<10000x32xf32>
    %add3A_8 = arith.addf %get3A_1, %add3A : vector<10000x32xf32>
    %get3A_9 = arith.constant 0 : index
    %get3A_10 = arith.constant 0 : index
    %get3A_11 = vector.load %arg2[%get3A_9, %get3A_10] : memref<32x32xf32, #tpu.memory_space<vmem>>, vector<32x32xf32>
    %dot_general3A = arith.constant dense<0.000000e+00> : vector<10000x32xf32>
    %dot_general3A_12 = tpu.matmul %add3A_8, %get3A_11, %dot_general3A {dimension_numbers = #tpu.dot_dimension_numbers<[1], [0], [0], [1], [0, 0, 1, 1], [], []>, transpose_lhs_hint = false} : vector<10000x32xf32>, vector<32x32xf32>, vector<10000x32xf32> -> vector<10000x32xf32>
    %get3A_13 = arith.constant 0 : index
    %get3A_14 = arith.constant 0 : index
    %get3A_15 = vector.load %arg3[%get3A_13, %get3A_14] : memref<1x32xf32, #tpu.memory_space<vmem>>, vector<1x32xf32>
    %add3A_16 = vector.broadcast %get3A_15 : vector<1x32xf32> to vector<10000x32xf32>
    %add3A_17 = arith.addf %dot_general3A_12, %add3A_16 : vector<10000x32xf32>
    %max3A = arith.constant 0.000000e+00 : f32
    %max3A_18 = vector.broadcast %max3A : f32 to vector<10000x32xf32>
    %max3A_19 = arith.maximumf %add3A_17, %max3A_18 : vector<10000x32xf32>
    %get3A_20 = arith.constant 0 : index
    %get3A_21 = arith.constant 0 : index
    %get3A_22 = vector.load %arg4[%get3A_20, %get3A_21] : memref<32x32xf32, #tpu.memory_space<vmem>>, vector<32x32xf32>
    %dot_general3A_23 = arith.constant dense<0.000000e+00> : vector<10000x32xf32>
    %dot_general3A_24 = tpu.matmul %max3A_19, %get3A_22, %dot_general3A_23 {dimension_numbers = #tpu.dot_dimension_numbers<[1], [0], [0], [1], [0, 0, 1, 1], [], []>, transpose_lhs_hint = false} : vector<10000x32xf32>, vector<32x32xf32>, vector<10000x32xf32> -> vector<10000x32xf32>
    %get3A_25 = arith.constant 0 : index
    %get3A_26 = arith.constant 0 : index
    %get3A_27 = vector.load %arg5[%get3A_25, %get3A_26] : memref<1x32xf32, #tpu.memory_space<vmem>>, vector<1x32xf32>
    %add3A_28 = vector.broadcast %get3A_27 : vector<1x32xf32> to vector<10000x32xf32>
    %add3A_29 = arith.addf %dot_general3A_24, %add3A_28 : vector<10000x32xf32>
    %get3A_30 = arith.constant 0 : index
    %get3A_31 = arith.constant 0 : index
    %get3A_32 = vector.load %arg6[%get3A_30, %get3A_31] : memref<1x32xf32, #tpu.memory_space<vmem>>, vector<1x32xf32>
    %mul3A = vector.broadcast %get3A_32 : vector<1x32xf32> to vector<10000x32xf32>
    %mul3A_33 = arith.mulf %add3A_29, %mul3A : vector<10000x32xf32>
    %get3A_34 = arith.constant 0 : index
    %get3A_35 = arith.constant 0 : index
    %get3A_36 = vector.load %arg7[%get3A_34, %get3A_35] : memref<1x32xf32, #tpu.memory_space<vmem>>, vector<1x32xf32>
    %add3A_37 = vector.broadcast %get3A_36 : vector<1x32xf32> to vector<10000x32xf32>
    %add3A_38 = arith.addf %mul3A_33, %add3A_37 : vector<10000x32xf32>
    %swap3A = arith.constant 0 : index
    %swap3A_39 = arith.constant 0 : index
    %swap3A_40 = vector.load %arg8[%swap3A, %swap3A_39] : memref<10112x32xf32, #tpu.memory_space<vmem>>, vector<10000x32xf32>
    tpu.vector_store %arg8[%swap3A, %swap3A_39], %add3A_38 {strides = array<i32>} : memref<10112x32xf32, #tpu.memory_space<vmem>>, vector<10000x32xf32>,
    %broadcast_in_dim3A = arith.constant 0.000000e+00 : f32
    %broadcast_in_dim3A_41 = vector.broadcast %broadcast_in_dim3A : f32 to vector<112x32xf32>
    %swap3A_42 = arith.constant 10000 : index
    %swap3A_43 = arith.constant 0 : index
    %swap3A_44 = vector.load %arg8[%swap3A_42, %swap3A_43] : memref<10112x32xf32, #tpu.memory_space<vmem>>, vector<112x32xf32>
    tpu.vector_store %arg8[%swap3A_42, %swap3A_43], %broadcast_in_dim3A_41 {strides = array<i32>} : memref<10112x32xf32, #tpu.memory_space<vmem>>, vector<112x32xf32>,
    return
  }
}

module attributes {stable_mosaic.version = 14 : i64} {
  func.func @_tail_body(%arg0: i32, %arg1: memref<632x32xf32, #tpu.memory_space<vmem>>, %arg2: memref<1x1x632xi32, #tpu.memory_space<vmem>>, %arg3: memref<32x16xf32, #tpu.memory_space<vmem>>, %arg4: memref<1x16xf32, #tpu.memory_space<vmem>>, %arg5: memref<16x1xf32, #tpu.memory_space<vmem>>, %arg6: memref<1x1xf32, #tpu.memory_space<vmem>>, %arg7: memref<256x1xf32, #tpu.memory_space<vmem>>, %arg8: memref<256x32xf32, #tpu.memory_space<vmem>>, %arg9: memref<256x1xf32, #tpu.memory_space<vmem>>) attributes {dimension_semantics = [#tpu.dimension_semantics<arbitrary>], iteration_bounds = array<i64: 17>, scalar_prefetch = 0 : i64, scratch_operands = 2 : i64, tpu.core_type = #tpu.core_type<tc>, window_params = [{transform_indices = @transform_0, window_bounds = array<i64: 632, 32>}, {transform_indices = @transform_1, window_bounds = array<i64: 1, 1, 632>}, {pipeline_mode = #tpu.pipeline_mode<synchronous>, transform_indices = @transform_2, window_bounds = array<i64: 32, 16>}, {pipeline_mode = #tpu.pipeline_mode<synchronous>, transform_indices = @transform_3, window_bounds = array<i64: 1, 16>}, {pipeline_mode = #tpu.pipeline_mode<synchronous>, transform_indices = @transform_4, window_bounds = array<i64: 16, 1>}, {pipeline_mode = #tpu.pipeline_mode<synchronous>, transform_indices = @transform_5, window_bounds = array<i64: 1, 1>}, {pipeline_mode = #tpu.pipeline_mode<synchronous>, transform_indices = @transform_6, window_bounds = array<i64: 256, 1>}]} {
    %eq3A = arith.constant 0 : i32
    %eq3A_0 = arith.cmpi eq, %arg0, %eq3A : i32
    %convert_element_type3A = arith.extui %eq3A_0 : i1 to i32
    %cond3A = arith.constant 0 : i32
    %cond3A_1 = arith.cmpi ne, %convert_element_type3A, %cond3A : i32
    scf.if %cond3A_1 {
      %broadcast_in_dim3A = arith.constant 0.000000e+00 : f32
      %broadcast_in_dim3A_11 = vector.broadcast %broadcast_in_dim3A : f32 to vector<256x32xf32>
      %swap3A = arith.constant 0 : index
      %swap3A_12 = arith.constant 0 : index
      %swap3A_13 = vector.load %arg8[%swap3A, %swap3A_12] : memref<256x32xf32, #tpu.memory_space<vmem>>, vector<256x32xf32>
      tpu.vector_store %arg8[%swap3A, %swap3A_12], %broadcast_in_dim3A_11 {strides = array<i32>} : memref<256x32xf32, #tpu.memory_space<vmem>>, vector<256x32xf32>,
      %broadcast_in_dim3A_14 = arith.constant 0.000000e+00 : f32
      %broadcast_in_dim3A_15 = vector.broadcast %broadcast_in_dim3A_14 : f32 to vector<256x1xf32>
      %swap3A_16 = arith.constant 0 : index
      %swap3A_17 = arith.constant 0 : index
      %swap3A_18 = vector.load %arg9[%swap3A_16, %swap3A_17] : memref<256x1xf32, #tpu.memory_space<vmem>>, vector<256x1xf32>
      tpu.vector_store %arg9[%swap3A_16, %swap3A_17], %broadcast_in_dim3A_15 {strides = array<i32>} : memref<256x1xf32, #tpu.memory_space<vmem>>, vector<256x1xf32>,
    } else {
    }
    %lt3A = arith.constant 16 : i32
    %lt3A_2 = arith.cmpi slt, %arg0, %lt3A : i32
    %convert_element_type3A_3 = arith.extui %lt3A_2 : i1 to i32
    %cond3A_4 = arith.constant 0 : i32
    %cond3A_5 = arith.cmpi ne, %convert_element_type3A_3, %cond3A_4 : i32
    scf.if %cond3A_5 {
      %get3A = arith.constant 0 : index
      %get3A_11 = arith.constant 0 : index
      %get3A_12 = arith.constant 0 : index
      %get3A_13 = vector.load %arg2[%get3A, %get3A_11, %get3A_12] : memref<1x1x632xi32, #tpu.memory_space<vmem>>, vector<1x1x632xi32>
      %reshape3A = vector.shape_cast %get3A_13 : vector<1x1x632xi32> to vector<1x632xi32>
      %iota3A = tpu.iota {dimensions = array<i32: 0>} : vector<256x632xi32>
      %eq3A_14 = vector.broadcast %reshape3A : vector<1x632xi32> to vector<256x632xi32>
      %eq3A_15 = arith.cmpi eq, %iota3A, %eq3A_14 : vector<256x632xi32>
      %convert_element_type3A_16 = arith.extui %eq3A_15 : vector<256x632xi1> to vector<256x632xi32>
      %convert_element_type3A_17 = arith.sitofp %convert_element_type3A_16 : vector<256x632xi32> to vector<256x632xf32>
      %get3A_18 = arith.constant 0 : index
      %get3A_19 = arith.constant 0 : index
      %get3A_20 = vector.load %arg8[%get3A_18, %get3A_19] : memref<256x32xf32, #tpu.memory_space<vmem>>, vector<256x32xf32>
      %get3A_21 = arith.constant 0 : index
      %get3A_22 = arith.constant 0 : index
      %get3A_23 = vector.load %arg1[%get3A_21, %get3A_22] : memref<632x32xf32, #tpu.memory_space<vmem>>, vector<632x32xf32>
      %dot_general3A = arith.constant dense<0.000000e+00> : vector<256x32xf32>
      %dot_general3A_24 = tpu.matmul %convert_element_type3A_17, %get3A_23, %dot_general3A {dimension_numbers = #tpu.dot_dimension_numbers<[1], [0], [0], [1], [0, 0, 1, 1], [], []>, precision = #tpu.contract_precision<fp32>, transpose_lhs_hint = false} : vector<256x632xf32>, vector<632x32xf32>, vector<256x32xf32> -> vector<256x32xf32>
      %add3A = arith.addf %get3A_20, %dot_general3A_24 : vector<256x32xf32>
      %swap3A = arith.constant 0 : index
      %swap3A_25 = arith.constant 0 : index
      %swap3A_26 = vector.load %arg8[%swap3A, %swap3A_25] : memref<256x32xf32, #tpu.memory_space<vmem>>, vector<256x32xf32>
      tpu.vector_store %arg8[%swap3A, %swap3A_25], %add3A {strides = array<i32>} : memref<256x32xf32, #tpu.memory_space<vmem>>, vector<256x32xf32>,
      %get3A_27 = arith.constant 0 : index
      %get3A_28 = arith.constant 0 : index
      %get3A_29 = vector.load %arg9[%get3A_27, %get3A_28] : memref<256x1xf32, #tpu.memory_space<vmem>>, vector<256x1xf32>
      %reduce_sum3A = arith.constant dense<0.000000e+00> : vector<256xf32>
      %reduce_sum3A_30 = vector.multi_reduction <add>, %convert_element_type3A_17, %reduce_sum3A [1] : vector<256x632xf32> to vector<256xf32>
      %broadcast_in_dim3A = vector.shape_cast %reduce_sum3A_30 : vector<256xf32> to vector<256x1xf32>
      %add3A_31 = arith.addf %get3A_29, %broadcast_in_dim3A : vector<256x1xf32>
      %swap3A_32 = arith.constant 0 : index
      %swap3A_33 = arith.constant 0 : index
      %swap3A_34 = vector.load %arg9[%swap3A_32, %swap3A_33] : memref<256x1xf32, #tpu.memory_space<vmem>>, vector<256x1xf32>
      tpu.vector_store %arg9[%swap3A_32, %swap3A_33], %add3A_31 {strides = array<i32>} : memref<256x1xf32, #tpu.memory_space<vmem>>, vector<256x1xf32>,
    } else {
    }
    %eq3A_6 = arith.constant 16 : i32
    %eq3A_7 = arith.cmpi eq, %arg0, %eq3A_6 : i32
    %convert_element_type3A_8 = arith.extui %eq3A_7 : i1 to i32
    %cond3A_9 = arith.constant 0 : i32
    %cond3A_10 = arith.cmpi ne, %convert_element_type3A_8, %cond3A_9 : i32
    scf.if %cond3A_10 {
      %get3A = arith.constant 0 : index
      %get3A_11 = arith.constant 0 : index
      %get3A_12 = vector.load %arg9[%get3A, %get3A_11] : memref<256x1xf32, #tpu.memory_space<vmem>>, vector<256x1xf32>
      %gt3A = arith.constant 0.000000e+00 : f32
      %gt3A_13 = vector.broadcast %gt3A : f32 to vector<256x1xf32>
      %gt3A_14 = arith.cmpf ogt, %get3A_12, %gt3A_13 : vector<256x1xf32>
      %get3A_15 = arith.constant 0 : index
      %get3A_16 = arith.constant 0 : index
      %get3A_17 = vector.load %arg8[%get3A_15, %get3A_16] : memref<256x32xf32, #tpu.memory_space<vmem>>, vector<256x32xf32>
      %max3A = arith.constant 1.000000e+00 : f32
      %max3A_18 = vector.broadcast %max3A : f32 to vector<256x1xf32>
      %max3A_19 = arith.maximumf %get3A_12, %max3A_18 : vector<256x1xf32>
      %div3A = vector.broadcast %max3A_19 : vector<256x1xf32> to vector<256x32xf32>
      %div3A_20 = arith.divf %get3A_17, %div3A : vector<256x32xf32>
      %jit3A = arith.constant 0.000000e+00 : f32
      %broadcast_in_dim3A = vector.shape_cast %gt3A_14 : vector<256x1xi1> to vector<256x1xi1>
      %broadcast_in_dim3A_21 = vector.broadcast %broadcast_in_dim3A : vector<256x1xi1> to vector<256x32xi1>
      %broadcast_in_dim3A_22 = vector.broadcast %jit3A : f32 to vector<256x32xf32>
      %select_n3A = arith.select %broadcast_in_dim3A_21, %div3A_20, %broadcast_in_dim3A_22 : vector<256x32xi1>, vector<256x32xf32>
      %get3A_23 = arith.constant 0 : index
      %get3A_24 = arith.constant 0 : index
      %get3A_25 = vector.load %arg3[%get3A_23, %get3A_24] : memref<32x16xf32, #tpu.memory_space<vmem>>, vector<32x16xf32>
      %dot_general3A = arith.constant dense<0.000000e+00> : vector<256x16xf32>
      %dot_general3A_26 = tpu.matmul %select_n3A, %get3A_25, %dot_general3A {dimension_numbers = #tpu.dot_dimension_numbers<[1], [0], [0], [1], [0, 0, 1, 1], [], []>, transpose_lhs_hint = false} : vector<256x32xf32>, vector<32x16xf32>, vector<256x16xf32> -> vector<256x16xf32>
      %get3A_27 = arith.constant 0 : index
      %get3A_28 = arith.constant 0 : index
      %get3A_29 = vector.load %arg4[%get3A_27, %get3A_28] : memref<1x16xf32, #tpu.memory_space<vmem>>, vector<1x16xf32>
      %add3A = vector.broadcast %get3A_29 : vector<1x16xf32> to vector<256x16xf32>
      %add3A_30 = arith.addf %dot_general3A_26, %add3A : vector<256x16xf32>
      %max3A_31 = arith.constant 0.000000e+00 : f32
      %max3A_32 = vector.broadcast %max3A_31 : f32 to vector<256x16xf32>
      %max3A_33 = arith.maximumf %add3A_30, %max3A_32 : vector<256x16xf32>
      %get3A_34 = arith.constant 0 : index
      %get3A_35 = arith.constant 0 : index
      %get3A_36 = vector.load %arg5[%get3A_34, %get3A_35] : memref<16x1xf32, #tpu.memory_space<vmem>>, vector<16x1xf32>
      %dot_general3A_37 = arith.constant dense<0.000000e+00> : vector<256x1xf32>
      %dot_general3A_38 = tpu.matmul %max3A_33, %get3A_36, %dot_general3A_37 {dimension_numbers = #tpu.dot_dimension_numbers<[1], [0], [0], [1], [0, 0, 1, 1], [], []>, transpose_lhs_hint = false} : vector<256x16xf32>, vector<16x1xf32>, vector<256x1xf32> -> vector<256x1xf32>
      %get3A_39 = arith.constant 0 : index
      %get3A_40 = arith.constant 0 : index
      %get3A_41 = vector.load %arg6[%get3A_39, %get3A_40] : memref<1x1xf32, #tpu.memory_space<vmem>>, vector<1x1xf32>
      %add3A_42 = vector.broadcast %get3A_41 : vector<1x1xf32> to vector<256x1xf32>
      %add3A_43 = arith.addf %dot_general3A_38, %add3A_42 : vector<256x1xf32>
      %neg3A = arith.constant 0.000000e+00 : f32
      %neg3A_44 = vector.broadcast %neg3A : f32 to vector<256x1xf32>
      %neg3A_45 = arith.subf %neg3A_44, %add3A_43 : vector<256x1xf32>
      %exp3A = math.exp %neg3A_45 : vector<256x1xf32>
      %add3A_46 = arith.constant 1.000000e+00 : f32
      %add3A_47 = vector.broadcast %add3A_46 : f32 to vector<256x1xf32>
      %add3A_48 = arith.addf %add3A_47, %exp3A : vector<256x1xf32>
      %div3A_49 = arith.constant 1.000000e+00 : f32
      %div3A_50 = vector.broadcast %div3A_49 : f32 to vector<256x1xf32>
      %div3A_51 = arith.divf %div3A_50, %add3A_48 : vector<256x1xf32>
      %swap3A = arith.constant 0 : index
      %swap3A_52 = arith.constant 0 : index
      %swap3A_53 = vector.load %arg7[%swap3A, %swap3A_52] : memref<256x1xf32, #tpu.memory_space<vmem>>, vector<256x1xf32>
      tpu.vector_store %arg7[%swap3A, %swap3A_52], %div3A_51 {strides = array<i32>} : memref<256x1xf32, #tpu.memory_space<vmem>>, vector<256x1xf32>,
    } else {
    }
    return
  }
  func.func @transform_0(%arg0: i32) -> (i32, i32) {
    %min3A = arith.constant 15 : i32
    %min3A_0 = arith.minsi %arg0, %min3A : i32
    %c0_i32 = arith.constant 0 : i32
    %c0_i32_1 = arith.constant 0 : i32
    return %min3A_0, %c0_i32 : i32, i32
  }
  func.func @transform_1(%arg0: i32) -> (i32, i32, i32) {
    %min3A = arith.constant 15 : i32
    %min3A_0 = arith.minsi %arg0, %min3A : i32
    %c0_i32 = arith.constant 0 : i32
    %c0_i32_1 = arith.constant 0 : i32
    %c0_i32_2 = arith.constant 0 : i32
    return %min3A_0, %c0_i32, %c0_i32_1 : i32, i32, i32
  }
  func.func @transform_2(%arg0: i32) -> (i32, i32) {
    %c0_i32 = arith.constant 0 : i32
    %c0_i32_0 = arith.constant 0 : i32
    %c0_i32_1 = arith.constant 0 : i32
    return %c0_i32, %c0_i32_0 : i32, i32
  }
  func.func @transform_3(%arg0: i32) -> (i32, i32) {
    %c0_i32 = arith.constant 0 : i32
    %c0_i32_0 = arith.constant 0 : i32
    %c0_i32_1 = arith.constant 0 : i32
    return %c0_i32, %c0_i32_0 : i32, i32
  }
  func.func @transform_4(%arg0: i32) -> (i32, i32) {
    %c0_i32 = arith.constant 0 : i32
    %c0_i32_0 = arith.constant 0 : i32
    %c0_i32_1 = arith.constant 0 : i32
    return %c0_i32, %c0_i32_0 : i32, i32
  }
  func.func @transform_5(%arg0: i32) -> (i32, i32) {
    %c0_i32 = arith.constant 0 : i32
    %c0_i32_0 = arith.constant 0 : i32
    %c0_i32_1 = arith.constant 0 : i32
    return %c0_i32, %c0_i32_0 : i32, i32
  }
  func.func @transform_6(%arg0: i32) -> (i32, i32) {
    %c0_i32 = arith.constant 0 : i32
    %c0_i32_0 = arith.constant 0 : i32
    %c0_i32_1 = arith.constant 0 : i32
    return %c0_i32, %c0_i32_0 : i32, i32
  }
}

</mosaic_0001>

<sc_bundles>
// kernel: kernel.12.cloned.1.call-start
scs
__scs_entry_jumppad:
0x0: {  	(pc) =	sbr.rel $0x88, $3  }
0x1: {  	(tag) =	ssettag $0x0;
	lr =	simm.s32 $0x1  }
0x2: {  	[smem:$0x3F82] =	sst lr;
	_ =	strace $0xD0000000  }
0x3: {  	_ = 	snop  }
0x4: {  	_ = 	snop  }
0x5: {  	_ = 	snop  }
0x6: {  	_ = 	snop  }
0x7: {  	_ = 	snop  }
__scs_overlays_trampoline_lowered:
0x8: {  	[smem:$0x3F91] =	sst s0  }
0x9: {  	[smem:$0x3F92] =	sst s1  }
0xa: {  	[smem:$0x3F93] =	sst s2  }
0xb: {  	[smem:$0x3F94] =	sst s3  }
0xc: {  	[smem:$0x3F95] =	sst s4  }
0xd: {  	[smem:$0x3F96] =	sst s5  }
0xe: {  	[smem:$0x3F97] =	sst s6  }
0xf: {  	[smem:$0x3F98] =	sst s7  }
0x10: {  	[smem:$0x3F99] =	sst s8  }
0x11: {  	[smem:$0x3F9A] =	sst s9;
	s0 =	simm.s32 @!p0 $0x0  }
0x12: {  	s1 =	sld [smem:$0x3F80];
	s0 =	simm.s32 @p0 $0x1  }
0x13: {  	[smem:$0x3F9B] =	sst s0;
	s0 =	simm.s32 @!p1 $0x0  }
0x14: {  	s2 =	sld [smem:$0x3F7F];
	s0 =	simm.s32 @p1 $0x1  }
0x15: {  	[smem:$0x3F9C] =	sst s0;
	s0 =	simm.s32 @!p2 $0x0  }
0x16: {  	s3 =	sld [smem:$0x3FDB];
	s0 =	simm.s32 @p2 $0x1  }
0x17: {  	s4 =	simm.s32 $0x1BF5;
	[smem:$0x3F9E] =	sst s0  }
0x18: {  	s0 =	sld [smem:$0x3F81];
	_ =	swait.ge [sflag:s4], $0x0  }
0x19: {  	s7 =	sld [smem:$0x3F82]  }
0x1a: {  	s8 =	sadd.s32 $0xFFFFE003, lr  }
0x1b: {  	s9 =	sadd.s32 $0xFFFFFEF7, lr;
	s5 =	simm.s32 $0xFFFFFFFF;
	p2 =	slt.u32 s8, $0xFFFFF086  }
0x1c: {  	p1 =	slt.u32 s9, $0xF7A;
	s5 =	simm.s32 @!p2 $0x0  }
0x1d: {  	s5 =	simm.s32 @p1 $0x1;
	p0 =	seq.s32 s7, s2  }
0x1e: {  	s7 =	smul.u32 @!p0 $0xF7A, s2;
	p2 =	seq.s32 @!p0 s5, $0x0  }
0x1f: {  	s9 =	smul.u32 $0xF7A, s1;
	s8 =	simm.s32 @!p0 $0x1BF5;
	p2 =	por !p2, p0  }
0x20: {  	[sflag:s8] =	ssyncset.s32 @!p0 $0xFFFFF086;
	s6 =	sadd.s32 @!p0 s3, s7;
	s7 =	simm.s32 @!p0 $0x108  }
0x21: {  	s3 =	sadd.s32 s3, s9;
	s6 =	sadd.s32 @!p0 $0x88, s6;
	s7 =	simm.s32 @p2 $0x1082  }
0x22: {  	[simem:s7], [sflag:s8] =	dma.local @!p0 [hbm:s6], $0xF7A  }
0x23: {  	s9 =	sor.u32 $0xD0000000, s2;
	s6 =	simm.s32 $0x108;
	_ =	swait.ge @!p0 [sflag:s8], $0x0  }
0x24: {  	s3 =	sadd.s32 $0x88, s3;
	s6 =	simm.s32 @!p1 $0x1082;
	[sflag:s4] =	ssyncset.s32 $0xFFFFF086  }
0x25: {  	[simem:s6], [sflag:s4] =	dma.local [hbm:s3], $0xF7A  }
0x26: {  	[smem:$0x3F82] =	sst s1;
	(tag) =	ssettag s2;
	_ =	strace s9  }
0x27: {  	s1 =	sld [smem:$0x3F92]  }
0x28: {  	s2 =	sld [smem:$0x3F93]  }
0x29: {  	s4 =	sld [smem:$0x3F95]  }
0x2a: {  	p0 =	seq.s32 s5, $0x0;
	s5 =	sld [smem:$0x3F96]  }
0x2b: {  	s6 =	sld [smem:$0x3F97]  }
0x2c: {  	s7 =	sld [smem:$0x3F98]  }
0x2d: {  	s3 =	simm.s32 $0x108;
	s8 =	sld [smem:$0x3F99]  }
0x2e: {  	s3 =	simm.s32 @!p0 $0x1082;
	s9 =	sld [smem:$0x3F9A]  }
0x2f: {  	lr =	sadd.s32 s0, s3;
	s0 =	sld [smem:$0x3F91]  }
0x30: {  	s3 =	sld [smem:$0x3F94]  }
0x31: {  	[smem:$0x3F9D] =	sst s10  }
0x32: {  	s10 =	sld [smem:$0x3F9B];
	_ =	sdelay $0x3  }
0x33: {  	p0 =	seq.s32 s10, $0x1;
	s10 =	sld [smem:$0x3F9D];
	_ =	sdelay $0x3  }
0x34: {  	[smem:$0x3F9D] =	sst s10  }
0x35: {  	s10 =	sld [smem:$0x3F9C];
	_ =	sdelay $0x3  }
0x36: {  	p1 =	seq.s32 s10, $0x1;
	s10 =	sld [smem:$0x3F9D];
	_ =	sdelay $0x3  }
0x37: {  	[smem:$0x3F9D] =	sst s10  }
0x38: {  	s10 =	sld [smem:$0x3F9E]  }
0x39: {  	_ = 	snop;
	(pc) =	sbr.ind lr, $3  }
0x3a: {  	_ = 	snop  }
0x3b: {  	_ = 	snop  }
0x3c: {  	p2 =	seq.s32 s10, $0x1;
	s10 =	sld [smem:$0x3F9D]  }
0x3d: {  	_ =	shalt  }
0x3e: {  	_ =	shalt  }
0x3f: {  	_ =	shalt  }
0x40: {  	_ =	shalt  }
0x41: {  	_ =	shalt  }
0x42: {  	_ =	shalt  }
0x43: {  	_ =	shalt  }
0x44: {  	_ =	shalt  }
0x45: {  	_ =	shalt  }
0x46: {  	_ =	shalt  }
0x47: {  	_ =	shalt  }
0x48: {  	_ =	shalt  }
0x49: {  	_ =	shalt  }
0x4a: {  	_ =	shalt  }
0x4b: {  	_ =	shalt  }
0x4c: {  	_ =	shalt  }
0x4d: {  	_ =	shalt  }
0x4e: {  	_ =	shalt  }
0x4f: {  	_ =	shalt  }
0x50: {  	_ =	shalt  }
0x51: {  	_ =	shalt  }
0x52: {  	_ =	shalt  }
0x53: {  	_ =	shalt  }
0x54: {  	_ =	shalt  }
0x55: {  	_ =	shalt  }
0x56: {  	_ =	shalt  }
0x57: {  	_ =	shalt  }
0x58: {  	_ =	shalt  }
0x59: {  	_ =	shalt  }
0x5a: {  	_ =	shalt  }
0x5b: {  	_ =	shalt  }
0x5c: {  	_ =	shalt  }
0x5d: {  	_ =	shalt  }
0x5e: {  	_ =	shalt  }
0x5f: {  	_ =	shalt  }
0x60: {  	_ =	shalt  }
0x61: {  	_ =	shalt  }
0x62: {  	_ =	shalt  }
0x63: {  	_ =	shalt  }
0x64: {  	_ =	shalt  }
0x65: {  	_ =	shalt  }
0x66: {  	_ =	shalt  }
0x67: {  	_ =	shalt  }
0x68: {  	_ =	shalt  }
0x69: {  	_ =	shalt  }
0x6a: {  	_ =	shalt  }
0x6b: {  	_ =	shalt  }
0x6c: {  	_ =	shalt  }
0x6d: {  	_ =	shalt  }
0x6e: {  	_ =	shalt  }
0x6f: {  	_ =	shalt  }
0x70: {  	_ =	shalt  }
0x71: {  	_ =	shalt  }
0x72: {  	_ =	shalt  }
0x73: {  	_ =	shalt  }
0x74: {  	_ =	shalt  }
0x75: {  	_ =	shalt  }
0x76: {  	_ =	shalt  }
0x77: {  	_ =	shalt  }
0x78: {  	_ =	shalt  }
0x79: {  	_ =	shalt  }
0x7a: {  	_ =	shalt  }
0x7b: {  	_ =	shalt  }
0x7c: {  	_ =	shalt  }
0x7d: {  	_ =	shalt  }
0x7e: {  	_ =	shalt  }
0x7f: {  	_ =	shalt  }
0x80: {  	_ =	shalt  }
0x81: {  	_ =	shalt  }
0x82: {  	_ =	shalt  }
0x83: {  	_ =	shalt  }
0x84: {  	_ =	shalt  }
0x85: {  	_ =	shalt  }
0x86: {  	_ =	shalt  }
0x87: {  	_ =	shalt  }
.Lfunc_end0:
.L_simem_size_0:
called_computation.1_lowered:
.L_overlay_start_0:
0x88: {  	s2 =	sld [smem:$0x3FD9]  }
0x89: {  	s3 =	sld [smem:$0x3FFE];
	_ =	sdelay $0x1  }
0x8a: {  	s1 =	srdreg.scid  }
0x8b: {  	s0 =	sand.u32 $0x1, s1  }
0x8c: {  	s16 =	sshll.u32 s0, $0xA;
	s2 =	sadd.s32 s3, s2  }
0x8d: {  	s2 =	sadd.s32 s2, s16  }
0x8e: {  	[smem:$0x3FA9] =	sst s2  }
0x8f: {  	_ = 	snop  }
0x90: {  	(tm) =	ssettm $0x1  }
0x91: {  	s17 =	sld [smem:$0x3FFB];
	_ =	sdelay $0x3  }
0x92: {  	_ =	strace s17  }
0x93: {  	s2 =	sld [smem:$0x3FFC];
	_ =	sdelay $0x3  }
0x94: {  	_ =	strace s2  }
0x95: {  	s2 =	sld [smem:$0x3FFD];
	_ =	sdelay $0x3  }
0x96: {  	_ =	strace s2  }
0x97: {  	_ =	strace $0x8FFFFFFF  }
0x98: {  	s18 =	sld [smem:$0x3FDB];
	_ =	sdelay $0x1  }
0x99: {  	s19 =	simm.s32 $_scs_section_size  }
0x9a: {  	s4 =	simm.s32 $_size__tile_overlayer_lowered;
	s5 =	simm.s32 $_tile_overlayer_lowered  }
0x9b: {  	s22 =	simm.s32 $0x1BFF;
	s21 =	sshll.u32 s5, $0x1;
	s2 =	sadd.s32 s19, s18  }
0x9c: {  	s6 =	simm.s32 $0x0;
	s20 =	sshll.u32 s4, $0x1;
	s4 =	sadd.s32 s21, s2  }
0x9d: {  	[timem:s6], [sflag:s22] =	dma.local [hbm:s4], s20  }
0x9e: {  	_ =	swait.ge [sflag:s22], s20  }
0x9f: {  	s3 =	ssub.s32 $0x0, s20;
	[sflag:s22] =	ssyncset.done $0x0  }
0xa0: {  	[sflag:s22] =	ssyncadd.s32 s3;
	_ =	sdelay $0x1  }
0xa1: {  	s23 =	simm.s32 $0x1B8B  }
0xa2: {  	_ =	swait.ge [sflag:s23], $0x1  }
0xa3: {  	[sflag:s23] =	ssyncset.done $0x0  }
0xa4: {  	s25 =	simm.s32 $0x1B8E;
	s24 =	sld [smem:$0x3FFE];
	[sflag:s23] =	ssyncadd.s32 $0xFFFFFFFF  }
0xa5: {  	s26 =	simm.s32 $execute0_lowered;
	[smem:$0x3FD2] =	sst s25  }
0xa6: {  	s4 =	sshll.u32 s26, $0x1;
	_ =	strace $0x80000049;
	[dreg:$0x1] =	wrdreg $0xFFFFFFFF  }
0xa7: {  	s28 =	simm.s32 $_size_execute0_lowered;
	s2 =	sadd.s32 s2, s4;
	[dreg:$0x0] =	wrdreg $0x0  }
0xa8: {  	s4 =	sshll.u32 s28, $0x1;
	[dreg:$0x2] =	wrdreg s2  }
0xa9: {  	[dreg:$0x3] =	wrdreg s4  }
0xaa: {  	[dreg:$0x4] =	wrdreg $0xC0  }
0xab: {  	_ =	task [dreg:s6], $0x5FFFF  }
0xac: {  	[dreg:$0x1] =	wrdreg $0xFFFFFFFF  }
0xad: {  	[dreg:$0x0] =	wrdreg $0x60  }
0xae: {  	[dreg:$0x2] =	wrdreg s24  }
0xaf: {  	[dreg:$0x3] =	wrdreg $0x150000  }
0xb0: {  	[dreg:$0x4] =	wrdreg $0x9  }
0xb1: {  	_ =	task.clear_ibuf [dreg:s6], $0x5FFFF;
	_ =	strace $0x90000049  }
0xb2: {  	s29 =	simm.s32 $0x9;
	_ =	strace $0x8000004B  }
0xb3: {  	_ =	swait.ge [sflag:s29], $0x1  }
0xb4: {  	[sflag:s29] =	ssyncadd.s32 $0xFFFFFFFF  }
0xb5: {  	_ =	strace $0x9000004B  }
0xb6: {  	_ =	sfence  }
0xb7: {  	s30 =	sld [smem:$0x0];
	_ =	sdelay $0x2  }
0xb8: {  	s31 =	sshll.u32 s1, $0xD;
	s1 =	sshrl.u32 s1, $0x2  }
0xb9: {  	s3 =	sand.u32 $0x4000, s31;
	s1 =	sadd.s32 s1, s30  }
0xba: {  	s0 =	sor.u32 s3, s0;
	s1 =	sshll.u32 s1, $0x11  }
0xbb: {  	s0 =	sor.u32 s1, s0  }
0xbc: {  	s0 =	sadd.s32 $0x8F2B, s0  }
0xbd: {  	[sflag:s0] =	ssyncadd.remote.s32 $0x1  }
0xbe: {  	_ =	sfence.sel $0xFFFF  }
0xbf: {  	[dreg:$0x0] =	wrdreg $0xFFFFFFFF;
	(pc) =	sbr.abs _section_cstart, $3  }
0xc0: {  	[dreg:$0x1] =	wrdreg $0xFFFFFFFF  }
0xc1: {  	_ =	task.clear_ibuf [dreg:s6], $0x2FFFF;
	_ =	strace $0x9FFFFFFF  }
0xc2: {  	(tm) =	ssettm $0x7FFFFFFF  }
0xc3: {  	_ =	shalt  }
tec
execute0_lowered:
.L_overlay_start_1:
0x0: {  	(tag) =	ssettag $0x1  }
0x1: {  	s0 =	srdreg.scid;
	s6 =	rddreg [dreg:$0x0]  }
0x2: {  	s10 =	stileid.u32;
	s2 =	rddreg [dreg:$0x1];
	s3 =	simm.s32 $0x0  }
0x3: {  	s12 =	simm.s32 $0x3;
	s14 =	simm.s32 $0x80;
	s19 =	simm.s32 $0x180  }
0x4: {  	s20 =	simm.s32 $0x8000;
	s21 =	simm.s32 $0x200;
	s22 =	simm.s32 $0x9000  }
0x5: {  	s23 =	simm.s32 $0x280;
	s28 =	simm.s32 $0x380;
	s29 =	simm.s32 $0xC000  }
0x6: {  	s30 =	simm.s32 $0x1;
	s31 =	simm.s32 $0x2;
	s0 =	sand.u32 $0x1, s0  }
0x7: {  	s5 =	smul.u32 $0x9E0, s10;
	[smem:$0x7FF] =	sst s3;
	s4 =	sadd.s32 $0x5000, s6  }
0x8: {  	s8 =	smul.u32 $0x13C00, s10;
	s26 =	sshll.u32 s10, $0x6;
	s1 =	sshll.u32 s0, $0x4  }
0x9: {  	s7 =	smul.u32 $0x9E00, s0;
	_ =	strace $0x8000004A;
	s0 =	ssub.s32 $0x2, s0  }
0xa: {  	s1 =	sor.u32 s10, s1;
	s24 =	sshrl.u32 s0, $0x1;
	s25 =	sshrl.u32 s8, $0x2  }
0xb: {  	s1 =	smul.u32 $0x500, s1;
	s7 =	sadd.s32 s5, s7;
	s5 =	sadd.s32 $0x68200, s6  }
.Ltmp0:
0xc: {  	s0 =	ssub.s32 s0, s24;
	s11 =	sadd.s32 s25, s2;
	(pc) =	sbr.rel .LBB2_1-.Ltmp0, $4  }
0xd: {  	s24 =	simm.s32 $0xA000;
	s25 =	simm.s32 $0x300;
	s9 =	sadd.s32 s7, s6  }
0xe: {  	s10 =	smax.u32 s0, $0x1;
	s11 =	sshrl.u32 s11, $0x3;
	s1 =	sadd.s32 s1, s6  }
0xf: {  	s6 =	sor.u32 $0x1C03, s26;
	s9 =	sadd.s32 $0xEE00, s9;
	s26 =	simm.s32 $0xB000  }
0x10: {  	s7 =	sadd.s32 $0x2C200, s1;
	s8 =	sadd.s32 $0x36200, s1;
	s1 =	simm.s32 $0x0  }
.LBB2_5:
0x11: {  	_ =	swait.ge [sflag:s31], $0x1000  }
0x12: {  	[sflag:s31] =	ssyncset.done $0x0  }
0x13: {  	[sflag:s31] =	ssyncadd.s32 $0xFFFFF000  }
0x14: {  	_ =	swait.ge [sflag:s31], $0x1000  }
0x15: {  	[sflag:s31] =	ssyncset.done $0x0  }
0x16: {  	[sflag:s31] =	ssyncadd.s32 $0xFFFFF000  }
0x17: {  	_ =	swait.ge [sflag:s31], $0x1000  }
0x18: {  	[sflag:s31] =	ssyncset.done $0x0  }
0x19: {  	[sflag:s31] =	ssyncadd.s32 $0xFFFFF000  }
0x1a: {  	_ =	swait.ge [sflag:s31], $0x1000  }
0x1b: {  	[sflag:s31] =	ssyncset.done $0x0  }
0x1c: {  	[sflag:s31] =	ssyncadd.s32 $0xFFFFF000  }
0x1d: {  	_ =	swait.ge [sflag:s31], $0x1000  }
0x1e: {  	[sflag:s31] =	ssyncset.done $0x0  }
0x1f: {  	[sflag:s31] =	ssyncadd.s32 $0xFFFFF000  }
0x20: {  	_ =	swait.ge [sflag:s31], $0x1000  }
0x21: {  	[sflag:s31] =	ssyncset.done $0x0  }
0x22: {  	[sflag:s31] =	ssyncadd.s32 $0xFFFFF000  }
0x23: {  	_ =	swait.ge [sflag:s31], $0x1000  }
0x24: {  	[sflag:s31] =	ssyncset.done $0x0  }
0x25: {  	[sflag:s31] =	ssyncadd.s32 $0xFFFFF000  }
0x26: {  	_ =	swait.ge [sflag:s31], $0x1000  }
0x27: {  	s1 =	sadd.s32 $0x1, s1;
	[sflag:s31] =	ssyncset.done $0x0  }
0x28: {  	p0 =	sne.s32 s1, s10;
	[sflag:s31] =	ssyncadd.s32 $0xFFFFF000  }
.Ltmp1:
0x29: {  	[bflag:$0x0] =	sbarrier.arrive $0xFFFF;
	(pc) =	sbr.rel @!p0 .LBB2_6-.Ltmp1, $4  }
0x2a: {  	[hbm:s9], [sflag:s6] =	dma.local [spmem:s11], $0x9E0  }
0x2b: {  	_ =	swait.ge [sflag:s12], $0x9E0  }
0x2c: {  	[sflag:s12] =	ssyncset.done $0x0  }
0x2d: {  	[sflag:s12] =	ssyncadd.s32 $0xFFFFF620  }
.LBB2_1:
0x2e: {  	[spmem:s11], [sflag:s6] =	dma.local [hbm:s5], $0x9E0  }
0x2f: {  	_ =	swait.ge [sflag:s12], $0x9E0  }
0x30: {  	[sflag:s12] =	ssyncset.done $0x0  }
0x31: {  	[sflag:s12] =	ssyncadd.s32 $0xFFFFF620  }
0x32: {  	[tilespmem:s3], [sflag:$0x3] =	stream.linear.gather [hbm4b:s7+s3], $0x2800, $0x38;
	[tilespmem:$0x19F00] =	vst v63  }
0x33: {  	_ =	swait.ge [sflag:s12], $0x2800  }
0x34: {  	[sflag:s12] =	ssyncset.done $0x0  }
0x35: {  	s0 =	simm.s32 $0x2800;
	[sflag:s12] =	ssyncadd.s32 $0xFFFFD800  }
0x36: {  	[tilespmem:s0], [sflag:$0x3] =	stream.linear.gather [hbm4b:s8+s3], $0x2800, $0x38;
	[tilespmem:$0x19F00] =	vst v63  }
0x37: {  	_ =	swait.ge [sflag:s12], $0x2800  }
0x38: {  	[sflag:s12] =	ssyncset.done $0x0  }
0x39: {  	[sflag:s12] =	ssyncadd.s32 $0xFFFFD800  }
0x3a: {  	s16 =	simm.s32 $0x5000;
	[bflag:$0x0] =	sbarrier.arrive $0xFFFF  }
0x3b: {  	[tilespmem:s16], [sflag:$0x1] =	stream.indirect.gather [hbm4b:s4+s14], $0x20, s3, s14, $0xb8;
	[tilespmem:$0x19F00] =	vst v63  }
0x3c: {  	s17 =	simm.s32 $0x6000  }
0x3d: {  	[tilespmem:s17], [sflag:$0x1] =	stream.indirect.gather [hbm4b:s4+s14], $0x20, s14, s14, $0xb8;
	[tilespmem:$0x19F00] =	vst v63  }
0x3e: {  	s18 =	simm.s32 $0x100;
	s13 =	simm.s32 $0x7000  }
0x3f: {  	[tilespmem:s13], [sflag:$0x1] =	stream.indirect.gather [hbm4b:s4+s14], $0x20, s18, s14, $0xb8;
	[tilespmem:$0x19F00] =	vst v63  }
0x40: {  	_ = 	snop  }
0x41: {  	[tilespmem:s20], [sflag:$0x1] =	stream.indirect.gather [hbm4b:s4+s14], $0x20, s19, s14, $0xb8;
	[tilespmem:$0x19F00] =	vst v63  }
0x42: {  	_ = 	snop  }
0x43: {  	[tilespmem:s22], [sflag:$0x1] =	stream.indirect.gather [hbm4b:s4+s14], $0x20, s21, s14, $0xb8;
	[tilespmem:$0x19F00] =	vst v63  }
0x44: {  	_ = 	snop  }
0x45: {  	[tilespmem:s24], [sflag:$0x1] =	stream.indirect.gather [hbm4b:s4+s14], $0x20, s23, s14, $0xb8;
	[tilespmem:$0x19F00] =	vst v63  }
.Ltmp2:
0x46: {  	_ = 	snop;
	(pc) =	sbr.rel .LBB2_2-.Ltmp2, $4  }
0x47: {  	_ = 	snop  }
0x48: {  	[tilespmem:s26], [sflag:$0x1] =	stream.indirect.gather [hbm4b:s4+s14], $0x20, s25, s14, $0xb8;
	[tilespmem:$0x19F00] =	vst v63  }
0x49: {  	s0 =	simm.s32 $0x0  }
0x4a: {  	[tilespmem:s29], [sflag:$0x1] =	stream.indirect.gather [hbm4b:s4+s14], $0x20, s28, s14, $0xb8;
	[tilespmem:$0x19F00] =	vst v63  }
.LBB2_4:
0x4b: {  	s0 =	sshll.u32 s0, $0xA  }
0x4c: {  	s0 =	sand.u32 $0x3FFFFC00, s0  }
0x4d: {  	s16 =	sor.u32 $0x5000, s15;
	s17 =	sadd.s32 $0x2800, s0  }
0x4e: {  	[spmem:s2] =	stream.indirect.scatter.add.f32 [tilespmem:s16], [sflag:$0x2], $0x20, s17, s14, $0xb8;
	[tilespmem:$0x19F00] =	vst v63  }
0x4f: {  	s18 =	sadd.s32 $0x2880, s0;
	s17 =	sor.u32 $0x6000, s15  }
0x50: {  	[spmem:s2] =	stream.indirect.scatter.add.f32 [tilespmem:s17], [sflag:$0x2], $0x20, s18, s14, $0xb8;
	[tilespmem:$0x19F00] =	vst v63  }
0x51: {  	s17 =	sor.u32 $0x7000, s15;
	s18 =	sadd.s32 $0x2900, s0  }
0x52: {  	[spmem:s2] =	stream.indirect.scatter.add.f32 [tilespmem:s17], [sflag:$0x2], $0x20, s18, s14, $0xb8;
	[tilespmem:$0x19F00] =	vst v63  }
0x53: {  	s17 =	sadd.s32 $0x8000, s15;
	s18 =	sadd.s32 $0x2980, s0  }
0x54: {  	[spmem:s2] =	stream.indirect.scatter.add.f32 [tilespmem:s17], [sflag:$0x2], $0x20, s18, s14, $0xb8;
	[tilespmem:$0x19F00] =	vst v63  }
0x55: {  	s17 =	sadd.s32 $0x9000, s15;
	s18 =	sadd.s32 $0x2A00, s0  }
0x56: {  	[spmem:s2] =	stream.indirect.scatter.add.f32 [tilespmem:s17], [sflag:$0x2], $0x20, s18, s14, $0xb8;
	[tilespmem:$0x19F00] =	vst v63  }
0x57: {  	p0 =	slt.u32 s13, $0xA;
	s17 =	sadd.s32 $0xA000, s15;
	s18 =	sadd.s32 $0x2A80, s0  }
0x58: {  	[spmem:s2] =	stream.indirect.scatter.add.f32 [tilespmem:s17], [sflag:$0x2], $0x20, s18, s14, $0xb8;
	[tilespmem:$0x19F00] =	vst v63  }
.Ltmp3:
0x59: {  	s17 =	sadd.s32 $0xB000, s15;
	s18 =	sadd.s32 $0x2B00, s0;
	(pc) =	sbr.rel @!p0 .LBB2_5-.Ltmp3, $4  }
0x5a: {  	[spmem:s2] =	stream.indirect.scatter.add.f32 [tilespmem:s17], [sflag:$0x2], $0x20, s18, s14, $0xb8;
	[tilespmem:$0x19F00] =	vst v63  }
0x5b: {  	s0 =	sadd.s32 $0x2B80, s0;
	s18 =	sadd.s32 $0xC000, s15  }
0x5c: {  	[spmem:s2] =	stream.indirect.scatter.add.f32 [tilespmem:s18], [sflag:$0x2], $0x20, s0, s14, $0xb8;
	[tilespmem:$0x19F00] =	vst v63  }
0x5d: {  	s0 =	smov.u32 s13  }
.LBB2_2:
0x5e: {  	_ =	swait.ge [sflag:s30], $0x1000  }
0x5f: {  	[sflag:s30] =	ssyncset.done $0x0  }
0x60: {  	[sflag:s30] =	ssyncadd.s32 $0xFFFFF000  }
0x61: {  	_ =	swait.ge [sflag:s30], $0x1000  }
0x62: {  	[sflag:s30] =	ssyncset.done $0x0  }
0x63: {  	[sflag:s30] =	ssyncadd.s32 $0xFFFFF000  }
0x64: {  	_ =	swait.ge [sflag:s30], $0x1000  }
0x65: {  	[sflag:s30] =	ssyncset.done $0x0  }
0x66: {  	[sflag:s30] =	ssyncadd.s32 $0xFFFFF000  }
0x67: {  	_ =	swait.ge [sflag:s30], $0x1000  }
0x68: {  	[sflag:s30] =	ssyncset.done $0x0  }
0x69: {  	[sflag:s30] =	ssyncadd.s32 $0xFFFFF000  }
0x6a: {  	_ =	swait.ge [sflag:s30], $0x1000  }
0x6b: {  	[sflag:s30] =	ssyncset.done $0x0  }
0x6c: {  	[sflag:s30] =	ssyncadd.s32 $0xFFFFF000  }
0x6d: {  	_ =	swait.ge [sflag:s30], $0x1000  }
0x6e: {  	[sflag:s30] =	ssyncset.done $0x0  }
0x6f: {  	[sflag:s30] =	ssyncadd.s32 $0xFFFFF000  }
0x70: {  	_ =	swait.ge [sflag:s30], $0x1000  }
0x71: {  	[sflag:s30] =	ssyncset.done $0x0  }
0x72: {  	[sflag:s30] =	ssyncadd.s32 $0xFFFFF000  }
0x73: {  	_ =	swait.ge [sflag:s30], $0x1000  }
0x74: {  	p0 =	seq.s32 s0, $0x0;
	[sflag:s30] =	ssyncset.done $0x0  }
0x75: {  	s13 =	simm.s32 @!p0 $0x2;
	[sflag:s30] =	ssyncadd.s32 $0xFFFFF000  }
0x76: {  	_ =	swait.ge @!p0 [sflag:s13], $0x1000  }
0x77: {  	[sflag:s13] =	ssyncset.done @!p0 $0x0  }
0x78: {  	[sflag:s13] =	ssyncadd.s32 @!p0 $0xFFFFF000  }
0x79: {  	_ =	swait.ge @!p0 [sflag:s13], $0x1000  }
0x7a: {  	[sflag:s13] =	ssyncset.done @!p0 $0x0  }
0x7b: {  	[sflag:s13] =	ssyncadd.s32 @!p0 $0xFFFFF000  }
0x7c: {  	_ =	swait.ge @!p0 [sflag:s13], $0x1000  }
0x7d: {  	[sflag:s13] =	ssyncset.done @!p0 $0x0  }
0x7e: {  	[sflag:s13] =	ssyncadd.s32 @!p0 $0xFFFFF000  }
0x7f: {  	_ =	swait.ge @!p0 [sflag:s13], $0x1000  }
0x80: {  	[sflag:s13] =	ssyncset.done @!p0 $0x0  }
0x81: {  	[sflag:s13] =	ssyncadd.s32 @!p0 $0xFFFFF000  }
0x82: {  	_ =	swait.ge @!p0 [sflag:s13], $0x1000  }
0x83: {  	[sflag:s13] =	ssyncset.done @!p0 $0x0  }
0x84: {  	[sflag:s13] =	ssyncadd.s32 @!p0 $0xFFFFF000  }
0x85: {  	_ =	swait.ge @!p0 [sflag:s13], $0x1000  }
0x86: {  	[sflag:s13] =	ssyncset.done @!p0 $0x0  }
0x87: {  	p1 =	seq.s32 @!p0 s0, $0x9;
	[sflag:s13] =	ssyncadd.s32 @!p0 $0xFFFFF000  }
0x88: {  	p1 =	por p0, !p1;
	_ =	swait.ge @!p0 [sflag:s13], $0x1000  }
.Ltmp4:
0x89: {  	[sflag:s13] =	ssyncset.done @!p0 $0x0;
	(pc) =	sbr.rel @!p1 .LBB2_4-.Ltmp4, $4  }
0x8a: {  	[sflag:s13] =	ssyncadd.s32 @!p0 $0xFFFFF000  }
0x8b: {  	_ =	swait.ge @!p0 [sflag:s13], $0x1000  }
0x8c: {  	s15 =	sshll.u32 s0, $0xF;
	[sflag:s13] =	ssyncset.done @!p0 $0x0  }
0x8d: {  	s15 =	sand.u32 $0x8000, s15;
	[sflag:s13] =	ssyncadd.s32 @!p0 $0xFFFFF000;
	s13 =	simm.s32 @!p0 $0xA  }
0x8e: {  	s13 =	sadd.s32 @!p0 $0x1, s0  }
0x8f: {  	s13 =	simm.s32 @p0 $0x1  }
0x90: {  	s16 =	sshll.u32 s13, $0xA  }
0x91: {  	s17 =	ssub.s32 $0xD000, s15;
	s16 =	sand.u32 $0x3FFFFC00, s16  }
0x92: {  	[tilespmem:s17], [sflag:$0x1] =	stream.indirect.gather [hbm4b:s4+s14], $0x20, s16, s14, $0xb8;
	[tilespmem:$0x19F00] =	vst v63  }
0x93: {  	s17 =	ssub.s32 $0xE000, s15;
	s18 =	sor.u32 $0x80, s16  }
0x94: {  	[tilespmem:s17], [sflag:$0x1] =	stream.indirect.gather [hbm4b:s4+s14], $0x20, s18, s14, $0xb8;
	[tilespmem:$0x19F00] =	vst v63  }
0x95: {  	s17 =	ssub.s32 $0xF000, s15;
	s18 =	sor.u32 $0x100, s16  }
0x96: {  	[tilespmem:s17], [sflag:$0x1] =	stream.indirect.gather [hbm4b:s4+s14], $0x20, s18, s14, $0xb8;
	[tilespmem:$0x19F00] =	vst v63  }
0x97: {  	s17 =	ssub.s32 $0x10000, s15;
	s18 =	sor.u32 $0x180, s16  }
0x98: {  	[tilespmem:s17], [sflag:$0x1] =	stream.indirect.gather [hbm4b:s4+s14], $0x20, s18, s14, $0xb8;
	[tilespmem:$0x19F00] =	vst v63  }
0x99: {  	s17 =	ssub.s32 $0x11000, s15;
	s18 =	sor.u32 $0x200, s16  }
0x9a: {  	[tilespmem:s17], [sflag:$0x1] =	stream.indirect.gather [hbm4b:s4+s14], $0x20, s18, s14, $0xb8;
	[tilespmem:$0x19F00] =	vst v63  }
0x9b: {  	s17 =	ssub.s32 $0x12000, s15;
	s18 =	sor.u32 $0x280, s16  }
0x9c: {  	[tilespmem:s17], [sflag:$0x1] =	stream.indirect.gather [hbm4b:s4+s14], $0x20, s18, s14, $0xb8;
	[tilespmem:$0x19F00] =	vst v63  }
.Ltmp5:
0x9d: {  	_ = 	snop;
	(pc) =	sbr.rel .LBB2_4-.Ltmp5, $4  }
0x9e: {  	s17 =	ssub.s32 $0x13000, s15;
	s18 =	sor.u32 $0x300, s16  }
0x9f: {  	[tilespmem:s17], [sflag:$0x1] =	stream.indirect.gather [hbm4b:s4+s14], $0x20, s18, s14, $0xb8;
	[tilespmem:$0x19F00] =	vst v63  }
0xa0: {  	s16 =	sor.u32 $0x380, s16;
	s18 =	ssub.s32 $0x14000, s15  }
0xa1: {  	[tilespmem:s18], [sflag:$0x1] =	stream.indirect.gather [hbm4b:s4+s14], $0x20, s16, s14, $0xb8;
	[tilespmem:$0x19F00] =	vst v63  }
.LBB2_6:
0xa2: {  	_ =	sfence.sel $0x180000  }
0xa3: {  	[bflag:$0x0] =	sbarrier.arrive $0xFFFF  }
0xa4: {  	_ =	strace $0x9000004A  }
0xa5: {  	s0 =	stileid.u32;
	[bflag:$0x2] =	sbarrier.arrive $0xFFFF  }
0xa6: {  	p0 =	sne.s32 s0, $0x0;
	s0 =	rddreg [dreg:$0x2]  }
0xa7: {  	s0 =	sadd.s32 @!p0 $0x100000, s0  }
0xa8: {  	[sflag:s0] =	ssyncadd.tile.s32 @!p0 $0x1;
	_ =	shalt  }
.Lfunc_end2:
_tile_overlayer_lowered:
.L_overlay_start_2:
0xa9: {  	(tag) =	ssettag $0x2  }
0xaa: {  	s0 =	rddreg [dreg:$0x0];
	s2 =	stileid.u32  }
0xab: {  	s1 =	rddreg [dreg:$0x1];
	p0 =	sne.s32 s2, $0x0  }
0xac: {  	s3 =	rddreg [dreg:$0x2];
	[bflag:$0x3] =	sbarrier.arrive $0xFFFF;
	s2 =	simm.s32 @!p0 $0x1C03  }
0xad: {  	[timem:s3], [sflag:s2] =	dma.local @!p0 [hbm:s0], s1  }
0xae: {  	s0 =	simm.s32 @!p0 $0x3  }
0xaf: {  	_ =	swait.ge @!p0 [sflag:s0], s1  }
0xb0: {  	s1 =	ssub.s32 @!p0 $0x0, s1;
	[sflag:s0] =	ssyncset.done @!p0 $0x0  }
0xb1: {  	[sflag:s0] =	ssyncadd.s32 @!p0 s1  }
0xb2: {  	[bflag:$0x3] =	sbarrier.arrive $0xFFFF  }
0xb3: {  	_ =	shalt  }

// kernel: kernel.15.cloned.1.call-start
scs
__scs_entry_jumppad:
0x0: {  	(pc) =	sbr.rel $0x88, $3  }
0x1: {  	(tag) =	ssettag $0x0;
	lr =	simm.s32 $0x1  }
0x2: {  	[smem:$0x3F82] =	sst lr;
	_ =	strace $0xD0000000  }
0x3: {  	_ = 	snop  }
0x4: {  	_ = 	snop  }
0x5: {  	_ = 	snop  }
0x6: {  	_ = 	snop  }
0x7: {  	_ = 	snop  }
__scs_overlays_trampoline_lowered:
0x8: {  	[smem:$0x3F91] =	sst s0  }
0x9: {  	[smem:$0x3F92] =	sst s1  }
0xa: {  	[smem:$0x3F93] =	sst s2  }
0xb: {  	[smem:$0x3F94] =	sst s3  }
0xc: {  	[smem:$0x3F95] =	sst s4  }
0xd: {  	[smem:$0x3F96] =	sst s5  }
0xe: {  	[smem:$0x3F97] =	sst s6  }
0xf: {  	[smem:$0x3F98] =	sst s7  }
0x10: {  	[smem:$0x3F99] =	sst s8  }
0x11: {  	[smem:$0x3F9A] =	sst s9;
	s0 =	simm.s32 @!p0 $0x0  }
0x12: {  	s1 =	sld [smem:$0x3F80];
	s0 =	simm.s32 @p0 $0x1  }
0x13: {  	[smem:$0x3F9B] =	sst s0;
	s0 =	simm.s32 @!p1 $0x0  }
0x14: {  	s2 =	sld [smem:$0x3F7F];
	s0 =	simm.s32 @p1 $0x1  }
0x15: {  	[smem:$0x3F9C] =	sst s0;
	s0 =	simm.s32 @!p2 $0x0  }
0x16: {  	s3 =	sld [smem:$0x3FDB];
	s0 =	simm.s32 @p2 $0x1  }
0x17: {  	s4 =	simm.s32 $0x1BF5;
	[smem:$0x3F9E] =	sst s0  }
0x18: {  	s0 =	sld [smem:$0x3F81];
	_ =	swait.ge [sflag:s4], $0x0  }
0x19: {  	s7 =	sld [smem:$0x3F82]  }
0x1a: {  	s8 =	sadd.s32 $0xFFFFE003, lr  }
0x1b: {  	s9 =	sadd.s32 $0xFFFFFEF7, lr;
	s5 =	simm.s32 $0xFFFFFFFF;
	p2 =	slt.u32 s8, $0xFFFFF086  }
0x1c: {  	p1 =	slt.u32 s9, $0xF7A;
	s5 =	simm.s32 @!p2 $0x0  }
0x1d: {  	s5 =	simm.s32 @p1 $0x1;
	p0 =	seq.s32 s7, s2  }
0x1e: {  	s7 =	smul.u32 @!p0 $0xF7A, s2;
	p2 =	seq.s32 @!p0 s5, $0x0  }
0x1f: {  	s9 =	smul.u32 $0xF7A, s1;
	s8 =	simm.s32 @!p0 $0x1BF5;
	p2 =	por !p2, p0  }
0x20: {  	[sflag:s8] =	ssyncset.s32 @!p0 $0xFFFFF086;
	s6 =	sadd.s32 @!p0 s3, s7;
	s7 =	simm.s32 @!p0 $0x108  }
0x21: {  	s3 =	sadd.s32 s3, s9;
	s6 =	sadd.s32 @!p0 $0x88, s6;
	s7 =	simm.s32 @p2 $0x1082  }
0x22: {  	[simem:s7], [sflag:s8] =	dma.local @!p0 [hbm:s6], $0xF7A  }
0x23: {  	s9 =	sor.u32 $0xD0000000, s2;
	s6 =	simm.s32 $0x108;
	_ =	swait.ge @!p0 [sflag:s8], $0x0  }
0x24: {  	s3 =	sadd.s32 $0x88, s3;
	s6 =	simm.s32 @!p1 $0x1082;
	[sflag:s4] =	ssyncset.s32 $0xFFFFF086  }
0x25: {  	[simem:s6], [sflag:s4] =	dma.local [hbm:s3], $0xF7A  }
0x26: {  	[smem:$0x3F82] =	sst s1;
	(tag) =	ssettag s2;
	_ =	strace s9  }
0x27: {  	s1 =	sld [smem:$0x3F92]  }
0x28: {  	s2 =	sld [smem:$0x3F93]  }
0x29: {  	s4 =	sld [smem:$0x3F95]  }
0x2a: {  	p0 =	seq.s32 s5, $0x0;
	s5 =	sld [smem:$0x3F96]  }
0x2b: {  	s6 =	sld [smem:$0x3F97]  }
0x2c: {  	s7 =	sld [smem:$0x3F98]  }
0x2d: {  	s3 =	simm.s32 $0x108;
	s8 =	sld [smem:$0x3F99]  }
0x2e: {  	s3 =	simm.s32 @!p0 $0x1082;
	s9 =	sld [smem:$0x3F9A]  }
0x2f: {  	lr =	sadd.s32 s0, s3;
	s0 =	sld [smem:$0x3F91]  }
0x30: {  	s3 =	sld [smem:$0x3F94]  }
0x31: {  	[smem:$0x3F9D] =	sst s10  }
0x32: {  	s10 =	sld [smem:$0x3F9B];
	_ =	sdelay $0x3  }
0x33: {  	p0 =	seq.s32 s10, $0x1;
	s10 =	sld [smem:$0x3F9D];
	_ =	sdelay $0x3  }
0x34: {  	[smem:$0x3F9D] =	sst s10  }
0x35: {  	s10 =	sld [smem:$0x3F9C];
	_ =	sdelay $0x3  }
0x36: {  	p1 =	seq.s32 s10, $0x1;
	s10 =	sld [smem:$0x3F9D];
	_ =	sdelay $0x3  }
0x37: {  	[smem:$0x3F9D] =	sst s10  }
0x38: {  	s10 =	sld [smem:$0x3F9E]  }
0x39: {  	_ = 	snop;
	(pc) =	sbr.ind lr, $3  }
0x3a: {  	_ = 	snop  }
0x3b: {  	_ = 	snop  }
0x3c: {  	p2 =	seq.s32 s10, $0x1;
	s10 =	sld [smem:$0x3F9D]  }
0x3d: {  	_ =	shalt  }
0x3e: {  	_ =	shalt  }
0x3f: {  	_ =	shalt  }
0x40: {  	_ =	shalt  }
0x41: {  	_ =	shalt  }
0x42: {  	_ =	shalt  }
0x43: {  	_ =	shalt  }
0x44: {  	_ =	shalt  }
0x45: {  	_ =	shalt  }
0x46: {  	_ =	shalt  }
0x47: {  	_ =	shalt  }
0x48: {  	_ =	shalt  }
0x49: {  	_ =	shalt  }
0x4a: {  	_ =	shalt  }
0x4b: {  	_ =	shalt  }
0x4c: {  	_ =	shalt  }
0x4d: {  	_ =	shalt  }
0x4e: {  	_ =	shalt  }
0x4f: {  	_ =	shalt  }
0x50: {  	_ =	shalt  }
0x51: {  	_ =	shalt  }
0x52: {  	_ =	shalt  }
0x53: {  	_ =	shalt  }
0x54: {  	_ =	shalt  }
0x55: {  	_ =	shalt  }
0x56: {  	_ =	shalt  }
0x57: {  	_ =	shalt  }
0x58: {  	_ =	shalt  }
0x59: {  	_ =	shalt  }
0x5a: {  	_ =	shalt  }
0x5b: {  	_ =	shalt  }
0x5c: {  	_ =	shalt  }
0x5d: {  	_ =	shalt  }
0x5e: {  	_ =	shalt  }
0x5f: {  	_ =	shalt  }
0x60: {  	_ =	shalt  }
0x61: {  	_ =	shalt  }
0x62: {  	_ =	shalt  }
0x63: {  	_ =	shalt  }
0x64: {  	_ =	shalt  }
0x65: {  	_ =	shalt  }
0x66: {  	_ =	shalt  }
0x67: {  	_ =	shalt  }
0x68: {  	_ =	shalt  }
0x69: {  	_ =	shalt  }
0x6a: {  	_ =	shalt  }
0x6b: {  	_ =	shalt  }
0x6c: {  	_ =	shalt  }
0x6d: {  	_ =	shalt  }
0x6e: {  	_ =	shalt  }
0x6f: {  	_ =	shalt  }
0x70: {  	_ =	shalt  }
0x71: {  	_ =	shalt  }
0x72: {  	_ =	shalt  }
0x73: {  	_ =	shalt  }
0x74: {  	_ =	shalt  }
0x75: {  	_ =	shalt  }
0x76: {  	_ =	shalt  }
0x77: {  	_ =	shalt  }
0x78: {  	_ =	shalt  }
0x79: {  	_ =	shalt  }
0x7a: {  	_ =	shalt  }
0x7b: {  	_ =	shalt  }
0x7c: {  	_ =	shalt  }
0x7d: {  	_ =	shalt  }
0x7e: {  	_ =	shalt  }
0x7f: {  	_ =	shalt  }
0x80: {  	_ =	shalt  }
0x81: {  	_ =	shalt  }
0x82: {  	_ =	shalt  }
0x83: {  	_ =	shalt  }
0x84: {  	_ =	shalt  }
0x85: {  	_ =	shalt  }
0x86: {  	_ =	shalt  }
0x87: {  	_ =	shalt  }
.Lfunc_end0:
.L_simem_size_0:
called_computation.2_lowered:
.L_overlay_start_0:
0x88: {  	s2 =	sld [smem:$0x3FD9]  }
0x89: {  	s3 =	sld [smem:$0x3FFE];
	_ =	sdelay $0x1  }
0x8a: {  	s1 =	srdreg.scid  }
0x8b: {  	s0 =	sand.u32 $0x1, s1  }
0x8c: {  	s16 =	sshll.u32 s0, $0xA;
	s2 =	sadd.s32 s3, s2  }
0x8d: {  	s2 =	sadd.s32 s2, s16  }
0x8e: {  	[smem:$0x3FA9] =	sst s2  }
0x8f: {  	_ = 	snop  }
0x90: {  	(tm) =	ssettm $0x1  }
0x91: {  	s17 =	sld [smem:$0x3FFB];
	_ =	sdelay $0x3  }
0x92: {  	_ =	strace s17  }
0x93: {  	s2 =	sld [smem:$0x3FFC];
	_ =	sdelay $0x3  }
0x94: {  	_ =	strace s2  }
0x95: {  	s2 =	sld [smem:$0x3FFD];
	_ =	sdelay $0x3  }
0x96: {  	_ =	strace s2  }
0x97: {  	_ =	strace $0x8FFFFFFF  }
0x98: {  	s18 =	sld [smem:$0x3FDB];
	_ =	sdelay $0x1  }
0x99: {  	s19 =	simm.s32 $_scs_section_size  }
0x9a: {  	s4 =	simm.s32 $_size__tile_overlayer_lowered;
	s5 =	simm.s32 $_tile_overlayer_lowered  }
0x9b: {  	s22 =	simm.s32 $0x1BFF;
	s21 =	sshll.u32 s5, $0x1;
	s2 =	sadd.s32 s19, s18  }
0x9c: {  	s6 =	simm.s32 $0x0;
	s20 =	sshll.u32 s4, $0x1;
	s4 =	sadd.s32 s21, s2  }
0x9d: {  	[timem:s6], [sflag:s22] =	dma.local [hbm:s4], s20  }
0x9e: {  	_ =	swait.ge [sflag:s22], s20  }
0x9f: {  	s3 =	ssub.s32 $0x0, s20;
	[sflag:s22] =	ssyncset.done $0x0  }
0xa0: {  	[sflag:s22] =	ssyncadd.s32 s3;
	_ =	sdelay $0x1  }
0xa1: {  	s23 =	simm.s32 $0x1B8B  }
0xa2: {  	_ =	swait.ge [sflag:s23], $0x1  }
0xa3: {  	[sflag:s23] =	ssyncset.done $0x0  }
0xa4: {  	s25 =	simm.s32 $0x1B8E;
	s24 =	sld [smem:$0x3FFE];
	[sflag:s23] =	ssyncadd.s32 $0xFFFFFFFF  }
0xa5: {  	s26 =	simm.s32 $execute0_lowered;
	[smem:$0x3FD2] =	sst s25  }
0xa6: {  	s4 =	sshll.u32 s26, $0x1;
	_ =	strace $0x8000004C;
	[dreg:$0x1] =	wrdreg $0xFFFFFFFF  }
0xa7: {  	s28 =	simm.s32 $_size_execute0_lowered;
	s2 =	sadd.s32 s2, s4;
	[dreg:$0x0] =	wrdreg $0x0  }
0xa8: {  	s4 =	sshll.u32 s28, $0x1;
	[dreg:$0x2] =	wrdreg s2  }
0xa9: {  	[dreg:$0x3] =	wrdreg s4  }
0xaa: {  	[dreg:$0x4] =	wrdreg $0xC0  }
0xab: {  	_ =	task [dreg:s6], $0x5FFFF  }
0xac: {  	[dreg:$0x1] =	wrdreg $0xFFFFFFFF  }
0xad: {  	[dreg:$0x0] =	wrdreg $0x60  }
0xae: {  	[dreg:$0x2] =	wrdreg s24  }
0xaf: {  	[dreg:$0x3] =	wrdreg $0x150000  }
0xb0: {  	[dreg:$0x4] =	wrdreg $0x9  }
0xb1: {  	_ =	task.clear_ibuf [dreg:s6], $0x5FFFF;
	_ =	strace $0x9000004C  }
0xb2: {  	s29 =	simm.s32 $0x9;
	_ =	strace $0x8000004E  }
0xb3: {  	_ =	swait.ge [sflag:s29], $0x1  }
0xb4: {  	[sflag:s29] =	ssyncadd.s32 $0xFFFFFFFF  }
0xb5: {  	_ =	strace $0x9000004E  }
0xb6: {  	_ =	sfence  }
0xb7: {  	s30 =	sld [smem:$0x0];
	_ =	sdelay $0x2  }
0xb8: {  	s31 =	sshll.u32 s1, $0xD;
	s1 =	sshrl.u32 s1, $0x2  }
0xb9: {  	s3 =	sand.u32 $0x4000, s31;
	s1 =	sadd.s32 s1, s30  }
0xba: {  	s0 =	sor.u32 s3, s0;
	s1 =	sshll.u32 s1, $0x11  }
0xbb: {  	s0 =	sor.u32 s1, s0  }
0xbc: {  	s0 =	sadd.s32 $0x8F2B, s0  }
0xbd: {  	[sflag:s0] =	ssyncadd.remote.s32 $0x1  }
0xbe: {  	_ =	sfence.sel $0xFFFF  }
0xbf: {  	[dreg:$0x0] =	wrdreg $0xFFFFFFFF;
	(pc) =	sbr.abs _section_cstart, $3  }
0xc0: {  	[dreg:$0x1] =	wrdreg $0xFFFFFFFF  }
0xc1: {  	_ =	task.clear_ibuf [dreg:s6], $0x2FFFF;
	_ =	strace $0x9FFFFFFF  }
0xc2: {  	(tm) =	ssettm $0x7FFFFFFF  }
0xc3: {  	_ =	shalt  }
tec
execute0_lowered:
.L_overlay_start_1:
0x0: {  	(tag) =	ssettag $0x1  }
0x1: {  	s0 =	srdreg.scid;
	s6 =	rddreg [dreg:$0x0]  }
0x2: {  	s10 =	stileid.u32;
	s2 =	rddreg [dreg:$0x1];
	s3 =	simm.s32 $0x0  }
0x3: {  	s12 =	simm.s32 $0x3;
	s14 =	simm.s32 $0x80;
	s19 =	simm.s32 $0x180  }
0x4: {  	s20 =	simm.s32 $0x8000;
	s21 =	simm.s32 $0x200;
	s22 =	simm.s32 $0x9000  }
0x5: {  	s23 =	simm.s32 $0x280;
	s28 =	simm.s32 $0x380;
	s29 =	simm.s32 $0xC000  }
0x6: {  	s30 =	simm.s32 $0x1;
	s31 =	simm.s32 $0x2;
	s0 =	sand.u32 $0x1, s0  }
0x7: {  	s5 =	smul.u32 $0x9E0, s10;
	[smem:$0x7FF] =	sst s3;
	s4 =	sadd.s32 $0x5000, s6  }
0x8: {  	s8 =	smul.u32 $0x13C00, s10;
	s26 =	sshll.u32 s10, $0x6;
	s1 =	sshll.u32 s0, $0x4  }
0x9: {  	s7 =	smul.u32 $0x9E00, s0;
	_ =	strace $0x8000004D;
	s0 =	ssub.s32 $0x2, s0  }
0xa: {  	s1 =	sor.u32 s10, s1;
	s24 =	sshrl.u32 s0, $0x1;
	s25 =	sshrl.u32 s8, $0x2  }
0xb: {  	s1 =	smul.u32 $0x500, s1;
	s7 =	sadd.s32 s5, s7;
	s5 =	sadd.s32 $0x68200, s6  }
.Ltmp0:
0xc: {  	s0 =	ssub.s32 s0, s24;
	s11 =	sadd.s32 s25, s2;
	(pc) =	sbr.rel .LBB2_1-.Ltmp0, $4  }
0xd: {  	s24 =	simm.s32 $0xA000;
	s25 =	simm.s32 $0x300;
	s9 =	sadd.s32 s7, s6  }
0xe: {  	s10 =	smax.u32 s0, $0x1;
	s11 =	sshrl.u32 s11, $0x3;
	s1 =	sadd.s32 s1, s6  }
0xf: {  	s6 =	sor.u32 $0x1C03, s26;
	s9 =	sadd.s32 $0xEE00, s9;
	s26 =	simm.s32 $0xB000  }
0x10: {  	s7 =	sadd.s32 $0x2C200, s1;
	s8 =	sadd.s32 $0x36200, s1;
	s1 =	simm.s32 $0x0  }
.LBB2_5:
0x11: {  	_ =	swait.ge [sflag:s31], $0x1000  }
0x12: {  	[sflag:s31] =	ssyncset.done $0x0  }
0x13: {  	[sflag:s31] =	ssyncadd.s32 $0xFFFFF000  }
0x14: {  	_ =	swait.ge [sflag:s31], $0x1000  }
0x15: {  	[sflag:s31] =	ssyncset.done $0x0  }
0x16: {  	[sflag:s31] =	ssyncadd.s32 $0xFFFFF000  }
0x17: {  	_ =	swait.ge [sflag:s31], $0x1000  }
0x18: {  	[sflag:s31] =	ssyncset.done $0x0  }
0x19: {  	[sflag:s31] =	ssyncadd.s32 $0xFFFFF000  }
0x1a: {  	_ =	swait.ge [sflag:s31], $0x1000  }
0x1b: {  	[sflag:s31] =	ssyncset.done $0x0  }
0x1c: {  	[sflag:s31] =	ssyncadd.s32 $0xFFFFF000  }
0x1d: {  	_ =	swait.ge [sflag:s31], $0x1000  }
0x1e: {  	[sflag:s31] =	ssyncset.done $0x0  }
0x1f: {  	[sflag:s31] =	ssyncadd.s32 $0xFFFFF000  }
0x20: {  	_ =	swait.ge [sflag:s31], $0x1000  }
0x21: {  	[sflag:s31] =	ssyncset.done $0x0  }
0x22: {  	[sflag:s31] =	ssyncadd.s32 $0xFFFFF000  }
0x23: {  	_ =	swait.ge [sflag:s31], $0x1000  }
0x24: {  	[sflag:s31] =	ssyncset.done $0x0  }
0x25: {  	[sflag:s31] =	ssyncadd.s32 $0xFFFFF000  }
0x26: {  	_ =	swait.ge [sflag:s31], $0x1000  }
0x27: {  	s1 =	sadd.s32 $0x1, s1;
	[sflag:s31] =	ssyncset.done $0x0  }
0x28: {  	p0 =	sne.s32 s1, s10;
	[sflag:s31] =	ssyncadd.s32 $0xFFFFF000  }
.Ltmp1:
0x29: {  	[bflag:$0x0] =	sbarrier.arrive $0xFFFF;
	(pc) =	sbr.rel @!p0 .LBB2_6-.Ltmp1, $4  }
0x2a: {  	[hbm:s9], [sflag:s6] =	dma.local [spmem:s11], $0x9E0  }
0x2b: {  	_ =	swait.ge [sflag:s12], $0x9E0  }
0x2c: {  	[sflag:s12] =	ssyncset.done $0x0  }
0x2d: {  	[sflag:s12] =	ssyncadd.s32 $0xFFFFF620  }
.LBB2_1:
0x2e: {  	[spmem:s11], [sflag:s6] =	dma.local [hbm:s5], $0x9E0  }
0x2f: {  	_ =	swait.ge [sflag:s12], $0x9E0  }
0x30: {  	[sflag:s12] =	ssyncset.done $0x0  }
0x31: {  	[sflag:s12] =	ssyncadd.s32 $0xFFFFF620  }
0x32: {  	[tilespmem:s3], [sflag:$0x3] =	stream.linear.gather [hbm4b:s7+s3], $0x2800, $0x38;
	[tilespmem:$0x19F00] =	vst v63  }
0x33: {  	_ =	swait.ge [sflag:s12], $0x2800  }
0x34: {  	[sflag:s12] =	ssyncset.done $0x0  }
0x35: {  	s0 =	simm.s32 $0x2800;
	[sflag:s12] =	ssyncadd.s32 $0xFFFFD800  }
0x36: {  	[tilespmem:s0], [sflag:$0x3] =	stream.linear.gather [hbm4b:s8+s3], $0x2800, $0x38;
	[tilespmem:$0x19F00] =	vst v63  }
0x37: {  	_ =	swait.ge [sflag:s12], $0x2800  }
0x38: {  	[sflag:s12] =	ssyncset.done $0x0  }
0x39: {  	[sflag:s12] =	ssyncadd.s32 $0xFFFFD800  }
0x3a: {  	s16 =	simm.s32 $0x5000;
	[bflag:$0x0] =	sbarrier.arrive $0xFFFF  }
0x3b: {  	[tilespmem:s16], [sflag:$0x1] =	stream.indirect.gather [hbm4b:s4+s14], $0x20, s3, s14, $0xb8;
	[tilespmem:$0x19F00] =	vst v63  }
0x3c: {  	s17 =	simm.s32 $0x6000  }
0x3d: {  	[tilespmem:s17], [sflag:$0x1] =	stream.indirect.gather [hbm4b:s4+s14], $0x20, s14, s14, $0xb8;
	[tilespmem:$0x19F00] =	vst v63  }
0x3e: {  	s18 =	simm.s32 $0x100;
	s13 =	simm.s32 $0x7000  }
0x3f: {  	[tilespmem:s13], [sflag:$0x1] =	stream.indirect.gather [hbm4b:s4+s14], $0x20, s18, s14, $0xb8;
	[tilespmem:$0x19F00] =	vst v63  }
0x40: {  	_ = 	snop  }
0x41: {  	[tilespmem:s20], [sflag:$0x1] =	stream.indirect.gather [hbm4b:s4+s14], $0x20, s19, s14, $0xb8;
	[tilespmem:$0x19F00] =	vst v63  }
0x42: {  	_ = 	snop  }
0x43: {  	[tilespmem:s22], [sflag:$0x1] =	stream.indirect.gather [hbm4b:s4+s14], $0x20, s21, s14, $0xb8;
	[tilespmem:$0x19F00] =	vst v63  }
0x44: {  	_ = 	snop  }
0x45: {  	[tilespmem:s24], [sflag:$0x1] =	stream.indirect.gather [hbm4b:s4+s14], $0x20, s23, s14, $0xb8;
	[tilespmem:$0x19F00] =	vst v63  }
.Ltmp2:
0x46: {  	_ = 	snop;
	(pc) =	sbr.rel .LBB2_2-.Ltmp2, $4  }
0x47: {  	_ = 	snop  }
0x48: {  	[tilespmem:s26], [sflag:$0x1] =	stream.indirect.gather [hbm4b:s4+s14], $0x20, s25, s14, $0xb8;
	[tilespmem:$0x19F00] =	vst v63  }
0x49: {  	s0 =	simm.s32 $0x0  }
0x4a: {  	[tilespmem:s29], [sflag:$0x1] =	stream.indirect.gather [hbm4b:s4+s14], $0x20, s28, s14, $0xb8;
	[tilespmem:$0x19F00] =	vst v63  }
.LBB2_4:
0x4b: {  	s0 =	sshll.u32 s0, $0xA  }
0x4c: {  	s0 =	sand.u32 $0x3FFFFC00, s0  }
0x4d: {  	s16 =	sor.u32 $0x5000, s15;
	s17 =	sadd.s32 $0x2800, s0  }
0x4e: {  	[spmem:s2] =	stream.indirect.scatter.add.f32 [tilespmem:s16], [sflag:$0x2], $0x20, s17, s14, $0xb8;
	[tilespmem:$0x19F00] =	vst v63  }
0x4f: {  	s18 =	sadd.s32 $0x2880, s0;
	s17 =	sor.u32 $0x6000, s15  }
0x50: {  	[spmem:s2] =	stream.indirect.scatter.add.f32 [tilespmem:s17], [sflag:$0x2], $0x20, s18, s14, $0xb8;
	[tilespmem:$0x19F00] =	vst v63  }
0x51: {  	s17 =	sor.u32 $0x7000, s15;
	s18 =	sadd.s32 $0x2900, s0  }
0x52: {  	[spmem:s2] =	stream.indirect.scatter.add.f32 [tilespmem:s17], [sflag:$0x2], $0x20, s18, s14, $0xb8;
	[tilespmem:$0x19F00] =	vst v63  }
0x53: {  	s17 =	sadd.s32 $0x8000, s15;
	s18 =	sadd.s32 $0x2980, s0  }
0x54: {  	[spmem:s2] =	stream.indirect.scatter.add.f32 [tilespmem:s17], [sflag:$0x2], $0x20, s18, s14, $0xb8;
	[tilespmem:$0x19F00] =	vst v63  }
0x55: {  	s17 =	sadd.s32 $0x9000, s15;
	s18 =	sadd.s32 $0x2A00, s0  }
0x56: {  	[spmem:s2] =	stream.indirect.scatter.add.f32 [tilespmem:s17], [sflag:$0x2], $0x20, s18, s14, $0xb8;
	[tilespmem:$0x19F00] =	vst v63  }
0x57: {  	p0 =	slt.u32 s13, $0xA;
	s17 =	sadd.s32 $0xA000, s15;
	s18 =	sadd.s32 $0x2A80, s0  }
0x58: {  	[spmem:s2] =	stream.indirect.scatter.add.f32 [tilespmem:s17], [sflag:$0x2], $0x20, s18, s14, $0xb8;
	[tilespmem:$0x19F00] =	vst v63  }
.Ltmp3:
0x59: {  	s17 =	sadd.s32 $0xB000, s15;
	s18 =	sadd.s32 $0x2B00, s0;
	(pc) =	sbr.rel @!p0 .LBB2_5-.Ltmp3, $4  }
0x5a: {  	[spmem:s2] =	stream.indirect.scatter.add.f32 [tilespmem:s17], [sflag:$0x2], $0x20, s18, s14, $0xb8;
	[tilespmem:$0x19F00] =	vst v63  }
0x5b: {  	s0 =	sadd.s32 $0x2B80, s0;
	s18 =	sadd.s32 $0xC000, s15  }
0x5c: {  	[spmem:s2] =	stream.indirect.scatter.add.f32 [tilespmem:s18], [sflag:$0x2], $0x20, s0, s14, $0xb8;
	[tilespmem:$0x19F00] =	vst v63  }
0x5d: {  	s0 =	smov.u32 s13  }
.LBB2_2:
0x5e: {  	_ =	swait.ge [sflag:s30], $0x1000  }
0x5f: {  	[sflag:s30] =	ssyncset.done $0x0  }
0x60: {  	[sflag:s30] =	ssyncadd.s32 $0xFFFFF000  }
0x61: {  	_ =	swait.ge [sflag:s30], $0x1000  }
0x62: {  	[sflag:s30] =	ssyncset.done $0x0  }
0x63: {  	[sflag:s30] =	ssyncadd.s32 $0xFFFFF000  }
0x64: {  	_ =	swait.ge [sflag:s30], $0x1000  }
0x65: {  	[sflag:s30] =	ssyncset.done $0x0  }
0x66: {  	[sflag:s30] =	ssyncadd.s32 $0xFFFFF000  }
0x67: {  	_ =	swait.ge [sflag:s30], $0x1000  }
0x68: {  	[sflag:s30] =	ssyncset.done $0x0  }
0x69: {  	[sflag:s30] =	ssyncadd.s32 $0xFFFFF000  }
0x6a: {  	_ =	swait.ge [sflag:s30], $0x1000  }
0x6b: {  	[sflag:s30] =	ssyncset.done $0x0  }
0x6c: {  	[sflag:s30] =	ssyncadd.s32 $0xFFFFF000  }
0x6d: {  	_ =	swait.ge [sflag:s30], $0x1000  }
0x6e: {  	[sflag:s30] =	ssyncset.done $0x0  }
0x6f: {  	[sflag:s30] =	ssyncadd.s32 $0xFFFFF000  }
0x70: {  	_ =	swait.ge [sflag:s30], $0x1000  }
0x71: {  	[sflag:s30] =	ssyncset.done $0x0  }
0x72: {  	[sflag:s30] =	ssyncadd.s32 $0xFFFFF000  }
0x73: {  	_ =	swait.ge [sflag:s30], $0x1000  }
0x74: {  	p0 =	seq.s32 s0, $0x0;
	[sflag:s30] =	ssyncset.done $0x0  }
0x75: {  	s13 =	simm.s32 @!p0 $0x2;
	[sflag:s30] =	ssyncadd.s32 $0xFFFFF000  }
0x76: {  	_ =	swait.ge @!p0 [sflag:s13], $0x1000  }
0x77: {  	[sflag:s13] =	ssyncset.done @!p0 $0x0  }
0x78: {  	[sflag:s13] =	ssyncadd.s32 @!p0 $0xFFFFF000  }
0x79: {  	_ =	swait.ge @!p0 [sflag:s13], $0x1000  }
0x7a: {  	[sflag:s13] =	ssyncset.done @!p0 $0x0  }
0x7b: {  	[sflag:s13] =	ssyncadd.s32 @!p0 $0xFFFFF000  }
0x7c: {  	_ =	swait.ge @!p0 [sflag:s13], $0x1000  }
0x7d: {  	[sflag:s13] =	ssyncset.done @!p0 $0x0  }
0x7e: {  	[sflag:s13] =	ssyncadd.s32 @!p0 $0xFFFFF000  }
0x7f: {  	_ =	swait.ge @!p0 [sflag:s13], $0x1000  }
0x80: {  	[sflag:s13] =	ssyncset.done @!p0 $0x0  }
0x81: {  	[sflag:s13] =	ssyncadd.s32 @!p0 $0xFFFFF000  }
0x82: {  	_ =	swait.ge @!p0 [sflag:s13], $0x1000  }
0x83: {  	[sflag:s13] =	ssyncset.done @!p0 $0x0  }
0x84: {  	[sflag:s13] =	ssyncadd.s32 @!p0 $0xFFFFF000  }
0x85: {  	_ =	swait.ge @!p0 [sflag:s13], $0x1000  }
0x86: {  	[sflag:s13] =	ssyncset.done @!p0 $0x0  }
0x87: {  	p1 =	seq.s32 @!p0 s0, $0x9;
	[sflag:s13] =	ssyncadd.s32 @!p0 $0xFFFFF000  }
0x88: {  	p1 =	por p0, !p1;
	_ =	swait.ge @!p0 [sflag:s13], $0x1000  }
.Ltmp4:
0x89: {  	[sflag:s13] =	ssyncset.done @!p0 $0x0;
	(pc) =	sbr.rel @!p1 .LBB2_4-.Ltmp4, $4  }
0x8a: {  	[sflag:s13] =	ssyncadd.s32 @!p0 $0xFFFFF000  }
0x8b: {  	_ =	swait.ge @!p0 [sflag:s13], $0x1000  }
0x8c: {  	s15 =	sshll.u32 s0, $0xF;
	[sflag:s13] =	ssyncset.done @!p0 $0x0  }
0x8d: {  	s15 =	sand.u32 $0x8000, s15;
	[sflag:s13] =	ssyncadd.s32 @!p0 $0xFFFFF000;
	s13 =	simm.s32 @!p0 $0xA  }
0x8e: {  	s13 =	sadd.s32 @!p0 $0x1, s0  }
0x8f: {  	s13 =	simm.s32 @p0 $0x1  }
0x90: {  	s16 =	sshll.u32 s13, $0xA  }
0x91: {  	s17 =	ssub.s32 $0xD000, s15;
	s16 =	sand.u32 $0x3FFFFC00, s16  }
0x92: {  	[tilespmem:s17], [sflag:$0x1] =	stream.indirect.gather [hbm4b:s4+s14], $0x20, s16, s14, $0xb8;
	[tilespmem:$0x19F00] =	vst v63  }
0x93: {  	s17 =	ssub.s32 $0xE000, s15;
	s18 =	sor.u32 $0x80, s16  }
0x94: {  	[tilespmem:s17], [sflag:$0x1] =	stream.indirect.gather [hbm4b:s4+s14], $0x20, s18, s14, $0xb8;
	[tilespmem:$0x19F00] =	vst v63  }
0x95: {  	s17 =	ssub.s32 $0xF000, s15;
	s18 =	sor.u32 $0x100, s16  }
0x96: {  	[tilespmem:s17], [sflag:$0x1] =	stream.indirect.gather [hbm4b:s4+s14], $0x20, s18, s14, $0xb8;
	[tilespmem:$0x19F00] =	vst v63  }
0x97: {  	s17 =	ssub.s32 $0x10000, s15;
	s18 =	sor.u32 $0x180, s16  }
0x98: {  	[tilespmem:s17], [sflag:$0x1] =	stream.indirect.gather [hbm4b:s4+s14], $0x20, s18, s14, $0xb8;
	[tilespmem:$0x19F00] =	vst v63  }
0x99: {  	s17 =	ssub.s32 $0x11000, s15;
	s18 =	sor.u32 $0x200, s16  }
0x9a: {  	[tilespmem:s17], [sflag:$0x1] =	stream.indirect.gather [hbm4b:s4+s14], $0x20, s18, s14, $0xb8;
	[tilespmem:$0x19F00] =	vst v63  }
0x9b: {  	s17 =	ssub.s32 $0x12000, s15;
	s18 =	sor.u32 $0x280, s16  }
0x9c: {  	[tilespmem:s17], [sflag:$0x1] =	stream.indirect.gather [hbm4b:s4+s14], $0x20, s18, s14, $0xb8;
	[tilespmem:$0x19F00] =	vst v63  }
.Ltmp5:
0x9d: {  	_ = 	snop;
	(pc) =	sbr.rel .LBB2_4-.Ltmp5, $4  }
0x9e: {  	s17 =	ssub.s32 $0x13000, s15;
	s18 =	sor.u32 $0x300, s16  }
0x9f: {  	[tilespmem:s17], [sflag:$0x1] =	stream.indirect.gather [hbm4b:s4+s14], $0x20, s18, s14, $0xb8;
	[tilespmem:$0x19F00] =	vst v63  }
0xa0: {  	s16 =	sor.u32 $0x380, s16;
	s18 =	ssub.s32 $0x14000, s15  }
0xa1: {  	[tilespmem:s18], [sflag:$0x1] =	stream.indirect.gather [hbm4b:s4+s14], $0x20, s16, s14, $0xb8;
	[tilespmem:$0x19F00] =	vst v63  }
.LBB2_6:
0xa2: {  	_ =	sfence.sel $0x180000  }
0xa3: {  	[bflag:$0x0] =	sbarrier.arrive $0xFFFF  }
0xa4: {  	_ =	strace $0x9000004D  }
0xa5: {  	s0 =	stileid.u32;
	[bflag:$0x2] =	sbarrier.arrive $0xFFFF  }
0xa6: {  	p0 =	sne.s32 s0, $0x0;
	s0 =	rddreg [dreg:$0x2]  }
0xa7: {  	s0 =	sadd.s32 @!p0 $0x100000, s0  }
0xa8: {  	[sflag:s0] =	ssyncadd.tile.s32 @!p0 $0x1;
	_ =	shalt  }
.Lfunc_end2:
_tile_overlayer_lowered:
.L_overlay_start_2:
0xa9: {  	(tag) =	ssettag $0x2  }
0xaa: {  	s0 =	rddreg [dreg:$0x0];
	s2 =	stileid.u32  }
0xab: {  	s1 =	rddreg [dreg:$0x1];
	p0 =	sne.s32 s2, $0x0  }
0xac: {  	s3 =	rddreg [dreg:$0x2];
	[bflag:$0x3] =	sbarrier.arrive $0xFFFF;
	s2 =	simm.s32 @!p0 $0x1C03  }
0xad: {  	[timem:s3], [sflag:s2] =	dma.local @!p0 [hbm:s0], s1  }
0xae: {  	s0 =	simm.s32 @!p0 $0x3  }
0xaf: {  	_ =	swait.ge @!p0 [sflag:s0], s1  }
0xb0: {  	s1 =	ssub.s32 @!p0 $0x0, s1;
	[sflag:s0] =	ssyncset.done @!p0 $0x0  }
0xb1: {  	[sflag:s0] =	ssyncadd.s32 @!p0 s1  }
0xb2: {  	[bflag:$0x3] =	sbarrier.arrive $0xFFFF  }
0xb3: {  	_ =	shalt  }

// kernel: kernel.9.cloned.1.call-start
scs
__scs_entry_jumppad:
0x0: {  	(pc) =	sbr.rel $0x88, $3  }
0x1: {  	(tag) =	ssettag $0x0;
	lr =	simm.s32 $0x1  }
0x2: {  	[smem:$0x3F82] =	sst lr;
	_ =	strace $0xD0000000  }
0x3: {  	_ = 	snop  }
0x4: {  	_ = 	snop  }
0x5: {  	_ = 	snop  }
0x6: {  	_ = 	snop  }
0x7: {  	_ = 	snop  }
__scs_overlays_trampoline_lowered:
0x8: {  	[smem:$0x3F91] =	sst s0  }
0x9: {  	[smem:$0x3F92] =	sst s1  }
0xa: {  	[smem:$0x3F93] =	sst s2  }
0xb: {  	[smem:$0x3F94] =	sst s3  }
0xc: {  	[smem:$0x3F95] =	sst s4  }
0xd: {  	[smem:$0x3F96] =	sst s5  }
0xe: {  	[smem:$0x3F97] =	sst s6  }
0xf: {  	[smem:$0x3F98] =	sst s7  }
0x10: {  	[smem:$0x3F99] =	sst s8  }
0x11: {  	[smem:$0x3F9A] =	sst s9;
	s0 =	simm.s32 @!p0 $0x0  }
0x12: {  	s1 =	sld [smem:$0x3F80];
	s0 =	simm.s32 @p0 $0x1  }
0x13: {  	[smem:$0x3F9B] =	sst s0;
	s0 =	simm.s32 @!p1 $0x0  }
0x14: {  	s2 =	sld [smem:$0x3F7F];
	s0 =	simm.s32 @p1 $0x1  }
0x15: {  	[smem:$0x3F9C] =	sst s0;
	s0 =	simm.s32 @!p2 $0x0  }
0x16: {  	s3 =	sld [smem:$0x3FDB];
	s0 =	simm.s32 @p2 $0x1  }
0x17: {  	s4 =	simm.s32 $0x1BF5;
	[smem:$0x3F9E] =	sst s0  }
0x18: {  	s0 =	sld [smem:$0x3F81];
	_ =	swait.ge [sflag:s4], $0x0  }
0x19: {  	s7 =	sld [smem:$0x3F82]  }
0x1a: {  	s8 =	sadd.s32 $0xFFFFE003, lr  }
0x1b: {  	s9 =	sadd.s32 $0xFFFFFEF7, lr;
	s5 =	simm.s32 $0xFFFFFFFF;
	p2 =	slt.u32 s8, $0xFFFFF086  }
0x1c: {  	p1 =	slt.u32 s9, $0xF7A;
	s5 =	simm.s32 @!p2 $0x0  }
0x1d: {  	s5 =	simm.s32 @p1 $0x1;
	p0 =	seq.s32 s7, s2  }
0x1e: {  	s7 =	smul.u32 @!p0 $0xF7A, s2;
	p2 =	seq.s32 @!p0 s5, $0x0  }
0x1f: {  	s9 =	smul.u32 $0xF7A, s1;
	s8 =	simm.s32 @!p0 $0x1BF5;
	p2 =	por !p2, p0  }
0x20: {  	[sflag:s8] =	ssyncset.s32 @!p0 $0xFFFFF086;
	s6 =	sadd.s32 @!p0 s3, s7;
	s7 =	simm.s32 @!p0 $0x108  }
0x21: {  	s3 =	sadd.s32 s3, s9;
	s6 =	sadd.s32 @!p0 $0x88, s6;
	s7 =	simm.s32 @p2 $0x1082  }
0x22: {  	[simem:s7], [sflag:s8] =	dma.local @!p0 [hbm:s6], $0xF7A  }
0x23: {  	s9 =	sor.u32 $0xD0000000, s2;
	s6 =	simm.s32 $0x108;
	_ =	swait.ge @!p0 [sflag:s8], $0x0  }
0x24: {  	s3 =	sadd.s32 $0x88, s3;
	s6 =	simm.s32 @!p1 $0x1082;
	[sflag:s4] =	ssyncset.s32 $0xFFFFF086  }
0x25: {  	[simem:s6], [sflag:s4] =	dma.local [hbm:s3], $0xF7A  }
0x26: {  	[smem:$0x3F82] =	sst s1;
	(tag) =	ssettag s2;
	_ =	strace s9  }
0x27: {  	s1 =	sld [smem:$0x3F92]  }
0x28: {  	s2 =	sld [smem:$0x3F93]  }
0x29: {  	s4 =	sld [smem:$0x3F95]  }
0x2a: {  	p0 =	seq.s32 s5, $0x0;
	s5 =	sld [smem:$0x3F96]  }
0x2b: {  	s6 =	sld [smem:$0x3F97]  }
0x2c: {  	s7 =	sld [smem:$0x3F98]  }
0x2d: {  	s3 =	simm.s32 $0x108;
	s8 =	sld [smem:$0x3F99]  }
0x2e: {  	s3 =	simm.s32 @!p0 $0x1082;
	s9 =	sld [smem:$0x3F9A]  }
0x2f: {  	lr =	sadd.s32 s0, s3;
	s0 =	sld [smem:$0x3F91]  }
0x30: {  	s3 =	sld [smem:$0x3F94]  }
0x31: {  	[smem:$0x3F9D] =	sst s10  }
0x32: {  	s10 =	sld [smem:$0x3F9B];
	_ =	sdelay $0x3  }
0x33: {  	p0 =	seq.s32 s10, $0x1;
	s10 =	sld [smem:$0x3F9D];
	_ =	sdelay $0x3  }
0x34: {  	[smem:$0x3F9D] =	sst s10  }
0x35: {  	s10 =	sld [smem:$0x3F9C];
	_ =	sdelay $0x3  }
0x36: {  	p1 =	seq.s32 s10, $0x1;
	s10 =	sld [smem:$0x3F9D];
	_ =	sdelay $0x3  }
0x37: {  	[smem:$0x3F9D] =	sst s10  }
0x38: {  	s10 =	sld [smem:$0x3F9E]  }
0x39: {  	_ = 	snop;
	(pc) =	sbr.ind lr, $3  }
0x3a: {  	_ = 	snop  }
0x3b: {  	_ = 	snop  }
0x3c: {  	p2 =	seq.s32 s10, $0x1;
	s10 =	sld [smem:$0x3F9D]  }
0x3d: {  	_ =	shalt  }
0x3e: {  	_ =	shalt  }
0x3f: {  	_ =	shalt  }
0x40: {  	_ =	shalt  }
0x41: {  	_ =	shalt  }
0x42: {  	_ =	shalt  }
0x43: {  	_ =	shalt  }
0x44: {  	_ =	shalt  }
0x45: {  	_ =	shalt  }
0x46: {  	_ =	shalt  }
0x47: {  	_ =	shalt  }
0x48: {  	_ =	shalt  }
0x49: {  	_ =	shalt  }
0x4a: {  	_ =	shalt  }
0x4b: {  	_ =	shalt  }
0x4c: {  	_ =	shalt  }
0x4d: {  	_ =	shalt  }
0x4e: {  	_ =	shalt  }
0x4f: {  	_ =	shalt  }
0x50: {  	_ =	shalt  }
0x51: {  	_ =	shalt  }
0x52: {  	_ =	shalt  }
0x53: {  	_ =	shalt  }
0x54: {  	_ =	shalt  }
0x55: {  	_ =	shalt  }
0x56: {  	_ =	shalt  }
0x57: {  	_ =	shalt  }
0x58: {  	_ =	shalt  }
0x59: {  	_ =	shalt  }
0x5a: {  	_ =	shalt  }
0x5b: {  	_ =	shalt  }
0x5c: {  	_ =	shalt  }
0x5d: {  	_ =	shalt  }
0x5e: {  	_ =	shalt  }
0x5f: {  	_ =	shalt  }
0x60: {  	_ =	shalt  }
0x61: {  	_ =	shalt  }
0x62: {  	_ =	shalt  }
0x63: {  	_ =	shalt  }
0x64: {  	_ =	shalt  }
0x65: {  	_ =	shalt  }
0x66: {  	_ =	shalt  }
0x67: {  	_ =	shalt  }
0x68: {  	_ =	shalt  }
0x69: {  	_ =	shalt  }
0x6a: {  	_ =	shalt  }
0x6b: {  	_ =	shalt  }
0x6c: {  	_ =	shalt  }
0x6d: {  	_ =	shalt  }
0x6e: {  	_ =	shalt  }
0x6f: {  	_ =	shalt  }
0x70: {  	_ =	shalt  }
0x71: {  	_ =	shalt  }
0x72: {  	_ =	shalt  }
0x73: {  	_ =	shalt  }
0x74: {  	_ =	shalt  }
0x75: {  	_ =	shalt  }
0x76: {  	_ =	shalt  }
0x77: {  	_ =	shalt  }
0x78: {  	_ =	shalt  }
0x79: {  	_ =	shalt  }
0x7a: {  	_ =	shalt  }
0x7b: {  	_ =	shalt  }
0x7c: {  	_ =	shalt  }
0x7d: {  	_ =	shalt  }
0x7e: {  	_ =	shalt  }
0x7f: {  	_ =	shalt  }
0x80: {  	_ =	shalt  }
0x81: {  	_ =	shalt  }
0x82: {  	_ =	shalt  }
0x83: {  	_ =	shalt  }
0x84: {  	_ =	shalt  }
0x85: {  	_ =	shalt  }
0x86: {  	_ =	shalt  }
0x87: {  	_ =	shalt  }
.Lfunc_end0:
.L_simem_size_0:
called_computation_lowered:
.L_overlay_start_0:
0x88: {  	s2 =	sld [smem:$0x3FD9]  }
0x89: {  	s3 =	sld [smem:$0x3FFE];
	_ =	sdelay $0x1  }
0x8a: {  	s1 =	srdreg.scid  }
0x8b: {  	s0 =	sand.u32 $0x1, s1  }
0x8c: {  	s16 =	sshll.u32 s0, $0xA;
	s2 =	sadd.s32 s3, s2  }
0x8d: {  	s2 =	sadd.s32 s2, s16  }
0x8e: {  	[smem:$0x3FA9] =	sst s2  }
0x8f: {  	_ = 	snop  }
0x90: {  	(tm) =	ssettm $0x1  }
0x91: {  	s17 =	sld [smem:$0x3FFB];
	_ =	sdelay $0x3  }
0x92: {  	_ =	strace s17  }
0x93: {  	s2 =	sld [smem:$0x3FFC];
	_ =	sdelay $0x3  }
0x94: {  	_ =	strace s2  }
0x95: {  	s2 =	sld [smem:$0x3FFD];
	_ =	sdelay $0x3  }
0x96: {  	_ =	strace s2  }
0x97: {  	_ =	strace $0x8FFFFFFF  }
0x98: {  	s18 =	sld [smem:$0x3FDB];
	_ =	sdelay $0x1  }
0x99: {  	s19 =	simm.s32 $_scs_section_size  }
0x9a: {  	s4 =	simm.s32 $_size__tile_overlayer_lowered;
	s5 =	simm.s32 $_tile_overlayer_lowered  }
0x9b: {  	s22 =	simm.s32 $0x1BFF;
	s21 =	sshll.u32 s5, $0x1;
	s2 =	sadd.s32 s19, s18  }
0x9c: {  	s6 =	simm.s32 $0x0;
	s20 =	sshll.u32 s4, $0x1;
	s4 =	sadd.s32 s21, s2  }
0x9d: {  	[timem:s6], [sflag:s22] =	dma.local [hbm:s4], s20  }
0x9e: {  	_ =	swait.ge [sflag:s22], s20  }
0x9f: {  	s3 =	ssub.s32 $0x0, s20;
	[sflag:s22] =	ssyncset.done $0x0  }
0xa0: {  	[sflag:s22] =	ssyncadd.s32 s3;
	_ =	sdelay $0x1  }
0xa1: {  	s23 =	simm.s32 $0x1B8B  }
0xa2: {  	_ =	swait.ge [sflag:s23], $0x1  }
0xa3: {  	[sflag:s23] =	ssyncset.done $0x0  }
0xa4: {  	s25 =	simm.s32 $0x1B8E;
	s24 =	sld [smem:$0x3FFE];
	[sflag:s23] =	ssyncadd.s32 $0xFFFFFFFF  }
0xa5: {  	s26 =	simm.s32 $execute0_lowered;
	[smem:$0x3FD2] =	sst s25  }
0xa6: {  	s4 =	sshll.u32 s26, $0x1;
	_ =	strace $0x80000046;
	[dreg:$0x1] =	wrdreg $0xFFFFFFFF  }
0xa7: {  	s28 =	simm.s32 $_size_execute0_lowered;
	s2 =	sadd.s32 s2, s4;
	[dreg:$0x0] =	wrdreg $0x0  }
0xa8: {  	s4 =	sshll.u32 s28, $0x1;
	[dreg:$0x2] =	wrdreg s2  }
0xa9: {  	[dreg:$0x3] =	wrdreg s4  }
0xaa: {  	[dreg:$0x4] =	wrdreg $0xC0  }
0xab: {  	_ =	task [dreg:s6], $0x5FFFF  }
0xac: {  	[dreg:$0x1] =	wrdreg $0xFFFFFFFF  }
0xad: {  	[dreg:$0x0] =	wrdreg $0x60  }
0xae: {  	[dreg:$0x2] =	wrdreg s24  }
0xaf: {  	[dreg:$0x3] =	wrdreg $0x1A0000  }
0xb0: {  	[dreg:$0x4] =	wrdreg $0x9  }
0xb1: {  	_ =	task.clear_ibuf [dreg:s6], $0x5FFFF;
	_ =	strace $0x90000046  }
0xb2: {  	s29 =	simm.s32 $0x9;
	_ =	strace $0x80000048  }
0xb3: {  	_ =	swait.ge [sflag:s29], $0x1  }
0xb4: {  	[sflag:s29] =	ssyncadd.s32 $0xFFFFFFFF  }
0xb5: {  	_ =	strace $0x90000048  }
0xb6: {  	_ =	sfence  }
0xb7: {  	s30 =	sld [smem:$0x0];
	_ =	sdelay $0x2  }
0xb8: {  	s31 =	sshll.u32 s1, $0xD;
	s1 =	sshrl.u32 s1, $0x2  }
0xb9: {  	s3 =	sand.u32 $0x4000, s31;
	s1 =	sadd.s32 s1, s30  }
0xba: {  	s0 =	sor.u32 s3, s0;
	s1 =	sshll.u32 s1, $0x11  }
0xbb: {  	s0 =	sor.u32 s1, s0  }
0xbc: {  	s0 =	sadd.s32 $0x8F2B, s0  }
0xbd: {  	[sflag:s0] =	ssyncadd.remote.s32 $0x1  }
0xbe: {  	_ =	sfence.sel $0xFFFF  }
0xbf: {  	[dreg:$0x0] =	wrdreg $0xFFFFFFFF;
	(pc) =	sbr.abs _section_cstart, $3  }
0xc0: {  	[dreg:$0x1] =	wrdreg $0xFFFFFFFF  }
0xc1: {  	_ =	task.clear_ibuf [dreg:s6], $0x2FFFF;
	_ =	strace $0x9FFFFFFF  }
0xc2: {  	(tm) =	ssettm $0x7FFFFFFF  }
0xc3: {  	_ =	shalt  }
tec
execute0_lowered:
.L_overlay_start_1:
0x0: {  	(tag) =	ssettag $0x1  }
0x1: {  	s0 =	rddreg [dreg:$0x0]  }
0x2: {  	s2 =	rddreg [dreg:$0x1];
	s3 =	simm.s32 $0x0  }
0x3: {  	s13 =	stileid.u32;
	s1 =	srdreg.scid;
	s16 =	simm.s32 $0x80  }
0x4: {  	s17 =	simm.s32 $0xA000;
	s28 =	simm.s32 $0x300;
	s29 =	simm.s32 $0x10000  }
0x5: {  	s30 =	simm.s32 $0x380;
	s31 =	simm.s32 $0x11000;
	s5 =	smul.u32 $0xA00, s13  }
0x6: {  	[smem:$0x7FF] =	sst s3;
	s1 =	sand.u32 $0x1, s1;
	s10 =	smul.u32 $0x13C00, s13  }
0x7: {  	s4 =	sadd.s32 $0x5000, s0;
	s6 =	sadd.s32 $0x40200, s0;
	s18 =	smul.u32 $0x278, s13  }
0x8: {  	s26 =	sshll.u32 s13, $0x6;
	_ =	strace $0x80000047;
	s7 =	ssub.s32 $0x2, s1  }
0x9: {  	s20 =	sshll.u32 s1, $0x5;
	s11 =	smul.u32 $0x4F00, s1;
	s1 =	sshllo.u32 s1, $0x1  }
0xa: {  	s14 =	sor.u32 $0x1C03, s26;
	s26 =	simm.s32 $0xF000;
	s8 =	sadd.s32 s5, s0  }
0xb: {  	s9 =	sshrl.u32 s7, $0x1;
	s5 =	sadd.s32 $0x68200, s0;
	s0 =	sadd.s32 $0x68C00, s0  }
0xc: {  	s19 =	sshrl.u32 s10, $0x2;
	s10 =	sor.u32 s13, s20;
	s12 =	sshll.u32 s1, $0x4  }
0xd: {  	s1 =	smul.u32 $0x2780, s1;
	s20 =	simm.s32 $0xC000;
	s7 =	ssub.s32 s7, s9  }
0xe: {  	s8 =	sadd.s32 $0x36200, s8;
	s15 =	sadd.s32 s19, s2;
	s21 =	smul.u32 $0xA00, s10  }
0xf: {  	s22 =	sor.u32 s13, s12;
	s11 =	sadd.s32 s18, s11;
	s13 =	simm.s32 $0x3  }
0x10: {  	s19 =	simm.s32 $0x100;
	s12 =	simm.s32 $0x0;
	[dreg:$0x3] =	wrdreg s8  }
0x11: {  	s10 =	smul.u32 $0xA00, s22;
	s1 =	sadd.s32 s18, s1;
	s24 =	sshll.u32 s11, $0x2  }
0x12: {  	s25 =	smax.u32 s7, $0x1;
	s15 =	sshrl.u32 s15, $0x3;
	s18 =	simm.s32 $0xB000  }
0x13: {  	s22 =	simm.s32 $0xD000;
	s23 =	sadd.s32 s6, s21;
	s1 =	sshll.u32 s1, $0x2  }
.Ltmp0:
0x14: {  	s8 =	sadd.s32 s0, s24;
	[dreg:$0x8] =	wrdreg s25;
	(pc) =	sbr.rel .LBB2_1-.Ltmp0, $4  }
0x15: {  	s21 =	simm.s32 $0x180;
	s24 =	simm.s32 $0xE000;
	[dreg:$0x4] =	wrdreg s23  }
0x16: {  	s25 =	simm.s32 $0x280;
	[dreg:$0x5] =	wrdreg s8;
	s6 =	sadd.s32 s6, s10  }
0x17: {  	s0 =	sadd.s32 s0, s1;
	s23 =	simm.s32 $0x200;
	[dreg:$0x6] =	wrdreg s6  }
0x18: {  	s1 =	simm.s32 $0x2;
	[dreg:$0x7] =	wrdreg s0;
	s0 =	simm.s32 $0x1  }
.LBB2_9:
0x19: {  	_ =	swait.ge [sflag:s1], $0x1000  }
0x1a: {  	[sflag:s1] =	ssyncset.done $0x0  }
0x1b: {  	[sflag:s1] =	ssyncadd.s32 $0xFFFFF000  }
0x1c: {  	_ =	swait.ge [sflag:s1], $0x1000  }
0x1d: {  	[sflag:s1] =	ssyncset.done $0x0  }
0x1e: {  	[sflag:s1] =	ssyncadd.s32 $0xFFFFF000  }
0x1f: {  	_ =	swait.ge [sflag:s1], $0x1000  }
0x20: {  	[sflag:s1] =	ssyncset.done $0x0  }
0x21: {  	[sflag:s1] =	ssyncadd.s32 $0xFFFFF000  }
0x22: {  	_ =	swait.ge [sflag:s1], $0x1000  }
0x23: {  	[sflag:s1] =	ssyncset.done $0x0  }
0x24: {  	[sflag:s1] =	ssyncadd.s32 $0xFFFFF000  }
0x25: {  	_ =	swait.ge [sflag:s1], $0x1000  }
0x26: {  	[sflag:s1] =	ssyncset.done $0x0  }
0x27: {  	[sflag:s1] =	ssyncadd.s32 $0xFFFFF000  }
0x28: {  	_ =	swait.ge [sflag:s1], $0x1000  }
0x29: {  	[sflag:s1] =	ssyncset.done $0x0  }
0x2a: {  	[sflag:s1] =	ssyncadd.s32 $0xFFFFF000  }
0x2b: {  	_ =	swait.ge [sflag:s1], $0x1000  }
0x2c: {  	[sflag:s1] =	ssyncset.done $0x0  }
0x2d: {  	[sflag:s1] =	ssyncadd.s32 $0xFFFFF000  }
0x2e: {  	_ =	swait.ge [sflag:s1], $0x1000  }
0x2f: {  	[sflag:s1] =	ssyncset.done $0x0  }
0x30: {  	[sflag:s1] =	ssyncadd.s32 $0xFFFFF000  }
0x31: {  	[bflag:$0x0] =	sbarrier.arrive $0xFFFF  }
0x32: {  	s6 =	rddreg [dreg:$0x7]  }
0x33: {  	[hbm:s6], [sflag:s14] =	dma.local [spmem:s15], $0x9E0  }
0x34: {  	_ =	swait.ge [sflag:s13], $0x9E0  }
0x35: {  	s12 =	sadd.s32 $0x1, s12;
	s11 =	rddreg [dreg:$0x8]  }
0x36: {  	p0 =	sne.s32 s12, s11  }
.Ltmp1:
0x37: {  	_ = 	snop;
	(pc) =	sbr.rel @!p0 .LBB2_10-.Ltmp1, $3  }
0x38: {  	_ =	sdelay $0x1  }
0x39: {  	[sflag:s13] =	ssyncset.done $0x0  }
0x3a: {  	[sflag:s13] =	ssyncadd.s32 $0xFFFFF620  }
.LBB2_1:
0x3b: {  	s6 =	rddreg [dreg:$0x3];
	s7 =	simm.s32 $0x5000  }
0x3c: {  	[tilespmem:s7], [sflag:$0x3] =	stream.linear.gather [hbm4b:s6+s3], $0x5000, $0x38;
	[tilespmem:$0x1EF00] =	vst v63  }
0x3d: {  	_ =	swait.ge [sflag:s13], $0x5000  }
0x3e: {  	[sflag:s13] =	ssyncset.done $0x0  }
0x3f: {  	[sflag:s13] =	ssyncadd.s32 $0xFFFFB000  }
0x40: {  	[spmem:s15], [sflag:s14] =	dma.local [hbm:s5], $0x9E0  }
0x41: {  	_ =	swait.ge [sflag:s13], $0x9E0  }
0x42: {  	[sflag:s13] =	ssyncset.done $0x0  }
0x43: {  	s11 =	rddreg [dreg:$0x4];
	[sflag:s13] =	ssyncadd.s32 $0xFFFFF620  }
0x44: {  	[tilespmem:s3], [sflag:$0x3] =	stream.linear.gather [hbm4b:s11+s3], $0x5000, $0x38;
	[tilespmem:$0x1EF00] =	vst v63  }
0x45: {  	_ =	swait.ge [sflag:s13], $0x5000  }
0x46: {  	[sflag:s13] =	ssyncset.done $0x0  }
0x47: {  	[sflag:s13] =	ssyncadd.s32 $0xFFFFB000  }
0x48: {  	[bflag:$0x0] =	sbarrier.arrive $0xFFFF  }
0x49: {  	[tilespmem:s17], [sflag:$0x1] =	stream.indirect.gather [hbm4b:s4+s16], $0x20, s3, s16, $0xb8;
	[tilespmem:$0x1EF00] =	vst v63  }
0x4a: {  	_ = 	snop  }
0x4b: {  	[tilespmem:s18], [sflag:$0x1] =	stream.indirect.gather [hbm4b:s4+s16], $0x20, s16, s16, $0xb8;
	[tilespmem:$0x1EF00] =	vst v63  }
0x4c: {  	_ = 	snop  }
0x4d: {  	[tilespmem:s20], [sflag:$0x1] =	stream.indirect.gather [hbm4b:s4+s16], $0x20, s19, s16, $0xb8;
	[tilespmem:$0x1EF00] =	vst v63  }
0x4e: {  	_ = 	snop  }
0x4f: {  	[tilespmem:s22], [sflag:$0x1] =	stream.indirect.gather [hbm4b:s4+s16], $0x20, s21, s16, $0xb8;
	[tilespmem:$0x1EF00] =	vst v63  }
0x50: {  	_ = 	snop  }
0x51: {  	[tilespmem:s24], [sflag:$0x1] =	stream.indirect.gather [hbm4b:s4+s16], $0x20, s23, s16, $0xb8;
	[tilespmem:$0x1EF00] =	vst v63  }
0x52: {  	_ = 	snop  }
0x53: {  	[tilespmem:s26], [sflag:$0x1] =	stream.indirect.gather [hbm4b:s4+s16], $0x20, s25, s16, $0xb8;
	[tilespmem:$0x1EF00] =	vst v63  }
.Ltmp2:
0x54: {  	_ = 	snop;
	(pc) =	sbr.rel .LBB2_2-.Ltmp2, $4  }
0x55: {  	_ = 	snop  }
0x56: {  	[tilespmem:s29], [sflag:$0x1] =	stream.indirect.gather [hbm4b:s4+s16], $0x20, s28, s16, $0xb8;
	[tilespmem:$0x1EF00] =	vst v63  }
0x57: {  	s6 =	simm.s32 $0x0  }
0x58: {  	[tilespmem:s31], [sflag:$0x1] =	stream.indirect.gather [hbm4b:s4+s16], $0x20, s30, s16, $0xb8;
	[tilespmem:$0x1EF00] =	vst v63  }
.LBB2_4:
0x59: {  	s6 =	sshll.u32 s6, $0xA  }
0x5a: {  	s6 =	sand.u32 $0x3FFFFC00, s6  }
0x5b: {  	s9 =	sadd.s32 $0xA000, s8;
	s10 =	sadd.s32 $0x5000, s6  }
0x5c: {  	[spmem:s2] =	stream.indirect.scatter.add.f32 [tilespmem:s9], [sflag:$0x2], $0x20, s10, s16, $0xb8;
	[tilespmem:$0x1EF00] =	vst v63  }
0x5d: {  	s11 =	sadd.s32 $0x5080, s6;
	s10 =	sadd.s32 $0xB000, s8  }
0x5e: {  	[spmem:s2] =	stream.indirect.scatter.add.f32 [tilespmem:s10], [sflag:$0x2], $0x20, s11, s16, $0xb8;
	[tilespmem:$0x1EF00] =	vst v63  }
0x5f: {  	s10 =	sadd.s32 $0xC000, s8;
	s11 =	sadd.s32 $0x5100, s6  }
0x60: {  	[spmem:s2] =	stream.indirect.scatter.add.f32 [tilespmem:s10], [sflag:$0x2], $0x20, s11, s16, $0xb8;
	[tilespmem:$0x1EF00] =	vst v63  }
0x61: {  	s10 =	sadd.s32 $0xD000, s8;
	s11 =	sadd.s32 $0x5180, s6  }
0x62: {  	[spmem:s2] =	stream.indirect.scatter.add.f32 [tilespmem:s10], [sflag:$0x2], $0x20, s11, s16, $0xb8;
	[tilespmem:$0x1EF00] =	vst v63  }
0x63: {  	s10 =	sadd.s32 $0xE000, s8;
	s11 =	sadd.s32 $0x5200, s6  }
0x64: {  	[spmem:s2] =	stream.indirect.scatter.add.f32 [tilespmem:s10], [sflag:$0x2], $0x20, s11, s16, $0xb8;
	[tilespmem:$0x1EF00] =	vst v63  }
0x65: {  	p0 =	slt.u32 s7, $0x14;
	s10 =	sadd.s32 $0xF000, s8;
	s11 =	sadd.s32 $0x5280, s6  }
0x66: {  	[spmem:s2] =	stream.indirect.scatter.add.f32 [tilespmem:s10], [sflag:$0x2], $0x20, s11, s16, $0xb8;
	[tilespmem:$0x1EF00] =	vst v63  }
.Ltmp3:
0x67: {  	s10 =	sor.u32 $0x10000, s8;
	s11 =	sadd.s32 $0x5300, s6;
	(pc) =	sbr.rel @!p0 .LBB2_5-.Ltmp3, $4  }
0x68: {  	[spmem:s2] =	stream.indirect.scatter.add.f32 [tilespmem:s10], [sflag:$0x2], $0x20, s11, s16, $0xb8;
	[tilespmem:$0x1EF00] =	vst v63  }
0x69: {  	s6 =	sadd.s32 $0x5380, s6;
	s11 =	sor.u32 $0x11000, s8  }
0x6a: {  	[spmem:s2] =	stream.indirect.scatter.add.f32 [tilespmem:s11], [sflag:$0x2], $0x20, s6, s16, $0xb8;
	[tilespmem:$0x1EF00] =	vst v63  }
0x6b: {  	s6 =	smov.u32 s7  }
.LBB2_2:
0x6c: {  	_ =	swait.ge [sflag:s0], $0x1000  }
0x6d: {  	[sflag:s0] =	ssyncset.done $0x0  }
0x6e: {  	[sflag:s0] =	ssyncadd.s32 $0xFFFFF000  }
0x6f: {  	_ =	swait.ge [sflag:s0], $0x1000  }
0x70: {  	[sflag:s0] =	ssyncset.done $0x0  }
0x71: {  	[sflag:s0] =	ssyncadd.s32 $0xFFFFF000  }
0x72: {  	_ =	swait.ge [sflag:s0], $0x1000  }
0x73: {  	[sflag:s0] =	ssyncset.done $0x0  }
0x74: {  	[sflag:s0] =	ssyncadd.s32 $0xFFFFF000  }
0x75: {  	_ =	swait.ge [sflag:s0], $0x1000  }
0x76: {  	[sflag:s0] =	ssyncset.done $0x0  }
0x77: {  	[sflag:s0] =	ssyncadd.s32 $0xFFFFF000  }
0x78: {  	_ =	swait.ge [sflag:s0], $0x1000  }
0x79: {  	[sflag:s0] =	ssyncset.done $0x0  }
0x7a: {  	[sflag:s0] =	ssyncadd.s32 $0xFFFFF000  }
0x7b: {  	_ =	swait.ge [sflag:s0], $0x1000  }
0x7c: {  	[sflag:s0] =	ssyncset.done $0x0  }
0x7d: {  	[sflag:s0] =	ssyncadd.s32 $0xFFFFF000  }
0x7e: {  	_ =	swait.ge [sflag:s0], $0x1000  }
0x7f: {  	[sflag:s0] =	ssyncset.done $0x0  }
0x80: {  	[sflag:s0] =	ssyncadd.s32 $0xFFFFF000  }
0x81: {  	_ =	swait.ge [sflag:s0], $0x1000  }
0x82: {  	p0 =	seq.s32 s6, $0x0;
	[sflag:s0] =	ssyncset.done $0x0  }
0x83: {  	s7 =	simm.s32 @!p0 $0x2;
	[sflag:s0] =	ssyncadd.s32 $0xFFFFF000  }
0x84: {  	_ =	swait.ge @!p0 [sflag:s7], $0x1000  }
0x85: {  	[sflag:s7] =	ssyncset.done @!p0 $0x0  }
0x86: {  	[sflag:s7] =	ssyncadd.s32 @!p0 $0xFFFFF000  }
0x87: {  	_ =	swait.ge @!p0 [sflag:s7], $0x1000  }
0x88: {  	[sflag:s7] =	ssyncset.done @!p0 $0x0  }
0x89: {  	[sflag:s7] =	ssyncadd.s32 @!p0 $0xFFFFF000  }
0x8a: {  	_ =	swait.ge @!p0 [sflag:s7], $0x1000  }
0x8b: {  	[sflag:s7] =	ssyncset.done @!p0 $0x0  }
0x8c: {  	[sflag:s7] =	ssyncadd.s32 @!p0 $0xFFFFF000  }
0x8d: {  	_ =	swait.ge @!p0 [sflag:s7], $0x1000  }
0x8e: {  	[sflag:s7] =	ssyncset.done @!p0 $0x0  }
0x8f: {  	[sflag:s7] =	ssyncadd.s32 @!p0 $0xFFFFF000  }
0x90: {  	_ =	swait.ge @!p0 [sflag:s7], $0x1000  }
0x91: {  	[sflag:s7] =	ssyncset.done @!p0 $0x0  }
0x92: {  	[sflag:s7] =	ssyncadd.s32 @!p0 $0xFFFFF000  }
0x93: {  	_ =	swait.ge @!p0 [sflag:s7], $0x1000  }
0x94: {  	[sflag:s7] =	ssyncset.done @!p0 $0x0  }
0x95: {  	p1 =	seq.s32 @!p0 s6, $0x13;
	[sflag:s7] =	ssyncadd.s32 @!p0 $0xFFFFF000  }
0x96: {  	p1 =	por p0, !p1;
	_ =	swait.ge @!p0 [sflag:s7], $0x1000  }
.Ltmp4:
0x97: {  	[sflag:s7] =	ssyncset.done @!p0 $0x0;
	(pc) =	sbr.rel @!p1 .LBB2_4-.Ltmp4, $4  }
0x98: {  	[sflag:s7] =	ssyncadd.s32 @!p0 $0xFFFFF000  }
0x99: {  	_ =	swait.ge @!p0 [sflag:s7], $0x1000  }
0x9a: {  	s8 =	sshll.u32 s6, $0xF;
	[sflag:s7] =	ssyncset.done @!p0 $0x0  }
0x9b: {  	s8 =	sand.u32 $0x8000, s8;
	[sflag:s7] =	ssyncadd.s32 @!p0 $0xFFFFF000;
	s7 =	simm.s32 @!p0 $0x14  }
0x9c: {  	s7 =	sadd.s32 @!p0 $0x1, s6  }
0x9d: {  	s7 =	simm.s32 @p0 $0x1  }
0x9e: {  	s9 =	sshll.u32 s7, $0xA  }
0x9f: {  	s10 =	ssub.s32 $0x12000, s8;
	s9 =	sand.u32 $0x3FFFFC00, s9  }
0xa0: {  	[tilespmem:s10], [sflag:$0x1] =	stream.indirect.gather [hbm4b:s4+s16], $0x20, s9, s16, $0xb8;
	[tilespmem:$0x1EF00] =	vst v63  }
0xa1: {  	s10 =	ssub.s32 $0x13000, s8;
	s11 =	sor.u32 $0x80, s9  }
0xa2: {  	[tilespmem:s10], [sflag:$0x1] =	stream.indirect.gather [hbm4b:s4+s16], $0x20, s11, s16, $0xb8;
	[tilespmem:$0x1EF00] =	vst v63  }
0xa3: {  	s10 =	ssub.s32 $0x14000, s8;
	s11 =	sor.u32 $0x100, s9  }
0xa4: {  	[tilespmem:s10], [sflag:$0x1] =	stream.indirect.gather [hbm4b:s4+s16], $0x20, s11, s16, $0xb8;
	[tilespmem:$0x1EF00] =	vst v63  }
0xa5: {  	s10 =	ssub.s32 $0x15000, s8;
	s11 =	sor.u32 $0x180, s9  }
0xa6: {  	[tilespmem:s10], [sflag:$0x1] =	stream.indirect.gather [hbm4b:s4+s16], $0x20, s11, s16, $0xb8;
	[tilespmem:$0x1EF00] =	vst v63  }
0xa7: {  	s10 =	ssub.s32 $0x16000, s8;
	s11 =	sor.u32 $0x200, s9  }
0xa8: {  	[tilespmem:s10], [sflag:$0x1] =	stream.indirect.gather [hbm4b:s4+s16], $0x20, s11, s16, $0xb8;
	[tilespmem:$0x1EF00] =	vst v63  }
0xa9: {  	s10 =	ssub.s32 $0x17000, s8;
	s11 =	sor.u32 $0x280, s9  }
0xaa: {  	[tilespmem:s10], [sflag:$0x1] =	stream.indirect.gather [hbm4b:s4+s16], $0x20, s11, s16, $0xb8;
	[tilespmem:$0x1EF00] =	vst v63  }
.Ltmp5:
0xab: {  	_ = 	snop;
	(pc) =	sbr.rel .LBB2_4-.Ltmp5, $4  }
0xac: {  	s10 =	ssub.s32 $0x18000, s8;
	s11 =	sor.u32 $0x300, s9  }
0xad: {  	[tilespmem:s10], [sflag:$0x1] =	stream.indirect.gather [hbm4b:s4+s16], $0x20, s11, s16, $0xb8;
	[tilespmem:$0x1EF00] =	vst v63  }
0xae: {  	s9 =	sor.u32 $0x380, s9;
	s11 =	ssub.s32 $0x19000, s8  }
0xaf: {  	[tilespmem:s11], [sflag:$0x1] =	stream.indirect.gather [hbm4b:s4+s16], $0x20, s9, s16, $0xb8;
	[tilespmem:$0x1EF00] =	vst v63  }
.LBB2_5:
0xb0: {  	_ =	swait.ge [sflag:s1], $0x1000  }
0xb1: {  	[sflag:s1] =	ssyncset.done $0x0  }
0xb2: {  	[sflag:s1] =	ssyncadd.s32 $0xFFFFF000  }
0xb3: {  	_ =	swait.ge [sflag:s1], $0x1000  }
0xb4: {  	[sflag:s1] =	ssyncset.done $0x0  }
0xb5: {  	[sflag:s1] =	ssyncadd.s32 $0xFFFFF000  }
0xb6: {  	_ =	swait.ge [sflag:s1], $0x1000  }
0xb7: {  	[sflag:s1] =	ssyncset.done $0x0  }
0xb8: {  	[sflag:s1] =	ssyncadd.s32 $0xFFFFF000  }
0xb9: {  	_ =	swait.ge [sflag:s1], $0x1000  }
0xba: {  	[sflag:s1] =	ssyncset.done $0x0  }
0xbb: {  	[sflag:s1] =	ssyncadd.s32 $0xFFFFF000  }
0xbc: {  	_ =	swait.ge [sflag:s1], $0x1000  }
0xbd: {  	[sflag:s1] =	ssyncset.done $0x0  }
0xbe: {  	[sflag:s1] =	ssyncadd.s32 $0xFFFFF000  }
0xbf: {  	_ =	swait.ge [sflag:s1], $0x1000  }
0xc0: {  	[sflag:s1] =	ssyncset.done $0x0  }
0xc1: {  	[sflag:s1] =	ssyncadd.s32 $0xFFFFF000  }
0xc2: {  	_ =	swait.ge [sflag:s1], $0x1000  }
0xc3: {  	[sflag:s1] =	ssyncset.done $0x0  }
0xc4: {  	[sflag:s1] =	ssyncadd.s32 $0xFFFFF000  }
0xc5: {  	_ =	swait.ge [sflag:s1], $0x1000  }
0xc6: {  	[sflag:s1] =	ssyncset.done $0x0  }
0xc7: {  	[sflag:s1] =	ssyncadd.s32 $0xFFFFF000  }
0xc8: {  	[bflag:$0x0] =	sbarrier.arrive $0xFFFF  }
0xc9: {  	s6 =	rddreg [dreg:$0x5]  }
0xca: {  	[hbm:s6], [sflag:s14] =	dma.local [spmem:s15], $0x9E0  }
0xcb: {  	_ =	swait.ge [sflag:s13], $0x9E0  }
0xcc: {  	[sflag:s13] =	ssyncset.done $0x0  }
0xcd: {  	[sflag:s13] =	ssyncadd.s32 $0xFFFFF620  }
0xce: {  	[spmem:s15], [sflag:s14] =	dma.local [hbm:s5], $0x9E0  }
0xcf: {  	_ =	swait.ge [sflag:s13], $0x9E0  }
0xd0: {  	[sflag:s13] =	ssyncset.done $0x0  }
0xd1: {  	s6 =	simm.s32 $0x0;
	s7 =	rddreg [dreg:$0x6];
	[sflag:s13] =	ssyncadd.s32 $0xFFFFF620  }
0xd2: {  	[tilespmem:s6], [sflag:$0x3] =	stream.linear.gather [hbm4b:s7+s6], $0x5000, $0x38;
	[tilespmem:$0x1EF00] =	vst v63  }
0xd3: {  	_ =	swait.ge [sflag:s13], $0x5000  }
0xd4: {  	[sflag:s13] =	ssyncset.done $0x0  }
0xd5: {  	[sflag:s13] =	ssyncadd.s32 $0xFFFFB000  }
0xd6: {  	[bflag:$0x0] =	sbarrier.arrive $0xFFFF  }
0xd7: {  	[tilespmem:s17], [sflag:$0x1] =	stream.indirect.gather [hbm4b:s4+s16], $0x20, s6, s16, $0xb8;
	[tilespmem:$0x1EF00] =	vst v63  }
0xd8: {  	_ = 	snop  }
0xd9: {  	[tilespmem:s18], [sflag:$0x1] =	stream.indirect.gather [hbm4b:s4+s16], $0x20, s16, s16, $0xb8;
	[tilespmem:$0x1EF00] =	vst v63  }
0xda: {  	_ = 	snop  }
0xdb: {  	[tilespmem:s20], [sflag:$0x1] =	stream.indirect.gather [hbm4b:s4+s16], $0x20, s19, s16, $0xb8;
	[tilespmem:$0x1EF00] =	vst v63  }
0xdc: {  	_ = 	snop  }
0xdd: {  	[tilespmem:s22], [sflag:$0x1] =	stream.indirect.gather [hbm4b:s4+s16], $0x20, s21, s16, $0xb8;
	[tilespmem:$0x1EF00] =	vst v63  }
0xde: {  	_ = 	snop  }
0xdf: {  	[tilespmem:s24], [sflag:$0x1] =	stream.indirect.gather [hbm4b:s4+s16], $0x20, s23, s16, $0xb8;
	[tilespmem:$0x1EF00] =	vst v63  }
0xe0: {  	_ = 	snop  }
0xe1: {  	[tilespmem:s26], [sflag:$0x1] =	stream.indirect.gather [hbm4b:s4+s16], $0x20, s25, s16, $0xb8;
	[tilespmem:$0x1EF00] =	vst v63  }
.Ltmp6:
0xe2: {  	_ = 	snop;
	(pc) =	sbr.rel .LBB2_6-.Ltmp6, $4  }
0xe3: {  	_ = 	snop  }
0xe4: {  	[tilespmem:s29], [sflag:$0x1] =	stream.indirect.gather [hbm4b:s4+s16], $0x20, s28, s16, $0xb8;
	[tilespmem:$0x1EF00] =	vst v63  }
0xe5: {  	_ = 	snop  }
0xe6: {  	[tilespmem:s31], [sflag:$0x1] =	stream.indirect.gather [hbm4b:s4+s16], $0x20, s30, s16, $0xb8;
	[tilespmem:$0x1EF00] =	vst v63  }
.LBB2_8:
0xe7: {  	s6 =	sshll.u32 s6, $0xA  }
0xe8: {  	s6 =	sand.u32 $0x3FFFFC00, s6  }
0xe9: {  	s9 =	sadd.s32 $0xA000, s8;
	s10 =	sadd.s32 $0x5000, s6  }
0xea: {  	[spmem:s2] =	stream.indirect.scatter.add.f32 [tilespmem:s9], [sflag:$0x2], $0x20, s10, s16, $0xb8;
	[tilespmem:$0x1EF00] =	vst v63  }
0xeb: {  	s11 =	sadd.s32 $0x5080, s6;
	s10 =	sadd.s32 $0xB000, s8  }
0xec: {  	[spmem:s2] =	stream.indirect.scatter.add.f32 [tilespmem:s10], [sflag:$0x2], $0x20, s11, s16, $0xb8;
	[tilespmem:$0x1EF00] =	vst v63  }
0xed: {  	s10 =	sadd.s32 $0xC000, s8;
	s11 =	sadd.s32 $0x5100, s6  }
0xee: {  	[spmem:s2] =	stream.indirect.scatter.add.f32 [tilespmem:s10], [sflag:$0x2], $0x20, s11, s16, $0xb8;
	[tilespmem:$0x1EF00] =	vst v63  }
0xef: {  	s10 =	sadd.s32 $0xD000, s8;
	s11 =	sadd.s32 $0x5180, s6  }
0xf0: {  	[spmem:s2] =	stream.indirect.scatter.add.f32 [tilespmem:s10], [sflag:$0x2], $0x20, s11, s16, $0xb8;
	[tilespmem:$0x1EF00] =	vst v63  }
0xf1: {  	s10 =	sadd.s32 $0xE000, s8;
	s11 =	sadd.s32 $0x5200, s6  }
0xf2: {  	[spmem:s2] =	stream.indirect.scatter.add.f32 [tilespmem:s10], [sflag:$0x2], $0x20, s11, s16, $0xb8;
	[tilespmem:$0x1EF00] =	vst v63  }
0xf3: {  	p0 =	slt.u32 s7, $0x14;
	s10 =	sadd.s32 $0xF000, s8;
	s11 =	sadd.s32 $0x5280, s6  }
0xf4: {  	[spmem:s2] =	stream.indirect.scatter.add.f32 [tilespmem:s10], [sflag:$0x2], $0x20, s11, s16, $0xb8;
	[tilespmem:$0x1EF00] =	vst v63  }
.Ltmp7:
0xf5: {  	s10 =	sor.u32 $0x10000, s8;
	s11 =	sadd.s32 $0x5300, s6;
	(pc) =	sbr.rel @!p0 .LBB2_9-.Ltmp7, $4  }
0xf6: {  	[spmem:s2] =	stream.indirect.scatter.add.f32 [tilespmem:s10], [sflag:$0x2], $0x20, s11, s16, $0xb8;
	[tilespmem:$0x1EF00] =	vst v63  }
0xf7: {  	s6 =	sadd.s32 $0x5380, s6;
	s11 =	sor.u32 $0x11000, s8  }
0xf8: {  	[spmem:s2] =	stream.indirect.scatter.add.f32 [tilespmem:s11], [sflag:$0x2], $0x20, s6, s16, $0xb8;
	[tilespmem:$0x1EF00] =	vst v63  }
0xf9: {  	s6 =	smov.u32 s7  }
.LBB2_6:
0xfa: {  	_ =	swait.ge [sflag:s0], $0x1000  }
0xfb: {  	[sflag:s0] =	ssyncset.done $0x0  }
0xfc: {  	[sflag:s0] =	ssyncadd.s32 $0xFFFFF000  }
0xfd: {  	_ =	swait.ge [sflag:s0], $0x1000  }
0xfe: {  	[sflag:s0] =	ssyncset.done $0x0  }
0xff: {  	[sflag:s0] =	ssyncadd.s32 $0xFFFFF000  }
0x100: {  	_ =	swait.ge [sflag:s0], $0x1000  }
0x101: {  	[sflag:s0] =	ssyncset.done $0x0  }
0x102: {  	[sflag:s0] =	ssyncadd.s32 $0xFFFFF000  }
0x103: {  	_ =	swait.ge [sflag:s0], $0x1000  }
0x104: {  	[sflag:s0] =	ssyncset.done $0x0  }
0x105: {  	[sflag:s0] =	ssyncadd.s32 $0xFFFFF000  }
0x106: {  	_ =	swait.ge [sflag:s0], $0x1000  }
0x107: {  	[sflag:s0] =	ssyncset.done $0x0  }
0x108: {  	[sflag:s0] =	ssyncadd.s32 $0xFFFFF000  }
0x109: {  	_ =	swait.ge [sflag:s0], $0x1000  }
0x10a: {  	[sflag:s0] =	ssyncset.done $0x0  }
0x10b: {  	[sflag:s0] =	ssyncadd.s32 $0xFFFFF000  }
0x10c: {  	_ =	swait.ge [sflag:s0], $0x1000  }
0x10d: {  	[sflag:s0] =	ssyncset.done $0x0  }
0x10e: {  	[sflag:s0] =	ssyncadd.s32 $0xFFFFF000  }
0x10f: {  	_ =	swait.ge [sflag:s0], $0x1000  }
0x110: {  	p0 =	seq.s32 s6, $0x0;
	[sflag:s0] =	ssyncset.done $0x0  }
0x111: {  	s7 =	simm.s32 @!p0 $0x2;
	[sflag:s0] =	ssyncadd.s32 $0xFFFFF000  }
0x112: {  	_ =	swait.ge @!p0 [sflag:s7], $0x1000  }
0x113: {  	[sflag:s7] =	ssyncset.done @!p0 $0x0  }
0x114: {  	[sflag:s7] =	ssyncadd.s32 @!p0 $0xFFFFF000  }
0x115: {  	_ =	swait.ge @!p0 [sflag:s7], $0x1000  }
0x116: {  	[sflag:s7] =	ssyncset.done @!p0 $0x0  }
0x117: {  	[sflag:s7] =	ssyncadd.s32 @!p0 $0xFFFFF000  }
0x118: {  	_ =	swait.ge @!p0 [sflag:s7], $0x1000  }
0x119: {  	[sflag:s7] =	ssyncset.done @!p0 $0x0  }
0x11a: {  	[sflag:s7] =	ssyncadd.s32 @!p0 $0xFFFFF000  }
0x11b: {  	_ =	swait.ge @!p0 [sflag:s7], $0x1000  }
0x11c: {  	[sflag:s7] =	ssyncset.done @!p0 $0x0  }
0x11d: {  	[sflag:s7] =	ssyncadd.s32 @!p0 $0xFFFFF000  }
0x11e: {  	_ =	swait.ge @!p0 [sflag:s7], $0x1000  }
0x11f: {  	[sflag:s7] =	ssyncset.done @!p0 $0x0  }
0x120: {  	[sflag:s7] =	ssyncadd.s32 @!p0 $0xFFFFF000  }
0x121: {  	_ =	swait.ge @!p0 [sflag:s7], $0x1000  }
0x122: {  	[sflag:s7] =	ssyncset.done @!p0 $0x0  }
0x123: {  	p1 =	seq.s32 @!p0 s6, $0x13;
	[sflag:s7] =	ssyncadd.s32 @!p0 $0xFFFFF000  }
0x124: {  	p1 =	por p0, !p1;
	_ =	swait.ge @!p0 [sflag:s7], $0x1000  }
.Ltmp8:
0x125: {  	[sflag:s7] =	ssyncset.done @!p0 $0x0;
	(pc) =	sbr.rel @!p1 .LBB2_8-.Ltmp8, $4  }
0x126: {  	[sflag:s7] =	ssyncadd.s32 @!p0 $0xFFFFF000  }
0x127: {  	_ =	swait.ge @!p0 [sflag:s7], $0x1000  }
0x128: {  	s8 =	sshll.u32 s6, $0xF;
	[sflag:s7] =	ssyncset.done @!p0 $0x0  }
0x129: {  	s8 =	sand.u32 $0x8000, s8;
	[sflag:s7] =	ssyncadd.s32 @!p0 $0xFFFFF000;
	s7 =	simm.s32 @!p0 $0x14  }
0x12a: {  	s7 =	sadd.s32 @!p0 $0x1, s6  }
0x12b: {  	s7 =	simm.s32 @p0 $0x1  }
0x12c: {  	s9 =	sshll.u32 s7, $0xA  }
0x12d: {  	s10 =	ssub.s32 $0x12000, s8;
	s9 =	sand.u32 $0x3FFFFC00, s9  }
0x12e: {  	[tilespmem:s10], [sflag:$0x1] =	stream.indirect.gather [hbm4b:s4+s16], $0x20, s9, s16, $0xb8;
	[tilespmem:$0x1EF00] =	vst v63  }
0x12f: {  	s10 =	ssub.s32 $0x13000, s8;
	s11 =	sor.u32 $0x80, s9  }
0x130: {  	[tilespmem:s10], [sflag:$0x1] =	stream.indirect.gather [hbm4b:s4+s16], $0x20, s11, s16, $0xb8;
	[tilespmem:$0x1EF00] =	vst v63  }
0x131: {  	s10 =	ssub.s32 $0x14000, s8;
	s11 =	sor.u32 $0x100, s9  }
0x132: {  	[tilespmem:s10], [sflag:$0x1] =	stream.indirect.gather [hbm4b:s4+s16], $0x20, s11, s16, $0xb8;
	[tilespmem:$0x1EF00] =	vst v63  }
0x133: {  	s10 =	ssub.s32 $0x15000, s8;
	s11 =	sor.u32 $0x180, s9  }
0x134: {  	[tilespmem:s10], [sflag:$0x1] =	stream.indirect.gather [hbm4b:s4+s16], $0x20, s11, s16, $0xb8;
	[tilespmem:$0x1EF00] =	vst v63  }
0x135: {  	s10 =	ssub.s32 $0x16000, s8;
	s11 =	sor.u32 $0x200, s9  }
0x136: {  	[tilespmem:s10], [sflag:$0x1] =	stream.indirect.gather [hbm4b:s4+s16], $0x20, s11, s16, $0xb8;
	[tilespmem:$0x1EF00] =	vst v63  }
0x137: {  	s10 =	ssub.s32 $0x17000, s8;
	s11 =	sor.u32 $0x280, s9  }
0x138: {  	[tilespmem:s10], [sflag:$0x1] =	stream.indirect.gather [hbm4b:s4+s16], $0x20, s11, s16, $0xb8;
	[tilespmem:$0x1EF00] =	vst v63  }
.Ltmp9:
0x139: {  	_ = 	snop;
	(pc) =	sbr.rel .LBB2_8-.Ltmp9, $4  }
0x13a: {  	s10 =	ssub.s32 $0x18000, s8;
	s11 =	sor.u32 $0x300, s9  }
0x13b: {  	[tilespmem:s10], [sflag:$0x1] =	stream.indirect.gather [hbm4b:s4+s16], $0x20, s11, s16, $0xb8;
	[tilespmem:$0x1EF00] =	vst v63  }
0x13c: {  	s9 =	sor.u32 $0x380, s9;
	s11 =	ssub.s32 $0x19000, s8  }
0x13d: {  	[tilespmem:s11], [sflag:$0x1] =	stream.indirect.gather [hbm4b:s4+s16], $0x20, s9, s16, $0xb8;
	[tilespmem:$0x1EF00] =	vst v63  }
.LBB2_10:
0x13e: {  	_ =	sfence.sel $0x180000  }
0x13f: {  	[bflag:$0x0] =	sbarrier.arrive $0xFFFF  }
0x140: {  	_ =	strace $0x90000047  }
0x141: {  	s0 =	stileid.u32;
	[bflag:$0x2] =	sbarrier.arrive $0xFFFF  }
0x142: {  	p0 =	sne.s32 s0, $0x0;
	s0 =	rddreg [dreg:$0x2]  }
0x143: {  	s0 =	sadd.s32 @!p0 $0x100000, s0  }
0x144: {  	[sflag:s0] =	ssyncadd.tile.s32 @!p0 $0x1;
	_ =	shalt  }
.Lfunc_end2:
_tile_overlayer_lowered:
.L_overlay_start_2:
0x145: {  	(tag) =	ssettag $0x2  }
0x146: {  	s0 =	rddreg [dreg:$0x0];
	s2 =	stileid.u32  }
0x147: {  	s1 =	rddreg [dreg:$0x1];
	p0 =	sne.s32 s2, $0x0  }
0x148: {  	s3 =	rddreg [dreg:$0x2];
	[bflag:$0x3] =	sbarrier.arrive $0xFFFF;
	s2 =	simm.s32 @!p0 $0x1C03  }
0x149: {  	[timem:s3], [sflag:s2] =	dma.local @!p0 [hbm:s0], s1  }
0x14a: {  	s0 =	simm.s32 @!p0 $0x3  }
0x14b: {  	_ =	swait.ge @!p0 [sflag:s0], s1  }
0x14c: {  	s1 =	ssub.s32 @!p0 $0x0, s1;
	[sflag:s0] =	ssyncset.done @!p0 $0x0  }
0x14d: {  	[sflag:s0] =	ssyncadd.s32 @!p0 s1  }
0x14e: {  	[bflag:$0x3] =	sbarrier.arrive $0xFFFF  }
0x14f: {  	_ =	shalt  }

</sc_bundles>
